<compile_context>
chip_gen: v7x
topology: tpu7x:2x2x1
jax: 0.10.2.dev20260603
libtpu: 0.0.44.dev20260713+nightly
codegen_flags: <defaults>
</compile_context>

<pallas_src>
import dataclasses

import jax
import jax.numpy as jnp
from jax import lax
from jax.experimental import pallas as pl
from jax.experimental.pallas import tpu as pltpu
from jax.experimental.pallas import tpu_sc as plsc

N_NODES = 10000
N_EDGES = 320000
N_HEADS = 8
HEAD_DIM = 16
FEAT = N_HEADS * HEAD_DIM

NW = 32
NPW = 320
N_PAD = NW * NPW
RPW = NPW + 16
RP_PAD = (NW - 1) * NPW + RPW
EW = 256
TRASH = NPW

_GATHER_DNUMS = lax.GatherDimensionNumbers(
    offset_dims=(), collapsed_slice_dims=(0,), start_index_map=(0,))


def _splat(vec, lane):
  idx = jnp.full((16,), lane, jnp.int32)
  return lax.gather(vec, idx[:, None], _GATHER_DNUMS, slice_sizes=(1,),
                    mode=lax.GatherScatterMode.PROMISE_IN_BOUNDS)


def _scalar_at(ref, off):
  chunk = ref[pl.ds(off, 16)]
  lane = lax.broadcasted_iota(jnp.int32, (16,), 0)
  return jnp.sum(jnp.where(lane == 0, chunk, 0))


def _sc_kernel_body(rp_hbm, col_hbm, w_hbm, nf_hbm, out_hbm,
                    rp_v, idx0, idx1, rows0, rows1, w0, w1, seg_v, dst_v,
                    acc_v, scol0, scol1, sg0a, sg0b, sg1a, sg1b, sw0, sw1):
  idx = [idx0, idx1]
  rows = [rows0, rows1]
  wbf = [w0, w1]
  scol = [scol0, scol1]
  sga = [sg0a, sg1a]
  sgb = [sg0b, sg1b]
  sw = [sw0, sw1]

  lane = lax.broadcasted_iota(jnp.int32, (16,), 0)
  zeros_f = jnp.zeros((16,), jnp.float32)
  zeros_i = jnp.zeros((16,), jnp.int32)
  ones_i = jnp.full((16,), 1, jnp.int32)

  wid = lax.axis_index("c") * 16 + lax.axis_index("s")
  n0 = pl.multiple_of(wid * NPW, 64)

  rp_cp = pltpu.async_copy(rp_hbm.at[pl.ds(n0, RPW)], rp_v, sw0)

  @plsc.parallel_loop(0, NPW + 1)
  def _zero(r):
    for h in range(N_HEADS):
      acc_v[r, pl.ds(16 * h, 16)] = zeros_f

  rp_cp.wait()

  e0 = _scalar_at(rp_v, 0)
  e1 = _scalar_at(rp_v, NPW)
  eb0 = e0 - lax.rem(e0, EW)
  nwin = lax.shift_right_logical(e1 - eb0 + (EW - 1), 8)

  def wbase_of(k):
    return pl.multiple_of(eb0 + EW * k, EW)

  def dma_base_of(k):
    return pl.multiple_of(jnp.minimum(wbase_of(k), N_EDGES - EW), EW)

  def start_col(k, b):
    pltpu.async_copy(col_hbm.at[pl.ds(dma_base_of(k), EW)], idx[b], scol[b])

  def wait_col(b):
    pltpu.make_async_copy(col_hbm.at[pl.ds(0, EW)], idx[b], scol[b]).wait()

  def start_main(k, b):
    pltpu.async_copy(nf_hbm.at[idx[b]], rows[b], sga[b])
    pltpu.async_copy(
        w_hbm.at[pl.ds(pl.multiple_of(N_HEADS * dma_base_of(k), N_HEADS * EW),
                       N_HEADS * EW)], wbf[b].at[pl.ds(0, N_HEADS * EW)],
        sw[b])

  def wait_main(b):
    pltpu.make_async_copy(nf_hbm.at[idx[b]], rows[b], sga[b]).wait()
    pltpu.make_async_copy(w_hbm.at[pl.ds(0, N_HEADS * EW)],
                          wbf[b].at[pl.ds(0, N_HEADS * EW)], sw[b]).wait()

  def seg_compute(wbase, carry):
    for c in range(EW // 16):
      seg_v[pl.ds(16 * c, 16)] = zeros_i
    for c in range(RPW // 16):
      rpc = rp_v[pl.ds(16 * c, 16)]
      pos = rpc - wbase
      nid = 16 * c + lane
      m = (pos >= 0) & (pos < EW) & (nid <= NPW)
      plsc.addupdate_scatter(seg_v, [pos], ones_i, mask=m)

    def seg_body(c, cin):
      s = seg_v[pl.ds(16 * c, 16)]
      cs = plsc.cumsum(s) + cin
      d = cs - 1
      d = jnp.where((d < 0) | (d >= NPW), TRASH, d)
      dst_v[pl.ds(16 * c, 16)] = d
      return cin + jnp.sum(s)

    return lax.fori_loop(0, EW // 16, seg_body, carry)

  def edge_loop(rows_ref, w_ref):

    @plsc.parallel_loop(0, EW, unroll=4)
    def _edges(e):
      dsplat = plsc.load_gather(dst_v, [jnp.broadcast_to(e, (16,))])
      wv = w_ref[pl.ds(8 * e, 16)]
      for h in range(N_HEADS):
        wsplat = _splat(wv, h)
        chunk = rows_ref[e, pl.ds(16 * h, 16)]
        plsc.addupdate_scatter(acc_v, [dsplat, lane + 16 * h],
                               chunk * wsplat)

  def step(k, carry, cur, nxt):
    wait_col(nxt)
    start_main(k + 1, nxt)
    carry = seg_compute(wbase_of(k), carry)
    wait_main(cur)
    start_col(k + 2, cur)
    edge_loop(rows[cur], wbf[cur])
    return carry

  start_col(0, 0)
  wait_col(0)
  start_main(0, 0)
  start_col(1, 1)

  def pair_body(i, carry):
    carry = step(2 * i, carry, 0, 1)
    carry = step(2 * i + 1, carry, 1, 0)
    return carry

  lax.fori_loop(0, lax.shift_right_logical(nwin + 1, 1), pair_body,
                jnp.int32(0))

  wait_main(0)
  wait_col(1)

  last = N_NODES - (NW - 1) * NPW

  @pl.when(wid < NW - 1)
  def _full():
    pltpu.async_copy(acc_v.at[pl.ds(0, NPW)], out_hbm.at[pl.ds(n0, NPW)],
                     scol0).wait()

  @pl.when(wid == NW - 1)
  def _tail():
    pltpu.async_copy(acc_v.at[pl.ds(0, last)],
                     out_hbm.at[pl.ds((NW - 1) * NPW, last)], scol0).wait()


def kernel(row_ptr, col_idx, edge_weight, node_feat):
  rp = row_ptr.astype(jnp.int32)
  rp_pad = jnp.concatenate(
      [rp, jnp.full((RP_PAD - (N_NODES + 1),), rp[-1], jnp.int32)])
  col_flat = col_idx.astype(jnp.int32)
  w_flat = edge_weight.reshape(-1)
  nf2d = node_feat.reshape(N_NODES, FEAT)

  mesh = plsc.VectorSubcoreMesh(core_axis_name="c", subcore_axis_name="s")
  cp = pltpu.CompilerParams()
  if "needs_layout_passes" in pltpu.CompilerParams.__dataclass_fields__:
    cp = dataclasses.replace(cp, needs_layout_passes=False)
  kfn = pl.kernel(
      _sc_kernel_body,
      out_type=jax.ShapeDtypeStruct((N_NODES, FEAT), jnp.float32),
      mesh=mesh,
      compiler_params=cp,
      scratch_types=[
          pltpu.VMEM((RPW,), jnp.int32),
          pltpu.VMEM((EW,), jnp.int32),
          pltpu.VMEM((EW,), jnp.int32),
          pltpu.VMEM((EW, FEAT), jnp.float32),
          pltpu.VMEM((EW, FEAT), jnp.float32),
          pltpu.VMEM((N_HEADS * EW + 16,), jnp.float32),
          pltpu.VMEM((N_HEADS * EW + 16,), jnp.float32),
          pltpu.VMEM((EW,), jnp.int32),
          pltpu.VMEM((EW,), jnp.int32),
          pltpu.VMEM((NPW + 1, FEAT), jnp.float32),
          pltpu.SemaphoreType.DMA,
          pltpu.SemaphoreType.DMA,
          pltpu.SemaphoreType.DMA,
          pltpu.SemaphoreType.DMA,
          pltpu.SemaphoreType.DMA,
          pltpu.SemaphoreType.DMA,
          pltpu.SemaphoreType.DMA,
          pltpu.SemaphoreType.DMA,
      ],
  )
  out = kfn(rp_pad, col_flat, w_flat, nf2d)
  return out.reshape(N_NODES, N_HEADS, HEAD_DIM)

# --- scband reference (transcript-rebuilt; emitter-appended) ---
"""Pipeline reference for scband-model-59313498358137 (READ-ONLY COPY).

The authoritative reference and input builder live on the scoring server;
editing this copy changes nothing except your own understanding.
"""

import jax, jax.numpy as jnp
import numpy as np

N_NODES = 10000
N_EDGES = 320000
N_HEADS = 8
HEAD_DIM = 16


def setup_inputs(seed: int = 0) -> dict:
    key = jax.random.key(seed)
    k1, k2, k3, k4 = jax.random.split(key, 4)
    row_ptr = jnp.sort(jax.random.randint(k1, (N_NODES + 1,), 0, N_EDGES))
    col_idx = jax.random.randint(k2, (N_EDGES,), 0, N_NODES)
    edge_weight = jax.random.normal(k3, (N_EDGES, N_HEADS), dtype=jnp.float32)
    node_feat = jax.random.normal(k4, (N_NODES, N_HEADS, HEAD_DIM), dtype=jnp.float32)
    return {"row_ptr": row_ptr, "col_idx": col_idx, "edge_weight": edge_weight, "node_feat": node_feat}


def reference(row_ptr, col_idx, edge_weight, node_feat):
    # CSR multi-head weighted aggregation:
    # for each dst: out[dst] = sum over edges e in [row_ptr[dst], row_ptr[dst+1])
    #               of node_feat[col_idx[e]] * edge_weight[e][:, None]
    num_nodes = row_ptr.shape[0] - 1
    num_edges = col_idx.shape[0]
    p = jnp.arange(num_edges)
    # dst segment id for each edge position: largest d with row_ptr[d] <= p < row_ptr[d+1]
    dst = jnp.searchsorted(row_ptr, p, side="right") - 1
    valid = (p >= row_ptr[0]) & (p < row_ptr[-1])
    dst = jnp.where(valid, dst, num_nodes)  # route invalid edges to a dummy segment
    gathered = jnp.take(node_feat, col_idx, axis=0)  # [E, H, D] gather
    weighted = gathered * edge_weight[:, :, None]
    weighted = weighted * valid[:, None, None].astype(weighted.dtype)
    out = jax.ops.segment_sum(weighted, dst, num_segments=num_nodes + 1)
    return out[:num_nodes]

if __name__ == "__main__":
    import jax
    _d = setup_inputs()
    print(jax.jit(kernel)(*tuple(_d.values())))

</pallas_src>

<mosaic_0001>
#map = affine_map<(d0, d1) -> (0)>
#map1 = affine_map<(d0, d1) -> (0, 0)>
module attributes {stable_mosaic.version = 14 : i64} {
  func.func @_sc_kernel_body(%arg0: i32, %arg1: i32, %arg2: memref<10256xi32, #tpu.memory_space<hbm>>, %arg3: memref<320000xi32, #tpu.memory_space<hbm>>, %arg4: memref<2560000xf32, #tpu.memory_space<hbm>>, %arg5: memref<10000x128xf32, #tpu.memory_space<hbm>>, %arg6: memref<10000x128xf32, #tpu.memory_space<hbm>>, %arg7: memref<336xi32, #tpu.memory_space<vmem>>, %arg8: memref<256xi32, #tpu.memory_space<vmem>>, %arg9: memref<256xi32, #tpu.memory_space<vmem>>, %arg10: memref<256x128xf32, #tpu.memory_space<vmem>>, %arg11: memref<256x128xf32, #tpu.memory_space<vmem>>, %arg12: memref<2064xf32, #tpu.memory_space<vmem>>, %arg13: memref<2064xf32, #tpu.memory_space<vmem>>, %arg14: memref<256xi32, #tpu.memory_space<vmem>>, %arg15: memref<256xi32, #tpu.memory_space<vmem>>, %arg16: memref<321x128xf32, #tpu.memory_space<vmem>>, %arg17: memref<!tpu.dma_semaphore, #tpu.memory_space<semaphore_mem>>, %arg18: memref<!tpu.dma_semaphore, #tpu.memory_space<semaphore_mem>>, %arg19: memref<!tpu.dma_semaphore, #tpu.memory_space<semaphore_mem>>, %arg20: memref<!tpu.dma_semaphore, #tpu.memory_space<semaphore_mem>>, %arg21: memref<!tpu.dma_semaphore, #tpu.memory_space<semaphore_mem>>, %arg22: memref<!tpu.dma_semaphore, #tpu.memory_space<semaphore_mem>>, %arg23: memref<!tpu.dma_semaphore, #tpu.memory_space<semaphore_mem>>, %arg24: memref<!tpu.dma_semaphore, #tpu.memory_space<semaphore_mem>>) attributes {dimension_semantics = [#tpu.dimension_semantics<core_parallel>, #tpu.dimension_semantics<subcore_parallel>], iteration_bounds = array<i64: 2, 16>, scalar_prefetch = 0 : i64, scratch_operands = 18 : i64, tpu.core_type = #tpu.core_type<sc_vector_subcore>, window_params = [{transform_indices = #map}, {transform_indices = #map}, {transform_indices = #map}, {transform_indices = #map1}, {transform_indices = #map1}]} {
    %iota3A = tpu.iota {dimensions = array<i32: 0>} : vector<16xi32>
    %broadcast_in_dim3A = arith.constant 0.000000e+00 : f32
    %broadcast_in_dim3A_0 = vector.broadcast %broadcast_in_dim3A : f32 to vector<16xf32>
    %broadcast_in_dim3A_1 = arith.constant 0 : i32
    %broadcast_in_dim3A_2 = vector.broadcast %broadcast_in_dim3A_1 : i32 to vector<16xi32>
    %broadcast_in_dim3A_3 = arith.constant 1 : i32
    %broadcast_in_dim3A_4 = vector.broadcast %broadcast_in_dim3A_3 : i32 to vector<16xi32>
    %mul3A = arith.constant 16 : i32
    %mul3A_5 = arith.muli %arg0, %mul3A : i32
    %add3A = arith.addi %mul3A_5, %arg1 : i32
    %mul3A_6 = arith.constant 320 : i32
    %mul3A_7 = arith.muli %add3A, %mul3A_6 : i32
    %multiple_of3A = tpu.assume_multiple %mul3A_7, 64 : i32
    %dma_start3A = tpu.memref_slice %arg2[%multiple_of3A] : memref<10256xi32, #tpu.memory_space<hbm>> -> memref<336xi32, #tpu.memory_space<hbm>>
    %dma_start3A_8 = tpu.memref_slice %arg2[%multiple_of3A] : memref<10256xi32, #tpu.memory_space<hbm>> -> memref<336xi32, #tpu.memory_space<hbm>>
    tpu.enqueue_dma source(%dma_start3A_8 : memref<336xi32, #tpu.memory_space<hbm>>) target(%arg7 : memref<336xi32, #tpu.memory_space<vmem>>) target_semaphore(%arg23 : memref<!tpu.dma_semaphore, #tpu.memory_space<semaphore_mem>>)
    %parallel_loop3A = arith.constant 0 : i32
    %parallel_loop3A_9 = arith.constant 321 : i32
    %parallel_loop3A_10 = arith.constant 1 : i32
    scf.for %parallel_loop3A_112 = %parallel_loop3A to %parallel_loop3A_9 step %parallel_loop3A_10  : i32 {
      %parallel_loop3A_113 = arith.index_cast %parallel_loop3A_112 : i32 to index
      %parallel_loop3A_114 = arith.constant 0 : index
      %parallel_loop3A_115 = tpu.vector_load %arg16[%parallel_loop3A_113, %parallel_loop3A_114] {strides = array<i32>} : memref<321x128xf32, #tpu.memory_space<vmem>>, vector<16xf32>,
      tpu.vector_store %arg16[%parallel_loop3A_113, %parallel_loop3A_114], %broadcast_in_dim3A_0 {strides = array<i32>} : memref<321x128xf32, #tpu.memory_space<vmem>>, vector<16xf32>,
      %parallel_loop3A_116 = arith.index_cast %parallel_loop3A_112 : i32 to index
      %parallel_loop3A_117 = arith.constant 16 : index
      %parallel_loop3A_118 = tpu.vector_load %arg16[%parallel_loop3A_116, %parallel_loop3A_117] {strides = array<i32>} : memref<321x128xf32, #tpu.memory_space<vmem>>, vector<16xf32>,
      tpu.vector_store %arg16[%parallel_loop3A_116, %parallel_loop3A_117], %broadcast_in_dim3A_0 {strides = array<i32>} : memref<321x128xf32, #tpu.memory_space<vmem>>, vector<16xf32>,
      %parallel_loop3A_119 = arith.index_cast %parallel_loop3A_112 : i32 to index
      %parallel_loop3A_120 = arith.constant 32 : index
      %parallel_loop3A_121 = tpu.vector_load %arg16[%parallel_loop3A_119, %parallel_loop3A_120] {strides = array<i32>} : memref<321x128xf32, #tpu.memory_space<vmem>>, vector<16xf32>,
      tpu.vector_store %arg16[%parallel_loop3A_119, %parallel_loop3A_120], %broadcast_in_dim3A_0 {strides = array<i32>} : memref<321x128xf32, #tpu.memory_space<vmem>>, vector<16xf32>,
      %parallel_loop3A_122 = arith.index_cast %parallel_loop3A_112 : i32 to index
      %parallel_loop3A_123 = arith.constant 48 : index
      %parallel_loop3A_124 = tpu.vector_load %arg16[%parallel_loop3A_122, %parallel_loop3A_123] {strides = array<i32>} : memref<321x128xf32, #tpu.memory_space<vmem>>, vector<16xf32>,
      tpu.vector_store %arg16[%parallel_loop3A_122, %parallel_loop3A_123], %broadcast_in_dim3A_0 {strides = array<i32>} : memref<321x128xf32, #tpu.memory_space<vmem>>, vector<16xf32>,
      %parallel_loop3A_125 = arith.index_cast %parallel_loop3A_112 : i32 to index
      %parallel_loop3A_126 = arith.constant 64 : index
      %parallel_loop3A_127 = tpu.vector_load %arg16[%parallel_loop3A_125, %parallel_loop3A_126] {strides = array<i32>} : memref<321x128xf32, #tpu.memory_space<vmem>>, vector<16xf32>,
      tpu.vector_store %arg16[%parallel_loop3A_125, %parallel_loop3A_126], %broadcast_in_dim3A_0 {strides = array<i32>} : memref<321x128xf32, #tpu.memory_space<vmem>>, vector<16xf32>,
      %parallel_loop3A_128 = arith.index_cast %parallel_loop3A_112 : i32 to index
      %parallel_loop3A_129 = arith.constant 80 : index
      %parallel_loop3A_130 = tpu.vector_load %arg16[%parallel_loop3A_128, %parallel_loop3A_129] {strides = array<i32>} : memref<321x128xf32, #tpu.memory_space<vmem>>, vector<16xf32>,
      tpu.vector_store %arg16[%parallel_loop3A_128, %parallel_loop3A_129], %broadcast_in_dim3A_0 {strides = array<i32>} : memref<321x128xf32, #tpu.memory_space<vmem>>, vector<16xf32>,
      %parallel_loop3A_131 = arith.index_cast %parallel_loop3A_112 : i32 to index
      %parallel_loop3A_132 = arith.constant 96 : index
      %parallel_loop3A_133 = tpu.vector_load %arg16[%parallel_loop3A_131, %parallel_loop3A_132] {strides = array<i32>} : memref<321x128xf32, #tpu.memory_space<vmem>>, vector<16xf32>,
      tpu.vector_store %arg16[%parallel_loop3A_131, %parallel_loop3A_132], %broadcast_in_dim3A_0 {strides = array<i32>} : memref<321x128xf32, #tpu.memory_space<vmem>>, vector<16xf32>,
      %parallel_loop3A_134 = arith.index_cast %parallel_loop3A_112 : i32 to index
      %parallel_loop3A_135 = arith.constant 112 : index
      %parallel_loop3A_136 = tpu.vector_load %arg16[%parallel_loop3A_134, %parallel_loop3A_135] {strides = array<i32>} : memref<321x128xf32, #tpu.memory_space<vmem>>, vector<16xf32>,
      tpu.vector_store %arg16[%parallel_loop3A_134, %parallel_loop3A_135], %broadcast_in_dim3A_0 {strides = array<i32>} : memref<321x128xf32, #tpu.memory_space<vmem>>, vector<16xf32>,
    } {sc.loop_unroll_factor = 1 : i64, sc.parallel_access}
    %dma_wait3A = tpu.memref_slice %arg2[%multiple_of3A] : memref<10256xi32, #tpu.memory_space<hbm>> -> memref<336xi32, #tpu.memory_space<hbm>>
    %dma_wait3A_11 = tpu.memref_slice %arg2[%multiple_of3A] : memref<10256xi32, #tpu.memory_space<hbm>> -> memref<336xi32, #tpu.memory_space<hbm>>
    tpu.wait_dma2 semaphore(%arg23 : memref<!tpu.dma_semaphore, #tpu.memory_space<semaphore_mem>>) src(%dma_wait3A_11 : memref<336xi32, #tpu.memory_space<hbm>>) dst(%arg7 : memref<336xi32, #tpu.memory_space<vmem>>)
    %get3A = arith.constant 0 : index
    %get3A_12 = tpu.vector_load %arg7[%get3A] {strides = array<i32>} : memref<336xi32, #tpu.memory_space<vmem>>, vector<16xi32>,
    %iota3A_13 = tpu.iota {dimensions = array<i32: 0>} : vector<16xi32>
    %eq3A = arith.constant 0 : i32
    %eq3A_14 = vector.broadcast %eq3A : i32 to vector<16xi32>
    %eq3A_15 = arith.cmpi eq, %iota3A_13, %eq3A_14 : vector<16xi32>
    %jit3A = arith.constant 0 : i32
    %broadcast_in_dim3A_16 = vector.broadcast %jit3A : i32 to vector<16xi32>
    %select_n3A = arith.select %eq3A_15, %get3A_12, %broadcast_in_dim3A_16 : vector<16xi1>, vector<16xi32>
    %reduce_sum3A = arith.constant true
    %reduce_sum3A_17 = vector.broadcast %reduce_sum3A : i1 to vector<16xi1>
    %reduce_sum3A_18 = tpu.scan <sum>, %select_n3A masked %reduce_sum3A_17 : vector<16xi32>, vector<16xi1> -> vector<16xi32>
    %reduce_sum3A_19 = vector.extract %reduce_sum3A_18[15] : i32 from vector<16xi32>
    %get3A_20 = arith.constant 320 : index
    %get3A_21 = tpu.vector_load %arg7[%get3A_20] {strides = array<i32>} : memref<336xi32, #tpu.memory_space<vmem>>, vector<16xi32>,
    %iota3A_22 = tpu.iota {dimensions = array<i32: 0>} : vector<16xi32>
    %eq3A_23 = arith.constant 0 : i32
    %eq3A_24 = vector.broadcast %eq3A_23 : i32 to vector<16xi32>
    %eq3A_25 = arith.cmpi eq, %iota3A_22, %eq3A_24 : vector<16xi32>
    %jit3A_26 = arith.constant 0 : i32
    %broadcast_in_dim3A_27 = vector.broadcast %jit3A_26 : i32 to vector<16xi32>
    %select_n3A_28 = arith.select %eq3A_25, %get3A_21, %broadcast_in_dim3A_27 : vector<16xi1>, vector<16xi32>
    %reduce_sum3A_29 = arith.constant true
    %reduce_sum3A_30 = vector.broadcast %reduce_sum3A_29 : i1 to vector<16xi1>
    %reduce_sum3A_31 = tpu.scan <sum>, %select_n3A_28 masked %reduce_sum3A_30 : vector<16xi32>, vector<16xi1> -> vector<16xi32>
    %reduce_sum3A_32 = vector.extract %reduce_sum3A_31[15] : i32 from vector<16xi32>
    %rem3A = arith.constant 256 : i32
    %rem3A_33 = arith.remsi %reduce_sum3A_19, %rem3A : i32
    %sub3A = arith.subi %reduce_sum3A_19, %rem3A_33 : i32
    %sub3A_34 = arith.subi %reduce_sum3A_32, %sub3A : i32
    %add3A_35 = arith.constant 255 : i32
    %add3A_36 = arith.addi %sub3A_34, %add3A_35 : i32
    %shift_right_logical3A = arith.constant 8 : i32
    %shift_right_logical3A_37 = arith.shrui %add3A_36, %shift_right_logical3A : i32
    %add3A_38 = arith.constant 0 : i32
    %add3A_39 = arith.addi %sub3A, %add3A_38 : i32
    %multiple_of3A_40 = tpu.assume_multiple %add3A_39, 256 : i32
    %min3A = arith.constant 319744 : i32
    %min3A_41 = arith.minsi %multiple_of3A_40, %min3A : i32
    %multiple_of3A_42 = tpu.assume_multiple %min3A_41, 256 : i32
    %dma_start3A_43 = tpu.memref_slice %arg3[%multiple_of3A_42] : memref<320000xi32, #tpu.memory_space<hbm>> -> memref<256xi32, #tpu.memory_space<hbm>>
    %dma_start3A_44 = tpu.memref_slice %arg3[%multiple_of3A_42] : memref<320000xi32, #tpu.memory_space<hbm>> -> memref<256xi32, #tpu.memory_space<hbm>>
    tpu.enqueue_dma source(%dma_start3A_44 : memref<256xi32, #tpu.memory_space<hbm>>) target(%arg8 : memref<256xi32, #tpu.memory_space<vmem>>) target_semaphore(%arg17 : memref<!tpu.dma_semaphore, #tpu.memory_space<semaphore_mem>>)
    %dma_wait3A_45 = arith.constant 0 : i32
    %dma_wait3A_46 = tpu.memref_slice %arg3[%dma_wait3A_45] : memref<320000xi32, #tpu.memory_space<hbm>> -> memref<256xi32, #tpu.memory_space<hbm>>
    %dma_wait3A_47 = arith.constant 0 : i32
    %dma_wait3A_48 = tpu.memref_slice %arg3[%dma_wait3A_47] : memref<320000xi32, #tpu.memory_space<hbm>> -> memref<256xi32, #tpu.memory_space<hbm>>
    tpu.wait_dma2 semaphore(%arg17 : memref<!tpu.dma_semaphore, #tpu.memory_space<semaphore_mem>>) src(%dma_wait3A_48 : memref<256xi32, #tpu.memory_space<hbm>>) dst(%arg8 : memref<256xi32, #tpu.memory_space<vmem>>)
    %dma_start3A_49 = arith.constant 0 : i32
    %dma_start3A_50 = arith.constant 0 : i32
    %dma_start3A_51 = tpu.memref_slice %arg5[%dma_start3A_49, %dma_start3A_50] : memref<10000x128xf32, #tpu.memory_space<hbm>> -> memref<10000x128xf32, #tpu.memory_space<hbm>>
    tpu.enqueue_indirect_dma source(%dma_start3A_51 : memref<10000x128xf32, #tpu.memory_space<hbm>>) target(%arg10 : memref<256x128xf32, #tpu.memory_space<vmem>>) offsets(%arg8 : memref<256xi32, #tpu.memory_space<vmem>>) semaphore(%arg19 : memref<!tpu.dma_semaphore, #tpu.memory_space<semaphore_mem>>)
    %add3A_52 = arith.constant 0 : i32
    %add3A_53 = arith.addi %sub3A, %add3A_52 : i32
    %multiple_of3A_54 = tpu.assume_multiple %add3A_53, 256 : i32
    %min3A_55 = arith.constant 319744 : i32
    %min3A_56 = arith.minsi %multiple_of3A_54, %min3A_55 : i32
    %multiple_of3A_57 = tpu.assume_multiple %min3A_56, 256 : i32
    %mul3A_58 = arith.constant 8 : i32
    %mul3A_59 = arith.muli %mul3A_58, %multiple_of3A_57 : i32
    %multiple_of3A_60 = tpu.assume_multiple %mul3A_59, 2048 : i32
    %dma_start3A_61 = arith.constant 0 : i32
    %dma_start3A_62 = tpu.memref_slice %arg12[%dma_start3A_61] : memref<2064xf32, #tpu.memory_space<vmem>> -> memref<2048xf32, #tpu.memory_space<vmem>>
    %dma_start3A_63 = tpu.memref_slice %arg4[%multiple_of3A_60] : memref<2560000xf32, #tpu.memory_space<hbm>> -> memref<2048xf32, #tpu.memory_space<hbm>>
    %dma_start3A_64 = arith.constant 0 : i32
    %dma_start3A_65 = tpu.memref_slice %arg12[%dma_start3A_64] : memref<2064xf32, #tpu.memory_space<vmem>> -> memref<2048xf32, #tpu.memory_space<vmem>>
    %dma_start3A_66 = tpu.memref_slice %arg4[%multiple_of3A_60] : memref<2560000xf32, #tpu.memory_space<hbm>> -> memref<2048xf32, #tpu.memory_space<hbm>>
    tpu.enqueue_dma source(%dma_start3A_66 : memref<2048xf32, #tpu.memory_space<hbm>>) target(%dma_start3A_65 : memref<2048xf32, #tpu.memory_space<vmem>>) target_semaphore(%arg23 : memref<!tpu.dma_semaphore, #tpu.memory_space<semaphore_mem>>)
    %add3A_67 = arith.constant 256 : i32
    %add3A_68 = arith.addi %sub3A, %add3A_67 : i32
    %multiple_of3A_69 = tpu.assume_multiple %add3A_68, 256 : i32
    %min3A_70 = arith.constant 319744 : i32
    %min3A_71 = arith.minsi %multiple_of3A_69, %min3A_70 : i32
    %multiple_of3A_72 = tpu.assume_multiple %min3A_71, 256 : i32
    %dma_start3A_73 = tpu.memref_slice %arg3[%multiple_of3A_72] : memref<320000xi32, #tpu.memory_space<hbm>> -> memref<256xi32, #tpu.memory_space<hbm>>
    %dma_start3A_74 = tpu.memref_slice %arg3[%multiple_of3A_72] : memref<320000xi32, #tpu.memory_space<hbm>> -> memref<256xi32, #tpu.memory_space<hbm>>
    tpu.enqueue_dma source(%dma_start3A_74 : memref<256xi32, #tpu.memory_space<hbm>>) target(%arg9 : memref<256xi32, #tpu.memory_space<vmem>>) target_semaphore(%arg18 : memref<!tpu.dma_semaphore, #tpu.memory_space<semaphore_mem>>)
    %add3A_75 = arith.constant 1 : i32
    %add3A_76 = arith.addi %shift_right_logical3A_37, %add3A_75 : i32
    %shift_right_logical3A_77 = arith.constant 1 : i32
    %shift_right_logical3A_78 = arith.shrui %add3A_76, %shift_right_logical3A_77 : i32
    %while3A = arith.constant 0 : i32
    %while3A_79 = arith.constant 0 : i32
    %while3A_80 = arith.subi %shift_right_logical3A_78, %while3A : i32
    %while3A_81 = arith.addi %while3A, %while3A_80 : i32
    %while3A_82 = arith.constant 1 : i32
    %while3A_83 = arith.divsi %while3A_80, %while3A_82 : i32
    %while3A_84 = arith.muli %while3A_83, %while3A_82 : i32
    %while3A_85 = arith.addi %while3A, %while3A_84 : i32
    %while3A_86 = arith.constant 1 : i32
    %while3A_87 = scf.for %while3A_112 = %while3A to %while3A_85 step %while3A_86 iter_args(%while3A_113 = %while3A_79) -> (i32)  : i32 {
      %mul3A_114 = arith.constant 2 : i32
      %mul3A_115 = arith.muli %mul3A_114, %while3A_112 : i32
      %dma_wait3A_116 = arith.constant 0 : i32
      %dma_wait3A_117 = tpu.memref_slice %arg3[%dma_wait3A_116] : memref<320000xi32, #tpu.memory_space<hbm>> -> memref<256xi32, #tpu.memory_space<hbm>>
      %dma_wait3A_118 = arith.constant 0 : i32
      %dma_wait3A_119 = tpu.memref_slice %arg3[%dma_wait3A_118] : memref<320000xi32, #tpu.memory_space<hbm>> -> memref<256xi32, #tpu.memory_space<hbm>>
      tpu.wait_dma2 semaphore(%arg18 : memref<!tpu.dma_semaphore, #tpu.memory_space<semaphore_mem>>) src(%dma_wait3A_119 : memref<256xi32, #tpu.memory_space<hbm>>) dst(%arg9 : memref<256xi32, #tpu.memory_space<vmem>>)
      %add3A_120 = arith.constant 1 : i32
      %add3A_121 = arith.addi %mul3A_115, %add3A_120 : i32
      %dma_start3A_122 = arith.constant 0 : i32
      %dma_start3A_123 = arith.constant 0 : i32
      %dma_start3A_124 = tpu.memref_slice %arg5[%dma_start3A_122, %dma_start3A_123] : memref<10000x128xf32, #tpu.memory_space<hbm>> -> memref<10000x128xf32, #tpu.memory_space<hbm>>
      tpu.enqueue_indirect_dma source(%dma_start3A_124 : memref<10000x128xf32, #tpu.memory_space<hbm>>) target(%arg11 : memref<256x128xf32, #tpu.memory_space<vmem>>) offsets(%arg9 : memref<256xi32, #tpu.memory_space<vmem>>) semaphore(%arg21 : memref<!tpu.dma_semaphore, #tpu.memory_space<semaphore_mem>>)
      %mul3A_125 = arith.constant 256 : i32
      %mul3A_126 = arith.muli %mul3A_125, %add3A_121 : i32
      %add3A_127 = arith.addi %sub3A, %mul3A_126 : i32
      %multiple_of3A_128 = tpu.assume_multiple %add3A_127, 256 : i32
      %min3A_129 = arith.constant 319744 : i32
      %min3A_130 = arith.minsi %multiple_of3A_128, %min3A_129 : i32
      %multiple_of3A_131 = tpu.assume_multiple %min3A_130, 256 : i32
      %mul3A_132 = arith.constant 8 : i32
      %mul3A_133 = arith.muli %mul3A_132, %multiple_of3A_131 : i32
      %multiple_of3A_134 = tpu.assume_multiple %mul3A_133, 2048 : i32
      %dma_start3A_135 = arith.constant 0 : i32
      %dma_start3A_136 = tpu.memref_slice %arg13[%dma_start3A_135] : memref<2064xf32, #tpu.memory_space<vmem>> -> memref<2048xf32, #tpu.memory_space<vmem>>
      %dma_start3A_137 = tpu.memref_slice %arg4[%multiple_of3A_134] : memref<2560000xf32, #tpu.memory_space<hbm>> -> memref<2048xf32, #tpu.memory_space<hbm>>
      %dma_start3A_138 = arith.constant 0 : i32
      %dma_start3A_139 = tpu.memref_slice %arg13[%dma_start3A_138] : memref<2064xf32, #tpu.memory_space<vmem>> -> memref<2048xf32, #tpu.memory_space<vmem>>
      %dma_start3A_140 = tpu.memref_slice %arg4[%multiple_of3A_134] : memref<2560000xf32, #tpu.memory_space<hbm>> -> memref<2048xf32, #tpu.memory_space<hbm>>
      tpu.enqueue_dma source(%dma_start3A_140 : memref<2048xf32, #tpu.memory_space<hbm>>) target(%dma_start3A_139 : memref<2048xf32, #tpu.memory_space<vmem>>) target_semaphore(%arg24 : memref<!tpu.dma_semaphore, #tpu.memory_space<semaphore_mem>>)
      %mul3A_141 = arith.constant 256 : i32
      %mul3A_142 = arith.muli %mul3A_141, %mul3A_115 : i32
      %add3A_143 = arith.addi %sub3A, %mul3A_142 : i32
      %multiple_of3A_144 = tpu.assume_multiple %add3A_143, 256 : i32
      %swap3A = arith.constant 0 : index
      %swap3A_145 = tpu.vector_load %arg14[%swap3A] {strides = array<i32>} : memref<256xi32, #tpu.memory_space<vmem>>, vector<16xi32>,
      tpu.vector_store %arg14[%swap3A], %broadcast_in_dim3A_2 {strides = array<i32>} : memref<256xi32, #tpu.memory_space<vmem>>, vector<16xi32>,
      %swap3A_146 = arith.constant 16 : index
      %swap3A_147 = tpu.vector_load %arg14[%swap3A_146] {strides = array<i32>} : memref<256xi32, #tpu.memory_space<vmem>>, vector<16xi32>,
      tpu.vector_store %arg14[%swap3A_146], %broadcast_in_dim3A_2 {strides = array<i32>} : memref<256xi32, #tpu.memory_space<vmem>>, vector<16xi32>,
      %swap3A_148 = arith.constant 32 : index
      %swap3A_149 = tpu.vector_load %arg14[%swap3A_148] {strides = array<i32>} : memref<256xi32, #tpu.memory_space<vmem>>, vector<16xi32>,
      tpu.vector_store %arg14[%swap3A_148], %broadcast_in_dim3A_2 {strides = array<i32>} : memref<256xi32, #tpu.memory_space<vmem>>, vector<16xi32>,
      %swap3A_150 = arith.constant 48 : index
      %swap3A_151 = tpu.vector_load %arg14[%swap3A_150] {strides = array<i32>} : memref<256xi32, #tpu.memory_space<vmem>>, vector<16xi32>,
      tpu.vector_store %arg14[%swap3A_150], %broadcast_in_dim3A_2 {strides = array<i32>} : memref<256xi32, #tpu.memory_space<vmem>>, vector<16xi32>,
      %swap3A_152 = arith.constant 64 : index
      %swap3A_153 = tpu.vector_load %arg14[%swap3A_152] {strides = array<i32>} : memref<256xi32, #tpu.memory_space<vmem>>, vector<16xi32>,
      tpu.vector_store %arg14[%swap3A_152], %broadcast_in_dim3A_2 {strides = array<i32>} : memref<256xi32, #tpu.memory_space<vmem>>, vector<16xi32>,
      %swap3A_154 = arith.constant 80 : index
      %swap3A_155 = tpu.vector_load %arg14[%swap3A_154] {strides = array<i32>} : memref<256xi32, #tpu.memory_space<vmem>>, vector<16xi32>,
      tpu.vector_store %arg14[%swap3A_154], %broadcast_in_dim3A_2 {strides = array<i32>} : memref<256xi32, #tpu.memory_space<vmem>>, vector<16xi32>,
      %swap3A_156 = arith.constant 96 : index
      %swap3A_157 = tpu.vector_load %arg14[%swap3A_156] {strides = array<i32>} : memref<256xi32, #tpu.memory_space<vmem>>, vector<16xi32>,
      tpu.vector_store %arg14[%swap3A_156], %broadcast_in_dim3A_2 {strides = array<i32>} : memref<256xi32, #tpu.memory_space<vmem>>, vector<16xi32>,
      %swap3A_158 = arith.constant 112 : index
      %swap3A_159 = tpu.vector_load %arg14[%swap3A_158] {strides = array<i32>} : memref<256xi32, #tpu.memory_space<vmem>>, vector<16xi32>,
      tpu.vector_store %arg14[%swap3A_158], %broadcast_in_dim3A_2 {strides = array<i32>} : memref<256xi32, #tpu.memory_space<vmem>>, vector<16xi32>,
      %swap3A_160 = arith.constant 128 : index
      %swap3A_161 = tpu.vector_load %arg14[%swap3A_160] {strides = array<i32>} : memref<256xi32, #tpu.memory_space<vmem>>, vector<16xi32>,
      tpu.vector_store %arg14[%swap3A_160], %broadcast_in_dim3A_2 {strides = array<i32>} : memref<256xi32, #tpu.memory_space<vmem>>, vector<16xi32>,
      %swap3A_162 = arith.constant 144 : index
      %swap3A_163 = tpu.vector_load %arg14[%swap3A_162] {strides = array<i32>} : memref<256xi32, #tpu.memory_space<vmem>>, vector<16xi32>,
      tpu.vector_store %arg14[%swap3A_162], %broadcast_in_dim3A_2 {strides = array<i32>} : memref<256xi32, #tpu.memory_space<vmem>>, vector<16xi32>,
      %swap3A_164 = arith.constant 160 : index
      %swap3A_165 = tpu.vector_load %arg14[%swap3A_164] {strides = array<i32>} : memref<256xi32, #tpu.memory_space<vmem>>, vector<16xi32>,
      tpu.vector_store %arg14[%swap3A_164], %broadcast_in_dim3A_2 {strides = array<i32>} : memref<256xi32, #tpu.memory_space<vmem>>, vector<16xi32>,
      %swap3A_166 = arith.constant 176 : index
      %swap3A_167 = tpu.vector_load %arg14[%swap3A_166] {strides = array<i32>} : memref<256xi32, #tpu.memory_space<vmem>>, vector<16xi32>,
      tpu.vector_store %arg14[%swap3A_166], %broadcast_in_dim3A_2 {strides = array<i32>} : memref<256xi32, #tpu.memory_space<vmem>>, vector<16xi32>,
      %swap3A_168 = arith.constant 192 : index
      %swap3A_169 = tpu.vector_load %arg14[%swap3A_168] {strides = array<i32>} : memref<256xi32, #tpu.memory_space<vmem>>, vector<16xi32>,
      tpu.vector_store %arg14[%swap3A_168], %broadcast_in_dim3A_2 {strides = array<i32>} : memref<256xi32, #tpu.memory_space<vmem>>, vector<16xi32>,
      %swap3A_170 = arith.constant 208 : index
      %swap3A_171 = tpu.vector_load %arg14[%swap3A_170] {strides = array<i32>} : memref<256xi32, #tpu.memory_space<vmem>>, vector<16xi32>,
      tpu.vector_store %arg14[%swap3A_170], %broadcast_in_dim3A_2 {strides = array<i32>} : memref<256xi32, #tpu.memory_space<vmem>>, vector<16xi32>,
      %swap3A_172 = arith.constant 224 : index
      %swap3A_173 = tpu.vector_load %arg14[%swap3A_172] {strides = array<i32>} : memref<256xi32, #tpu.memory_space<vmem>>, vector<16xi32>,
      tpu.vector_store %arg14[%swap3A_172], %broadcast_in_dim3A_2 {strides = array<i32>} : memref<256xi32, #tpu.memory_space<vmem>>, vector<16xi32>,
      %swap3A_174 = arith.constant 240 : index
      %swap3A_175 = tpu.vector_load %arg14[%swap3A_174] {strides = array<i32>} : memref<256xi32, #tpu.memory_space<vmem>>, vector<16xi32>,
      tpu.vector_store %arg14[%swap3A_174], %broadcast_in_dim3A_2 {strides = array<i32>} : memref<256xi32, #tpu.memory_space<vmem>>, vector<16xi32>,
      %get3A_176 = arith.constant 0 : index
      %get3A_177 = tpu.vector_load %arg7[%get3A_176] {strides = array<i32>} : memref<336xi32, #tpu.memory_space<vmem>>, vector<16xi32>,
      %sub3A_178 = vector.broadcast %multiple_of3A_144 : i32 to vector<16xi32>
      %sub3A_179 = arith.subi %get3A_177, %sub3A_178 : vector<16xi32>
      %add3A_180 = arith.constant 0 : i32
      %add3A_181 = vector.broadcast %add3A_180 : i32 to vector<16xi32>
      %add3A_182 = arith.addi %add3A_181, %iota3A : vector<16xi32>
      %ge3A = arith.constant 0 : i32
      %ge3A_183 = vector.broadcast %ge3A : i32 to vector<16xi32>
      %ge3A_184 = arith.cmpi sge, %sub3A_179, %ge3A_183 : vector<16xi32>
      %lt3A_185 = arith.constant 256 : i32
      %lt3A_186 = vector.broadcast %lt3A_185 : i32 to vector<16xi32>
      %lt3A_187 = arith.cmpi slt, %sub3A_179, %lt3A_186 : vector<16xi32>
      %and3A = arith.andi %ge3A_184, %lt3A_187 : vector<16xi1>
      %le3A = arith.constant 320 : i32
      %le3A_188 = vector.broadcast %le3A : i32 to vector<16xi32>
      %le3A_189 = arith.cmpi sle, %add3A_182, %le3A_188 : vector<16xi32>
      %and3A_190 = arith.andi %and3A, %le3A_189 : vector<16xi1>
      tpu.vector_store_idx %arg14[%sub3A_179], %broadcast_in_dim3A_4 masked %and3A_190 {add = true} : memref<256xi32, #tpu.memory_space<vmem>>[vector<16xi32>], vector<16xi32>, vector<16xi1>
      %get3A_191 = arith.constant 16 : index
      %get3A_192 = tpu.vector_load %arg7[%get3A_191] {strides = array<i32>} : memref<336xi32, #tpu.memory_space<vmem>>, vector<16xi32>,
      %sub3A_193 = vector.broadcast %multiple_of3A_144 : i32 to vector<16xi32>
      %sub3A_194 = arith.subi %get3A_192, %sub3A_193 : vector<16xi32>
      %add3A_195 = arith.constant 16 : i32
      %add3A_196 = vector.broadcast %add3A_195 : i32 to vector<16xi32>
      %add3A_197 = arith.addi %add3A_196, %iota3A : vector<16xi32>
      %ge3A_198 = arith.constant 0 : i32
      %ge3A_199 = vector.broadcast %ge3A_198 : i32 to vector<16xi32>
      %ge3A_200 = arith.cmpi sge, %sub3A_194, %ge3A_199 : vector<16xi32>
      %lt3A_201 = arith.constant 256 : i32
      %lt3A_202 = vector.broadcast %lt3A_201 : i32 to vector<16xi32>
      %lt3A_203 = arith.cmpi slt, %sub3A_194, %lt3A_202 : vector<16xi32>
      %and3A_204 = arith.andi %ge3A_200, %lt3A_203 : vector<16xi1>
      %le3A_205 = arith.constant 320 : i32
      %le3A_206 = vector.broadcast %le3A_205 : i32 to vector<16xi32>
      %le3A_207 = arith.cmpi sle, %add3A_197, %le3A_206 : vector<16xi32>
      %and3A_208 = arith.andi %and3A_204, %le3A_207 : vector<16xi1>
      tpu.vector_store_idx %arg14[%sub3A_194], %broadcast_in_dim3A_4 masked %and3A_208 {add = true} : memref<256xi32, #tpu.memory_space<vmem>>[vector<16xi32>], vector<16xi32>, vector<16xi1>
      %get3A_209 = arith.constant 32 : index
      %get3A_210 = tpu.vector_load %arg7[%get3A_209] {strides = array<i32>} : memref<336xi32, #tpu.memory_space<vmem>>, vector<16xi32>,
      %sub3A_211 = vector.broadcast %multiple_of3A_144 : i32 to vector<16xi32>
      %sub3A_212 = arith.subi %get3A_210, %sub3A_211 : vector<16xi32>
      %add3A_213 = arith.constant 32 : i32
      %add3A_214 = vector.broadcast %add3A_213 : i32 to vector<16xi32>
      %add3A_215 = arith.addi %add3A_214, %iota3A : vector<16xi32>
      %ge3A_216 = arith.constant 0 : i32
      %ge3A_217 = vector.broadcast %ge3A_216 : i32 to vector<16xi32>
      %ge3A_218 = arith.cmpi sge, %sub3A_212, %ge3A_217 : vector<16xi32>
      %lt3A_219 = arith.constant 256 : i32
      %lt3A_220 = vector.broadcast %lt3A_219 : i32 to vector<16xi32>
      %lt3A_221 = arith.cmpi slt, %sub3A_212, %lt3A_220 : vector<16xi32>
      %and3A_222 = arith.andi %ge3A_218, %lt3A_221 : vector<16xi1>
      %le3A_223 = arith.constant 320 : i32
      %le3A_224 = vector.broadcast %le3A_223 : i32 to vector<16xi32>
      %le3A_225 = arith.cmpi sle, %add3A_215, %le3A_224 : vector<16xi32>
      %and3A_226 = arith.andi %and3A_222, %le3A_225 : vector<16xi1>
      tpu.vector_store_idx %arg14[%sub3A_212], %broadcast_in_dim3A_4 masked %and3A_226 {add = true} : memref<256xi32, #tpu.memory_space<vmem>>[vector<16xi32>], vector<16xi32>, vector<16xi1>
      %get3A_227 = arith.constant 48 : index
      %get3A_228 = tpu.vector_load %arg7[%get3A_227] {strides = array<i32>} : memref<336xi32, #tpu.memory_space<vmem>>, vector<16xi32>,
      %sub3A_229 = vector.broadcast %multiple_of3A_144 : i32 to vector<16xi32>
      %sub3A_230 = arith.subi %get3A_228, %sub3A_229 : vector<16xi32>
      %add3A_231 = arith.constant 48 : i32
      %add3A_232 = vector.broadcast %add3A_231 : i32 to vector<16xi32>
      %add3A_233 = arith.addi %add3A_232, %iota3A : vector<16xi32>
      %ge3A_234 = arith.constant 0 : i32
      %ge3A_235 = vector.broadcast %ge3A_234 : i32 to vector<16xi32>
      %ge3A_236 = arith.cmpi sge, %sub3A_230, %ge3A_235 : vector<16xi32>
      %lt3A_237 = arith.constant 256 : i32
      %lt3A_238 = vector.broadcast %lt3A_237 : i32 to vector<16xi32>
      %lt3A_239 = arith.cmpi slt, %sub3A_230, %lt3A_238 : vector<16xi32>
      %and3A_240 = arith.andi %ge3A_236, %lt3A_239 : vector<16xi1>
      %le3A_241 = arith.constant 320 : i32
      %le3A_242 = vector.broadcast %le3A_241 : i32 to vector<16xi32>
      %le3A_243 = arith.cmpi sle, %add3A_233, %le3A_242 : vector<16xi32>
      %and3A_244 = arith.andi %and3A_240, %le3A_243 : vector<16xi1>
      tpu.vector_store_idx %arg14[%sub3A_230], %broadcast_in_dim3A_4 masked %and3A_244 {add = true} : memref<256xi32, #tpu.memory_space<vmem>>[vector<16xi32>], vector<16xi32>, vector<16xi1>
      %get3A_245 = arith.constant 64 : index
      %get3A_246 = tpu.vector_load %arg7[%get3A_245] {strides = array<i32>} : memref<336xi32, #tpu.memory_space<vmem>>, vector<16xi32>,
      %sub3A_247 = vector.broadcast %multiple_of3A_144 : i32 to vector<16xi32>
      %sub3A_248 = arith.subi %get3A_246, %sub3A_247 : vector<16xi32>
      %add3A_249 = arith.constant 64 : i32
      %add3A_250 = vector.broadcast %add3A_249 : i32 to vector<16xi32>
      %add3A_251 = arith.addi %add3A_250, %iota3A : vector<16xi32>
      %ge3A_252 = arith.constant 0 : i32
      %ge3A_253 = vector.broadcast %ge3A_252 : i32 to vector<16xi32>
      %ge3A_254 = arith.cmpi sge, %sub3A_248, %ge3A_253 : vector<16xi32>
      %lt3A_255 = arith.constant 256 : i32
      %lt3A_256 = vector.broadcast %lt3A_255 : i32 to vector<16xi32>
      %lt3A_257 = arith.cmpi slt, %sub3A_248, %lt3A_256 : vector<16xi32>
      %and3A_258 = arith.andi %ge3A_254, %lt3A_257 : vector<16xi1>
      %le3A_259 = arith.constant 320 : i32
      %le3A_260 = vector.broadcast %le3A_259 : i32 to vector<16xi32>
      %le3A_261 = arith.cmpi sle, %add3A_251, %le3A_260 : vector<16xi32>
      %and3A_262 = arith.andi %and3A_258, %le3A_261 : vector<16xi1>
      tpu.vector_store_idx %arg14[%sub3A_248], %broadcast_in_dim3A_4 masked %and3A_262 {add = true} : memref<256xi32, #tpu.memory_space<vmem>>[vector<16xi32>], vector<16xi32>, vector<16xi1>
      %get3A_263 = arith.constant 80 : index
      %get3A_264 = tpu.vector_load %arg7[%get3A_263] {strides = array<i32>} : memref<336xi32, #tpu.memory_space<vmem>>, vector<16xi32>,
      %sub3A_265 = vector.broadcast %multiple_of3A_144 : i32 to vector<16xi32>
      %sub3A_266 = arith.subi %get3A_264, %sub3A_265 : vector<16xi32>
      %add3A_267 = arith.constant 80 : i32
      %add3A_268 = vector.broadcast %add3A_267 : i32 to vector<16xi32>
      %add3A_269 = arith.addi %add3A_268, %iota3A : vector<16xi32>
      %ge3A_270 = arith.constant 0 : i32
      %ge3A_271 = vector.broadcast %ge3A_270 : i32 to vector<16xi32>
      %ge3A_272 = arith.cmpi sge, %sub3A_266, %ge3A_271 : vector<16xi32>
      %lt3A_273 = arith.constant 256 : i32
      %lt3A_274 = vector.broadcast %lt3A_273 : i32 to vector<16xi32>
      %lt3A_275 = arith.cmpi slt, %sub3A_266, %lt3A_274 : vector<16xi32>
      %and3A_276 = arith.andi %ge3A_272, %lt3A_275 : vector<16xi1>
      %le3A_277 = arith.constant 320 : i32
      %le3A_278 = vector.broadcast %le3A_277 : i32 to vector<16xi32>
      %le3A_279 = arith.cmpi sle, %add3A_269, %le3A_278 : vector<16xi32>
      %and3A_280 = arith.andi %and3A_276, %le3A_279 : vector<16xi1>
      tpu.vector_store_idx %arg14[%sub3A_266], %broadcast_in_dim3A_4 masked %and3A_280 {add = true} : memref<256xi32, #tpu.memory_space<vmem>>[vector<16xi32>], vector<16xi32>, vector<16xi1>
      %get3A_281 = arith.constant 96 : index
      %get3A_282 = tpu.vector_load %arg7[%get3A_281] {strides = array<i32>} : memref<336xi32, #tpu.memory_space<vmem>>, vector<16xi32>,
      %sub3A_283 = vector.broadcast %multiple_of3A_144 : i32 to vector<16xi32>
      %sub3A_284 = arith.subi %get3A_282, %sub3A_283 : vector<16xi32>
      %add3A_285 = arith.constant 96 : i32
      %add3A_286 = vector.broadcast %add3A_285 : i32 to vector<16xi32>
      %add3A_287 = arith.addi %add3A_286, %iota3A : vector<16xi32>
      %ge3A_288 = arith.constant 0 : i32
      %ge3A_289 = vector.broadcast %ge3A_288 : i32 to vector<16xi32>
      %ge3A_290 = arith.cmpi sge, %sub3A_284, %ge3A_289 : vector<16xi32>
      %lt3A_291 = arith.constant 256 : i32
      %lt3A_292 = vector.broadcast %lt3A_291 : i32 to vector<16xi32>
      %lt3A_293 = arith.cmpi slt, %sub3A_284, %lt3A_292 : vector<16xi32>
      %and3A_294 = arith.andi %ge3A_290, %lt3A_293 : vector<16xi1>
      %le3A_295 = arith.constant 320 : i32
      %le3A_296 = vector.broadcast %le3A_295 : i32 to vector<16xi32>
      %le3A_297 = arith.cmpi sle, %add3A_287, %le3A_296 : vector<16xi32>
      %and3A_298 = arith.andi %and3A_294, %le3A_297 : vector<16xi1>
      tpu.vector_store_idx %arg14[%sub3A_284], %broadcast_in_dim3A_4 masked %and3A_298 {add = true} : memref<256xi32, #tpu.memory_space<vmem>>[vector<16xi32>], vector<16xi32>, vector<16xi1>
      %get3A_299 = arith.constant 112 : index
      %get3A_300 = tpu.vector_load %arg7[%get3A_299] {strides = array<i32>} : memref<336xi32, #tpu.memory_space<vmem>>, vector<16xi32>,
      %sub3A_301 = vector.broadcast %multiple_of3A_144 : i32 to vector<16xi32>
      %sub3A_302 = arith.subi %get3A_300, %sub3A_301 : vector<16xi32>
      %add3A_303 = arith.constant 112 : i32
      %add3A_304 = vector.broadcast %add3A_303 : i32 to vector<16xi32>
      %add3A_305 = arith.addi %add3A_304, %iota3A : vector<16xi32>
      %ge3A_306 = arith.constant 0 : i32
      %ge3A_307 = vector.broadcast %ge3A_306 : i32 to vector<16xi32>
      %ge3A_308 = arith.cmpi sge, %sub3A_302, %ge3A_307 : vector<16xi32>
      %lt3A_309 = arith.constant 256 : i32
      %lt3A_310 = vector.broadcast %lt3A_309 : i32 to vector<16xi32>
      %lt3A_311 = arith.cmpi slt, %sub3A_302, %lt3A_310 : vector<16xi32>
      %and3A_312 = arith.andi %ge3A_308, %lt3A_311 : vector<16xi1>
      %le3A_313 = arith.constant 320 : i32
      %le3A_314 = vector.broadcast %le3A_313 : i32 to vector<16xi32>
      %le3A_315 = arith.cmpi sle, %add3A_305, %le3A_314 : vector<16xi32>
      %and3A_316 = arith.andi %and3A_312, %le3A_315 : vector<16xi1>
      tpu.vector_store_idx %arg14[%sub3A_302], %broadcast_in_dim3A_4 masked %and3A_316 {add = true} : memref<256xi32, #tpu.memory_space<vmem>>[vector<16xi32>], vector<16xi32>, vector<16xi1>
      %get3A_317 = arith.constant 128 : index
      %get3A_318 = tpu.vector_load %arg7[%get3A_317] {strides = array<i32>} : memref<336xi32, #tpu.memory_space<vmem>>, vector<16xi32>,
      %sub3A_319 = vector.broadcast %multiple_of3A_144 : i32 to vector<16xi32>
      %sub3A_320 = arith.subi %get3A_318, %sub3A_319 : vector<16xi32>
      %add3A_321 = arith.constant 128 : i32
      %add3A_322 = vector.broadcast %add3A_321 : i32 to vector<16xi32>
      %add3A_323 = arith.addi %add3A_322, %iota3A : vector<16xi32>
      %ge3A_324 = arith.constant 0 : i32
      %ge3A_325 = vector.broadcast %ge3A_324 : i32 to vector<16xi32>
      %ge3A_326 = arith.cmpi sge, %sub3A_320, %ge3A_325 : vector<16xi32>
      %lt3A_327 = arith.constant 256 : i32
      %lt3A_328 = vector.broadcast %lt3A_327 : i32 to vector<16xi32>
      %lt3A_329 = arith.cmpi slt, %sub3A_320, %lt3A_328 : vector<16xi32>
      %and3A_330 = arith.andi %ge3A_326, %lt3A_329 : vector<16xi1>
      %le3A_331 = arith.constant 320 : i32
      %le3A_332 = vector.broadcast %le3A_331 : i32 to vector<16xi32>
      %le3A_333 = arith.cmpi sle, %add3A_323, %le3A_332 : vector<16xi32>
      %and3A_334 = arith.andi %and3A_330, %le3A_333 : vector<16xi1>
      tpu.vector_store_idx %arg14[%sub3A_320], %broadcast_in_dim3A_4 masked %and3A_334 {add = true} : memref<256xi32, #tpu.memory_space<vmem>>[vector<16xi32>], vector<16xi32>, vector<16xi1>
      %get3A_335 = arith.constant 144 : index
      %get3A_336 = tpu.vector_load %arg7[%get3A_335] {strides = array<i32>} : memref<336xi32, #tpu.memory_space<vmem>>, vector<16xi32>,
      %sub3A_337 = vector.broadcast %multiple_of3A_144 : i32 to vector<16xi32>
      %sub3A_338 = arith.subi %get3A_336, %sub3A_337 : vector<16xi32>
      %add3A_339 = arith.constant 144 : i32
      %add3A_340 = vector.broadcast %add3A_339 : i32 to vector<16xi32>
      %add3A_341 = arith.addi %add3A_340, %iota3A : vector<16xi32>
      %ge3A_342 = arith.constant 0 : i32
      %ge3A_343 = vector.broadcast %ge3A_342 : i32 to vector<16xi32>
      %ge3A_344 = arith.cmpi sge, %sub3A_338, %ge3A_343 : vector<16xi32>
      %lt3A_345 = arith.constant 256 : i32
      %lt3A_346 = vector.broadcast %lt3A_345 : i32 to vector<16xi32>
      %lt3A_347 = arith.cmpi slt, %sub3A_338, %lt3A_346 : vector<16xi32>
      %and3A_348 = arith.andi %ge3A_344, %lt3A_347 : vector<16xi1>
      %le3A_349 = arith.constant 320 : i32
      %le3A_350 = vector.broadcast %le3A_349 : i32 to vector<16xi32>
      %le3A_351 = arith.cmpi sle, %add3A_341, %le3A_350 : vector<16xi32>
      %and3A_352 = arith.andi %and3A_348, %le3A_351 : vector<16xi1>
      tpu.vector_store_idx %arg14[%sub3A_338], %broadcast_in_dim3A_4 masked %and3A_352 {add = true} : memref<256xi32, #tpu.memory_space<vmem>>[vector<16xi32>], vector<16xi32>, vector<16xi1>
      %get3A_353 = arith.constant 160 : index
      %get3A_354 = tpu.vector_load %arg7[%get3A_353] {strides = array<i32>} : memref<336xi32, #tpu.memory_space<vmem>>, vector<16xi32>,
      %sub3A_355 = vector.broadcast %multiple_of3A_144 : i32 to vector<16xi32>
      %sub3A_356 = arith.subi %get3A_354, %sub3A_355 : vector<16xi32>
      %add3A_357 = arith.constant 160 : i32
      %add3A_358 = vector.broadcast %add3A_357 : i32 to vector<16xi32>
      %add3A_359 = arith.addi %add3A_358, %iota3A : vector<16xi32>
      %ge3A_360 = arith.constant 0 : i32
      %ge3A_361 = vector.broadcast %ge3A_360 : i32 to vector<16xi32>
      %ge3A_362 = arith.cmpi sge, %sub3A_356, %ge3A_361 : vector<16xi32>
      %lt3A_363 = arith.constant 256 : i32
      %lt3A_364 = vector.broadcast %lt3A_363 : i32 to vector<16xi32>
      %lt3A_365 = arith.cmpi slt, %sub3A_356, %lt3A_364 : vector<16xi32>
      %and3A_366 = arith.andi %ge3A_362, %lt3A_365 : vector<16xi1>
      %le3A_367 = arith.constant 320 : i32
      %le3A_368 = vector.broadcast %le3A_367 : i32 to vector<16xi32>
      %le3A_369 = arith.cmpi sle, %add3A_359, %le3A_368 : vector<16xi32>
      %and3A_370 = arith.andi %and3A_366, %le3A_369 : vector<16xi1>
      tpu.vector_store_idx %arg14[%sub3A_356], %broadcast_in_dim3A_4 masked %and3A_370 {add = true} : memref<256xi32, #tpu.memory_space<vmem>>[vector<16xi32>], vector<16xi32>, vector<16xi1>
      %get3A_371 = arith.constant 176 : index
      %get3A_372 = tpu.vector_load %arg7[%get3A_371] {strides = array<i32>} : memref<336xi32, #tpu.memory_space<vmem>>, vector<16xi32>,
      %sub3A_373 = vector.broadcast %multiple_of3A_144 : i32 to vector<16xi32>
      %sub3A_374 = arith.subi %get3A_372, %sub3A_373 : vector<16xi32>
      %add3A_375 = arith.constant 176 : i32
      %add3A_376 = vector.broadcast %add3A_375 : i32 to vector<16xi32>
      %add3A_377 = arith.addi %add3A_376, %iota3A : vector<16xi32>
      %ge3A_378 = arith.constant 0 : i32
      %ge3A_379 = vector.broadcast %ge3A_378 : i32 to vector<16xi32>
      %ge3A_380 = arith.cmpi sge, %sub3A_374, %ge3A_379 : vector<16xi32>
      %lt3A_381 = arith.constant 256 : i32
      %lt3A_382 = vector.broadcast %lt3A_381 : i32 to vector<16xi32>
      %lt3A_383 = arith.cmpi slt, %sub3A_374, %lt3A_382 : vector<16xi32>
      %and3A_384 = arith.andi %ge3A_380, %lt3A_383 : vector<16xi1>
      %le3A_385 = arith.constant 320 : i32
      %le3A_386 = vector.broadcast %le3A_385 : i32 to vector<16xi32>
      %le3A_387 = arith.cmpi sle, %add3A_377, %le3A_386 : vector<16xi32>
      %and3A_388 = arith.andi %and3A_384, %le3A_387 : vector<16xi1>
      tpu.vector_store_idx %arg14[%sub3A_374], %broadcast_in_dim3A_4 masked %and3A_388 {add = true} : memref<256xi32, #tpu.memory_space<vmem>>[vector<16xi32>], vector<16xi32>, vector<16xi1>
      %get3A_389 = arith.constant 192 : index
      %get3A_390 = tpu.vector_load %arg7[%get3A_389] {strides = array<i32>} : memref<336xi32, #tpu.memory_space<vmem>>, vector<16xi32>,
      %sub3A_391 = vector.broadcast %multiple_of3A_144 : i32 to vector<16xi32>
      %sub3A_392 = arith.subi %get3A_390, %sub3A_391 : vector<16xi32>
      %add3A_393 = arith.constant 192 : i32
      %add3A_394 = vector.broadcast %add3A_393 : i32 to vector<16xi32>
      %add3A_395 = arith.addi %add3A_394, %iota3A : vector<16xi32>
      %ge3A_396 = arith.constant 0 : i32
      %ge3A_397 = vector.broadcast %ge3A_396 : i32 to vector<16xi32>
      %ge3A_398 = arith.cmpi sge, %sub3A_392, %ge3A_397 : vector<16xi32>
      %lt3A_399 = arith.constant 256 : i32
      %lt3A_400 = vector.broadcast %lt3A_399 : i32 to vector<16xi32>
      %lt3A_401 = arith.cmpi slt, %sub3A_392, %lt3A_400 : vector<16xi32>
      %and3A_402 = arith.andi %ge3A_398, %lt3A_401 : vector<16xi1>
      %le3A_403 = arith.constant 320 : i32
      %le3A_404 = vector.broadcast %le3A_403 : i32 to vector<16xi32>
      %le3A_405 = arith.cmpi sle, %add3A_395, %le3A_404 : vector<16xi32>
      %and3A_406 = arith.andi %and3A_402, %le3A_405 : vector<16xi1>
      tpu.vector_store_idx %arg14[%sub3A_392], %broadcast_in_dim3A_4 masked %and3A_406 {add = true} : memref<256xi32, #tpu.memory_space<vmem>>[vector<16xi32>], vector<16xi32>, vector<16xi1>
      %get3A_407 = arith.constant 208 : index
      %get3A_408 = tpu.vector_load %arg7[%get3A_407] {strides = array<i32>} : memref<336xi32, #tpu.memory_space<vmem>>, vector<16xi32>,
      %sub3A_409 = vector.broadcast %multiple_of3A_144 : i32 to vector<16xi32>
      %sub3A_410 = arith.subi %get3A_408, %sub3A_409 : vector<16xi32>
      %add3A_411 = arith.constant 208 : i32
      %add3A_412 = vector.broadcast %add3A_411 : i32 to vector<16xi32>
      %add3A_413 = arith.addi %add3A_412, %iota3A : vector<16xi32>
      %ge3A_414 = arith.constant 0 : i32
      %ge3A_415 = vector.broadcast %ge3A_414 : i32 to vector<16xi32>
      %ge3A_416 = arith.cmpi sge, %sub3A_410, %ge3A_415 : vector<16xi32>
      %lt3A_417 = arith.constant 256 : i32
      %lt3A_418 = vector.broadcast %lt3A_417 : i32 to vector<16xi32>
      %lt3A_419 = arith.cmpi slt, %sub3A_410, %lt3A_418 : vector<16xi32>
      %and3A_420 = arith.andi %ge3A_416, %lt3A_419 : vector<16xi1>
      %le3A_421 = arith.constant 320 : i32
      %le3A_422 = vector.broadcast %le3A_421 : i32 to vector<16xi32>
      %le3A_423 = arith.cmpi sle, %add3A_413, %le3A_422 : vector<16xi32>
      %and3A_424 = arith.andi %and3A_420, %le3A_423 : vector<16xi1>
      tpu.vector_store_idx %arg14[%sub3A_410], %broadcast_in_dim3A_4 masked %and3A_424 {add = true} : memref<256xi32, #tpu.memory_space<vmem>>[vector<16xi32>], vector<16xi32>, vector<16xi1>
      %get3A_425 = arith.constant 224 : index
      %get3A_426 = tpu.vector_load %arg7[%get3A_425] {strides = array<i32>} : memref<336xi32, #tpu.memory_space<vmem>>, vector<16xi32>,
      %sub3A_427 = vector.broadcast %multiple_of3A_144 : i32 to vector<16xi32>
      %sub3A_428 = arith.subi %get3A_426, %sub3A_427 : vector<16xi32>
      %add3A_429 = arith.constant 224 : i32
      %add3A_430 = vector.broadcast %add3A_429 : i32 to vector<16xi32>
      %add3A_431 = arith.addi %add3A_430, %iota3A : vector<16xi32>
      %ge3A_432 = arith.constant 0 : i32
      %ge3A_433 = vector.broadcast %ge3A_432 : i32 to vector<16xi32>
      %ge3A_434 = arith.cmpi sge, %sub3A_428, %ge3A_433 : vector<16xi32>
      %lt3A_435 = arith.constant 256 : i32
      %lt3A_436 = vector.broadcast %lt3A_435 : i32 to vector<16xi32>
      %lt3A_437 = arith.cmpi slt, %sub3A_428, %lt3A_436 : vector<16xi32>
      %and3A_438 = arith.andi %ge3A_434, %lt3A_437 : vector<16xi1>
      %le3A_439 = arith.constant 320 : i32
      %le3A_440 = vector.broadcast %le3A_439 : i32 to vector<16xi32>
      %le3A_441 = arith.cmpi sle, %add3A_431, %le3A_440 : vector<16xi32>
      %and3A_442 = arith.andi %and3A_438, %le3A_441 : vector<16xi1>
      tpu.vector_store_idx %arg14[%sub3A_428], %broadcast_in_dim3A_4 masked %and3A_442 {add = true} : memref<256xi32, #tpu.memory_space<vmem>>[vector<16xi32>], vector<16xi32>, vector<16xi1>
      %get3A_443 = arith.constant 240 : index
      %get3A_444 = tpu.vector_load %arg7[%get3A_443] {strides = array<i32>} : memref<336xi32, #tpu.memory_space<vmem>>, vector<16xi32>,
      %sub3A_445 = vector.broadcast %multiple_of3A_144 : i32 to vector<16xi32>
      %sub3A_446 = arith.subi %get3A_444, %sub3A_445 : vector<16xi32>
      %add3A_447 = arith.constant 240 : i32
      %add3A_448 = vector.broadcast %add3A_447 : i32 to vector<16xi32>
      %add3A_449 = arith.addi %add3A_448, %iota3A : vector<16xi32>
      %ge3A_450 = arith.constant 0 : i32
      %ge3A_451 = vector.broadcast %ge3A_450 : i32 to vector<16xi32>
      %ge3A_452 = arith.cmpi sge, %sub3A_446, %ge3A_451 : vector<16xi32>
      %lt3A_453 = arith.constant 256 : i32
      %lt3A_454 = vector.broadcast %lt3A_453 : i32 to vector<16xi32>
      %lt3A_455 = arith.cmpi slt, %sub3A_446, %lt3A_454 : vector<16xi32>
      %and3A_456 = arith.andi %ge3A_452, %lt3A_455 : vector<16xi1>
      %le3A_457 = arith.constant 320 : i32
      %le3A_458 = vector.broadcast %le3A_457 : i32 to vector<16xi32>
      %le3A_459 = arith.cmpi sle, %add3A_449, %le3A_458 : vector<16xi32>
      %and3A_460 = arith.andi %and3A_456, %le3A_459 : vector<16xi1>
      tpu.vector_store_idx %arg14[%sub3A_446], %broadcast_in_dim3A_4 masked %and3A_460 {add = true} : memref<256xi32, #tpu.memory_space<vmem>>[vector<16xi32>], vector<16xi32>, vector<16xi1>
      %get3A_461 = arith.constant 256 : index
      %get3A_462 = tpu.vector_load %arg7[%get3A_461] {strides = array<i32>} : memref<336xi32, #tpu.memory_space<vmem>>, vector<16xi32>,
      %sub3A_463 = vector.broadcast %multiple_of3A_144 : i32 to vector<16xi32>
      %sub3A_464 = arith.subi %get3A_462, %sub3A_463 : vector<16xi32>
      %add3A_465 = arith.constant 256 : i32
      %add3A_466 = vector.broadcast %add3A_465 : i32 to vector<16xi32>
      %add3A_467 = arith.addi %add3A_466, %iota3A : vector<16xi32>
      %ge3A_468 = arith.constant 0 : i32
      %ge3A_469 = vector.broadcast %ge3A_468 : i32 to vector<16xi32>
      %ge3A_470 = arith.cmpi sge, %sub3A_464, %ge3A_469 : vector<16xi32>
      %lt3A_471 = arith.constant 256 : i32
      %lt3A_472 = vector.broadcast %lt3A_471 : i32 to vector<16xi32>
      %lt3A_473 = arith.cmpi slt, %sub3A_464, %lt3A_472 : vector<16xi32>
      %and3A_474 = arith.andi %ge3A_470, %lt3A_473 : vector<16xi1>
      %le3A_475 = arith.constant 320 : i32
      %le3A_476 = vector.broadcast %le3A_475 : i32 to vector<16xi32>
      %le3A_477 = arith.cmpi sle, %add3A_467, %le3A_476 : vector<16xi32>
      %and3A_478 = arith.andi %and3A_474, %le3A_477 : vector<16xi1>
      tpu.vector_store_idx %arg14[%sub3A_464], %broadcast_in_dim3A_4 masked %and3A_478 {add = true} : memref<256xi32, #tpu.memory_space<vmem>>[vector<16xi32>], vector<16xi32>, vector<16xi1>
      %get3A_479 = arith.constant 272 : index
      %get3A_480 = tpu.vector_load %arg7[%get3A_479] {strides = array<i32>} : memref<336xi32, #tpu.memory_space<vmem>>, vector<16xi32>,
      %sub3A_481 = vector.broadcast %multiple_of3A_144 : i32 to vector<16xi32>
      %sub3A_482 = arith.subi %get3A_480, %sub3A_481 : vector<16xi32>
      %add3A_483 = arith.constant 272 : i32
      %add3A_484 = vector.broadcast %add3A_483 : i32 to vector<16xi32>
      %add3A_485 = arith.addi %add3A_484, %iota3A : vector<16xi32>
      %ge3A_486 = arith.constant 0 : i32
      %ge3A_487 = vector.broadcast %ge3A_486 : i32 to vector<16xi32>
      %ge3A_488 = arith.cmpi sge, %sub3A_482, %ge3A_487 : vector<16xi32>
      %lt3A_489 = arith.constant 256 : i32
      %lt3A_490 = vector.broadcast %lt3A_489 : i32 to vector<16xi32>
      %lt3A_491 = arith.cmpi slt, %sub3A_482, %lt3A_490 : vector<16xi32>
      %and3A_492 = arith.andi %ge3A_488, %lt3A_491 : vector<16xi1>
      %le3A_493 = arith.constant 320 : i32
      %le3A_494 = vector.broadcast %le3A_493 : i32 to vector<16xi32>
      %le3A_495 = arith.cmpi sle, %add3A_485, %le3A_494 : vector<16xi32>
      %and3A_496 = arith.andi %and3A_492, %le3A_495 : vector<16xi1>
      tpu.vector_store_idx %arg14[%sub3A_482], %broadcast_in_dim3A_4 masked %and3A_496 {add = true} : memref<256xi32, #tpu.memory_space<vmem>>[vector<16xi32>], vector<16xi32>, vector<16xi1>
      %get3A_497 = arith.constant 288 : index
      %get3A_498 = tpu.vector_load %arg7[%get3A_497] {strides = array<i32>} : memref<336xi32, #tpu.memory_space<vmem>>, vector<16xi32>,
      %sub3A_499 = vector.broadcast %multiple_of3A_144 : i32 to vector<16xi32>
      %sub3A_500 = arith.subi %get3A_498, %sub3A_499 : vector<16xi32>
      %add3A_501 = arith.constant 288 : i32
      %add3A_502 = vector.broadcast %add3A_501 : i32 to vector<16xi32>
      %add3A_503 = arith.addi %add3A_502, %iota3A : vector<16xi32>
      %ge3A_504 = arith.constant 0 : i32
      %ge3A_505 = vector.broadcast %ge3A_504 : i32 to vector<16xi32>
      %ge3A_506 = arith.cmpi sge, %sub3A_500, %ge3A_505 : vector<16xi32>
      %lt3A_507 = arith.constant 256 : i32
      %lt3A_508 = vector.broadcast %lt3A_507 : i32 to vector<16xi32>
      %lt3A_509 = arith.cmpi slt, %sub3A_500, %lt3A_508 : vector<16xi32>
      %and3A_510 = arith.andi %ge3A_506, %lt3A_509 : vector<16xi1>
      %le3A_511 = arith.constant 320 : i32
      %le3A_512 = vector.broadcast %le3A_511 : i32 to vector<16xi32>
      %le3A_513 = arith.cmpi sle, %add3A_503, %le3A_512 : vector<16xi32>
      %and3A_514 = arith.andi %and3A_510, %le3A_513 : vector<16xi1>
      tpu.vector_store_idx %arg14[%sub3A_500], %broadcast_in_dim3A_4 masked %and3A_514 {add = true} : memref<256xi32, #tpu.memory_space<vmem>>[vector<16xi32>], vector<16xi32>, vector<16xi1>
      %get3A_515 = arith.constant 304 : index
      %get3A_516 = tpu.vector_load %arg7[%get3A_515] {strides = array<i32>} : memref<336xi32, #tpu.memory_space<vmem>>, vector<16xi32>,
      %sub3A_517 = vector.broadcast %multiple_of3A_144 : i32 to vector<16xi32>
      %sub3A_518 = arith.subi %get3A_516, %sub3A_517 : vector<16xi32>
      %add3A_519 = arith.constant 304 : i32
      %add3A_520 = vector.broadcast %add3A_519 : i32 to vector<16xi32>
      %add3A_521 = arith.addi %add3A_520, %iota3A : vector<16xi32>
      %ge3A_522 = arith.constant 0 : i32
      %ge3A_523 = vector.broadcast %ge3A_522 : i32 to vector<16xi32>
      %ge3A_524 = arith.cmpi sge, %sub3A_518, %ge3A_523 : vector<16xi32>
      %lt3A_525 = arith.constant 256 : i32
      %lt3A_526 = vector.broadcast %lt3A_525 : i32 to vector<16xi32>
      %lt3A_527 = arith.cmpi slt, %sub3A_518, %lt3A_526 : vector<16xi32>
      %and3A_528 = arith.andi %ge3A_524, %lt3A_527 : vector<16xi1>
      %le3A_529 = arith.constant 320 : i32
      %le3A_530 = vector.broadcast %le3A_529 : i32 to vector<16xi32>
      %le3A_531 = arith.cmpi sle, %add3A_521, %le3A_530 : vector<16xi32>
      %and3A_532 = arith.andi %and3A_528, %le3A_531 : vector<16xi1>
      tpu.vector_store_idx %arg14[%sub3A_518], %broadcast_in_dim3A_4 masked %and3A_532 {add = true} : memref<256xi32, #tpu.memory_space<vmem>>[vector<16xi32>], vector<16xi32>, vector<16xi1>
      %get3A_533 = arith.constant 320 : index
      %get3A_534 = tpu.vector_load %arg7[%get3A_533] {strides = array<i32>} : memref<336xi32, #tpu.memory_space<vmem>>, vector<16xi32>,
      %sub3A_535 = vector.broadcast %multiple_of3A_144 : i32 to vector<16xi32>
      %sub3A_536 = arith.subi %get3A_534, %sub3A_535 : vector<16xi32>
      %add3A_537 = arith.constant 320 : i32
      %add3A_538 = vector.broadcast %add3A_537 : i32 to vector<16xi32>
      %add3A_539 = arith.addi %add3A_538, %iota3A : vector<16xi32>
      %ge3A_540 = arith.constant 0 : i32
      %ge3A_541 = vector.broadcast %ge3A_540 : i32 to vector<16xi32>
      %ge3A_542 = arith.cmpi sge, %sub3A_536, %ge3A_541 : vector<16xi32>
      %lt3A_543 = arith.constant 256 : i32
      %lt3A_544 = vector.broadcast %lt3A_543 : i32 to vector<16xi32>
      %lt3A_545 = arith.cmpi slt, %sub3A_536, %lt3A_544 : vector<16xi32>
      %and3A_546 = arith.andi %ge3A_542, %lt3A_545 : vector<16xi1>
      %le3A_547 = arith.constant 320 : i32
      %le3A_548 = vector.broadcast %le3A_547 : i32 to vector<16xi32>
      %le3A_549 = arith.cmpi sle, %add3A_539, %le3A_548 : vector<16xi32>
      %and3A_550 = arith.andi %and3A_546, %le3A_549 : vector<16xi1>
      tpu.vector_store_idx %arg14[%sub3A_536], %broadcast_in_dim3A_4 masked %and3A_550 {add = true} : memref<256xi32, #tpu.memory_space<vmem>>[vector<16xi32>], vector<16xi32>, vector<16xi1>
      %scan3A = arith.constant 0 : i32
      %scan3A_551 = arith.constant 16 : i32
      %scan3A_552 = arith.addi %scan3A, %scan3A_551 : i32
      %scan3A_553 = arith.constant 1 : i32
      %scan3A_554 = scf.for %scan3A_1055 = %scan3A to %scan3A_552 step %scan3A_553 iter_args(%scan3A_1056 = %while3A_113) -> (i32)  : i32 {
        %mul3A_1057 = arith.constant 16 : i32
        %mul3A_1058 = arith.muli %mul3A_1057, %scan3A_1055 : i32
        %get3A_1059 = arith.index_cast %mul3A_1058 : i32 to index
        %get3A_1060 = tpu.vector_load %arg14[%get3A_1059] {strides = array<i32>} : memref<256xi32, #tpu.memory_space<vmem>>, vector<16xi32>,
        %broadcast_in_dim3A_1061 = arith.constant true
        %broadcast_in_dim3A_1062 = vector.broadcast %broadcast_in_dim3A_1061 : i1 to vector<16xi1>
        %masked_cumsum3A = tpu.scan <sum>, %get3A_1060 masked %broadcast_in_dim3A_1062 : vector<16xi32>, vector<16xi1> -> vector<16xi32>
        %add3A_1063 = vector.broadcast %scan3A_1056 : i32 to vector<16xi32>
        %add3A_1064 = arith.addi %masked_cumsum3A, %add3A_1063 : vector<16xi32>
        %sub3A_1065 = arith.constant 1 : i32
        %sub3A_1066 = vector.broadcast %sub3A_1065 : i32 to vector<16xi32>
        %sub3A_1067 = arith.subi %add3A_1064, %sub3A_1066 : vector<16xi32>
        %lt3A_1068 = arith.constant 0 : i32
        %lt3A_1069 = vector.broadcast %lt3A_1068 : i32 to vector<16xi32>
        %lt3A_1070 = arith.cmpi slt, %sub3A_1067, %lt3A_1069 : vector<16xi32>
        %ge3A_1071 = arith.constant 320 : i32
        %ge3A_1072 = vector.broadcast %ge3A_1071 : i32 to vector<16xi32>
        %ge3A_1073 = arith.cmpi sge, %sub3A_1067, %ge3A_1072 : vector<16xi32>
        %or3A = arith.ori %lt3A_1070, %ge3A_1073 : vector<16xi1>
        %jit3A_1074 = arith.constant 320 : i32
        %broadcast_in_dim3A_1075 = vector.broadcast %jit3A_1074 : i32 to vector<16xi32>
        %select_n3A_1076 = arith.select %or3A, %broadcast_in_dim3A_1075, %sub3A_1067 : vector<16xi1>, vector<16xi32>
        %mul3A_1077 = arith.constant 16 : i32
        %mul3A_1078 = arith.muli %mul3A_1077, %scan3A_1055 : i32
        %swap3A_1079 = arith.index_cast %mul3A_1078 : i32 to index
        %swap3A_1080 = tpu.vector_load %arg15[%swap3A_1079] {strides = array<i32>} : memref<256xi32, #tpu.memory_space<vmem>>, vector<16xi32>,
        tpu.vector_store %arg15[%swap3A_1079], %select_n3A_1076 {strides = array<i32>} : memref<256xi32, #tpu.memory_space<vmem>>, vector<16xi32>,
        %reduce_sum3A_1081 = arith.constant true
        %reduce_sum3A_1082 = vector.broadcast %reduce_sum3A_1081 : i1 to vector<16xi1>
        %reduce_sum3A_1083 = tpu.scan <sum>, %get3A_1060 masked %reduce_sum3A_1082 : vector<16xi32>, vector<16xi1> -> vector<16xi32>
        %reduce_sum3A_1084 = vector.extract %reduce_sum3A_1083[15] : i32 from vector<16xi32>
        %add3A_1085 = arith.addi %scan3A_1056, %reduce_sum3A_1084 : i32
        scf.yield %add3A_1085 : i32
      }
      %scan3A_555 = arith.constant 16 : i32
      %dma_wait3A_556 = arith.constant 0 : i32
      %dma_wait3A_557 = arith.constant 0 : i32
      %dma_wait3A_558 = tpu.memref_slice %arg5[%dma_wait3A_556, %dma_wait3A_557] : memref<10000x128xf32, #tpu.memory_space<hbm>> -> memref<10000x128xf32, #tpu.memory_space<hbm>>
      tpu.wait_indirect_dma semaphore(%arg19 : memref<!tpu.dma_semaphore, #tpu.memory_space<semaphore_mem>>) src(%dma_wait3A_558 : memref<10000x128xf32, #tpu.memory_space<hbm>>) dst(%arg10 : memref<256x128xf32, #tpu.memory_space<vmem>>)
      %dma_wait3A_559 = arith.constant 0 : i32
      %dma_wait3A_560 = tpu.memref_slice %arg12[%dma_wait3A_559] : memref<2064xf32, #tpu.memory_space<vmem>> -> memref<2048xf32, #tpu.memory_space<vmem>>
      %dma_wait3A_561 = arith.constant 0 : i32
      %dma_wait3A_562 = tpu.memref_slice %arg4[%dma_wait3A_561] : memref<2560000xf32, #tpu.memory_space<hbm>> -> memref<2048xf32, #tpu.memory_space<hbm>>
      %dma_wait3A_563 = arith.constant 0 : i32
      %dma_wait3A_564 = tpu.memref_slice %arg12[%dma_wait3A_563] : memref<2064xf32, #tpu.memory_space<vmem>> -> memref<2048xf32, #tpu.memory_space<vmem>>
      %dma_wait3A_565 = arith.constant 0 : i32
      %dma_wait3A_566 = tpu.memref_slice %arg4[%dma_wait3A_565] : memref<2560000xf32, #tpu.memory_space<hbm>> -> memref<2048xf32, #tpu.memory_space<hbm>>
      tpu.wait_dma2 semaphore(%arg23 : memref<!tpu.dma_semaphore, #tpu.memory_space<semaphore_mem>>) src(%dma_wait3A_566 : memref<2048xf32, #tpu.memory_space<hbm>>) dst(%dma_wait3A_564 : memref<2048xf32, #tpu.memory_space<vmem>>)
      %add3A_567 = arith.constant 2 : i32
      %add3A_568 = arith.addi %mul3A_115, %add3A_567 : i32
      %mul3A_569 = arith.constant 256 : i32
      %mul3A_570 = arith.muli %mul3A_569, %add3A_568 : i32
      %add3A_571 = arith.addi %sub3A, %mul3A_570 : i32
      %multiple_of3A_572 = tpu.assume_multiple %add3A_571, 256 : i32
      %min3A_573 = arith.constant 319744 : i32
      %min3A_574 = arith.minsi %multiple_of3A_572, %min3A_573 : i32
      %multiple_of3A_575 = tpu.assume_multiple %min3A_574, 256 : i32
      %dma_start3A_576 = tpu.memref_slice %arg3[%multiple_of3A_575] : memref<320000xi32, #tpu.memory_space<hbm>> -> memref<256xi32, #tpu.memory_space<hbm>>
      %dma_start3A_577 = tpu.memref_slice %arg3[%multiple_of3A_575] : memref<320000xi32, #tpu.memory_space<hbm>> -> memref<256xi32, #tpu.memory_space<hbm>>
      tpu.enqueue_dma source(%dma_start3A_577 : memref<256xi32, #tpu.memory_space<hbm>>) target(%arg8 : memref<256xi32, #tpu.memory_space<vmem>>) target_semaphore(%arg17 : memref<!tpu.dma_semaphore, #tpu.memory_space<semaphore_mem>>)
      %parallel_loop3A_578 = arith.constant 0 : i32
      %parallel_loop3A_579 = arith.constant 256 : i32
      %parallel_loop3A_580 = arith.constant 1 : i32
      scf.for %parallel_loop3A_1055 = %parallel_loop3A_578 to %parallel_loop3A_579 step %parallel_loop3A_580  : i32 {
        %parallel_loop3A_1056 = vector.broadcast %parallel_loop3A_1055 : i32 to vector<16xi32>
        %parallel_loop3A_1057 = tpu.vector_load_idx %arg15[%parallel_loop3A_1056] : memref<256xi32, #tpu.memory_space<vmem>>[vector<16xi32>], vector<16xi32>,
        %parallel_loop3A_1058 = arith.constant 8 : i32
        %parallel_loop3A_1059 = arith.muli %parallel_loop3A_1058, %parallel_loop3A_1055 : i32
        %parallel_loop3A_1060 = arith.index_cast %parallel_loop3A_1059 : i32 to index
        %parallel_loop3A_1061 = tpu.vector_load %arg12[%parallel_loop3A_1060] {strides = array<i32>} : memref<2064xf32, #tpu.memory_space<vmem>>, vector<16xf32>,
        %parallel_loop3A_1062 = arith.constant 0 : i32
        %parallel_loop3A_1063 = vector.broadcast %parallel_loop3A_1062 : i32 to vector<16xi32>
        %parallel_loop3A_1064 = vector.shape_cast %parallel_loop3A_1063 : vector<16xi32> to vector<16x1xi32>
        %parallel_loop3A_1065 = vector.shape_cast %parallel_loop3A_1064 : vector<16x1xi32> to vector<16xi32>
        %parallel_loop3A_1066 = tpu.dynamic_gather %parallel_loop3A_1061[%parallel_loop3A_1065] in [0] : vector<16xf32>, vector<16xi32> -> vector<16xf32>
        %parallel_loop3A_1067 = arith.index_cast %parallel_loop3A_1055 : i32 to index
        %parallel_loop3A_1068 = arith.constant 0 : index
        %parallel_loop3A_1069 = tpu.vector_load %arg10[%parallel_loop3A_1067, %parallel_loop3A_1068] {strides = array<i32>} : memref<256x128xf32, #tpu.memory_space<vmem>>, vector<16xf32>,
        %parallel_loop3A_1070 = arith.constant 0 : i32
        %parallel_loop3A_1071 = vector.broadcast %parallel_loop3A_1070 : i32 to vector<16xi32>
        %parallel_loop3A_1072 = arith.addi %iota3A, %parallel_loop3A_1071 : vector<16xi32>
        %parallel_loop3A_1073 = arith.mulf %parallel_loop3A_1069, %parallel_loop3A_1066 : vector<16xf32>
        tpu.vector_store_idx %arg16[%parallel_loop3A_1057, %parallel_loop3A_1072], %parallel_loop3A_1073 {add = true} : memref<321x128xf32, #tpu.memory_space<vmem>>[vector<16xi32>, vector<16xi32>], vector<16xf32>,
        %parallel_loop3A_1074 = arith.constant 1 : i32
        %parallel_loop3A_1075 = vector.broadcast %parallel_loop3A_1074 : i32 to vector<16xi32>
        %parallel_loop3A_1076 = vector.shape_cast %parallel_loop3A_1075 : vector<16xi32> to vector<16x1xi32>
        %parallel_loop3A_1077 = vector.shape_cast %parallel_loop3A_1076 : vector<16x1xi32> to vector<16xi32>
        %parallel_loop3A_1078 = tpu.dynamic_gather %parallel_loop3A_1061[%parallel_loop3A_1077] in [0] : vector<16xf32>, vector<16xi32> -> vector<16xf32>
        %parallel_loop3A_1079 = arith.index_cast %parallel_loop3A_1055 : i32 to index
        %parallel_loop3A_1080 = arith.constant 16 : index
        %parallel_loop3A_1081 = tpu.vector_load %arg10[%parallel_loop3A_1079, %parallel_loop3A_1080] {strides = array<i32>} : memref<256x128xf32, #tpu.memory_space<vmem>>, vector<16xf32>,
        %parallel_loop3A_1082 = arith.constant 16 : i32
        %parallel_loop3A_1083 = vector.broadcast %parallel_loop3A_1082 : i32 to vector<16xi32>
        %parallel_loop3A_1084 = arith.addi %iota3A, %parallel_loop3A_1083 : vector<16xi32>
        %parallel_loop3A_1085 = arith.mulf %parallel_loop3A_1081, %parallel_loop3A_1078 : vector<16xf32>
        tpu.vector_store_idx %arg16[%parallel_loop3A_1057, %parallel_loop3A_1084], %parallel_loop3A_1085 {add = true} : memref<321x128xf32, #tpu.memory_space<vmem>>[vector<16xi32>, vector<16xi32>], vector<16xf32>,
        %parallel_loop3A_1086 = arith.constant 2 : i32
        %parallel_loop3A_1087 = vector.broadcast %parallel_loop3A_1086 : i32 to vector<16xi32>
        %parallel_loop3A_1088 = vector.shape_cast %parallel_loop3A_1087 : vector<16xi32> to vector<16x1xi32>
        %parallel_loop3A_1089 = vector.shape_cast %parallel_loop3A_1088 : vector<16x1xi32> to vector<16xi32>
        %parallel_loop3A_1090 = tpu.dynamic_gather %parallel_loop3A_1061[%parallel_loop3A_1089] in [0] : vector<16xf32>, vector<16xi32> -> vector<16xf32>
        %parallel_loop3A_1091 = arith.index_cast %parallel_loop3A_1055 : i32 to index
        %parallel_loop3A_1092 = arith.constant 32 : index
        %parallel_loop3A_1093 = tpu.vector_load %arg10[%parallel_loop3A_1091, %parallel_loop3A_1092] {strides = array<i32>} : memref<256x128xf32, #tpu.memory_space<vmem>>, vector<16xf32>,
        %parallel_loop3A_1094 = arith.constant 32 : i32
        %parallel_loop3A_1095 = vector.broadcast %parallel_loop3A_1094 : i32 to vector<16xi32>
        %parallel_loop3A_1096 = arith.addi %iota3A, %parallel_loop3A_1095 : vector<16xi32>
        %parallel_loop3A_1097 = arith.mulf %parallel_loop3A_1093, %parallel_loop3A_1090 : vector<16xf32>
        tpu.vector_store_idx %arg16[%parallel_loop3A_1057, %parallel_loop3A_1096], %parallel_loop3A_1097 {add = true} : memref<321x128xf32, #tpu.memory_space<vmem>>[vector<16xi32>, vector<16xi32>], vector<16xf32>,
        %parallel_loop3A_1098 = arith.constant 3 : i32
        %parallel_loop3A_1099 = vector.broadcast %parallel_loop3A_1098 : i32 to vector<16xi32>
        %parallel_loop3A_1100 = vector.shape_cast %parallel_loop3A_1099 : vector<16xi32> to vector<16x1xi32>
        %parallel_loop3A_1101 = vector.shape_cast %parallel_loop3A_1100 : vector<16x1xi32> to vector<16xi32>
        %parallel_loop3A_1102 = tpu.dynamic_gather %parallel_loop3A_1061[%parallel_loop3A_1101] in [0] : vector<16xf32>, vector<16xi32> -> vector<16xf32>
        %parallel_loop3A_1103 = arith.index_cast %parallel_loop3A_1055 : i32 to index
        %parallel_loop3A_1104 = arith.constant 48 : index
        %parallel_loop3A_1105 = tpu.vector_load %arg10[%parallel_loop3A_1103, %parallel_loop3A_1104] {strides = array<i32>} : memref<256x128xf32, #tpu.memory_space<vmem>>, vector<16xf32>,
        %parallel_loop3A_1106 = arith.constant 48 : i32
        %parallel_loop3A_1107 = vector.broadcast %parallel_loop3A_1106 : i32 to vector<16xi32>
        %parallel_loop3A_1108 = arith.addi %iota3A, %parallel_loop3A_1107 : vector<16xi32>
        %parallel_loop3A_1109 = arith.mulf %parallel_loop3A_1105, %parallel_loop3A_1102 : vector<16xf32>
        tpu.vector_store_idx %arg16[%parallel_loop3A_1057, %parallel_loop3A_1108], %parallel_loop3A_1109 {add = true} : memref<321x128xf32, #tpu.memory_space<vmem>>[vector<16xi32>, vector<16xi32>], vector<16xf32>,
        %parallel_loop3A_1110 = arith.constant 4 : i32
        %parallel_loop3A_1111 = vector.broadcast %parallel_loop3A_1110 : i32 to vector<16xi32>
        %parallel_loop3A_1112 = vector.shape_cast %parallel_loop3A_1111 : vector<16xi32> to vector<16x1xi32>
        %parallel_loop3A_1113 = vector.shape_cast %parallel_loop3A_1112 : vector<16x1xi32> to vector<16xi32>
        %parallel_loop3A_1114 = tpu.dynamic_gather %parallel_loop3A_1061[%parallel_loop3A_1113] in [0] : vector<16xf32>, vector<16xi32> -> vector<16xf32>
        %parallel_loop3A_1115 = arith.index_cast %parallel_loop3A_1055 : i32 to index
        %parallel_loop3A_1116 = arith.constant 64 : index
        %parallel_loop3A_1117 = tpu.vector_load %arg10[%parallel_loop3A_1115, %parallel_loop3A_1116] {strides = array<i32>} : memref<256x128xf32, #tpu.memory_space<vmem>>, vector<16xf32>,
        %parallel_loop3A_1118 = arith.constant 64 : i32
        %parallel_loop3A_1119 = vector.broadcast %parallel_loop3A_1118 : i32 to vector<16xi32>
        %parallel_loop3A_1120 = arith.addi %iota3A, %parallel_loop3A_1119 : vector<16xi32>
        %parallel_loop3A_1121 = arith.mulf %parallel_loop3A_1117, %parallel_loop3A_1114 : vector<16xf32>
        tpu.vector_store_idx %arg16[%parallel_loop3A_1057, %parallel_loop3A_1120], %parallel_loop3A_1121 {add = true} : memref<321x128xf32, #tpu.memory_space<vmem>>[vector<16xi32>, vector<16xi32>], vector<16xf32>,
        %parallel_loop3A_1122 = arith.constant 5 : i32
        %parallel_loop3A_1123 = vector.broadcast %parallel_loop3A_1122 : i32 to vector<16xi32>
        %parallel_loop3A_1124 = vector.shape_cast %parallel_loop3A_1123 : vector<16xi32> to vector<16x1xi32>
        %parallel_loop3A_1125 = vector.shape_cast %parallel_loop3A_1124 : vector<16x1xi32> to vector<16xi32>
        %parallel_loop3A_1126 = tpu.dynamic_gather %parallel_loop3A_1061[%parallel_loop3A_1125] in [0] : vector<16xf32>, vector<16xi32> -> vector<16xf32>
        %parallel_loop3A_1127 = arith.index_cast %parallel_loop3A_1055 : i32 to index
        %parallel_loop3A_1128 = arith.constant 80 : index
        %parallel_loop3A_1129 = tpu.vector_load %arg10[%parallel_loop3A_1127, %parallel_loop3A_1128] {strides = array<i32>} : memref<256x128xf32, #tpu.memory_space<vmem>>, vector<16xf32>,
        %parallel_loop3A_1130 = arith.constant 80 : i32
        %parallel_loop3A_1131 = vector.broadcast %parallel_loop3A_1130 : i32 to vector<16xi32>
        %parallel_loop3A_1132 = arith.addi %iota3A, %parallel_loop3A_1131 : vector<16xi32>
        %parallel_loop3A_1133 = arith.mulf %parallel_loop3A_1129, %parallel_loop3A_1126 : vector<16xf32>
        tpu.vector_store_idx %arg16[%parallel_loop3A_1057, %parallel_loop3A_1132], %parallel_loop3A_1133 {add = true} : memref<321x128xf32, #tpu.memory_space<vmem>>[vector<16xi32>, vector<16xi32>], vector<16xf32>,
        %parallel_loop3A_1134 = arith.constant 6 : i32
        %parallel_loop3A_1135 = vector.broadcast %parallel_loop3A_1134 : i32 to vector<16xi32>
        %parallel_loop3A_1136 = vector.shape_cast %parallel_loop3A_1135 : vector<16xi32> to vector<16x1xi32>
        %parallel_loop3A_1137 = vector.shape_cast %parallel_loop3A_1136 : vector<16x1xi32> to vector<16xi32>
        %parallel_loop3A_1138 = tpu.dynamic_gather %parallel_loop3A_1061[%parallel_loop3A_1137] in [0] : vector<16xf32>, vector<16xi32> -> vector<16xf32>
        %parallel_loop3A_1139 = arith.index_cast %parallel_loop3A_1055 : i32 to index
        %parallel_loop3A_1140 = arith.constant 96 : index
        %parallel_loop3A_1141 = tpu.vector_load %arg10[%parallel_loop3A_1139, %parallel_loop3A_1140] {strides = array<i32>} : memref<256x128xf32, #tpu.memory_space<vmem>>, vector<16xf32>,
        %parallel_loop3A_1142 = arith.constant 96 : i32
        %parallel_loop3A_1143 = vector.broadcast %parallel_loop3A_1142 : i32 to vector<16xi32>
        %parallel_loop3A_1144 = arith.addi %iota3A, %parallel_loop3A_1143 : vector<16xi32>
        %parallel_loop3A_1145 = arith.mulf %parallel_loop3A_1141, %parallel_loop3A_1138 : vector<16xf32>
        tpu.vector_store_idx %arg16[%parallel_loop3A_1057, %parallel_loop3A_1144], %parallel_loop3A_1145 {add = true} : memref<321x128xf32, #tpu.memory_space<vmem>>[vector<16xi32>, vector<16xi32>], vector<16xf32>,
        %parallel_loop3A_1146 = arith.constant 7 : i32
        %parallel_loop3A_1147 = vector.broadcast %parallel_loop3A_1146 : i32 to vector<16xi32>
        %parallel_loop3A_1148 = vector.shape_cast %parallel_loop3A_1147 : vector<16xi32> to vector<16x1xi32>
        %parallel_loop3A_1149 = vector.shape_cast %parallel_loop3A_1148 : vector<16x1xi32> to vector<16xi32>
        %parallel_loop3A_1150 = tpu.dynamic_gather %parallel_loop3A_1061[%parallel_loop3A_1149] in [0] : vector<16xf32>, vector<16xi32> -> vector<16xf32>
        %parallel_loop3A_1151 = arith.index_cast %parallel_loop3A_1055 : i32 to index
        %parallel_loop3A_1152 = arith.constant 112 : index
        %parallel_loop3A_1153 = tpu.vector_load %arg10[%parallel_loop3A_1151, %parallel_loop3A_1152] {strides = array<i32>} : memref<256x128xf32, #tpu.memory_space<vmem>>, vector<16xf32>,
        %parallel_loop3A_1154 = arith.constant 112 : i32
        %parallel_loop3A_1155 = vector.broadcast %parallel_loop3A_1154 : i32 to vector<16xi32>
        %parallel_loop3A_1156 = arith.addi %iota3A, %parallel_loop3A_1155 : vector<16xi32>
        %parallel_loop3A_1157 = arith.mulf %parallel_loop3A_1153, %parallel_loop3A_1150 : vector<16xf32>
        tpu.vector_store_idx %arg16[%parallel_loop3A_1057, %parallel_loop3A_1156], %parallel_loop3A_1157 {add = true} : memref<321x128xf32, #tpu.memory_space<vmem>>[vector<16xi32>, vector<16xi32>], vector<16xf32>,
      } {sc.loop_unroll_factor = 4 : i64, sc.parallel_access}
      %mul3A_581 = arith.constant 2 : i32
      %mul3A_582 = arith.muli %mul3A_581, %while3A_112 : i32
      %add3A_583 = arith.constant 1 : i32
      %add3A_584 = arith.addi %mul3A_582, %add3A_583 : i32
      %dma_wait3A_585 = arith.constant 0 : i32
      %dma_wait3A_586 = tpu.memref_slice %arg3[%dma_wait3A_585] : memref<320000xi32, #tpu.memory_space<hbm>> -> memref<256xi32, #tpu.memory_space<hbm>>
      %dma_wait3A_587 = arith.constant 0 : i32
      %dma_wait3A_588 = tpu.memref_slice %arg3[%dma_wait3A_587] : memref<320000xi32, #tpu.memory_space<hbm>> -> memref<256xi32, #tpu.memory_space<hbm>>
      tpu.wait_dma2 semaphore(%arg17 : memref<!tpu.dma_semaphore, #tpu.memory_space<semaphore_mem>>) src(%dma_wait3A_588 : memref<256xi32, #tpu.memory_space<hbm>>) dst(%arg8 : memref<256xi32, #tpu.memory_space<vmem>>)
      %add3A_589 = arith.constant 1 : i32
      %add3A_590 = arith.addi %add3A_584, %add3A_589 : i32
      %dma_start3A_591 = arith.constant 0 : i32
      %dma_start3A_592 = arith.constant 0 : i32
      %dma_start3A_593 = tpu.memref_slice %arg5[%dma_start3A_591, %dma_start3A_592] : memref<10000x128xf32, #tpu.memory_space<hbm>> -> memref<10000x128xf32, #tpu.memory_space<hbm>>
      tpu.enqueue_indirect_dma source(%dma_start3A_593 : memref<10000x128xf32, #tpu.memory_space<hbm>>) target(%arg10 : memref<256x128xf32, #tpu.memory_space<vmem>>) offsets(%arg8 : memref<256xi32, #tpu.memory_space<vmem>>) semaphore(%arg19 : memref<!tpu.dma_semaphore, #tpu.memory_space<semaphore_mem>>)
      %mul3A_594 = arith.constant 256 : i32
      %mul3A_595 = arith.muli %mul3A_594, %add3A_590 : i32
      %add3A_596 = arith.addi %sub3A, %mul3A_595 : i32
      %multiple_of3A_597 = tpu.assume_multiple %add3A_596, 256 : i32
      %min3A_598 = arith.constant 319744 : i32
      %min3A_599 = arith.minsi %multiple_of3A_597, %min3A_598 : i32
      %multiple_of3A_600 = tpu.assume_multiple %min3A_599, 256 : i32
      %mul3A_601 = arith.constant 8 : i32
      %mul3A_602 = arith.muli %mul3A_601, %multiple_of3A_600 : i32
      %multiple_of3A_603 = tpu.assume_multiple %mul3A_602, 2048 : i32
      %dma_start3A_604 = arith.constant 0 : i32
      %dma_start3A_605 = tpu.memref_slice %arg12[%dma_start3A_604] : memref<2064xf32, #tpu.memory_space<vmem>> -> memref<2048xf32, #tpu.memory_space<vmem>>
      %dma_start3A_606 = tpu.memref_slice %arg4[%multiple_of3A_603] : memref<2560000xf32, #tpu.memory_space<hbm>> -> memref<2048xf32, #tpu.memory_space<hbm>>
      %dma_start3A_607 = arith.constant 0 : i32
      %dma_start3A_608 = tpu.memref_slice %arg12[%dma_start3A_607] : memref<2064xf32, #tpu.memory_space<vmem>> -> memref<2048xf32, #tpu.memory_space<vmem>>
      %dma_start3A_609 = tpu.memref_slice %arg4[%multiple_of3A_603] : memref<2560000xf32, #tpu.memory_space<hbm>> -> memref<2048xf32, #tpu.memory_space<hbm>>
      tpu.enqueue_dma source(%dma_start3A_609 : memref<2048xf32, #tpu.memory_space<hbm>>) target(%dma_start3A_608 : memref<2048xf32, #tpu.memory_space<vmem>>) target_semaphore(%arg23 : memref<!tpu.dma_semaphore, #tpu.memory_space<semaphore_mem>>)
      %mul3A_610 = arith.constant 256 : i32
      %mul3A_611 = arith.muli %mul3A_610, %add3A_584 : i32
      %add3A_612 = arith.addi %sub3A, %mul3A_611 : i32
      %multiple_of3A_613 = tpu.assume_multiple %add3A_612, 256 : i32
      %swap3A_614 = arith.constant 0 : index
      %swap3A_615 = tpu.vector_load %arg14[%swap3A_614] {strides = array<i32>} : memref<256xi32, #tpu.memory_space<vmem>>, vector<16xi32>,
      tpu.vector_store %arg14[%swap3A_614], %broadcast_in_dim3A_2 {strides = array<i32>} : memref<256xi32, #tpu.memory_space<vmem>>, vector<16xi32>,
      %swap3A_616 = arith.constant 16 : index
      %swap3A_617 = tpu.vector_load %arg14[%swap3A_616] {strides = array<i32>} : memref<256xi32, #tpu.memory_space<vmem>>, vector<16xi32>,
      tpu.vector_store %arg14[%swap3A_616], %broadcast_in_dim3A_2 {strides = array<i32>} : memref<256xi32, #tpu.memory_space<vmem>>, vector<16xi32>,
      %swap3A_618 = arith.constant 32 : index
      %swap3A_619 = tpu.vector_load %arg14[%swap3A_618] {strides = array<i32>} : memref<256xi32, #tpu.memory_space<vmem>>, vector<16xi32>,
      tpu.vector_store %arg14[%swap3A_618], %broadcast_in_dim3A_2 {strides = array<i32>} : memref<256xi32, #tpu.memory_space<vmem>>, vector<16xi32>,
      %swap3A_620 = arith.constant 48 : index
      %swap3A_621 = tpu.vector_load %arg14[%swap3A_620] {strides = array<i32>} : memref<256xi32, #tpu.memory_space<vmem>>, vector<16xi32>,
      tpu.vector_store %arg14[%swap3A_620], %broadcast_in_dim3A_2 {strides = array<i32>} : memref<256xi32, #tpu.memory_space<vmem>>, vector<16xi32>,
      %swap3A_622 = arith.constant 64 : index
      %swap3A_623 = tpu.vector_load %arg14[%swap3A_622] {strides = array<i32>} : memref<256xi32, #tpu.memory_space<vmem>>, vector<16xi32>,
      tpu.vector_store %arg14[%swap3A_622], %broadcast_in_dim3A_2 {strides = array<i32>} : memref<256xi32, #tpu.memory_space<vmem>>, vector<16xi32>,
      %swap3A_624 = arith.constant 80 : index
      %swap3A_625 = tpu.vector_load %arg14[%swap3A_624] {strides = array<i32>} : memref<256xi32, #tpu.memory_space<vmem>>, vector<16xi32>,
      tpu.vector_store %arg14[%swap3A_624], %broadcast_in_dim3A_2 {strides = array<i32>} : memref<256xi32, #tpu.memory_space<vmem>>, vector<16xi32>,
      %swap3A_626 = arith.constant 96 : index
      %swap3A_627 = tpu.vector_load %arg14[%swap3A_626] {strides = array<i32>} : memref<256xi32, #tpu.memory_space<vmem>>, vector<16xi32>,
      tpu.vector_store %arg14[%swap3A_626], %broadcast_in_dim3A_2 {strides = array<i32>} : memref<256xi32, #tpu.memory_space<vmem>>, vector<16xi32>,
      %swap3A_628 = arith.constant 112 : index
      %swap3A_629 = tpu.vector_load %arg14[%swap3A_628] {strides = array<i32>} : memref<256xi32, #tpu.memory_space<vmem>>, vector<16xi32>,
      tpu.vector_store %arg14[%swap3A_628], %broadcast_in_dim3A_2 {strides = array<i32>} : memref<256xi32, #tpu.memory_space<vmem>>, vector<16xi32>,
      %swap3A_630 = arith.constant 128 : index
      %swap3A_631 = tpu.vector_load %arg14[%swap3A_630] {strides = array<i32>} : memref<256xi32, #tpu.memory_space<vmem>>, vector<16xi32>,
      tpu.vector_store %arg14[%swap3A_630], %broadcast_in_dim3A_2 {strides = array<i32>} : memref<256xi32, #tpu.memory_space<vmem>>, vector<16xi32>,
      %swap3A_632 = arith.constant 144 : index
      %swap3A_633 = tpu.vector_load %arg14[%swap3A_632] {strides = array<i32>} : memref<256xi32, #tpu.memory_space<vmem>>, vector<16xi32>,
      tpu.vector_store %arg14[%swap3A_632], %broadcast_in_dim3A_2 {strides = array<i32>} : memref<256xi32, #tpu.memory_space<vmem>>, vector<16xi32>,
      %swap3A_634 = arith.constant 160 : index
      %swap3A_635 = tpu.vector_load %arg14[%swap3A_634] {strides = array<i32>} : memref<256xi32, #tpu.memory_space<vmem>>, vector<16xi32>,
      tpu.vector_store %arg14[%swap3A_634], %broadcast_in_dim3A_2 {strides = array<i32>} : memref<256xi32, #tpu.memory_space<vmem>>, vector<16xi32>,
      %swap3A_636 = arith.constant 176 : index
      %swap3A_637 = tpu.vector_load %arg14[%swap3A_636] {strides = array<i32>} : memref<256xi32, #tpu.memory_space<vmem>>, vector<16xi32>,
      tpu.vector_store %arg14[%swap3A_636], %broadcast_in_dim3A_2 {strides = array<i32>} : memref<256xi32, #tpu.memory_space<vmem>>, vector<16xi32>,
      %swap3A_638 = arith.constant 192 : index
      %swap3A_639 = tpu.vector_load %arg14[%swap3A_638] {strides = array<i32>} : memref<256xi32, #tpu.memory_space<vmem>>, vector<16xi32>,
      tpu.vector_store %arg14[%swap3A_638], %broadcast_in_dim3A_2 {strides = array<i32>} : memref<256xi32, #tpu.memory_space<vmem>>, vector<16xi32>,
      %swap3A_640 = arith.constant 208 : index
      %swap3A_641 = tpu.vector_load %arg14[%swap3A_640] {strides = array<i32>} : memref<256xi32, #tpu.memory_space<vmem>>, vector<16xi32>,
      tpu.vector_store %arg14[%swap3A_640], %broadcast_in_dim3A_2 {strides = array<i32>} : memref<256xi32, #tpu.memory_space<vmem>>, vector<16xi32>,
      %swap3A_642 = arith.constant 224 : index
      %swap3A_643 = tpu.vector_load %arg14[%swap3A_642] {strides = array<i32>} : memref<256xi32, #tpu.memory_space<vmem>>, vector<16xi32>,
      tpu.vector_store %arg14[%swap3A_642], %broadcast_in_dim3A_2 {strides = array<i32>} : memref<256xi32, #tpu.memory_space<vmem>>, vector<16xi32>,
      %swap3A_644 = arith.constant 240 : index
      %swap3A_645 = tpu.vector_load %arg14[%swap3A_644] {strides = array<i32>} : memref<256xi32, #tpu.memory_space<vmem>>, vector<16xi32>,
      tpu.vector_store %arg14[%swap3A_644], %broadcast_in_dim3A_2 {strides = array<i32>} : memref<256xi32, #tpu.memory_space<vmem>>, vector<16xi32>,
      %get3A_646 = arith.constant 0 : index
      %get3A_647 = tpu.vector_load %arg7[%get3A_646] {strides = array<i32>} : memref<336xi32, #tpu.memory_space<vmem>>, vector<16xi32>,
      %sub3A_648 = vector.broadcast %multiple_of3A_613 : i32 to vector<16xi32>
      %sub3A_649 = arith.subi %get3A_647, %sub3A_648 : vector<16xi32>
      %add3A_650 = arith.constant 0 : i32
      %add3A_651 = vector.broadcast %add3A_650 : i32 to vector<16xi32>
      %add3A_652 = arith.addi %add3A_651, %iota3A : vector<16xi32>
      %ge3A_653 = arith.constant 0 : i32
      %ge3A_654 = vector.broadcast %ge3A_653 : i32 to vector<16xi32>
      %ge3A_655 = arith.cmpi sge, %sub3A_649, %ge3A_654 : vector<16xi32>
      %lt3A_656 = arith.constant 256 : i32
      %lt3A_657 = vector.broadcast %lt3A_656 : i32 to vector<16xi32>
      %lt3A_658 = arith.cmpi slt, %sub3A_649, %lt3A_657 : vector<16xi32>
      %and3A_659 = arith.andi %ge3A_655, %lt3A_658 : vector<16xi1>
      %le3A_660 = arith.constant 320 : i32
      %le3A_661 = vector.broadcast %le3A_660 : i32 to vector<16xi32>
      %le3A_662 = arith.cmpi sle, %add3A_652, %le3A_661 : vector<16xi32>
      %and3A_663 = arith.andi %and3A_659, %le3A_662 : vector<16xi1>
      tpu.vector_store_idx %arg14[%sub3A_649], %broadcast_in_dim3A_4 masked %and3A_663 {add = true} : memref<256xi32, #tpu.memory_space<vmem>>[vector<16xi32>], vector<16xi32>, vector<16xi1>
      %get3A_664 = arith.constant 16 : index
      %get3A_665 = tpu.vector_load %arg7[%get3A_664] {strides = array<i32>} : memref<336xi32, #tpu.memory_space<vmem>>, vector<16xi32>,
      %sub3A_666 = vector.broadcast %multiple_of3A_613 : i32 to vector<16xi32>
      %sub3A_667 = arith.subi %get3A_665, %sub3A_666 : vector<16xi32>
      %add3A_668 = arith.constant 16 : i32
      %add3A_669 = vector.broadcast %add3A_668 : i32 to vector<16xi32>
      %add3A_670 = arith.addi %add3A_669, %iota3A : vector<16xi32>
      %ge3A_671 = arith.constant 0 : i32
      %ge3A_672 = vector.broadcast %ge3A_671 : i32 to vector<16xi32>
      %ge3A_673 = arith.cmpi sge, %sub3A_667, %ge3A_672 : vector<16xi32>
      %lt3A_674 = arith.constant 256 : i32
      %lt3A_675 = vector.broadcast %lt3A_674 : i32 to vector<16xi32>
      %lt3A_676 = arith.cmpi slt, %sub3A_667, %lt3A_675 : vector<16xi32>
      %and3A_677 = arith.andi %ge3A_673, %lt3A_676 : vector<16xi1>
      %le3A_678 = arith.constant 320 : i32
      %le3A_679 = vector.broadcast %le3A_678 : i32 to vector<16xi32>
      %le3A_680 = arith.cmpi sle, %add3A_670, %le3A_679 : vector<16xi32>
      %and3A_681 = arith.andi %and3A_677, %le3A_680 : vector<16xi1>
      tpu.vector_store_idx %arg14[%sub3A_667], %broadcast_in_dim3A_4 masked %and3A_681 {add = true} : memref<256xi32, #tpu.memory_space<vmem>>[vector<16xi32>], vector<16xi32>, vector<16xi1>
      %get3A_682 = arith.constant 32 : index
      %get3A_683 = tpu.vector_load %arg7[%get3A_682] {strides = array<i32>} : memref<336xi32, #tpu.memory_space<vmem>>, vector<16xi32>,
      %sub3A_684 = vector.broadcast %multiple_of3A_613 : i32 to vector<16xi32>
      %sub3A_685 = arith.subi %get3A_683, %sub3A_684 : vector<16xi32>
      %add3A_686 = arith.constant 32 : i32
      %add3A_687 = vector.broadcast %add3A_686 : i32 to vector<16xi32>
      %add3A_688 = arith.addi %add3A_687, %iota3A : vector<16xi32>
      %ge3A_689 = arith.constant 0 : i32
      %ge3A_690 = vector.broadcast %ge3A_689 : i32 to vector<16xi32>
      %ge3A_691 = arith.cmpi sge, %sub3A_685, %ge3A_690 : vector<16xi32>
      %lt3A_692 = arith.constant 256 : i32
      %lt3A_693 = vector.broadcast %lt3A_692 : i32 to vector<16xi32>
      %lt3A_694 = arith.cmpi slt, %sub3A_685, %lt3A_693 : vector<16xi32>
      %and3A_695 = arith.andi %ge3A_691, %lt3A_694 : vector<16xi1>
      %le3A_696 = arith.constant 320 : i32
      %le3A_697 = vector.broadcast %le3A_696 : i32 to vector<16xi32>
      %le3A_698 = arith.cmpi sle, %add3A_688, %le3A_697 : vector<16xi32>
      %and3A_699 = arith.andi %and3A_695, %le3A_698 : vector<16xi1>
      tpu.vector_store_idx %arg14[%sub3A_685], %broadcast_in_dim3A_4 masked %and3A_699 {add = true} : memref<256xi32, #tpu.memory_space<vmem>>[vector<16xi32>], vector<16xi32>, vector<16xi1>
      %get3A_700 = arith.constant 48 : index
      %get3A_701 = tpu.vector_load %arg7[%get3A_700] {strides = array<i32>} : memref<336xi32, #tpu.memory_space<vmem>>, vector<16xi32>,
      %sub3A_702 = vector.broadcast %multiple_of3A_613 : i32 to vector<16xi32>
      %sub3A_703 = arith.subi %get3A_701, %sub3A_702 : vector<16xi32>
      %add3A_704 = arith.constant 48 : i32
      %add3A_705 = vector.broadcast %add3A_704 : i32 to vector<16xi32>
      %add3A_706 = arith.addi %add3A_705, %iota3A : vector<16xi32>
      %ge3A_707 = arith.constant 0 : i32
      %ge3A_708 = vector.broadcast %ge3A_707 : i32 to vector<16xi32>
      %ge3A_709 = arith.cmpi sge, %sub3A_703, %ge3A_708 : vector<16xi32>
      %lt3A_710 = arith.constant 256 : i32
      %lt3A_711 = vector.broadcast %lt3A_710 : i32 to vector<16xi32>
      %lt3A_712 = arith.cmpi slt, %sub3A_703, %lt3A_711 : vector<16xi32>
      %and3A_713 = arith.andi %ge3A_709, %lt3A_712 : vector<16xi1>
      %le3A_714 = arith.constant 320 : i32
      %le3A_715 = vector.broadcast %le3A_714 : i32 to vector<16xi32>
      %le3A_716 = arith.cmpi sle, %add3A_706, %le3A_715 : vector<16xi32>
      %and3A_717 = arith.andi %and3A_713, %le3A_716 : vector<16xi1>
      tpu.vector_store_idx %arg14[%sub3A_703], %broadcast_in_dim3A_4 masked %and3A_717 {add = true} : memref<256xi32, #tpu.memory_space<vmem>>[vector<16xi32>], vector<16xi32>, vector<16xi1>
      %get3A_718 = arith.constant 64 : index
      %get3A_719 = tpu.vector_load %arg7[%get3A_718] {strides = array<i32>} : memref<336xi32, #tpu.memory_space<vmem>>, vector<16xi32>,
      %sub3A_720 = vector.broadcast %multiple_of3A_613 : i32 to vector<16xi32>
      %sub3A_721 = arith.subi %get3A_719, %sub3A_720 : vector<16xi32>
      %add3A_722 = arith.constant 64 : i32
      %add3A_723 = vector.broadcast %add3A_722 : i32 to vector<16xi32>
      %add3A_724 = arith.addi %add3A_723, %iota3A : vector<16xi32>
      %ge3A_725 = arith.constant 0 : i32
      %ge3A_726 = vector.broadcast %ge3A_725 : i32 to vector<16xi32>
      %ge3A_727 = arith.cmpi sge, %sub3A_721, %ge3A_726 : vector<16xi32>
      %lt3A_728 = arith.constant 256 : i32
      %lt3A_729 = vector.broadcast %lt3A_728 : i32 to vector<16xi32>
      %lt3A_730 = arith.cmpi slt, %sub3A_721, %lt3A_729 : vector<16xi32>
      %and3A_731 = arith.andi %ge3A_727, %lt3A_730 : vector<16xi1>
      %le3A_732 = arith.constant 320 : i32
      %le3A_733 = vector.broadcast %le3A_732 : i32 to vector<16xi32>
      %le3A_734 = arith.cmpi sle, %add3A_724, %le3A_733 : vector<16xi32>
      %and3A_735 = arith.andi %and3A_731, %le3A_734 : vector<16xi1>
      tpu.vector_store_idx %arg14[%sub3A_721], %broadcast_in_dim3A_4 masked %and3A_735 {add = true} : memref<256xi32, #tpu.memory_space<vmem>>[vector<16xi32>], vector<16xi32>, vector<16xi1>
      %get3A_736 = arith.constant 80 : index
      %get3A_737 = tpu.vector_load %arg7[%get3A_736] {strides = array<i32>} : memref<336xi32, #tpu.memory_space<vmem>>, vector<16xi32>,
      %sub3A_738 = vector.broadcast %multiple_of3A_613 : i32 to vector<16xi32>
      %sub3A_739 = arith.subi %get3A_737, %sub3A_738 : vector<16xi32>
      %add3A_740 = arith.constant 80 : i32
      %add3A_741 = vector.broadcast %add3A_740 : i32 to vector<16xi32>
      %add3A_742 = arith.addi %add3A_741, %iota3A : vector<16xi32>
      %ge3A_743 = arith.constant 0 : i32
      %ge3A_744 = vector.broadcast %ge3A_743 : i32 to vector<16xi32>
      %ge3A_745 = arith.cmpi sge, %sub3A_739, %ge3A_744 : vector<16xi32>
      %lt3A_746 = arith.constant 256 : i32
      %lt3A_747 = vector.broadcast %lt3A_746 : i32 to vector<16xi32>
      %lt3A_748 = arith.cmpi slt, %sub3A_739, %lt3A_747 : vector<16xi32>
      %and3A_749 = arith.andi %ge3A_745, %lt3A_748 : vector<16xi1>
      %le3A_750 = arith.constant 320 : i32
      %le3A_751 = vector.broadcast %le3A_750 : i32 to vector<16xi32>
      %le3A_752 = arith.cmpi sle, %add3A_742, %le3A_751 : vector<16xi32>
      %and3A_753 = arith.andi %and3A_749, %le3A_752 : vector<16xi1>
      tpu.vector_store_idx %arg14[%sub3A_739], %broadcast_in_dim3A_4 masked %and3A_753 {add = true} : memref<256xi32, #tpu.memory_space<vmem>>[vector<16xi32>], vector<16xi32>, vector<16xi1>
      %get3A_754 = arith.constant 96 : index
      %get3A_755 = tpu.vector_load %arg7[%get3A_754] {strides = array<i32>} : memref<336xi32, #tpu.memory_space<vmem>>, vector<16xi32>,
      %sub3A_756 = vector.broadcast %multiple_of3A_613 : i32 to vector<16xi32>
      %sub3A_757 = arith.subi %get3A_755, %sub3A_756 : vector<16xi32>
      %add3A_758 = arith.constant 96 : i32
      %add3A_759 = vector.broadcast %add3A_758 : i32 to vector<16xi32>
      %add3A_760 = arith.addi %add3A_759, %iota3A : vector<16xi32>
      %ge3A_761 = arith.constant 0 : i32
      %ge3A_762 = vector.broadcast %ge3A_761 : i32 to vector<16xi32>
      %ge3A_763 = arith.cmpi sge, %sub3A_757, %ge3A_762 : vector<16xi32>
      %lt3A_764 = arith.constant 256 : i32
      %lt3A_765 = vector.broadcast %lt3A_764 : i32 to vector<16xi32>
      %lt3A_766 = arith.cmpi slt, %sub3A_757, %lt3A_765 : vector<16xi32>
      %and3A_767 = arith.andi %ge3A_763, %lt3A_766 : vector<16xi1>
      %le3A_768 = arith.constant 320 : i32
      %le3A_769 = vector.broadcast %le3A_768 : i32 to vector<16xi32>
      %le3A_770 = arith.cmpi sle, %add3A_760, %le3A_769 : vector<16xi32>
      %and3A_771 = arith.andi %and3A_767, %le3A_770 : vector<16xi1>
      tpu.vector_store_idx %arg14[%sub3A_757], %broadcast_in_dim3A_4 masked %and3A_771 {add = true} : memref<256xi32, #tpu.memory_space<vmem>>[vector<16xi32>], vector<16xi32>, vector<16xi1>
      %get3A_772 = arith.constant 112 : index
      %get3A_773 = tpu.vector_load %arg7[%get3A_772] {strides = array<i32>} : memref<336xi32, #tpu.memory_space<vmem>>, vector<16xi32>,
      %sub3A_774 = vector.broadcast %multiple_of3A_613 : i32 to vector<16xi32>
      %sub3A_775 = arith.subi %get3A_773, %sub3A_774 : vector<16xi32>
      %add3A_776 = arith.constant 112 : i32
      %add3A_777 = vector.broadcast %add3A_776 : i32 to vector<16xi32>
      %add3A_778 = arith.addi %add3A_777, %iota3A : vector<16xi32>
      %ge3A_779 = arith.constant 0 : i32
      %ge3A_780 = vector.broadcast %ge3A_779 : i32 to vector<16xi32>
      %ge3A_781 = arith.cmpi sge, %sub3A_775, %ge3A_780 : vector<16xi32>
      %lt3A_782 = arith.constant 256 : i32
      %lt3A_783 = vector.broadcast %lt3A_782 : i32 to vector<16xi32>
      %lt3A_784 = arith.cmpi slt, %sub3A_775, %lt3A_783 : vector<16xi32>
      %and3A_785 = arith.andi %ge3A_781, %lt3A_784 : vector<16xi1>
      %le3A_786 = arith.constant 320 : i32
      %le3A_787 = vector.broadcast %le3A_786 : i32 to vector<16xi32>
      %le3A_788 = arith.cmpi sle, %add3A_778, %le3A_787 : vector<16xi32>
      %and3A_789 = arith.andi %and3A_785, %le3A_788 : vector<16xi1>
      tpu.vector_store_idx %arg14[%sub3A_775], %broadcast_in_dim3A_4 masked %and3A_789 {add = true} : memref<256xi32, #tpu.memory_space<vmem>>[vector<16xi32>], vector<16xi32>, vector<16xi1>
      %get3A_790 = arith.constant 128 : index
      %get3A_791 = tpu.vector_load %arg7[%get3A_790] {strides = array<i32>} : memref<336xi32, #tpu.memory_space<vmem>>, vector<16xi32>,
      %sub3A_792 = vector.broadcast %multiple_of3A_613 : i32 to vector<16xi32>
      %sub3A_793 = arith.subi %get3A_791, %sub3A_792 : vector<16xi32>
      %add3A_794 = arith.constant 128 : i32
      %add3A_795 = vector.broadcast %add3A_794 : i32 to vector<16xi32>
      %add3A_796 = arith.addi %add3A_795, %iota3A : vector<16xi32>
      %ge3A_797 = arith.constant 0 : i32
      %ge3A_798 = vector.broadcast %ge3A_797 : i32 to vector<16xi32>
      %ge3A_799 = arith.cmpi sge, %sub3A_793, %ge3A_798 : vector<16xi32>
      %lt3A_800 = arith.constant 256 : i32
      %lt3A_801 = vector.broadcast %lt3A_800 : i32 to vector<16xi32>
      %lt3A_802 = arith.cmpi slt, %sub3A_793, %lt3A_801 : vector<16xi32>
      %and3A_803 = arith.andi %ge3A_799, %lt3A_802 : vector<16xi1>
      %le3A_804 = arith.constant 320 : i32
      %le3A_805 = vector.broadcast %le3A_804 : i32 to vector<16xi32>
      %le3A_806 = arith.cmpi sle, %add3A_796, %le3A_805 : vector<16xi32>
      %and3A_807 = arith.andi %and3A_803, %le3A_806 : vector<16xi1>
      tpu.vector_store_idx %arg14[%sub3A_793], %broadcast_in_dim3A_4 masked %and3A_807 {add = true} : memref<256xi32, #tpu.memory_space<vmem>>[vector<16xi32>], vector<16xi32>, vector<16xi1>
      %get3A_808 = arith.constant 144 : index
      %get3A_809 = tpu.vector_load %arg7[%get3A_808] {strides = array<i32>} : memref<336xi32, #tpu.memory_space<vmem>>, vector<16xi32>,
      %sub3A_810 = vector.broadcast %multiple_of3A_613 : i32 to vector<16xi32>
      %sub3A_811 = arith.subi %get3A_809, %sub3A_810 : vector<16xi32>
      %add3A_812 = arith.constant 144 : i32
      %add3A_813 = vector.broadcast %add3A_812 : i32 to vector<16xi32>
      %add3A_814 = arith.addi %add3A_813, %iota3A : vector<16xi32>
      %ge3A_815 = arith.constant 0 : i32
      %ge3A_816 = vector.broadcast %ge3A_815 : i32 to vector<16xi32>
      %ge3A_817 = arith.cmpi sge, %sub3A_811, %ge3A_816 : vector<16xi32>
      %lt3A_818 = arith.constant 256 : i32
      %lt3A_819 = vector.broadcast %lt3A_818 : i32 to vector<16xi32>
      %lt3A_820 = arith.cmpi slt, %sub3A_811, %lt3A_819 : vector<16xi32>
      %and3A_821 = arith.andi %ge3A_817, %lt3A_820 : vector<16xi1>
      %le3A_822 = arith.constant 320 : i32
      %le3A_823 = vector.broadcast %le3A_822 : i32 to vector<16xi32>
      %le3A_824 = arith.cmpi sle, %add3A_814, %le3A_823 : vector<16xi32>
      %and3A_825 = arith.andi %and3A_821, %le3A_824 : vector<16xi1>
      tpu.vector_store_idx %arg14[%sub3A_811], %broadcast_in_dim3A_4 masked %and3A_825 {add = true} : memref<256xi32, #tpu.memory_space<vmem>>[vector<16xi32>], vector<16xi32>, vector<16xi1>
      %get3A_826 = arith.constant 160 : index
      %get3A_827 = tpu.vector_load %arg7[%get3A_826] {strides = array<i32>} : memref<336xi32, #tpu.memory_space<vmem>>, vector<16xi32>,
      %sub3A_828 = vector.broadcast %multiple_of3A_613 : i32 to vector<16xi32>
      %sub3A_829 = arith.subi %get3A_827, %sub3A_828 : vector<16xi32>
      %add3A_830 = arith.constant 160 : i32
      %add3A_831 = vector.broadcast %add3A_830 : i32 to vector<16xi32>
      %add3A_832 = arith.addi %add3A_831, %iota3A : vector<16xi32>
      %ge3A_833 = arith.constant 0 : i32
      %ge3A_834 = vector.broadcast %ge3A_833 : i32 to vector<16xi32>
      %ge3A_835 = arith.cmpi sge, %sub3A_829, %ge3A_834 : vector<16xi32>
      %lt3A_836 = arith.constant 256 : i32
      %lt3A_837 = vector.broadcast %lt3A_836 : i32 to vector<16xi32>
      %lt3A_838 = arith.cmpi slt, %sub3A_829, %lt3A_837 : vector<16xi32>
      %and3A_839 = arith.andi %ge3A_835, %lt3A_838 : vector<16xi1>
      %le3A_840 = arith.constant 320 : i32
      %le3A_841 = vector.broadcast %le3A_840 : i32 to vector<16xi32>
      %le3A_842 = arith.cmpi sle, %add3A_832, %le3A_841 : vector<16xi32>
      %and3A_843 = arith.andi %and3A_839, %le3A_842 : vector<16xi1>
      tpu.vector_store_idx %arg14[%sub3A_829], %broadcast_in_dim3A_4 masked %and3A_843 {add = true} : memref<256xi32, #tpu.memory_space<vmem>>[vector<16xi32>], vector<16xi32>, vector<16xi1>
      %get3A_844 = arith.constant 176 : index
      %get3A_845 = tpu.vector_load %arg7[%get3A_844] {strides = array<i32>} : memref<336xi32, #tpu.memory_space<vmem>>, vector<16xi32>,
      %sub3A_846 = vector.broadcast %multiple_of3A_613 : i32 to vector<16xi32>
      %sub3A_847 = arith.subi %get3A_845, %sub3A_846 : vector<16xi32>
      %add3A_848 = arith.constant 176 : i32
      %add3A_849 = vector.broadcast %add3A_848 : i32 to vector<16xi32>
      %add3A_850 = arith.addi %add3A_849, %iota3A : vector<16xi32>
      %ge3A_851 = arith.constant 0 : i32
      %ge3A_852 = vector.broadcast %ge3A_851 : i32 to vector<16xi32>
      %ge3A_853 = arith.cmpi sge, %sub3A_847, %ge3A_852 : vector<16xi32>
      %lt3A_854 = arith.constant 256 : i32
      %lt3A_855 = vector.broadcast %lt3A_854 : i32 to vector<16xi32>
      %lt3A_856 = arith.cmpi slt, %sub3A_847, %lt3A_855 : vector<16xi32>
      %and3A_857 = arith.andi %ge3A_853, %lt3A_856 : vector<16xi1>
      %le3A_858 = arith.constant 320 : i32
      %le3A_859 = vector.broadcast %le3A_858 : i32 to vector<16xi32>
      %le3A_860 = arith.cmpi sle, %add3A_850, %le3A_859 : vector<16xi32>
      %and3A_861 = arith.andi %and3A_857, %le3A_860 : vector<16xi1>
      tpu.vector_store_idx %arg14[%sub3A_847], %broadcast_in_dim3A_4 masked %and3A_861 {add = true} : memref<256xi32, #tpu.memory_space<vmem>>[vector<16xi32>], vector<16xi32>, vector<16xi1>
      %get3A_862 = arith.constant 192 : index
      %get3A_863 = tpu.vector_load %arg7[%get3A_862] {strides = array<i32>} : memref<336xi32, #tpu.memory_space<vmem>>, vector<16xi32>,
      %sub3A_864 = vector.broadcast %multiple_of3A_613 : i32 to vector<16xi32>
      %sub3A_865 = arith.subi %get3A_863, %sub3A_864 : vector<16xi32>
      %add3A_866 = arith.constant 192 : i32
      %add3A_867 = vector.broadcast %add3A_866 : i32 to vector<16xi32>
      %add3A_868 = arith.addi %add3A_867, %iota3A : vector<16xi32>
      %ge3A_869 = arith.constant 0 : i32
      %ge3A_870 = vector.broadcast %ge3A_869 : i32 to vector<16xi32>
      %ge3A_871 = arith.cmpi sge, %sub3A_865, %ge3A_870 : vector<16xi32>
      %lt3A_872 = arith.constant 256 : i32
      %lt3A_873 = vector.broadcast %lt3A_872 : i32 to vector<16xi32>
      %lt3A_874 = arith.cmpi slt, %sub3A_865, %lt3A_873 : vector<16xi32>
      %and3A_875 = arith.andi %ge3A_871, %lt3A_874 : vector<16xi1>
      %le3A_876 = arith.constant 320 : i32
      %le3A_877 = vector.broadcast %le3A_876 : i32 to vector<16xi32>
      %le3A_878 = arith.cmpi sle, %add3A_868, %le3A_877 : vector<16xi32>
      %and3A_879 = arith.andi %and3A_875, %le3A_878 : vector<16xi1>
      tpu.vector_store_idx %arg14[%sub3A_865], %broadcast_in_dim3A_4 masked %and3A_879 {add = true} : memref<256xi32, #tpu.memory_space<vmem>>[vector<16xi32>], vector<16xi32>, vector<16xi1>
      %get3A_880 = arith.constant 208 : index
      %get3A_881 = tpu.vector_load %arg7[%get3A_880] {strides = array<i32>} : memref<336xi32, #tpu.memory_space<vmem>>, vector<16xi32>,
      %sub3A_882 = vector.broadcast %multiple_of3A_613 : i32 to vector<16xi32>
      %sub3A_883 = arith.subi %get3A_881, %sub3A_882 : vector<16xi32>
      %add3A_884 = arith.constant 208 : i32
      %add3A_885 = vector.broadcast %add3A_884 : i32 to vector<16xi32>
      %add3A_886 = arith.addi %add3A_885, %iota3A : vector<16xi32>
      %ge3A_887 = arith.constant 0 : i32
      %ge3A_888 = vector.broadcast %ge3A_887 : i32 to vector<16xi32>
      %ge3A_889 = arith.cmpi sge, %sub3A_883, %ge3A_888 : vector<16xi32>
      %lt3A_890 = arith.constant 256 : i32
      %lt3A_891 = vector.broadcast %lt3A_890 : i32 to vector<16xi32>
      %lt3A_892 = arith.cmpi slt, %sub3A_883, %lt3A_891 : vector<16xi32>
      %and3A_893 = arith.andi %ge3A_889, %lt3A_892 : vector<16xi1>
      %le3A_894 = arith.constant 320 : i32
      %le3A_895 = vector.broadcast %le3A_894 : i32 to vector<16xi32>
      %le3A_896 = arith.cmpi sle, %add3A_886, %le3A_895 : vector<16xi32>
      %and3A_897 = arith.andi %and3A_893, %le3A_896 : vector<16xi1>
      tpu.vector_store_idx %arg14[%sub3A_883], %broadcast_in_dim3A_4 masked %and3A_897 {add = true} : memref<256xi32, #tpu.memory_space<vmem>>[vector<16xi32>], vector<16xi32>, vector<16xi1>
      %get3A_898 = arith.constant 224 : index
      %get3A_899 = tpu.vector_load %arg7[%get3A_898] {strides = array<i32>} : memref<336xi32, #tpu.memory_space<vmem>>, vector<16xi32>,
      %sub3A_900 = vector.broadcast %multiple_of3A_613 : i32 to vector<16xi32>
      %sub3A_901 = arith.subi %get3A_899, %sub3A_900 : vector<16xi32>
      %add3A_902 = arith.constant 224 : i32
      %add3A_903 = vector.broadcast %add3A_902 : i32 to vector<16xi32>
      %add3A_904 = arith.addi %add3A_903, %iota3A : vector<16xi32>
      %ge3A_905 = arith.constant 0 : i32
      %ge3A_906 = vector.broadcast %ge3A_905 : i32 to vector<16xi32>
      %ge3A_907 = arith.cmpi sge, %sub3A_901, %ge3A_906 : vector<16xi32>
      %lt3A_908 = arith.constant 256 : i32
      %lt3A_909 = vector.broadcast %lt3A_908 : i32 to vector<16xi32>
      %lt3A_910 = arith.cmpi slt, %sub3A_901, %lt3A_909 : vector<16xi32>
      %and3A_911 = arith.andi %ge3A_907, %lt3A_910 : vector<16xi1>
      %le3A_912 = arith.constant 320 : i32
      %le3A_913 = vector.broadcast %le3A_912 : i32 to vector<16xi32>
      %le3A_914 = arith.cmpi sle, %add3A_904, %le3A_913 : vector<16xi32>
      %and3A_915 = arith.andi %and3A_911, %le3A_914 : vector<16xi1>
      tpu.vector_store_idx %arg14[%sub3A_901], %broadcast_in_dim3A_4 masked %and3A_915 {add = true} : memref<256xi32, #tpu.memory_space<vmem>>[vector<16xi32>], vector<16xi32>, vector<16xi1>
      %get3A_916 = arith.constant 240 : index
      %get3A_917 = tpu.vector_load %arg7[%get3A_916] {strides = array<i32>} : memref<336xi32, #tpu.memory_space<vmem>>, vector<16xi32>,
      %sub3A_918 = vector.broadcast %multiple_of3A_613 : i32 to vector<16xi32>
      %sub3A_919 = arith.subi %get3A_917, %sub3A_918 : vector<16xi32>
      %add3A_920 = arith.constant 240 : i32
      %add3A_921 = vector.broadcast %add3A_920 : i32 to vector<16xi32>
      %add3A_922 = arith.addi %add3A_921, %iota3A : vector<16xi32>
      %ge3A_923 = arith.constant 0 : i32
      %ge3A_924 = vector.broadcast %ge3A_923 : i32 to vector<16xi32>
      %ge3A_925 = arith.cmpi sge, %sub3A_919, %ge3A_924 : vector<16xi32>
      %lt3A_926 = arith.constant 256 : i32
      %lt3A_927 = vector.broadcast %lt3A_926 : i32 to vector<16xi32>
      %lt3A_928 = arith.cmpi slt, %sub3A_919, %lt3A_927 : vector<16xi32>
      %and3A_929 = arith.andi %ge3A_925, %lt3A_928 : vector<16xi1>
      %le3A_930 = arith.constant 320 : i32
      %le3A_931 = vector.broadcast %le3A_930 : i32 to vector<16xi32>
      %le3A_932 = arith.cmpi sle, %add3A_922, %le3A_931 : vector<16xi32>
      %and3A_933 = arith.andi %and3A_929, %le3A_932 : vector<16xi1>
      tpu.vector_store_idx %arg14[%sub3A_919], %broadcast_in_dim3A_4 masked %and3A_933 {add = true} : memref<256xi32, #tpu.memory_space<vmem>>[vector<16xi32>], vector<16xi32>, vector<16xi1>
      %get3A_934 = arith.constant 256 : index
      %get3A_935 = tpu.vector_load %arg7[%get3A_934] {strides = array<i32>} : memref<336xi32, #tpu.memory_space<vmem>>, vector<16xi32>,
      %sub3A_936 = vector.broadcast %multiple_of3A_613 : i32 to vector<16xi32>
      %sub3A_937 = arith.subi %get3A_935, %sub3A_936 : vector<16xi32>
      %add3A_938 = arith.constant 256 : i32
      %add3A_939 = vector.broadcast %add3A_938 : i32 to vector<16xi32>
      %add3A_940 = arith.addi %add3A_939, %iota3A : vector<16xi32>
      %ge3A_941 = arith.constant 0 : i32
      %ge3A_942 = vector.broadcast %ge3A_941 : i32 to vector<16xi32>
      %ge3A_943 = arith.cmpi sge, %sub3A_937, %ge3A_942 : vector<16xi32>
      %lt3A_944 = arith.constant 256 : i32
      %lt3A_945 = vector.broadcast %lt3A_944 : i32 to vector<16xi32>
      %lt3A_946 = arith.cmpi slt, %sub3A_937, %lt3A_945 : vector<16xi32>
      %and3A_947 = arith.andi %ge3A_943, %lt3A_946 : vector<16xi1>
      %le3A_948 = arith.constant 320 : i32
      %le3A_949 = vector.broadcast %le3A_948 : i32 to vector<16xi32>
      %le3A_950 = arith.cmpi sle, %add3A_940, %le3A_949 : vector<16xi32>
      %and3A_951 = arith.andi %and3A_947, %le3A_950 : vector<16xi1>
      tpu.vector_store_idx %arg14[%sub3A_937], %broadcast_in_dim3A_4 masked %and3A_951 {add = true} : memref<256xi32, #tpu.memory_space<vmem>>[vector<16xi32>], vector<16xi32>, vector<16xi1>
      %get3A_952 = arith.constant 272 : index
      %get3A_953 = tpu.vector_load %arg7[%get3A_952] {strides = array<i32>} : memref<336xi32, #tpu.memory_space<vmem>>, vector<16xi32>,
      %sub3A_954 = vector.broadcast %multiple_of3A_613 : i32 to vector<16xi32>
      %sub3A_955 = arith.subi %get3A_953, %sub3A_954 : vector<16xi32>
      %add3A_956 = arith.constant 272 : i32
      %add3A_957 = vector.broadcast %add3A_956 : i32 to vector<16xi32>
      %add3A_958 = arith.addi %add3A_957, %iota3A : vector<16xi32>
      %ge3A_959 = arith.constant 0 : i32
      %ge3A_960 = vector.broadcast %ge3A_959 : i32 to vector<16xi32>
      %ge3A_961 = arith.cmpi sge, %sub3A_955, %ge3A_960 : vector<16xi32>
      %lt3A_962 = arith.constant 256 : i32
      %lt3A_963 = vector.broadcast %lt3A_962 : i32 to vector<16xi32>
      %lt3A_964 = arith.cmpi slt, %sub3A_955, %lt3A_963 : vector<16xi32>
      %and3A_965 = arith.andi %ge3A_961, %lt3A_964 : vector<16xi1>
      %le3A_966 = arith.constant 320 : i32
      %le3A_967 = vector.broadcast %le3A_966 : i32 to vector<16xi32>
      %le3A_968 = arith.cmpi sle, %add3A_958, %le3A_967 : vector<16xi32>
      %and3A_969 = arith.andi %and3A_965, %le3A_968 : vector<16xi1>
      tpu.vector_store_idx %arg14[%sub3A_955], %broadcast_in_dim3A_4 masked %and3A_969 {add = true} : memref<256xi32, #tpu.memory_space<vmem>>[vector<16xi32>], vector<16xi32>, vector<16xi1>
      %get3A_970 = arith.constant 288 : index
      %get3A_971 = tpu.vector_load %arg7[%get3A_970] {strides = array<i32>} : memref<336xi32, #tpu.memory_space<vmem>>, vector<16xi32>,
      %sub3A_972 = vector.broadcast %multiple_of3A_613 : i32 to vector<16xi32>
      %sub3A_973 = arith.subi %get3A_971, %sub3A_972 : vector<16xi32>
      %add3A_974 = arith.constant 288 : i32
      %add3A_975 = vector.broadcast %add3A_974 : i32 to vector<16xi32>
      %add3A_976 = arith.addi %add3A_975, %iota3A : vector<16xi32>
      %ge3A_977 = arith.constant 0 : i32
      %ge3A_978 = vector.broadcast %ge3A_977 : i32 to vector<16xi32>
      %ge3A_979 = arith.cmpi sge, %sub3A_973, %ge3A_978 : vector<16xi32>
      %lt3A_980 = arith.constant 256 : i32
      %lt3A_981 = vector.broadcast %lt3A_980 : i32 to vector<16xi32>
      %lt3A_982 = arith.cmpi slt, %sub3A_973, %lt3A_981 : vector<16xi32>
      %and3A_983 = arith.andi %ge3A_979, %lt3A_982 : vector<16xi1>
      %le3A_984 = arith.constant 320 : i32
      %le3A_985 = vector.broadcast %le3A_984 : i32 to vector<16xi32>
      %le3A_986 = arith.cmpi sle, %add3A_976, %le3A_985 : vector<16xi32>
      %and3A_987 = arith.andi %and3A_983, %le3A_986 : vector<16xi1>
      tpu.vector_store_idx %arg14[%sub3A_973], %broadcast_in_dim3A_4 masked %and3A_987 {add = true} : memref<256xi32, #tpu.memory_space<vmem>>[vector<16xi32>], vector<16xi32>, vector<16xi1>
      %get3A_988 = arith.constant 304 : index
      %get3A_989 = tpu.vector_load %arg7[%get3A_988] {strides = array<i32>} : memref<336xi32, #tpu.memory_space<vmem>>, vector<16xi32>,
      %sub3A_990 = vector.broadcast %multiple_of3A_613 : i32 to vector<16xi32>
      %sub3A_991 = arith.subi %get3A_989, %sub3A_990 : vector<16xi32>
      %add3A_992 = arith.constant 304 : i32
      %add3A_993 = vector.broadcast %add3A_992 : i32 to vector<16xi32>
      %add3A_994 = arith.addi %add3A_993, %iota3A : vector<16xi32>
      %ge3A_995 = arith.constant 0 : i32
      %ge3A_996 = vector.broadcast %ge3A_995 : i32 to vector<16xi32>
      %ge3A_997 = arith.cmpi sge, %sub3A_991, %ge3A_996 : vector<16xi32>
      %lt3A_998 = arith.constant 256 : i32
      %lt3A_999 = vector.broadcast %lt3A_998 : i32 to vector<16xi32>
      %lt3A_1000 = arith.cmpi slt, %sub3A_991, %lt3A_999 : vector<16xi32>
      %and3A_1001 = arith.andi %ge3A_997, %lt3A_1000 : vector<16xi1>
      %le3A_1002 = arith.constant 320 : i32
      %le3A_1003 = vector.broadcast %le3A_1002 : i32 to vector<16xi32>
      %le3A_1004 = arith.cmpi sle, %add3A_994, %le3A_1003 : vector<16xi32>
      %and3A_1005 = arith.andi %and3A_1001, %le3A_1004 : vector<16xi1>
      tpu.vector_store_idx %arg14[%sub3A_991], %broadcast_in_dim3A_4 masked %and3A_1005 {add = true} : memref<256xi32, #tpu.memory_space<vmem>>[vector<16xi32>], vector<16xi32>, vector<16xi1>
      %get3A_1006 = arith.constant 320 : index
      %get3A_1007 = tpu.vector_load %arg7[%get3A_1006] {strides = array<i32>} : memref<336xi32, #tpu.memory_space<vmem>>, vector<16xi32>,
      %sub3A_1008 = vector.broadcast %multiple_of3A_613 : i32 to vector<16xi32>
      %sub3A_1009 = arith.subi %get3A_1007, %sub3A_1008 : vector<16xi32>
      %add3A_1010 = arith.constant 320 : i32
      %add3A_1011 = vector.broadcast %add3A_1010 : i32 to vector<16xi32>
      %add3A_1012 = arith.addi %add3A_1011, %iota3A : vector<16xi32>
      %ge3A_1013 = arith.constant 0 : i32
      %ge3A_1014 = vector.broadcast %ge3A_1013 : i32 to vector<16xi32>
      %ge3A_1015 = arith.cmpi sge, %sub3A_1009, %ge3A_1014 : vector<16xi32>
      %lt3A_1016 = arith.constant 256 : i32
      %lt3A_1017 = vector.broadcast %lt3A_1016 : i32 to vector<16xi32>
      %lt3A_1018 = arith.cmpi slt, %sub3A_1009, %lt3A_1017 : vector<16xi32>
      %and3A_1019 = arith.andi %ge3A_1015, %lt3A_1018 : vector<16xi1>
      %le3A_1020 = arith.constant 320 : i32
      %le3A_1021 = vector.broadcast %le3A_1020 : i32 to vector<16xi32>
      %le3A_1022 = arith.cmpi sle, %add3A_1012, %le3A_1021 : vector<16xi32>
      %and3A_1023 = arith.andi %and3A_1019, %le3A_1022 : vector<16xi1>
      tpu.vector_store_idx %arg14[%sub3A_1009], %broadcast_in_dim3A_4 masked %and3A_1023 {add = true} : memref<256xi32, #tpu.memory_space<vmem>>[vector<16xi32>], vector<16xi32>, vector<16xi1>
      %scan3A_1024 = arith.constant 0 : i32
      %scan3A_1025 = arith.constant 16 : i32
      %scan3A_1026 = arith.addi %scan3A_1024, %scan3A_1025 : i32
      %scan3A_1027 = arith.constant 1 : i32
      %scan3A_1028 = scf.for %scan3A_1055 = %scan3A_1024 to %scan3A_1026 step %scan3A_1027 iter_args(%scan3A_1056 = %scan3A_554) -> (i32)  : i32 {
        %mul3A_1057 = arith.constant 16 : i32
        %mul3A_1058 = arith.muli %mul3A_1057, %scan3A_1055 : i32
        %get3A_1059 = arith.index_cast %mul3A_1058 : i32 to index
        %get3A_1060 = tpu.vector_load %arg14[%get3A_1059] {strides = array<i32>} : memref<256xi32, #tpu.memory_space<vmem>>, vector<16xi32>,
        %broadcast_in_dim3A_1061 = arith.constant true
        %broadcast_in_dim3A_1062 = vector.broadcast %broadcast_in_dim3A_1061 : i1 to vector<16xi1>
        %masked_cumsum3A = tpu.scan <sum>, %get3A_1060 masked %broadcast_in_dim3A_1062 : vector<16xi32>, vector<16xi1> -> vector<16xi32>
        %add3A_1063 = vector.broadcast %scan3A_1056 : i32 to vector<16xi32>
        %add3A_1064 = arith.addi %masked_cumsum3A, %add3A_1063 : vector<16xi32>
        %sub3A_1065 = arith.constant 1 : i32
        %sub3A_1066 = vector.broadcast %sub3A_1065 : i32 to vector<16xi32>
        %sub3A_1067 = arith.subi %add3A_1064, %sub3A_1066 : vector<16xi32>
        %lt3A_1068 = arith.constant 0 : i32
        %lt3A_1069 = vector.broadcast %lt3A_1068 : i32 to vector<16xi32>
        %lt3A_1070 = arith.cmpi slt, %sub3A_1067, %lt3A_1069 : vector<16xi32>
        %ge3A_1071 = arith.constant 320 : i32
        %ge3A_1072 = vector.broadcast %ge3A_1071 : i32 to vector<16xi32>
        %ge3A_1073 = arith.cmpi sge, %sub3A_1067, %ge3A_1072 : vector<16xi32>
        %or3A = arith.ori %lt3A_1070, %ge3A_1073 : vector<16xi1>
        %jit3A_1074 = arith.constant 320 : i32
        %broadcast_in_dim3A_1075 = vector.broadcast %jit3A_1074 : i32 to vector<16xi32>
        %select_n3A_1076 = arith.select %or3A, %broadcast_in_dim3A_1075, %sub3A_1067 : vector<16xi1>, vector<16xi32>
        %mul3A_1077 = arith.constant 16 : i32
        %mul3A_1078 = arith.muli %mul3A_1077, %scan3A_1055 : i32
        %swap3A_1079 = arith.index_cast %mul3A_1078 : i32 to index
        %swap3A_1080 = tpu.vector_load %arg15[%swap3A_1079] {strides = array<i32>} : memref<256xi32, #tpu.memory_space<vmem>>, vector<16xi32>,
        tpu.vector_store %arg15[%swap3A_1079], %select_n3A_1076 {strides = array<i32>} : memref<256xi32, #tpu.memory_space<vmem>>, vector<16xi32>,
        %reduce_sum3A_1081 = arith.constant true
        %reduce_sum3A_1082 = vector.broadcast %reduce_sum3A_1081 : i1 to vector<16xi1>
        %reduce_sum3A_1083 = tpu.scan <sum>, %get3A_1060 masked %reduce_sum3A_1082 : vector<16xi32>, vector<16xi1> -> vector<16xi32>
        %reduce_sum3A_1084 = vector.extract %reduce_sum3A_1083[15] : i32 from vector<16xi32>
        %add3A_1085 = arith.addi %scan3A_1056, %reduce_sum3A_1084 : i32
        scf.yield %add3A_1085 : i32
      }
      %scan3A_1029 = arith.constant 16 : i32
      %dma_wait3A_1030 = arith.constant 0 : i32
      %dma_wait3A_1031 = arith.constant 0 : i32
      %dma_wait3A_1032 = tpu.memref_slice %arg5[%dma_wait3A_1030, %dma_wait3A_1031] : memref<10000x128xf32, #tpu.memory_space<hbm>> -> memref<10000x128xf32, #tpu.memory_space<hbm>>
      tpu.wait_indirect_dma semaphore(%arg21 : memref<!tpu.dma_semaphore, #tpu.memory_space<semaphore_mem>>) src(%dma_wait3A_1032 : memref<10000x128xf32, #tpu.memory_space<hbm>>) dst(%arg11 : memref<256x128xf32, #tpu.memory_space<vmem>>)
      %dma_wait3A_1033 = arith.constant 0 : i32
      %dma_wait3A_1034 = tpu.memref_slice %arg13[%dma_wait3A_1033] : memref<2064xf32, #tpu.memory_space<vmem>> -> memref<2048xf32, #tpu.memory_space<vmem>>
      %dma_wait3A_1035 = arith.constant 0 : i32
      %dma_wait3A_1036 = tpu.memref_slice %arg4[%dma_wait3A_1035] : memref<2560000xf32, #tpu.memory_space<hbm>> -> memref<2048xf32, #tpu.memory_space<hbm>>
      %dma_wait3A_1037 = arith.constant 0 : i32
      %dma_wait3A_1038 = tpu.memref_slice %arg13[%dma_wait3A_1037] : memref<2064xf32, #tpu.memory_space<vmem>> -> memref<2048xf32, #tpu.memory_space<vmem>>
      %dma_wait3A_1039 = arith.constant 0 : i32
      %dma_wait3A_1040 = tpu.memref_slice %arg4[%dma_wait3A_1039] : memref<2560000xf32, #tpu.memory_space<hbm>> -> memref<2048xf32, #tpu.memory_space<hbm>>
      tpu.wait_dma2 semaphore(%arg24 : memref<!tpu.dma_semaphore, #tpu.memory_space<semaphore_mem>>) src(%dma_wait3A_1040 : memref<2048xf32, #tpu.memory_space<hbm>>) dst(%dma_wait3A_1038 : memref<2048xf32, #tpu.memory_space<vmem>>)
      %add3A_1041 = arith.constant 2 : i32
      %add3A_1042 = arith.addi %add3A_584, %add3A_1041 : i32
      %mul3A_1043 = arith.constant 256 : i32
      %mul3A_1044 = arith.muli %mul3A_1043, %add3A_1042 : i32
      %add3A_1045 = arith.addi %sub3A, %mul3A_1044 : i32
      %multiple_of3A_1046 = tpu.assume_multiple %add3A_1045, 256 : i32
      %min3A_1047 = arith.constant 319744 : i32
      %min3A_1048 = arith.minsi %multiple_of3A_1046, %min3A_1047 : i32
      %multiple_of3A_1049 = tpu.assume_multiple %min3A_1048, 256 : i32
      %dma_start3A_1050 = tpu.memref_slice %arg3[%multiple_of3A_1049] : memref<320000xi32, #tpu.memory_space<hbm>> -> memref<256xi32, #tpu.memory_space<hbm>>
      %dma_start3A_1051 = tpu.memref_slice %arg3[%multiple_of3A_1049] : memref<320000xi32, #tpu.memory_space<hbm>> -> memref<256xi32, #tpu.memory_space<hbm>>
      tpu.enqueue_dma source(%dma_start3A_1051 : memref<256xi32, #tpu.memory_space<hbm>>) target(%arg9 : memref<256xi32, #tpu.memory_space<vmem>>) target_semaphore(%arg18 : memref<!tpu.dma_semaphore, #tpu.memory_space<semaphore_mem>>)
      %parallel_loop3A_1052 = arith.constant 0 : i32
      %parallel_loop3A_1053 = arith.constant 256 : i32
      %parallel_loop3A_1054 = arith.constant 1 : i32
      scf.for %parallel_loop3A_1055 = %parallel_loop3A_1052 to %parallel_loop3A_1053 step %parallel_loop3A_1054  : i32 {
        %parallel_loop3A_1056 = vector.broadcast %parallel_loop3A_1055 : i32 to vector<16xi32>
        %parallel_loop3A_1057 = tpu.vector_load_idx %arg15[%parallel_loop3A_1056] : memref<256xi32, #tpu.memory_space<vmem>>[vector<16xi32>], vector<16xi32>,
        %parallel_loop3A_1058 = arith.constant 8 : i32
        %parallel_loop3A_1059 = arith.muli %parallel_loop3A_1058, %parallel_loop3A_1055 : i32
        %parallel_loop3A_1060 = arith.index_cast %parallel_loop3A_1059 : i32 to index
        %parallel_loop3A_1061 = tpu.vector_load %arg13[%parallel_loop3A_1060] {strides = array<i32>} : memref<2064xf32, #tpu.memory_space<vmem>>, vector<16xf32>,
        %parallel_loop3A_1062 = arith.constant 0 : i32
        %parallel_loop3A_1063 = vector.broadcast %parallel_loop3A_1062 : i32 to vector<16xi32>
        %parallel_loop3A_1064 = vector.shape_cast %parallel_loop3A_1063 : vector<16xi32> to vector<16x1xi32>
        %parallel_loop3A_1065 = vector.shape_cast %parallel_loop3A_1064 : vector<16x1xi32> to vector<16xi32>
        %parallel_loop3A_1066 = tpu.dynamic_gather %parallel_loop3A_1061[%parallel_loop3A_1065] in [0] : vector<16xf32>, vector<16xi32> -> vector<16xf32>
        %parallel_loop3A_1067 = arith.index_cast %parallel_loop3A_1055 : i32 to index
        %parallel_loop3A_1068 = arith.constant 0 : index
        %parallel_loop3A_1069 = tpu.vector_load %arg11[%parallel_loop3A_1067, %parallel_loop3A_1068] {strides = array<i32>} : memref<256x128xf32, #tpu.memory_space<vmem>>, vector<16xf32>,
        %parallel_loop3A_1070 = arith.constant 0 : i32
        %parallel_loop3A_1071 = vector.broadcast %parallel_loop3A_1070 : i32 to vector<16xi32>
        %parallel_loop3A_1072 = arith.addi %iota3A, %parallel_loop3A_1071 : vector<16xi32>
        %parallel_loop3A_1073 = arith.mulf %parallel_loop3A_1069, %parallel_loop3A_1066 : vector<16xf32>
        tpu.vector_store_idx %arg16[%parallel_loop3A_1057, %parallel_loop3A_1072], %parallel_loop3A_1073 {add = true} : memref<321x128xf32, #tpu.memory_space<vmem>>[vector<16xi32>, vector<16xi32>], vector<16xf32>,
        %parallel_loop3A_1074 = arith.constant 1 : i32
        %parallel_loop3A_1075 = vector.broadcast %parallel_loop3A_1074 : i32 to vector<16xi32>
        %parallel_loop3A_1076 = vector.shape_cast %parallel_loop3A_1075 : vector<16xi32> to vector<16x1xi32>
        %parallel_loop3A_1077 = vector.shape_cast %parallel_loop3A_1076 : vector<16x1xi32> to vector<16xi32>
        %parallel_loop3A_1078 = tpu.dynamic_gather %parallel_loop3A_1061[%parallel_loop3A_1077] in [0] : vector<16xf32>, vector<16xi32> -> vector<16xf32>
        %parallel_loop3A_1079 = arith.index_cast %parallel_loop3A_1055 : i32 to index
        %parallel_loop3A_1080 = arith.constant 16 : index
        %parallel_loop3A_1081 = tpu.vector_load %arg11[%parallel_loop3A_1079, %parallel_loop3A_1080] {strides = array<i32>} : memref<256x128xf32, #tpu.memory_space<vmem>>, vector<16xf32>,
        %parallel_loop3A_1082 = arith.constant 16 : i32
        %parallel_loop3A_1083 = vector.broadcast %parallel_loop3A_1082 : i32 to vector<16xi32>
        %parallel_loop3A_1084 = arith.addi %iota3A, %parallel_loop3A_1083 : vector<16xi32>
        %parallel_loop3A_1085 = arith.mulf %parallel_loop3A_1081, %parallel_loop3A_1078 : vector<16xf32>
        tpu.vector_store_idx %arg16[%parallel_loop3A_1057, %parallel_loop3A_1084], %parallel_loop3A_1085 {add = true} : memref<321x128xf32, #tpu.memory_space<vmem>>[vector<16xi32>, vector<16xi32>], vector<16xf32>,
        %parallel_loop3A_1086 = arith.constant 2 : i32
        %parallel_loop3A_1087 = vector.broadcast %parallel_loop3A_1086 : i32 to vector<16xi32>
        %parallel_loop3A_1088 = vector.shape_cast %parallel_loop3A_1087 : vector<16xi32> to vector<16x1xi32>
        %parallel_loop3A_1089 = vector.shape_cast %parallel_loop3A_1088 : vector<16x1xi32> to vector<16xi32>
        %parallel_loop3A_1090 = tpu.dynamic_gather %parallel_loop3A_1061[%parallel_loop3A_1089] in [0] : vector<16xf32>, vector<16xi32> -> vector<16xf32>
        %parallel_loop3A_1091 = arith.index_cast %parallel_loop3A_1055 : i32 to index
        %parallel_loop3A_1092 = arith.constant 32 : index
        %parallel_loop3A_1093 = tpu.vector_load %arg11[%parallel_loop3A_1091, %parallel_loop3A_1092] {strides = array<i32>} : memref<256x128xf32, #tpu.memory_space<vmem>>, vector<16xf32>,
        %parallel_loop3A_1094 = arith.constant 32 : i32
        %parallel_loop3A_1095 = vector.broadcast %parallel_loop3A_1094 : i32 to vector<16xi32>
        %parallel_loop3A_1096 = arith.addi %iota3A, %parallel_loop3A_1095 : vector<16xi32>
        %parallel_loop3A_1097 = arith.mulf %parallel_loop3A_1093, %parallel_loop3A_1090 : vector<16xf32>
        tpu.vector_store_idx %arg16[%parallel_loop3A_1057, %parallel_loop3A_1096], %parallel_loop3A_1097 {add = true} : memref<321x128xf32, #tpu.memory_space<vmem>>[vector<16xi32>, vector<16xi32>], vector<16xf32>,
        %parallel_loop3A_1098 = arith.constant 3 : i32
        %parallel_loop3A_1099 = vector.broadcast %parallel_loop3A_1098 : i32 to vector<16xi32>
        %parallel_loop3A_1100 = vector.shape_cast %parallel_loop3A_1099 : vector<16xi32> to vector<16x1xi32>
        %parallel_loop3A_1101 = vector.shape_cast %parallel_loop3A_1100 : vector<16x1xi32> to vector<16xi32>
        %parallel_loop3A_1102 = tpu.dynamic_gather %parallel_loop3A_1061[%parallel_loop3A_1101] in [0] : vector<16xf32>, vector<16xi32> -> vector<16xf32>
        %parallel_loop3A_1103 = arith.index_cast %parallel_loop3A_1055 : i32 to index
        %parallel_loop3A_1104 = arith.constant 48 : index
        %parallel_loop3A_1105 = tpu.vector_load %arg11[%parallel_loop3A_1103, %parallel_loop3A_1104] {strides = array<i32>} : memref<256x128xf32, #tpu.memory_space<vmem>>, vector<16xf32>,
        %parallel_loop3A_1106 = arith.constant 48 : i32
        %parallel_loop3A_1107 = vector.broadcast %parallel_loop3A_1106 : i32 to vector<16xi32>
        %parallel_loop3A_1108 = arith.addi %iota3A, %parallel_loop3A_1107 : vector<16xi32>
        %parallel_loop3A_1109 = arith.mulf %parallel_loop3A_1105, %parallel_loop3A_1102 : vector<16xf32>
        tpu.vector_store_idx %arg16[%parallel_loop3A_1057, %parallel_loop3A_1108], %parallel_loop3A_1109 {add = true} : memref<321x128xf32, #tpu.memory_space<vmem>>[vector<16xi32>, vector<16xi32>], vector<16xf32>,
        %parallel_loop3A_1110 = arith.constant 4 : i32
        %parallel_loop3A_1111 = vector.broadcast %parallel_loop3A_1110 : i32 to vector<16xi32>
        %parallel_loop3A_1112 = vector.shape_cast %parallel_loop3A_1111 : vector<16xi32> to vector<16x1xi32>
        %parallel_loop3A_1113 = vector.shape_cast %parallel_loop3A_1112 : vector<16x1xi32> to vector<16xi32>
        %parallel_loop3A_1114 = tpu.dynamic_gather %parallel_loop3A_1061[%parallel_loop3A_1113] in [0] : vector<16xf32>, vector<16xi32> -> vector<16xf32>
        %parallel_loop3A_1115 = arith.index_cast %parallel_loop3A_1055 : i32 to index
        %parallel_loop3A_1116 = arith.constant 64 : index
        %parallel_loop3A_1117 = tpu.vector_load %arg11[%parallel_loop3A_1115, %parallel_loop3A_1116] {strides = array<i32>} : memref<256x128xf32, #tpu.memory_space<vmem>>, vector<16xf32>,
        %parallel_loop3A_1118 = arith.constant 64 : i32
        %parallel_loop3A_1119 = vector.broadcast %parallel_loop3A_1118 : i32 to vector<16xi32>
        %parallel_loop3A_1120 = arith.addi %iota3A, %parallel_loop3A_1119 : vector<16xi32>
        %parallel_loop3A_1121 = arith.mulf %parallel_loop3A_1117, %parallel_loop3A_1114 : vector<16xf32>
        tpu.vector_store_idx %arg16[%parallel_loop3A_1057, %parallel_loop3A_1120], %parallel_loop3A_1121 {add = true} : memref<321x128xf32, #tpu.memory_space<vmem>>[vector<16xi32>, vector<16xi32>], vector<16xf32>,
        %parallel_loop3A_1122 = arith.constant 5 : i32
        %parallel_loop3A_1123 = vector.broadcast %parallel_loop3A_1122 : i32 to vector<16xi32>
        %parallel_loop3A_1124 = vector.shape_cast %parallel_loop3A_1123 : vector<16xi32> to vector<16x1xi32>
        %parallel_loop3A_1125 = vector.shape_cast %parallel_loop3A_1124 : vector<16x1xi32> to vector<16xi32>
        %parallel_loop3A_1126 = tpu.dynamic_gather %parallel_loop3A_1061[%parallel_loop3A_1125] in [0] : vector<16xf32>, vector<16xi32> -> vector<16xf32>
        %parallel_loop3A_1127 = arith.index_cast %parallel_loop3A_1055 : i32 to index
        %parallel_loop3A_1128 = arith.constant 80 : index
        %parallel_loop3A_1129 = tpu.vector_load %arg11[%parallel_loop3A_1127, %parallel_loop3A_1128] {strides = array<i32>} : memref<256x128xf32, #tpu.memory_space<vmem>>, vector<16xf32>,
        %parallel_loop3A_1130 = arith.constant 80 : i32
        %parallel_loop3A_1131 = vector.broadcast %parallel_loop3A_1130 : i32 to vector<16xi32>
        %parallel_loop3A_1132 = arith.addi %iota3A, %parallel_loop3A_1131 : vector<16xi32>
        %parallel_loop3A_1133 = arith.mulf %parallel_loop3A_1129, %parallel_loop3A_1126 : vector<16xf32>
        tpu.vector_store_idx %arg16[%parallel_loop3A_1057, %parallel_loop3A_1132], %parallel_loop3A_1133 {add = true} : memref<321x128xf32, #tpu.memory_space<vmem>>[vector<16xi32>, vector<16xi32>], vector<16xf32>,
        %parallel_loop3A_1134 = arith.constant 6 : i32
        %parallel_loop3A_1135 = vector.broadcast %parallel_loop3A_1134 : i32 to vector<16xi32>
        %parallel_loop3A_1136 = vector.shape_cast %parallel_loop3A_1135 : vector<16xi32> to vector<16x1xi32>
        %parallel_loop3A_1137 = vector.shape_cast %parallel_loop3A_1136 : vector<16x1xi32> to vector<16xi32>
        %parallel_loop3A_1138 = tpu.dynamic_gather %parallel_loop3A_1061[%parallel_loop3A_1137] in [0] : vector<16xf32>, vector<16xi32> -> vector<16xf32>
        %parallel_loop3A_1139 = arith.index_cast %parallel_loop3A_1055 : i32 to index
        %parallel_loop3A_1140 = arith.constant 96 : index
        %parallel_loop3A_1141 = tpu.vector_load %arg11[%parallel_loop3A_1139, %parallel_loop3A_1140] {strides = array<i32>} : memref<256x128xf32, #tpu.memory_space<vmem>>, vector<16xf32>,
        %parallel_loop3A_1142 = arith.constant 96 : i32
        %parallel_loop3A_1143 = vector.broadcast %parallel_loop3A_1142 : i32 to vector<16xi32>
        %parallel_loop3A_1144 = arith.addi %iota3A, %parallel_loop3A_1143 : vector<16xi32>
        %parallel_loop3A_1145 = arith.mulf %parallel_loop3A_1141, %parallel_loop3A_1138 : vector<16xf32>
        tpu.vector_store_idx %arg16[%parallel_loop3A_1057, %parallel_loop3A_1144], %parallel_loop3A_1145 {add = true} : memref<321x128xf32, #tpu.memory_space<vmem>>[vector<16xi32>, vector<16xi32>], vector<16xf32>,
        %parallel_loop3A_1146 = arith.constant 7 : i32
        %parallel_loop3A_1147 = vector.broadcast %parallel_loop3A_1146 : i32 to vector<16xi32>
        %parallel_loop3A_1148 = vector.shape_cast %parallel_loop3A_1147 : vector<16xi32> to vector<16x1xi32>
        %parallel_loop3A_1149 = vector.shape_cast %parallel_loop3A_1148 : vector<16x1xi32> to vector<16xi32>
        %parallel_loop3A_1150 = tpu.dynamic_gather %parallel_loop3A_1061[%parallel_loop3A_1149] in [0] : vector<16xf32>, vector<16xi32> -> vector<16xf32>
        %parallel_loop3A_1151 = arith.index_cast %parallel_loop3A_1055 : i32 to index
        %parallel_loop3A_1152 = arith.constant 112 : index
        %parallel_loop3A_1153 = tpu.vector_load %arg11[%parallel_loop3A_1151, %parallel_loop3A_1152] {strides = array<i32>} : memref<256x128xf32, #tpu.memory_space<vmem>>, vector<16xf32>,
        %parallel_loop3A_1154 = arith.constant 112 : i32
        %parallel_loop3A_1155 = vector.broadcast %parallel_loop3A_1154 : i32 to vector<16xi32>
        %parallel_loop3A_1156 = arith.addi %iota3A, %parallel_loop3A_1155 : vector<16xi32>
        %parallel_loop3A_1157 = arith.mulf %parallel_loop3A_1153, %parallel_loop3A_1150 : vector<16xf32>
        tpu.vector_store_idx %arg16[%parallel_loop3A_1057, %parallel_loop3A_1156], %parallel_loop3A_1157 {add = true} : memref<321x128xf32, #tpu.memory_space<vmem>>[vector<16xi32>, vector<16xi32>], vector<16xf32>,
      } {sc.loop_unroll_factor = 4 : i64, sc.parallel_access}
      scf.yield %scan3A_1028 : i32
    }
    %while3A_88 = arith.constant 1 : i32
    %while3A_89 = scf.for %while3A_112 = %while3A_85 to %while3A_81 step %while3A_88 iter_args(%while3A_113 = %while3A_87) -> (i32)  : i32 {
      %mul3A_114 = arith.constant 2 : i32
      %mul3A_115 = arith.muli %mul3A_114, %while3A_112 : i32
      %dma_wait3A_116 = arith.constant 0 : i32
      %dma_wait3A_117 = tpu.memref_slice %arg3[%dma_wait3A_116] : memref<320000xi32, #tpu.memory_space<hbm>> -> memref<256xi32, #tpu.memory_space<hbm>>
      %dma_wait3A_118 = arith.constant 0 : i32
      %dma_wait3A_119 = tpu.memref_slice %arg3[%dma_wait3A_118] : memref<320000xi32, #tpu.memory_space<hbm>> -> memref<256xi32, #tpu.memory_space<hbm>>
      tpu.wait_dma2 semaphore(%arg18 : memref<!tpu.dma_semaphore, #tpu.memory_space<semaphore_mem>>) src(%dma_wait3A_119 : memref<256xi32, #tpu.memory_space<hbm>>) dst(%arg9 : memref<256xi32, #tpu.memory_space<vmem>>)
      %add3A_120 = arith.constant 1 : i32
      %add3A_121 = arith.addi %mul3A_115, %add3A_120 : i32
      %dma_start3A_122 = arith.constant 0 : i32
      %dma_start3A_123 = arith.constant 0 : i32
      %dma_start3A_124 = tpu.memref_slice %arg5[%dma_start3A_122, %dma_start3A_123] : memref<10000x128xf32, #tpu.memory_space<hbm>> -> memref<10000x128xf32, #tpu.memory_space<hbm>>
      tpu.enqueue_indirect_dma source(%dma_start3A_124 : memref<10000x128xf32, #tpu.memory_space<hbm>>) target(%arg11 : memref<256x128xf32, #tpu.memory_space<vmem>>) offsets(%arg9 : memref<256xi32, #tpu.memory_space<vmem>>) semaphore(%arg21 : memref<!tpu.dma_semaphore, #tpu.memory_space<semaphore_mem>>)
      %mul3A_125 = arith.constant 256 : i32
      %mul3A_126 = arith.muli %mul3A_125, %add3A_121 : i32
      %add3A_127 = arith.addi %sub3A, %mul3A_126 : i32
      %multiple_of3A_128 = tpu.assume_multiple %add3A_127, 256 : i32
      %min3A_129 = arith.constant 319744 : i32
      %min3A_130 = arith.minsi %multiple_of3A_128, %min3A_129 : i32
      %multiple_of3A_131 = tpu.assume_multiple %min3A_130, 256 : i32
      %mul3A_132 = arith.constant 8 : i32
      %mul3A_133 = arith.muli %mul3A_132, %multiple_of3A_131 : i32
      %multiple_of3A_134 = tpu.assume_multiple %mul3A_133, 2048 : i32
      %dma_start3A_135 = arith.constant 0 : i32
      %dma_start3A_136 = tpu.memref_slice %arg13[%dma_start3A_135] : memref<2064xf32, #tpu.memory_space<vmem>> -> memref<2048xf32, #tpu.memory_space<vmem>>
      %dma_start3A_137 = tpu.memref_slice %arg4[%multiple_of3A_134] : memref<2560000xf32, #tpu.memory_space<hbm>> -> memref<2048xf32, #tpu.memory_space<hbm>>
      %dma_start3A_138 = arith.constant 0 : i32
      %dma_start3A_139 = tpu.memref_slice %arg13[%dma_start3A_138] : memref<2064xf32, #tpu.memory_space<vmem>> -> memref<2048xf32, #tpu.memory_space<vmem>>
      %dma_start3A_140 = tpu.memref_slice %arg4[%multiple_of3A_134] : memref<2560000xf32, #tpu.memory_space<hbm>> -> memref<2048xf32, #tpu.memory_space<hbm>>
      tpu.enqueue_dma source(%dma_start3A_140 : memref<2048xf32, #tpu.memory_space<hbm>>) target(%dma_start3A_139 : memref<2048xf32, #tpu.memory_space<vmem>>) target_semaphore(%arg24 : memref<!tpu.dma_semaphore, #tpu.memory_space<semaphore_mem>>)
      %mul3A_141 = arith.constant 256 : i32
      %mul3A_142 = arith.muli %mul3A_141, %mul3A_115 : i32
      %add3A_143 = arith.addi %sub3A, %mul3A_142 : i32
      %multiple_of3A_144 = tpu.assume_multiple %add3A_143, 256 : i32
      %swap3A = arith.constant 0 : index
      %swap3A_145 = tpu.vector_load %arg14[%swap3A] {strides = array<i32>} : memref<256xi32, #tpu.memory_space<vmem>>, vector<16xi32>,
      tpu.vector_store %arg14[%swap3A], %broadcast_in_dim3A_2 {strides = array<i32>} : memref<256xi32, #tpu.memory_space<vmem>>, vector<16xi32>,
      %swap3A_146 = arith.constant 16 : index
      %swap3A_147 = tpu.vector_load %arg14[%swap3A_146] {strides = array<i32>} : memref<256xi32, #tpu.memory_space<vmem>>, vector<16xi32>,
      tpu.vector_store %arg14[%swap3A_146], %broadcast_in_dim3A_2 {strides = array<i32>} : memref<256xi32, #tpu.memory_space<vmem>>, vector<16xi32>,
      %swap3A_148 = arith.constant 32 : index
      %swap3A_149 = tpu.vector_load %arg14[%swap3A_148] {strides = array<i32>} : memref<256xi32, #tpu.memory_space<vmem>>, vector<16xi32>,
      tpu.vector_store %arg14[%swap3A_148], %broadcast_in_dim3A_2 {strides = array<i32>} : memref<256xi32, #tpu.memory_space<vmem>>, vector<16xi32>,
      %swap3A_150 = arith.constant 48 : index
      %swap3A_151 = tpu.vector_load %arg14[%swap3A_150] {strides = array<i32>} : memref<256xi32, #tpu.memory_space<vmem>>, vector<16xi32>,
      tpu.vector_store %arg14[%swap3A_150], %broadcast_in_dim3A_2 {strides = array<i32>} : memref<256xi32, #tpu.memory_space<vmem>>, vector<16xi32>,
      %swap3A_152 = arith.constant 64 : index
      %swap3A_153 = tpu.vector_load %arg14[%swap3A_152] {strides = array<i32>} : memref<256xi32, #tpu.memory_space<vmem>>, vector<16xi32>,
      tpu.vector_store %arg14[%swap3A_152], %broadcast_in_dim3A_2 {strides = array<i32>} : memref<256xi32, #tpu.memory_space<vmem>>, vector<16xi32>,
      %swap3A_154 = arith.constant 80 : index
      %swap3A_155 = tpu.vector_load %arg14[%swap3A_154] {strides = array<i32>} : memref<256xi32, #tpu.memory_space<vmem>>, vector<16xi32>,
      tpu.vector_store %arg14[%swap3A_154], %broadcast_in_dim3A_2 {strides = array<i32>} : memref<256xi32, #tpu.memory_space<vmem>>, vector<16xi32>,
      %swap3A_156 = arith.constant 96 : index
      %swap3A_157 = tpu.vector_load %arg14[%swap3A_156] {strides = array<i32>} : memref<256xi32, #tpu.memory_space<vmem>>, vector<16xi32>,
      tpu.vector_store %arg14[%swap3A_156], %broadcast_in_dim3A_2 {strides = array<i32>} : memref<256xi32, #tpu.memory_space<vmem>>, vector<16xi32>,
      %swap3A_158 = arith.constant 112 : index
      %swap3A_159 = tpu.vector_load %arg14[%swap3A_158] {strides = array<i32>} : memref<256xi32, #tpu.memory_space<vmem>>, vector<16xi32>,
      tpu.vector_store %arg14[%swap3A_158], %broadcast_in_dim3A_2 {strides = array<i32>} : memref<256xi32, #tpu.memory_space<vmem>>, vector<16xi32>,
      %swap3A_160 = arith.constant 128 : index
      %swap3A_161 = tpu.vector_load %arg14[%swap3A_160] {strides = array<i32>} : memref<256xi32, #tpu.memory_space<vmem>>, vector<16xi32>,
      tpu.vector_store %arg14[%swap3A_160], %broadcast_in_dim3A_2 {strides = array<i32>} : memref<256xi32, #tpu.memory_space<vmem>>, vector<16xi32>,
      %swap3A_162 = arith.constant 144 : index
      %swap3A_163 = tpu.vector_load %arg14[%swap3A_162] {strides = array<i32>} : memref<256xi32, #tpu.memory_space<vmem>>, vector<16xi32>,
      tpu.vector_store %arg14[%swap3A_162], %broadcast_in_dim3A_2 {strides = array<i32>} : memref<256xi32, #tpu.memory_space<vmem>>, vector<16xi32>,
      %swap3A_164 = arith.constant 160 : index
      %swap3A_165 = tpu.vector_load %arg14[%swap3A_164] {strides = array<i32>} : memref<256xi32, #tpu.memory_space<vmem>>, vector<16xi32>,
      tpu.vector_store %arg14[%swap3A_164], %broadcast_in_dim3A_2 {strides = array<i32>} : memref<256xi32, #tpu.memory_space<vmem>>, vector<16xi32>,
      %swap3A_166 = arith.constant 176 : index
      %swap3A_167 = tpu.vector_load %arg14[%swap3A_166] {strides = array<i32>} : memref<256xi32, #tpu.memory_space<vmem>>, vector<16xi32>,
      tpu.vector_store %arg14[%swap3A_166], %broadcast_in_dim3A_2 {strides = array<i32>} : memref<256xi32, #tpu.memory_space<vmem>>, vector<16xi32>,
      %swap3A_168 = arith.constant 192 : index
      %swap3A_169 = tpu.vector_load %arg14[%swap3A_168] {strides = array<i32>} : memref<256xi32, #tpu.memory_space<vmem>>, vector<16xi32>,
      tpu.vector_store %arg14[%swap3A_168], %broadcast_in_dim3A_2 {strides = array<i32>} : memref<256xi32, #tpu.memory_space<vmem>>, vector<16xi32>,
      %swap3A_170 = arith.constant 208 : index
      %swap3A_171 = tpu.vector_load %arg14[%swap3A_170] {strides = array<i32>} : memref<256xi32, #tpu.memory_space<vmem>>, vector<16xi32>,
      tpu.vector_store %arg14[%swap3A_170], %broadcast_in_dim3A_2 {strides = array<i32>} : memref<256xi32, #tpu.memory_space<vmem>>, vector<16xi32>,
      %swap3A_172 = arith.constant 224 : index
      %swap3A_173 = tpu.vector_load %arg14[%swap3A_172] {strides = array<i32>} : memref<256xi32, #tpu.memory_space<vmem>>, vector<16xi32>,
      tpu.vector_store %arg14[%swap3A_172], %broadcast_in_dim3A_2 {strides = array<i32>} : memref<256xi32, #tpu.memory_space<vmem>>, vector<16xi32>,
      %swap3A_174 = arith.constant 240 : index
      %swap3A_175 = tpu.vector_load %arg14[%swap3A_174] {strides = array<i32>} : memref<256xi32, #tpu.memory_space<vmem>>, vector<16xi32>,
      tpu.vector_store %arg14[%swap3A_174], %broadcast_in_dim3A_2 {strides = array<i32>} : memref<256xi32, #tpu.memory_space<vmem>>, vector<16xi32>,
      %get3A_176 = arith.constant 0 : index
      %get3A_177 = tpu.vector_load %arg7[%get3A_176] {strides = array<i32>} : memref<336xi32, #tpu.memory_space<vmem>>, vector<16xi32>,
      %sub3A_178 = vector.broadcast %multiple_of3A_144 : i32 to vector<16xi32>
      %sub3A_179 = arith.subi %get3A_177, %sub3A_178 : vector<16xi32>
      %add3A_180 = arith.constant 0 : i32
      %add3A_181 = vector.broadcast %add3A_180 : i32 to vector<16xi32>
      %add3A_182 = arith.addi %add3A_181, %iota3A : vector<16xi32>
      %ge3A = arith.constant 0 : i32
      %ge3A_183 = vector.broadcast %ge3A : i32 to vector<16xi32>
      %ge3A_184 = arith.cmpi sge, %sub3A_179, %ge3A_183 : vector<16xi32>
      %lt3A_185 = arith.constant 256 : i32
      %lt3A_186 = vector.broadcast %lt3A_185 : i32 to vector<16xi32>
      %lt3A_187 = arith.cmpi slt, %sub3A_179, %lt3A_186 : vector<16xi32>
      %and3A = arith.andi %ge3A_184, %lt3A_187 : vector<16xi1>
      %le3A = arith.constant 320 : i32
      %le3A_188 = vector.broadcast %le3A : i32 to vector<16xi32>
      %le3A_189 = arith.cmpi sle, %add3A_182, %le3A_188 : vector<16xi32>
      %and3A_190 = arith.andi %and3A, %le3A_189 : vector<16xi1>
      tpu.vector_store_idx %arg14[%sub3A_179], %broadcast_in_dim3A_4 masked %and3A_190 {add = true} : memref<256xi32, #tpu.memory_space<vmem>>[vector<16xi32>], vector<16xi32>, vector<16xi1>
      %get3A_191 = arith.constant 16 : index
      %get3A_192 = tpu.vector_load %arg7[%get3A_191] {strides = array<i32>} : memref<336xi32, #tpu.memory_space<vmem>>, vector<16xi32>,
      %sub3A_193 = vector.broadcast %multiple_of3A_144 : i32 to vector<16xi32>
      %sub3A_194 = arith.subi %get3A_192, %sub3A_193 : vector<16xi32>
      %add3A_195 = arith.constant 16 : i32
      %add3A_196 = vector.broadcast %add3A_195 : i32 to vector<16xi32>
      %add3A_197 = arith.addi %add3A_196, %iota3A : vector<16xi32>
      %ge3A_198 = arith.constant 0 : i32
      %ge3A_199 = vector.broadcast %ge3A_198 : i32 to vector<16xi32>
      %ge3A_200 = arith.cmpi sge, %sub3A_194, %ge3A_199 : vector<16xi32>
      %lt3A_201 = arith.constant 256 : i32
      %lt3A_202 = vector.broadcast %lt3A_201 : i32 to vector<16xi32>
      %lt3A_203 = arith.cmpi slt, %sub3A_194, %lt3A_202 : vector<16xi32>
      %and3A_204 = arith.andi %ge3A_200, %lt3A_203 : vector<16xi1>
      %le3A_205 = arith.constant 320 : i32
      %le3A_206 = vector.broadcast %le3A_205 : i32 to vector<16xi32>
      %le3A_207 = arith.cmpi sle, %add3A_197, %le3A_206 : vector<16xi32>
      %and3A_208 = arith.andi %and3A_204, %le3A_207 : vector<16xi1>
      tpu.vector_store_idx %arg14[%sub3A_194], %broadcast_in_dim3A_4 masked %and3A_208 {add = true} : memref<256xi32, #tpu.memory_space<vmem>>[vector<16xi32>], vector<16xi32>, vector<16xi1>
      %get3A_209 = arith.constant 32 : index
      %get3A_210 = tpu.vector_load %arg7[%get3A_209] {strides = array<i32>} : memref<336xi32, #tpu.memory_space<vmem>>, vector<16xi32>,
      %sub3A_211 = vector.broadcast %multiple_of3A_144 : i32 to vector<16xi32>
      %sub3A_212 = arith.subi %get3A_210, %sub3A_211 : vector<16xi32>
      %add3A_213 = arith.constant 32 : i32
      %add3A_214 = vector.broadcast %add3A_213 : i32 to vector<16xi32>
      %add3A_215 = arith.addi %add3A_214, %iota3A : vector<16xi32>
      %ge3A_216 = arith.constant 0 : i32
      %ge3A_217 = vector.broadcast %ge3A_216 : i32 to vector<16xi32>
      %ge3A_218 = arith.cmpi sge, %sub3A_212, %ge3A_217 : vector<16xi32>
      %lt3A_219 = arith.constant 256 : i32
      %lt3A_220 = vector.broadcast %lt3A_219 : i32 to vector<16xi32>
      %lt3A_221 = arith.cmpi slt, %sub3A_212, %lt3A_220 : vector<16xi32>
      %and3A_222 = arith.andi %ge3A_218, %lt3A_221 : vector<16xi1>
      %le3A_223 = arith.constant 320 : i32
      %le3A_224 = vector.broadcast %le3A_223 : i32 to vector<16xi32>
      %le3A_225 = arith.cmpi sle, %add3A_215, %le3A_224 : vector<16xi32>
      %and3A_226 = arith.andi %and3A_222, %le3A_225 : vector<16xi1>
      tpu.vector_store_idx %arg14[%sub3A_212], %broadcast_in_dim3A_4 masked %and3A_226 {add = true} : memref<256xi32, #tpu.memory_space<vmem>>[vector<16xi32>], vector<16xi32>, vector<16xi1>
      %get3A_227 = arith.constant 48 : index
      %get3A_228 = tpu.vector_load %arg7[%get3A_227] {strides = array<i32>} : memref<336xi32, #tpu.memory_space<vmem>>, vector<16xi32>,
      %sub3A_229 = vector.broadcast %multiple_of3A_144 : i32 to vector<16xi32>
      %sub3A_230 = arith.subi %get3A_228, %sub3A_229 : vector<16xi32>
      %add3A_231 = arith.constant 48 : i32
      %add3A_232 = vector.broadcast %add3A_231 : i32 to vector<16xi32>
      %add3A_233 = arith.addi %add3A_232, %iota3A : vector<16xi32>
      %ge3A_234 = arith.constant 0 : i32
      %ge3A_235 = vector.broadcast %ge3A_234 : i32 to vector<16xi32>
      %ge3A_236 = arith.cmpi sge, %sub3A_230, %ge3A_235 : vector<16xi32>
      %lt3A_237 = arith.constant 256 : i32
      %lt3A_238 = vector.broadcast %lt3A_237 : i32 to vector<16xi32>
      %lt3A_239 = arith.cmpi slt, %sub3A_230, %lt3A_238 : vector<16xi32>
      %and3A_240 = arith.andi %ge3A_236, %lt3A_239 : vector<16xi1>
      %le3A_241 = arith.constant 320 : i32
      %le3A_242 = vector.broadcast %le3A_241 : i32 to vector<16xi32>
      %le3A_243 = arith.cmpi sle, %add3A_233, %le3A_242 : vector<16xi32>
      %and3A_244 = arith.andi %and3A_240, %le3A_243 : vector<16xi1>
      tpu.vector_store_idx %arg14[%sub3A_230], %broadcast_in_dim3A_4 masked %and3A_244 {add = true} : memref<256xi32, #tpu.memory_space<vmem>>[vector<16xi32>], vector<16xi32>, vector<16xi1>
      %get3A_245 = arith.constant 64 : index
      %get3A_246 = tpu.vector_load %arg7[%get3A_245] {strides = array<i32>} : memref<336xi32, #tpu.memory_space<vmem>>, vector<16xi32>,
      %sub3A_247 = vector.broadcast %multiple_of3A_144 : i32 to vector<16xi32>
      %sub3A_248 = arith.subi %get3A_246, %sub3A_247 : vector<16xi32>
      %add3A_249 = arith.constant 64 : i32
      %add3A_250 = vector.broadcast %add3A_249 : i32 to vector<16xi32>
      %add3A_251 = arith.addi %add3A_250, %iota3A : vector<16xi32>
      %ge3A_252 = arith.constant 0 : i32
      %ge3A_253 = vector.broadcast %ge3A_252 : i32 to vector<16xi32>
      %ge3A_254 = arith.cmpi sge, %sub3A_248, %ge3A_253 : vector<16xi32>
      %lt3A_255 = arith.constant 256 : i32
      %lt3A_256 = vector.broadcast %lt3A_255 : i32 to vector<16xi32>
      %lt3A_257 = arith.cmpi slt, %sub3A_248, %lt3A_256 : vector<16xi32>
      %and3A_258 = arith.andi %ge3A_254, %lt3A_257 : vector<16xi1>
      %le3A_259 = arith.constant 320 : i32
      %le3A_260 = vector.broadcast %le3A_259 : i32 to vector<16xi32>
      %le3A_261 = arith.cmpi sle, %add3A_251, %le3A_260 : vector<16xi32>
      %and3A_262 = arith.andi %and3A_258, %le3A_261 : vector<16xi1>
      tpu.vector_store_idx %arg14[%sub3A_248], %broadcast_in_dim3A_4 masked %and3A_262 {add = true} : memref<256xi32, #tpu.memory_space<vmem>>[vector<16xi32>], vector<16xi32>, vector<16xi1>
      %get3A_263 = arith.constant 80 : index
      %get3A_264 = tpu.vector_load %arg7[%get3A_263] {strides = array<i32>} : memref<336xi32, #tpu.memory_space<vmem>>, vector<16xi32>,
      %sub3A_265 = vector.broadcast %multiple_of3A_144 : i32 to vector<16xi32>
      %sub3A_266 = arith.subi %get3A_264, %sub3A_265 : vector<16xi32>
      %add3A_267 = arith.constant 80 : i32
      %add3A_268 = vector.broadcast %add3A_267 : i32 to vector<16xi32>
      %add3A_269 = arith.addi %add3A_268, %iota3A : vector<16xi32>
      %ge3A_270 = arith.constant 0 : i32
      %ge3A_271 = vector.broadcast %ge3A_270 : i32 to vector<16xi32>
      %ge3A_272 = arith.cmpi sge, %sub3A_266, %ge3A_271 : vector<16xi32>
      %lt3A_273 = arith.constant 256 : i32
      %lt3A_274 = vector.broadcast %lt3A_273 : i32 to vector<16xi32>
      %lt3A_275 = arith.cmpi slt, %sub3A_266, %lt3A_274 : vector<16xi32>
      %and3A_276 = arith.andi %ge3A_272, %lt3A_275 : vector<16xi1>
      %le3A_277 = arith.constant 320 : i32
      %le3A_278 = vector.broadcast %le3A_277 : i32 to vector<16xi32>
      %le3A_279 = arith.cmpi sle, %add3A_269, %le3A_278 : vector<16xi32>
      %and3A_280 = arith.andi %and3A_276, %le3A_279 : vector<16xi1>
      tpu.vector_store_idx %arg14[%sub3A_266], %broadcast_in_dim3A_4 masked %and3A_280 {add = true} : memref<256xi32, #tpu.memory_space<vmem>>[vector<16xi32>], vector<16xi32>, vector<16xi1>
      %get3A_281 = arith.constant 96 : index
      %get3A_282 = tpu.vector_load %arg7[%get3A_281] {strides = array<i32>} : memref<336xi32, #tpu.memory_space<vmem>>, vector<16xi32>,
      %sub3A_283 = vector.broadcast %multiple_of3A_144 : i32 to vector<16xi32>
      %sub3A_284 = arith.subi %get3A_282, %sub3A_283 : vector<16xi32>
      %add3A_285 = arith.constant 96 : i32
      %add3A_286 = vector.broadcast %add3A_285 : i32 to vector<16xi32>
      %add3A_287 = arith.addi %add3A_286, %iota3A : vector<16xi32>
      %ge3A_288 = arith.constant 0 : i32
      %ge3A_289 = vector.broadcast %ge3A_288 : i32 to vector<16xi32>
      %ge3A_290 = arith.cmpi sge, %sub3A_284, %ge3A_289 : vector<16xi32>
      %lt3A_291 = arith.constant 256 : i32
      %lt3A_292 = vector.broadcast %lt3A_291 : i32 to vector<16xi32>
      %lt3A_293 = arith.cmpi slt, %sub3A_284, %lt3A_292 : vector<16xi32>
      %and3A_294 = arith.andi %ge3A_290, %lt3A_293 : vector<16xi1>
      %le3A_295 = arith.constant 320 : i32
      %le3A_296 = vector.broadcast %le3A_295 : i32 to vector<16xi32>
      %le3A_297 = arith.cmpi sle, %add3A_287, %le3A_296 : vector<16xi32>
      %and3A_298 = arith.andi %and3A_294, %le3A_297 : vector<16xi1>
      tpu.vector_store_idx %arg14[%sub3A_284], %broadcast_in_dim3A_4 masked %and3A_298 {add = true} : memref<256xi32, #tpu.memory_space<vmem>>[vector<16xi32>], vector<16xi32>, vector<16xi1>
      %get3A_299 = arith.constant 112 : index
      %get3A_300 = tpu.vector_load %arg7[%get3A_299] {strides = array<i32>} : memref<336xi32, #tpu.memory_space<vmem>>, vector<16xi32>,
      %sub3A_301 = vector.broadcast %multiple_of3A_144 : i32 to vector<16xi32>
      %sub3A_302 = arith.subi %get3A_300, %sub3A_301 : vector<16xi32>
      %add3A_303 = arith.constant 112 : i32
      %add3A_304 = vector.broadcast %add3A_303 : i32 to vector<16xi32>
      %add3A_305 = arith.addi %add3A_304, %iota3A : vector<16xi32>
      %ge3A_306 = arith.constant 0 : i32
      %ge3A_307 = vector.broadcast %ge3A_306 : i32 to vector<16xi32>
      %ge3A_308 = arith.cmpi sge, %sub3A_302, %ge3A_307 : vector<16xi32>
      %lt3A_309 = arith.constant 256 : i32
      %lt3A_310 = vector.broadcast %lt3A_309 : i32 to vector<16xi32>
      %lt3A_311 = arith.cmpi slt, %sub3A_302, %lt3A_310 : vector<16xi32>
      %and3A_312 = arith.andi %ge3A_308, %lt3A_311 : vector<16xi1>
      %le3A_313 = arith.constant 320 : i32
      %le3A_314 = vector.broadcast %le3A_313 : i32 to vector<16xi32>
      %le3A_315 = arith.cmpi sle, %add3A_305, %le3A_314 : vector<16xi32>
      %and3A_316 = arith.andi %and3A_312, %le3A_315 : vector<16xi1>
      tpu.vector_store_idx %arg14[%sub3A_302], %broadcast_in_dim3A_4 masked %and3A_316 {add = true} : memref<256xi32, #tpu.memory_space<vmem>>[vector<16xi32>], vector<16xi32>, vector<16xi1>
      %get3A_317 = arith.constant 128 : index
      %get3A_318 = tpu.vector_load %arg7[%get3A_317] {strides = array<i32>} : memref<336xi32, #tpu.memory_space<vmem>>, vector<16xi32>,
      %sub3A_319 = vector.broadcast %multiple_of3A_144 : i32 to vector<16xi32>
      %sub3A_320 = arith.subi %get3A_318, %sub3A_319 : vector<16xi32>
      %add3A_321 = arith.constant 128 : i32
      %add3A_322 = vector.broadcast %add3A_321 : i32 to vector<16xi32>
      %add3A_323 = arith.addi %add3A_322, %iota3A : vector<16xi32>
      %ge3A_324 = arith.constant 0 : i32
      %ge3A_325 = vector.broadcast %ge3A_324 : i32 to vector<16xi32>
      %ge3A_326 = arith.cmpi sge, %sub3A_320, %ge3A_325 : vector<16xi32>
      %lt3A_327 = arith.constant 256 : i32
      %lt3A_328 = vector.broadcast %lt3A_327 : i32 to vector<16xi32>
      %lt3A_329 = arith.cmpi slt, %sub3A_320, %lt3A_328 : vector<16xi32>
      %and3A_330 = arith.andi %ge3A_326, %lt3A_329 : vector<16xi1>
      %le3A_331 = arith.constant 320 : i32
      %le3A_332 = vector.broadcast %le3A_331 : i32 to vector<16xi32>
      %le3A_333 = arith.cmpi sle, %add3A_323, %le3A_332 : vector<16xi32>
      %and3A_334 = arith.andi %and3A_330, %le3A_333 : vector<16xi1>
      tpu.vector_store_idx %arg14[%sub3A_320], %broadcast_in_dim3A_4 masked %and3A_334 {add = true} : memref<256xi32, #tpu.memory_space<vmem>>[vector<16xi32>], vector<16xi32>, vector<16xi1>
      %get3A_335 = arith.constant 144 : index
      %get3A_336 = tpu.vector_load %arg7[%get3A_335] {strides = array<i32>} : memref<336xi32, #tpu.memory_space<vmem>>, vector<16xi32>,
      %sub3A_337 = vector.broadcast %multiple_of3A_144 : i32 to vector<16xi32>
      %sub3A_338 = arith.subi %get3A_336, %sub3A_337 : vector<16xi32>
      %add3A_339 = arith.constant 144 : i32
      %add3A_340 = vector.broadcast %add3A_339 : i32 to vector<16xi32>
      %add3A_341 = arith.addi %add3A_340, %iota3A : vector<16xi32>
      %ge3A_342 = arith.constant 0 : i32
      %ge3A_343 = vector.broadcast %ge3A_342 : i32 to vector<16xi32>
      %ge3A_344 = arith.cmpi sge, %sub3A_338, %ge3A_343 : vector<16xi32>
      %lt3A_345 = arith.constant 256 : i32
      %lt3A_346 = vector.broadcast %lt3A_345 : i32 to vector<16xi32>
      %lt3A_347 = arith.cmpi slt, %sub3A_338, %lt3A_346 : vector<16xi32>
      %and3A_348 = arith.andi %ge3A_344, %lt3A_347 : vector<16xi1>
      %le3A_349 = arith.constant 320 : i32
      %le3A_350 = vector.broadcast %le3A_349 : i32 to vector<16xi32>
      %le3A_351 = arith.cmpi sle, %add3A_341, %le3A_350 : vector<16xi32>
      %and3A_352 = arith.andi %and3A_348, %le3A_351 : vector<16xi1>
      tpu.vector_store_idx %arg14[%sub3A_338], %broadcast_in_dim3A_4 masked %and3A_352 {add = true} : memref<256xi32, #tpu.memory_space<vmem>>[vector<16xi32>], vector<16xi32>, vector<16xi1>
      %get3A_353 = arith.constant 160 : index
      %get3A_354 = tpu.vector_load %arg7[%get3A_353] {strides = array<i32>} : memref<336xi32, #tpu.memory_space<vmem>>, vector<16xi32>,
      %sub3A_355 = vector.broadcast %multiple_of3A_144 : i32 to vector<16xi32>
      %sub3A_356 = arith.subi %get3A_354, %sub3A_355 : vector<16xi32>
      %add3A_357 = arith.constant 160 : i32
      %add3A_358 = vector.broadcast %add3A_357 : i32 to vector<16xi32>
      %add3A_359 = arith.addi %add3A_358, %iota3A : vector<16xi32>
      %ge3A_360 = arith.constant 0 : i32
      %ge3A_361 = vector.broadcast %ge3A_360 : i32 to vector<16xi32>
      %ge3A_362 = arith.cmpi sge, %sub3A_356, %ge3A_361 : vector<16xi32>
      %lt3A_363 = arith.constant 256 : i32
      %lt3A_364 = vector.broadcast %lt3A_363 : i32 to vector<16xi32>
      %lt3A_365 = arith.cmpi slt, %sub3A_356, %lt3A_364 : vector<16xi32>
      %and3A_366 = arith.andi %ge3A_362, %lt3A_365 : vector<16xi1>
      %le3A_367 = arith.constant 320 : i32
      %le3A_368 = vector.broadcast %le3A_367 : i32 to vector<16xi32>
      %le3A_369 = arith.cmpi sle, %add3A_359, %le3A_368 : vector<16xi32>
      %and3A_370 = arith.andi %and3A_366, %le3A_369 : vector<16xi1>
      tpu.vector_store_idx %arg14[%sub3A_356], %broadcast_in_dim3A_4 masked %and3A_370 {add = true} : memref<256xi32, #tpu.memory_space<vmem>>[vector<16xi32>], vector<16xi32>, vector<16xi1>
      %get3A_371 = arith.constant 176 : index
      %get3A_372 = tpu.vector_load %arg7[%get3A_371] {strides = array<i32>} : memref<336xi32, #tpu.memory_space<vmem>>, vector<16xi32>,
      %sub3A_373 = vector.broadcast %multiple_of3A_144 : i32 to vector<16xi32>
      %sub3A_374 = arith.subi %get3A_372, %sub3A_373 : vector<16xi32>
      %add3A_375 = arith.constant 176 : i32
      %add3A_376 = vector.broadcast %add3A_375 : i32 to vector<16xi32>
      %add3A_377 = arith.addi %add3A_376, %iota3A : vector<16xi32>
      %ge3A_378 = arith.constant 0 : i32
      %ge3A_379 = vector.broadcast %ge3A_378 : i32 to vector<16xi32>
      %ge3A_380 = arith.cmpi sge, %sub3A_374, %ge3A_379 : vector<16xi32>
      %lt3A_381 = arith.constant 256 : i32
      %lt3A_382 = vector.broadcast %lt3A_381 : i32 to vector<16xi32>
      %lt3A_383 = arith.cmpi slt, %sub3A_374, %lt3A_382 : vector<16xi32>
      %and3A_384 = arith.andi %ge3A_380, %lt3A_383 : vector<16xi1>
      %le3A_385 = arith.constant 320 : i32
      %le3A_386 = vector.broadcast %le3A_385 : i32 to vector<16xi32>
      %le3A_387 = arith.cmpi sle, %add3A_377, %le3A_386 : vector<16xi32>
      %and3A_388 = arith.andi %and3A_384, %le3A_387 : vector<16xi1>
      tpu.vector_store_idx %arg14[%sub3A_374], %broadcast_in_dim3A_4 masked %and3A_388 {add = true} : memref<256xi32, #tpu.memory_space<vmem>>[vector<16xi32>], vector<16xi32>, vector<16xi1>
      %get3A_389 = arith.constant 192 : index
      %get3A_390 = tpu.vector_load %arg7[%get3A_389] {strides = array<i32>} : memref<336xi32, #tpu.memory_space<vmem>>, vector<16xi32>,
      %sub3A_391 = vector.broadcast %multiple_of3A_144 : i32 to vector<16xi32>
      %sub3A_392 = arith.subi %get3A_390, %sub3A_391 : vector<16xi32>
      %add3A_393 = arith.constant 192 : i32
      %add3A_394 = vector.broadcast %add3A_393 : i32 to vector<16xi32>
      %add3A_395 = arith.addi %add3A_394, %iota3A : vector<16xi32>
      %ge3A_396 = arith.constant 0 : i32
      %ge3A_397 = vector.broadcast %ge3A_396 : i32 to vector<16xi32>
      %ge3A_398 = arith.cmpi sge, %sub3A_392, %ge3A_397 : vector<16xi32>
      %lt3A_399 = arith.constant 256 : i32
      %lt3A_400 = vector.broadcast %lt3A_399 : i32 to vector<16xi32>
      %lt3A_401 = arith.cmpi slt, %sub3A_392, %lt3A_400 : vector<16xi32>
      %and3A_402 = arith.andi %ge3A_398, %lt3A_401 : vector<16xi1>
      %le3A_403 = arith.constant 320 : i32
      %le3A_404 = vector.broadcast %le3A_403 : i32 to vector<16xi32>
      %le3A_405 = arith.cmpi sle, %add3A_395, %le3A_404 : vector<16xi32>
      %and3A_406 = arith.andi %and3A_402, %le3A_405 : vector<16xi1>
      tpu.vector_store_idx %arg14[%sub3A_392], %broadcast_in_dim3A_4 masked %and3A_406 {add = true} : memref<256xi32, #tpu.memory_space<vmem>>[vector<16xi32>], vector<16xi32>, vector<16xi1>
      %get3A_407 = arith.constant 208 : index
      %get3A_408 = tpu.vector_load %arg7[%get3A_407] {strides = array<i32>} : memref<336xi32, #tpu.memory_space<vmem>>, vector<16xi32>,
      %sub3A_409 = vector.broadcast %multiple_of3A_144 : i32 to vector<16xi32>
      %sub3A_410 = arith.subi %get3A_408, %sub3A_409 : vector<16xi32>
      %add3A_411 = arith.constant 208 : i32
      %add3A_412 = vector.broadcast %add3A_411 : i32 to vector<16xi32>
      %add3A_413 = arith.addi %add3A_412, %iota3A : vector<16xi32>
      %ge3A_414 = arith.constant 0 : i32
      %ge3A_415 = vector.broadcast %ge3A_414 : i32 to vector<16xi32>
      %ge3A_416 = arith.cmpi sge, %sub3A_410, %ge3A_415 : vector<16xi32>
      %lt3A_417 = arith.constant 256 : i32
      %lt3A_418 = vector.broadcast %lt3A_417 : i32 to vector<16xi32>
      %lt3A_419 = arith.cmpi slt, %sub3A_410, %lt3A_418 : vector<16xi32>
      %and3A_420 = arith.andi %ge3A_416, %lt3A_419 : vector<16xi1>
      %le3A_421 = arith.constant 320 : i32
      %le3A_422 = vector.broadcast %le3A_421 : i32 to vector<16xi32>
      %le3A_423 = arith.cmpi sle, %add3A_413, %le3A_422 : vector<16xi32>
      %and3A_424 = arith.andi %and3A_420, %le3A_423 : vector<16xi1>
      tpu.vector_store_idx %arg14[%sub3A_410], %broadcast_in_dim3A_4 masked %and3A_424 {add = true} : memref<256xi32, #tpu.memory_space<vmem>>[vector<16xi32>], vector<16xi32>, vector<16xi1>
      %get3A_425 = arith.constant 224 : index
      %get3A_426 = tpu.vector_load %arg7[%get3A_425] {strides = array<i32>} : memref<336xi32, #tpu.memory_space<vmem>>, vector<16xi32>,
      %sub3A_427 = vector.broadcast %multiple_of3A_144 : i32 to vector<16xi32>
      %sub3A_428 = arith.subi %get3A_426, %sub3A_427 : vector<16xi32>
      %add3A_429 = arith.constant 224 : i32
      %add3A_430 = vector.broadcast %add3A_429 : i32 to vector<16xi32>
      %add3A_431 = arith.addi %add3A_430, %iota3A : vector<16xi32>
      %ge3A_432 = arith.constant 0 : i32
      %ge3A_433 = vector.broadcast %ge3A_432 : i32 to vector<16xi32>
      %ge3A_434 = arith.cmpi sge, %sub3A_428, %ge3A_433 : vector<16xi32>
      %lt3A_435 = arith.constant 256 : i32
      %lt3A_436 = vector.broadcast %lt3A_435 : i32 to vector<16xi32>
      %lt3A_437 = arith.cmpi slt, %sub3A_428, %lt3A_436 : vector<16xi32>
      %and3A_438 = arith.andi %ge3A_434, %lt3A_437 : vector<16xi1>
      %le3A_439 = arith.constant 320 : i32
      %le3A_440 = vector.broadcast %le3A_439 : i32 to vector<16xi32>
      %le3A_441 = arith.cmpi sle, %add3A_431, %le3A_440 : vector<16xi32>
      %and3A_442 = arith.andi %and3A_438, %le3A_441 : vector<16xi1>
      tpu.vector_store_idx %arg14[%sub3A_428], %broadcast_in_dim3A_4 masked %and3A_442 {add = true} : memref<256xi32, #tpu.memory_space<vmem>>[vector<16xi32>], vector<16xi32>, vector<16xi1>
      %get3A_443 = arith.constant 240 : index
      %get3A_444 = tpu.vector_load %arg7[%get3A_443] {strides = array<i32>} : memref<336xi32, #tpu.memory_space<vmem>>, vector<16xi32>,
      %sub3A_445 = vector.broadcast %multiple_of3A_144 : i32 to vector<16xi32>
      %sub3A_446 = arith.subi %get3A_444, %sub3A_445 : vector<16xi32>
      %add3A_447 = arith.constant 240 : i32
      %add3A_448 = vector.broadcast %add3A_447 : i32 to vector<16xi32>
      %add3A_449 = arith.addi %add3A_448, %iota3A : vector<16xi32>
      %ge3A_450 = arith.constant 0 : i32
      %ge3A_451 = vector.broadcast %ge3A_450 : i32 to vector<16xi32>
      %ge3A_452 = arith.cmpi sge, %sub3A_446, %ge3A_451 : vector<16xi32>
      %lt3A_453 = arith.constant 256 : i32
      %lt3A_454 = vector.broadcast %lt3A_453 : i32 to vector<16xi32>
      %lt3A_455 = arith.cmpi slt, %sub3A_446, %lt3A_454 : vector<16xi32>
      %and3A_456 = arith.andi %ge3A_452, %lt3A_455 : vector<16xi1>
      %le3A_457 = arith.constant 320 : i32
      %le3A_458 = vector.broadcast %le3A_457 : i32 to vector<16xi32>
      %le3A_459 = arith.cmpi sle, %add3A_449, %le3A_458 : vector<16xi32>
      %and3A_460 = arith.andi %and3A_456, %le3A_459 : vector<16xi1>
      tpu.vector_store_idx %arg14[%sub3A_446], %broadcast_in_dim3A_4 masked %and3A_460 {add = true} : memref<256xi32, #tpu.memory_space<vmem>>[vector<16xi32>], vector<16xi32>, vector<16xi1>
      %get3A_461 = arith.constant 256 : index
      %get3A_462 = tpu.vector_load %arg7[%get3A_461] {strides = array<i32>} : memref<336xi32, #tpu.memory_space<vmem>>, vector<16xi32>,
      %sub3A_463 = vector.broadcast %multiple_of3A_144 : i32 to vector<16xi32>
      %sub3A_464 = arith.subi %get3A_462, %sub3A_463 : vector<16xi32>
      %add3A_465 = arith.constant 256 : i32
      %add3A_466 = vector.broadcast %add3A_465 : i32 to vector<16xi32>
      %add3A_467 = arith.addi %add3A_466, %iota3A : vector<16xi32>
      %ge3A_468 = arith.constant 0 : i32
      %ge3A_469 = vector.broadcast %ge3A_468 : i32 to vector<16xi32>
      %ge3A_470 = arith.cmpi sge, %sub3A_464, %ge3A_469 : vector<16xi32>
      %lt3A_471 = arith.constant 256 : i32
      %lt3A_472 = vector.broadcast %lt3A_471 : i32 to vector<16xi32>
      %lt3A_473 = arith.cmpi slt, %sub3A_464, %lt3A_472 : vector<16xi32>
      %and3A_474 = arith.andi %ge3A_470, %lt3A_473 : vector<16xi1>
      %le3A_475 = arith.constant 320 : i32
      %le3A_476 = vector.broadcast %le3A_475 : i32 to vector<16xi32>
      %le3A_477 = arith.cmpi sle, %add3A_467, %le3A_476 : vector<16xi32>
      %and3A_478 = arith.andi %and3A_474, %le3A_477 : vector<16xi1>
      tpu.vector_store_idx %arg14[%sub3A_464], %broadcast_in_dim3A_4 masked %and3A_478 {add = true} : memref<256xi32, #tpu.memory_space<vmem>>[vector<16xi32>], vector<16xi32>, vector<16xi1>
      %get3A_479 = arith.constant 272 : index
      %get3A_480 = tpu.vector_load %arg7[%get3A_479] {strides = array<i32>} : memref<336xi32, #tpu.memory_space<vmem>>, vector<16xi32>,
      %sub3A_481 = vector.broadcast %multiple_of3A_144 : i32 to vector<16xi32>
      %sub3A_482 = arith.subi %get3A_480, %sub3A_481 : vector<16xi32>
      %add3A_483 = arith.constant 272 : i32
      %add3A_484 = vector.broadcast %add3A_483 : i32 to vector<16xi32>
      %add3A_485 = arith.addi %add3A_484, %iota3A : vector<16xi32>
      %ge3A_486 = arith.constant 0 : i32
      %ge3A_487 = vector.broadcast %ge3A_486 : i32 to vector<16xi32>
      %ge3A_488 = arith.cmpi sge, %sub3A_482, %ge3A_487 : vector<16xi32>
      %lt3A_489 = arith.constant 256 : i32
      %lt3A_490 = vector.broadcast %lt3A_489 : i32 to vector<16xi32>
      %lt3A_491 = arith.cmpi slt, %sub3A_482, %lt3A_490 : vector<16xi32>
      %and3A_492 = arith.andi %ge3A_488, %lt3A_491 : vector<16xi1>
      %le3A_493 = arith.constant 320 : i32
      %le3A_494 = vector.broadcast %le3A_493 : i32 to vector<16xi32>
      %le3A_495 = arith.cmpi sle, %add3A_485, %le3A_494 : vector<16xi32>
      %and3A_496 = arith.andi %and3A_492, %le3A_495 : vector<16xi1>
      tpu.vector_store_idx %arg14[%sub3A_482], %broadcast_in_dim3A_4 masked %and3A_496 {add = true} : memref<256xi32, #tpu.memory_space<vmem>>[vector<16xi32>], vector<16xi32>, vector<16xi1>
      %get3A_497 = arith.constant 288 : index
      %get3A_498 = tpu.vector_load %arg7[%get3A_497] {strides = array<i32>} : memref<336xi32, #tpu.memory_space<vmem>>, vector<16xi32>,
      %sub3A_499 = vector.broadcast %multiple_of3A_144 : i32 to vector<16xi32>
      %sub3A_500 = arith.subi %get3A_498, %sub3A_499 : vector<16xi32>
      %add3A_501 = arith.constant 288 : i32
      %add3A_502 = vector.broadcast %add3A_501 : i32 to vector<16xi32>
      %add3A_503 = arith.addi %add3A_502, %iota3A : vector<16xi32>
      %ge3A_504 = arith.constant 0 : i32
      %ge3A_505 = vector.broadcast %ge3A_504 : i32 to vector<16xi32>
      %ge3A_506 = arith.cmpi sge, %sub3A_500, %ge3A_505 : vector<16xi32>
      %lt3A_507 = arith.constant 256 : i32
      %lt3A_508 = vector.broadcast %lt3A_507 : i32 to vector<16xi32>
      %lt3A_509 = arith.cmpi slt, %sub3A_500, %lt3A_508 : vector<16xi32>
      %and3A_510 = arith.andi %ge3A_506, %lt3A_509 : vector<16xi1>
      %le3A_511 = arith.constant 320 : i32
      %le3A_512 = vector.broadcast %le3A_511 : i32 to vector<16xi32>
      %le3A_513 = arith.cmpi sle, %add3A_503, %le3A_512 : vector<16xi32>
      %and3A_514 = arith.andi %and3A_510, %le3A_513 : vector<16xi1>
      tpu.vector_store_idx %arg14[%sub3A_500], %broadcast_in_dim3A_4 masked %and3A_514 {add = true} : memref<256xi32, #tpu.memory_space<vmem>>[vector<16xi32>], vector<16xi32>, vector<16xi1>
      %get3A_515 = arith.constant 304 : index
      %get3A_516 = tpu.vector_load %arg7[%get3A_515] {strides = array<i32>} : memref<336xi32, #tpu.memory_space<vmem>>, vector<16xi32>,
      %sub3A_517 = vector.broadcast %multiple_of3A_144 : i32 to vector<16xi32>
      %sub3A_518 = arith.subi %get3A_516, %sub3A_517 : vector<16xi32>
      %add3A_519 = arith.constant 304 : i32
      %add3A_520 = vector.broadcast %add3A_519 : i32 to vector<16xi32>
      %add3A_521 = arith.addi %add3A_520, %iota3A : vector<16xi32>
      %ge3A_522 = arith.constant 0 : i32
      %ge3A_523 = vector.broadcast %ge3A_522 : i32 to vector<16xi32>
      %ge3A_524 = arith.cmpi sge, %sub3A_518, %ge3A_523 : vector<16xi32>
      %lt3A_525 = arith.constant 256 : i32
      %lt3A_526 = vector.broadcast %lt3A_525 : i32 to vector<16xi32>
      %lt3A_527 = arith.cmpi slt, %sub3A_518, %lt3A_526 : vector<16xi32>
      %and3A_528 = arith.andi %ge3A_524, %lt3A_527 : vector<16xi1>
      %le3A_529 = arith.constant 320 : i32
      %le3A_530 = vector.broadcast %le3A_529 : i32 to vector<16xi32>
      %le3A_531 = arith.cmpi sle, %add3A_521, %le3A_530 : vector<16xi32>
      %and3A_532 = arith.andi %and3A_528, %le3A_531 : vector<16xi1>
      tpu.vector_store_idx %arg14[%sub3A_518], %broadcast_in_dim3A_4 masked %and3A_532 {add = true} : memref<256xi32, #tpu.memory_space<vmem>>[vector<16xi32>], vector<16xi32>, vector<16xi1>
      %get3A_533 = arith.constant 320 : index
      %get3A_534 = tpu.vector_load %arg7[%get3A_533] {strides = array<i32>} : memref<336xi32, #tpu.memory_space<vmem>>, vector<16xi32>,
      %sub3A_535 = vector.broadcast %multiple_of3A_144 : i32 to vector<16xi32>
      %sub3A_536 = arith.subi %get3A_534, %sub3A_535 : vector<16xi32>
      %add3A_537 = arith.constant 320 : i32
      %add3A_538 = vector.broadcast %add3A_537 : i32 to vector<16xi32>
      %add3A_539 = arith.addi %add3A_538, %iota3A : vector<16xi32>
      %ge3A_540 = arith.constant 0 : i32
      %ge3A_541 = vector.broadcast %ge3A_540 : i32 to vector<16xi32>
      %ge3A_542 = arith.cmpi sge, %sub3A_536, %ge3A_541 : vector<16xi32>
      %lt3A_543 = arith.constant 256 : i32
      %lt3A_544 = vector.broadcast %lt3A_543 : i32 to vector<16xi32>
      %lt3A_545 = arith.cmpi slt, %sub3A_536, %lt3A_544 : vector<16xi32>
      %and3A_546 = arith.andi %ge3A_542, %lt3A_545 : vector<16xi1>
      %le3A_547 = arith.constant 320 : i32
      %le3A_548 = vector.broadcast %le3A_547 : i32 to vector<16xi32>
      %le3A_549 = arith.cmpi sle, %add3A_539, %le3A_548 : vector<16xi32>
      %and3A_550 = arith.andi %and3A_546, %le3A_549 : vector<16xi1>
      tpu.vector_store_idx %arg14[%sub3A_536], %broadcast_in_dim3A_4 masked %and3A_550 {add = true} : memref<256xi32, #tpu.memory_space<vmem>>[vector<16xi32>], vector<16xi32>, vector<16xi1>
      %scan3A = arith.constant 0 : i32
      %scan3A_551 = arith.constant 16 : i32
      %scan3A_552 = arith.addi %scan3A, %scan3A_551 : i32
      %scan3A_553 = arith.constant 1 : i32
      %scan3A_554 = scf.for %scan3A_1055 = %scan3A to %scan3A_552 step %scan3A_553 iter_args(%scan3A_1056 = %while3A_113) -> (i32)  : i32 {
        %mul3A_1057 = arith.constant 16 : i32
        %mul3A_1058 = arith.muli %mul3A_1057, %scan3A_1055 : i32
        %get3A_1059 = arith.index_cast %mul3A_1058 : i32 to index
        %get3A_1060 = tpu.vector_load %arg14[%get3A_1059] {strides = array<i32>} : memref<256xi32, #tpu.memory_space<vmem>>, vector<16xi32>,
        %broadcast_in_dim3A_1061 = arith.constant true
        %broadcast_in_dim3A_1062 = vector.broadcast %broadcast_in_dim3A_1061 : i1 to vector<16xi1>
        %masked_cumsum3A = tpu.scan <sum>, %get3A_1060 masked %broadcast_in_dim3A_1062 : vector<16xi32>, vector<16xi1> -> vector<16xi32>
        %add3A_1063 = vector.broadcast %scan3A_1056 : i32 to vector<16xi32>
        %add3A_1064 = arith.addi %masked_cumsum3A, %add3A_1063 : vector<16xi32>
        %sub3A_1065 = arith.constant 1 : i32
        %sub3A_1066 = vector.broadcast %sub3A_1065 : i32 to vector<16xi32>
        %sub3A_1067 = arith.subi %add3A_1064, %sub3A_1066 : vector<16xi32>
        %lt3A_1068 = arith.constant 0 : i32
        %lt3A_1069 = vector.broadcast %lt3A_1068 : i32 to vector<16xi32>
        %lt3A_1070 = arith.cmpi slt, %sub3A_1067, %lt3A_1069 : vector<16xi32>
        %ge3A_1071 = arith.constant 320 : i32
        %ge3A_1072 = vector.broadcast %ge3A_1071 : i32 to vector<16xi32>
        %ge3A_1073 = arith.cmpi sge, %sub3A_1067, %ge3A_1072 : vector<16xi32>
        %or3A = arith.ori %lt3A_1070, %ge3A_1073 : vector<16xi1>
        %jit3A_1074 = arith.constant 320 : i32
        %broadcast_in_dim3A_1075 = vector.broadcast %jit3A_1074 : i32 to vector<16xi32>
        %select_n3A_1076 = arith.select %or3A, %broadcast_in_dim3A_1075, %sub3A_1067 : vector<16xi1>, vector<16xi32>
        %mul3A_1077 = arith.constant 16 : i32
        %mul3A_1078 = arith.muli %mul3A_1077, %scan3A_1055 : i32
        %swap3A_1079 = arith.index_cast %mul3A_1078 : i32 to index
        %swap3A_1080 = tpu.vector_load %arg15[%swap3A_1079] {strides = array<i32>} : memref<256xi32, #tpu.memory_space<vmem>>, vector<16xi32>,
        tpu.vector_store %arg15[%swap3A_1079], %select_n3A_1076 {strides = array<i32>} : memref<256xi32, #tpu.memory_space<vmem>>, vector<16xi32>,
        %reduce_sum3A_1081 = arith.constant true
        %reduce_sum3A_1082 = vector.broadcast %reduce_sum3A_1081 : i1 to vector<16xi1>
        %reduce_sum3A_1083 = tpu.scan <sum>, %get3A_1060 masked %reduce_sum3A_1082 : vector<16xi32>, vector<16xi1> -> vector<16xi32>
        %reduce_sum3A_1084 = vector.extract %reduce_sum3A_1083[15] : i32 from vector<16xi32>
        %add3A_1085 = arith.addi %scan3A_1056, %reduce_sum3A_1084 : i32
        scf.yield %add3A_1085 : i32
      }
      %scan3A_555 = arith.constant 16 : i32
      %dma_wait3A_556 = arith.constant 0 : i32
      %dma_wait3A_557 = arith.constant 0 : i32
      %dma_wait3A_558 = tpu.memref_slice %arg5[%dma_wait3A_556, %dma_wait3A_557] : memref<10000x128xf32, #tpu.memory_space<hbm>> -> memref<10000x128xf32, #tpu.memory_space<hbm>>
      tpu.wait_indirect_dma semaphore(%arg19 : memref<!tpu.dma_semaphore, #tpu.memory_space<semaphore_mem>>) src(%dma_wait3A_558 : memref<10000x128xf32, #tpu.memory_space<hbm>>) dst(%arg10 : memref<256x128xf32, #tpu.memory_space<vmem>>)
      %dma_wait3A_559 = arith.constant 0 : i32
      %dma_wait3A_560 = tpu.memref_slice %arg12[%dma_wait3A_559] : memref<2064xf32, #tpu.memory_space<vmem>> -> memref<2048xf32, #tpu.memory_space<vmem>>
      %dma_wait3A_561 = arith.constant 0 : i32
      %dma_wait3A_562 = tpu.memref_slice %arg4[%dma_wait3A_561] : memref<2560000xf32, #tpu.memory_space<hbm>> -> memref<2048xf32, #tpu.memory_space<hbm>>
      %dma_wait3A_563 = arith.constant 0 : i32
      %dma_wait3A_564 = tpu.memref_slice %arg12[%dma_wait3A_563] : memref<2064xf32, #tpu.memory_space<vmem>> -> memref<2048xf32, #tpu.memory_space<vmem>>
      %dma_wait3A_565 = arith.constant 0 : i32
      %dma_wait3A_566 = tpu.memref_slice %arg4[%dma_wait3A_565] : memref<2560000xf32, #tpu.memory_space<hbm>> -> memref<2048xf32, #tpu.memory_space<hbm>>
      tpu.wait_dma2 semaphore(%arg23 : memref<!tpu.dma_semaphore, #tpu.memory_space<semaphore_mem>>) src(%dma_wait3A_566 : memref<2048xf32, #tpu.memory_space<hbm>>) dst(%dma_wait3A_564 : memref<2048xf32, #tpu.memory_space<vmem>>)
      %add3A_567 = arith.constant 2 : i32
      %add3A_568 = arith.addi %mul3A_115, %add3A_567 : i32
      %mul3A_569 = arith.constant 256 : i32
      %mul3A_570 = arith.muli %mul3A_569, %add3A_568 : i32
      %add3A_571 = arith.addi %sub3A, %mul3A_570 : i32
      %multiple_of3A_572 = tpu.assume_multiple %add3A_571, 256 : i32
      %min3A_573 = arith.constant 319744 : i32
      %min3A_574 = arith.minsi %multiple_of3A_572, %min3A_573 : i32
      %multiple_of3A_575 = tpu.assume_multiple %min3A_574, 256 : i32
      %dma_start3A_576 = tpu.memref_slice %arg3[%multiple_of3A_575] : memref<320000xi32, #tpu.memory_space<hbm>> -> memref<256xi32, #tpu.memory_space<hbm>>
      %dma_start3A_577 = tpu.memref_slice %arg3[%multiple_of3A_575] : memref<320000xi32, #tpu.memory_space<hbm>> -> memref<256xi32, #tpu.memory_space<hbm>>
      tpu.enqueue_dma source(%dma_start3A_577 : memref<256xi32, #tpu.memory_space<hbm>>) target(%arg8 : memref<256xi32, #tpu.memory_space<vmem>>) target_semaphore(%arg17 : memref<!tpu.dma_semaphore, #tpu.memory_space<semaphore_mem>>)
      %parallel_loop3A_578 = arith.constant 0 : i32
      %parallel_loop3A_579 = arith.constant 256 : i32
      %parallel_loop3A_580 = arith.constant 1 : i32
      scf.for %parallel_loop3A_1055 = %parallel_loop3A_578 to %parallel_loop3A_579 step %parallel_loop3A_580  : i32 {
        %parallel_loop3A_1056 = vector.broadcast %parallel_loop3A_1055 : i32 to vector<16xi32>
        %parallel_loop3A_1057 = tpu.vector_load_idx %arg15[%parallel_loop3A_1056] : memref<256xi32, #tpu.memory_space<vmem>>[vector<16xi32>], vector<16xi32>,
        %parallel_loop3A_1058 = arith.constant 8 : i32
        %parallel_loop3A_1059 = arith.muli %parallel_loop3A_1058, %parallel_loop3A_1055 : i32
        %parallel_loop3A_1060 = arith.index_cast %parallel_loop3A_1059 : i32 to index
        %parallel_loop3A_1061 = tpu.vector_load %arg12[%parallel_loop3A_1060] {strides = array<i32>} : memref<2064xf32, #tpu.memory_space<vmem>>, vector<16xf32>,
        %parallel_loop3A_1062 = arith.constant 0 : i32
        %parallel_loop3A_1063 = vector.broadcast %parallel_loop3A_1062 : i32 to vector<16xi32>
        %parallel_loop3A_1064 = vector.shape_cast %parallel_loop3A_1063 : vector<16xi32> to vector<16x1xi32>
        %parallel_loop3A_1065 = vector.shape_cast %parallel_loop3A_1064 : vector<16x1xi32> to vector<16xi32>
        %parallel_loop3A_1066 = tpu.dynamic_gather %parallel_loop3A_1061[%parallel_loop3A_1065] in [0] : vector<16xf32>, vector<16xi32> -> vector<16xf32>
        %parallel_loop3A_1067 = arith.index_cast %parallel_loop3A_1055 : i32 to index
        %parallel_loop3A_1068 = arith.constant 0 : index
        %parallel_loop3A_1069 = tpu.vector_load %arg10[%parallel_loop3A_1067, %parallel_loop3A_1068] {strides = array<i32>} : memref<256x128xf32, #tpu.memory_space<vmem>>, vector<16xf32>,
        %parallel_loop3A_1070 = arith.constant 0 : i32
        %parallel_loop3A_1071 = vector.broadcast %parallel_loop3A_1070 : i32 to vector<16xi32>
        %parallel_loop3A_1072 = arith.addi %iota3A, %parallel_loop3A_1071 : vector<16xi32>
        %parallel_loop3A_1073 = arith.mulf %parallel_loop3A_1069, %parallel_loop3A_1066 : vector<16xf32>
        tpu.vector_store_idx %arg16[%parallel_loop3A_1057, %parallel_loop3A_1072], %parallel_loop3A_1073 {add = true} : memref<321x128xf32, #tpu.memory_space<vmem>>[vector<16xi32>, vector<16xi32>], vector<16xf32>,
        %parallel_loop3A_1074 = arith.constant 1 : i32
        %parallel_loop3A_1075 = vector.broadcast %parallel_loop3A_1074 : i32 to vector<16xi32>
        %parallel_loop3A_1076 = vector.shape_cast %parallel_loop3A_1075 : vector<16xi32> to vector<16x1xi32>
        %parallel_loop3A_1077 = vector.shape_cast %parallel_loop3A_1076 : vector<16x1xi32> to vector<16xi32>
        %parallel_loop3A_1078 = tpu.dynamic_gather %parallel_loop3A_1061[%parallel_loop3A_1077] in [0] : vector<16xf32>, vector<16xi32> -> vector<16xf32>
        %parallel_loop3A_1079 = arith.index_cast %parallel_loop3A_1055 : i32 to index
        %parallel_loop3A_1080 = arith.constant 16 : index
        %parallel_loop3A_1081 = tpu.vector_load %arg10[%parallel_loop3A_1079, %parallel_loop3A_1080] {strides = array<i32>} : memref<256x128xf32, #tpu.memory_space<vmem>>, vector<16xf32>,
        %parallel_loop3A_1082 = arith.constant 16 : i32
        %parallel_loop3A_1083 = vector.broadcast %parallel_loop3A_1082 : i32 to vector<16xi32>
        %parallel_loop3A_1084 = arith.addi %iota3A, %parallel_loop3A_1083 : vector<16xi32>
        %parallel_loop3A_1085 = arith.mulf %parallel_loop3A_1081, %parallel_loop3A_1078 : vector<16xf32>
        tpu.vector_store_idx %arg16[%parallel_loop3A_1057, %parallel_loop3A_1084], %parallel_loop3A_1085 {add = true} : memref<321x128xf32, #tpu.memory_space<vmem>>[vector<16xi32>, vector<16xi32>], vector<16xf32>,
        %parallel_loop3A_1086 = arith.constant 2 : i32
        %parallel_loop3A_1087 = vector.broadcast %parallel_loop3A_1086 : i32 to vector<16xi32>
        %parallel_loop3A_1088 = vector.shape_cast %parallel_loop3A_1087 : vector<16xi32> to vector<16x1xi32>
        %parallel_loop3A_1089 = vector.shape_cast %parallel_loop3A_1088 : vector<16x1xi32> to vector<16xi32>
        %parallel_loop3A_1090 = tpu.dynamic_gather %parallel_loop3A_1061[%parallel_loop3A_1089] in [0] : vector<16xf32>, vector<16xi32> -> vector<16xf32>
        %parallel_loop3A_1091 = arith.index_cast %parallel_loop3A_1055 : i32 to index
        %parallel_loop3A_1092 = arith.constant 32 : index
        %parallel_loop3A_1093 = tpu.vector_load %arg10[%parallel_loop3A_1091, %parallel_loop3A_1092] {strides = array<i32>} : memref<256x128xf32, #tpu.memory_space<vmem>>, vector<16xf32>,
        %parallel_loop3A_1094 = arith.constant 32 : i32
        %parallel_loop3A_1095 = vector.broadcast %parallel_loop3A_1094 : i32 to vector<16xi32>
        %parallel_loop3A_1096 = arith.addi %iota3A, %parallel_loop3A_1095 : vector<16xi32>
        %parallel_loop3A_1097 = arith.mulf %parallel_loop3A_1093, %parallel_loop3A_1090 : vector<16xf32>
        tpu.vector_store_idx %arg16[%parallel_loop3A_1057, %parallel_loop3A_1096], %parallel_loop3A_1097 {add = true} : memref<321x128xf32, #tpu.memory_space<vmem>>[vector<16xi32>, vector<16xi32>], vector<16xf32>,
        %parallel_loop3A_1098 = arith.constant 3 : i32
        %parallel_loop3A_1099 = vector.broadcast %parallel_loop3A_1098 : i32 to vector<16xi32>
        %parallel_loop3A_1100 = vector.shape_cast %parallel_loop3A_1099 : vector<16xi32> to vector<16x1xi32>
        %parallel_loop3A_1101 = vector.shape_cast %parallel_loop3A_1100 : vector<16x1xi32> to vector<16xi32>
        %parallel_loop3A_1102 = tpu.dynamic_gather %parallel_loop3A_1061[%parallel_loop3A_1101] in [0] : vector<16xf32>, vector<16xi32> -> vector<16xf32>
        %parallel_loop3A_1103 = arith.index_cast %parallel_loop3A_1055 : i32 to index
        %parallel_loop3A_1104 = arith.constant 48 : index
        %parallel_loop3A_1105 = tpu.vector_load %arg10[%parallel_loop3A_1103, %parallel_loop3A_1104] {strides = array<i32>} : memref<256x128xf32, #tpu.memory_space<vmem>>, vector<16xf32>,
        %parallel_loop3A_1106 = arith.constant 48 : i32
        %parallel_loop3A_1107 = vector.broadcast %parallel_loop3A_1106 : i32 to vector<16xi32>
        %parallel_loop3A_1108 = arith.addi %iota3A, %parallel_loop3A_1107 : vector<16xi32>
        %parallel_loop3A_1109 = arith.mulf %parallel_loop3A_1105, %parallel_loop3A_1102 : vector<16xf32>
        tpu.vector_store_idx %arg16[%parallel_loop3A_1057, %parallel_loop3A_1108], %parallel_loop3A_1109 {add = true} : memref<321x128xf32, #tpu.memory_space<vmem>>[vector<16xi32>, vector<16xi32>], vector<16xf32>,
        %parallel_loop3A_1110 = arith.constant 4 : i32
        %parallel_loop3A_1111 = vector.broadcast %parallel_loop3A_1110 : i32 to vector<16xi32>
        %parallel_loop3A_1112 = vector.shape_cast %parallel_loop3A_1111 : vector<16xi32> to vector<16x1xi32>
        %parallel_loop3A_1113 = vector.shape_cast %parallel_loop3A_1112 : vector<16x1xi32> to vector<16xi32>
        %parallel_loop3A_1114 = tpu.dynamic_gather %parallel_loop3A_1061[%parallel_loop3A_1113] in [0] : vector<16xf32>, vector<16xi32> -> vector<16xf32>
        %parallel_loop3A_1115 = arith.index_cast %parallel_loop3A_1055 : i32 to index
        %parallel_loop3A_1116 = arith.constant 64 : index
        %parallel_loop3A_1117 = tpu.vector_load %arg10[%parallel_loop3A_1115, %parallel_loop3A_1116] {strides = array<i32>} : memref<256x128xf32, #tpu.memory_space<vmem>>, vector<16xf32>,
        %parallel_loop3A_1118 = arith.constant 64 : i32
        %parallel_loop3A_1119 = vector.broadcast %parallel_loop3A_1118 : i32 to vector<16xi32>
        %parallel_loop3A_1120 = arith.addi %iota3A, %parallel_loop3A_1119 : vector<16xi32>
        %parallel_loop3A_1121 = arith.mulf %parallel_loop3A_1117, %parallel_loop3A_1114 : vector<16xf32>
        tpu.vector_store_idx %arg16[%parallel_loop3A_1057, %parallel_loop3A_1120], %parallel_loop3A_1121 {add = true} : memref<321x128xf32, #tpu.memory_space<vmem>>[vector<16xi32>, vector<16xi32>], vector<16xf32>,
        %parallel_loop3A_1122 = arith.constant 5 : i32
        %parallel_loop3A_1123 = vector.broadcast %parallel_loop3A_1122 : i32 to vector<16xi32>
        %parallel_loop3A_1124 = vector.shape_cast %parallel_loop3A_1123 : vector<16xi32> to vector<16x1xi32>
        %parallel_loop3A_1125 = vector.shape_cast %parallel_loop3A_1124 : vector<16x1xi32> to vector<16xi32>
        %parallel_loop3A_1126 = tpu.dynamic_gather %parallel_loop3A_1061[%parallel_loop3A_1125] in [0] : vector<16xf32>, vector<16xi32> -> vector<16xf32>
        %parallel_loop3A_1127 = arith.index_cast %parallel_loop3A_1055 : i32 to index
        %parallel_loop3A_1128 = arith.constant 80 : index
        %parallel_loop3A_1129 = tpu.vector_load %arg10[%parallel_loop3A_1127, %parallel_loop3A_1128] {strides = array<i32>} : memref<256x128xf32, #tpu.memory_space<vmem>>, vector<16xf32>,
        %parallel_loop3A_1130 = arith.constant 80 : i32
        %parallel_loop3A_1131 = vector.broadcast %parallel_loop3A_1130 : i32 to vector<16xi32>
        %parallel_loop3A_1132 = arith.addi %iota3A, %parallel_loop3A_1131 : vector<16xi32>
        %parallel_loop3A_1133 = arith.mulf %parallel_loop3A_1129, %parallel_loop3A_1126 : vector<16xf32>
        tpu.vector_store_idx %arg16[%parallel_loop3A_1057, %parallel_loop3A_1132], %parallel_loop3A_1133 {add = true} : memref<321x128xf32, #tpu.memory_space<vmem>>[vector<16xi32>, vector<16xi32>], vector<16xf32>,
        %parallel_loop3A_1134 = arith.constant 6 : i32
        %parallel_loop3A_1135 = vector.broadcast %parallel_loop3A_1134 : i32 to vector<16xi32>
        %parallel_loop3A_1136 = vector.shape_cast %parallel_loop3A_1135 : vector<16xi32> to vector<16x1xi32>
        %parallel_loop3A_1137 = vector.shape_cast %parallel_loop3A_1136 : vector<16x1xi32> to vector<16xi32>
        %parallel_loop3A_1138 = tpu.dynamic_gather %parallel_loop3A_1061[%parallel_loop3A_1137] in [0] : vector<16xf32>, vector<16xi32> -> vector<16xf32>
        %parallel_loop3A_1139 = arith.index_cast %parallel_loop3A_1055 : i32 to index
        %parallel_loop3A_1140 = arith.constant 96 : index
        %parallel_loop3A_1141 = tpu.vector_load %arg10[%parallel_loop3A_1139, %parallel_loop3A_1140] {strides = array<i32>} : memref<256x128xf32, #tpu.memory_space<vmem>>, vector<16xf32>,
        %parallel_loop3A_1142 = arith.constant 96 : i32
        %parallel_loop3A_1143 = vector.broadcast %parallel_loop3A_1142 : i32 to vector<16xi32>
        %parallel_loop3A_1144 = arith.addi %iota3A, %parallel_loop3A_1143 : vector<16xi32>
        %parallel_loop3A_1145 = arith.mulf %parallel_loop3A_1141, %parallel_loop3A_1138 : vector<16xf32>
        tpu.vector_store_idx %arg16[%parallel_loop3A_1057, %parallel_loop3A_1144], %parallel_loop3A_1145 {add = true} : memref<321x128xf32, #tpu.memory_space<vmem>>[vector<16xi32>, vector<16xi32>], vector<16xf32>,
        %parallel_loop3A_1146 = arith.constant 7 : i32
        %parallel_loop3A_1147 = vector.broadcast %parallel_loop3A_1146 : i32 to vector<16xi32>
        %parallel_loop3A_1148 = vector.shape_cast %parallel_loop3A_1147 : vector<16xi32> to vector<16x1xi32>
        %parallel_loop3A_1149 = vector.shape_cast %parallel_loop3A_1148 : vector<16x1xi32> to vector<16xi32>
        %parallel_loop3A_1150 = tpu.dynamic_gather %parallel_loop3A_1061[%parallel_loop3A_1149] in [0] : vector<16xf32>, vector<16xi32> -> vector<16xf32>
        %parallel_loop3A_1151 = arith.index_cast %parallel_loop3A_1055 : i32 to index
        %parallel_loop3A_1152 = arith.constant 112 : index
        %parallel_loop3A_1153 = tpu.vector_load %arg10[%parallel_loop3A_1151, %parallel_loop3A_1152] {strides = array<i32>} : memref<256x128xf32, #tpu.memory_space<vmem>>, vector<16xf32>,
        %parallel_loop3A_1154 = arith.constant 112 : i32
        %parallel_loop3A_1155 = vector.broadcast %parallel_loop3A_1154 : i32 to vector<16xi32>
        %parallel_loop3A_1156 = arith.addi %iota3A, %parallel_loop3A_1155 : vector<16xi32>
        %parallel_loop3A_1157 = arith.mulf %parallel_loop3A_1153, %parallel_loop3A_1150 : vector<16xf32>
        tpu.vector_store_idx %arg16[%parallel_loop3A_1057, %parallel_loop3A_1156], %parallel_loop3A_1157 {add = true} : memref<321x128xf32, #tpu.memory_space<vmem>>[vector<16xi32>, vector<16xi32>], vector<16xf32>,
      } {sc.loop_unroll_factor = 4 : i64, sc.parallel_access}
      %mul3A_581 = arith.constant 2 : i32
      %mul3A_582 = arith.muli %mul3A_581, %while3A_112 : i32
      %add3A_583 = arith.constant 1 : i32
      %add3A_584 = arith.addi %mul3A_582, %add3A_583 : i32
      %dma_wait3A_585 = arith.constant 0 : i32
      %dma_wait3A_586 = tpu.memref_slice %arg3[%dma_wait3A_585] : memref<320000xi32, #tpu.memory_space<hbm>> -> memref<256xi32, #tpu.memory_space<hbm>>
      %dma_wait3A_587 = arith.constant 0 : i32
      %dma_wait3A_588 = tpu.memref_slice %arg3[%dma_wait3A_587] : memref<320000xi32, #tpu.memory_space<hbm>> -> memref<256xi32, #tpu.memory_space<hbm>>
      tpu.wait_dma2 semaphore(%arg17 : memref<!tpu.dma_semaphore, #tpu.memory_space<semaphore_mem>>) src(%dma_wait3A_588 : memref<256xi32, #tpu.memory_space<hbm>>) dst(%arg8 : memref<256xi32, #tpu.memory_space<vmem>>)
      %add3A_589 = arith.constant 1 : i32
      %add3A_590 = arith.addi %add3A_584, %add3A_589 : i32
      %dma_start3A_591 = arith.constant 0 : i32
      %dma_start3A_592 = arith.constant 0 : i32
      %dma_start3A_593 = tpu.memref_slice %arg5[%dma_start3A_591, %dma_start3A_592] : memref<10000x128xf32, #tpu.memory_space<hbm>> -> memref<10000x128xf32, #tpu.memory_space<hbm>>
      tpu.enqueue_indirect_dma source(%dma_start3A_593 : memref<10000x128xf32, #tpu.memory_space<hbm>>) target(%arg10 : memref<256x128xf32, #tpu.memory_space<vmem>>) offsets(%arg8 : memref<256xi32, #tpu.memory_space<vmem>>) semaphore(%arg19 : memref<!tpu.dma_semaphore, #tpu.memory_space<semaphore_mem>>)
      %mul3A_594 = arith.constant 256 : i32
      %mul3A_595 = arith.muli %mul3A_594, %add3A_590 : i32
      %add3A_596 = arith.addi %sub3A, %mul3A_595 : i32
      %multiple_of3A_597 = tpu.assume_multiple %add3A_596, 256 : i32
      %min3A_598 = arith.constant 319744 : i32
      %min3A_599 = arith.minsi %multiple_of3A_597, %min3A_598 : i32
      %multiple_of3A_600 = tpu.assume_multiple %min3A_599, 256 : i32
      %mul3A_601 = arith.constant 8 : i32
      %mul3A_602 = arith.muli %mul3A_601, %multiple_of3A_600 : i32
      %multiple_of3A_603 = tpu.assume_multiple %mul3A_602, 2048 : i32
      %dma_start3A_604 = arith.constant 0 : i32
      %dma_start3A_605 = tpu.memref_slice %arg12[%dma_start3A_604] : memref<2064xf32, #tpu.memory_space<vmem>> -> memref<2048xf32, #tpu.memory_space<vmem>>
      %dma_start3A_606 = tpu.memref_slice %arg4[%multiple_of3A_603] : memref<2560000xf32, #tpu.memory_space<hbm>> -> memref<2048xf32, #tpu.memory_space<hbm>>
      %dma_start3A_607 = arith.constant 0 : i32
      %dma_start3A_608 = tpu.memref_slice %arg12[%dma_start3A_607] : memref<2064xf32, #tpu.memory_space<vmem>> -> memref<2048xf32, #tpu.memory_space<vmem>>
      %dma_start3A_609 = tpu.memref_slice %arg4[%multiple_of3A_603] : memref<2560000xf32, #tpu.memory_space<hbm>> -> memref<2048xf32, #tpu.memory_space<hbm>>
      tpu.enqueue_dma source(%dma_start3A_609 : memref<2048xf32, #tpu.memory_space<hbm>>) target(%dma_start3A_608 : memref<2048xf32, #tpu.memory_space<vmem>>) target_semaphore(%arg23 : memref<!tpu.dma_semaphore, #tpu.memory_space<semaphore_mem>>)
      %mul3A_610 = arith.constant 256 : i32
      %mul3A_611 = arith.muli %mul3A_610, %add3A_584 : i32
      %add3A_612 = arith.addi %sub3A, %mul3A_611 : i32
      %multiple_of3A_613 = tpu.assume_multiple %add3A_612, 256 : i32
      %swap3A_614 = arith.constant 0 : index
      %swap3A_615 = tpu.vector_load %arg14[%swap3A_614] {strides = array<i32>} : memref<256xi32, #tpu.memory_space<vmem>>, vector<16xi32>,
      tpu.vector_store %arg14[%swap3A_614], %broadcast_in_dim3A_2 {strides = array<i32>} : memref<256xi32, #tpu.memory_space<vmem>>, vector<16xi32>,
      %swap3A_616 = arith.constant 16 : index
      %swap3A_617 = tpu.vector_load %arg14[%swap3A_616] {strides = array<i32>} : memref<256xi32, #tpu.memory_space<vmem>>, vector<16xi32>,
      tpu.vector_store %arg14[%swap3A_616], %broadcast_in_dim3A_2 {strides = array<i32>} : memref<256xi32, #tpu.memory_space<vmem>>, vector<16xi32>,
      %swap3A_618 = arith.constant 32 : index
      %swap3A_619 = tpu.vector_load %arg14[%swap3A_618] {strides = array<i32>} : memref<256xi32, #tpu.memory_space<vmem>>, vector<16xi32>,
      tpu.vector_store %arg14[%swap3A_618], %broadcast_in_dim3A_2 {strides = array<i32>} : memref<256xi32, #tpu.memory_space<vmem>>, vector<16xi32>,
      %swap3A_620 = arith.constant 48 : index
      %swap3A_621 = tpu.vector_load %arg14[%swap3A_620] {strides = array<i32>} : memref<256xi32, #tpu.memory_space<vmem>>, vector<16xi32>,
      tpu.vector_store %arg14[%swap3A_620], %broadcast_in_dim3A_2 {strides = array<i32>} : memref<256xi32, #tpu.memory_space<vmem>>, vector<16xi32>,
      %swap3A_622 = arith.constant 64 : index
      %swap3A_623 = tpu.vector_load %arg14[%swap3A_622] {strides = array<i32>} : memref<256xi32, #tpu.memory_space<vmem>>, vector<16xi32>,
      tpu.vector_store %arg14[%swap3A_622], %broadcast_in_dim3A_2 {strides = array<i32>} : memref<256xi32, #tpu.memory_space<vmem>>, vector<16xi32>,
      %swap3A_624 = arith.constant 80 : index
      %swap3A_625 = tpu.vector_load %arg14[%swap3A_624] {strides = array<i32>} : memref<256xi32, #tpu.memory_space<vmem>>, vector<16xi32>,
      tpu.vector_store %arg14[%swap3A_624], %broadcast_in_dim3A_2 {strides = array<i32>} : memref<256xi32, #tpu.memory_space<vmem>>, vector<16xi32>,
      %swap3A_626 = arith.constant 96 : index
      %swap3A_627 = tpu.vector_load %arg14[%swap3A_626] {strides = array<i32>} : memref<256xi32, #tpu.memory_space<vmem>>, vector<16xi32>,
      tpu.vector_store %arg14[%swap3A_626], %broadcast_in_dim3A_2 {strides = array<i32>} : memref<256xi32, #tpu.memory_space<vmem>>, vector<16xi32>,
      %swap3A_628 = arith.constant 112 : index
      %swap3A_629 = tpu.vector_load %arg14[%swap3A_628] {strides = array<i32>} : memref<256xi32, #tpu.memory_space<vmem>>, vector<16xi32>,
      tpu.vector_store %arg14[%swap3A_628], %broadcast_in_dim3A_2 {strides = array<i32>} : memref<256xi32, #tpu.memory_space<vmem>>, vector<16xi32>,
      %swap3A_630 = arith.constant 128 : index
      %swap3A_631 = tpu.vector_load %arg14[%swap3A_630] {strides = array<i32>} : memref<256xi32, #tpu.memory_space<vmem>>, vector<16xi32>,
      tpu.vector_store %arg14[%swap3A_630], %broadcast_in_dim3A_2 {strides = array<i32>} : memref<256xi32, #tpu.memory_space<vmem>>, vector<16xi32>,
      %swap3A_632 = arith.constant 144 : index
      %swap3A_633 = tpu.vector_load %arg14[%swap3A_632] {strides = array<i32>} : memref<256xi32, #tpu.memory_space<vmem>>, vector<16xi32>,
      tpu.vector_store %arg14[%swap3A_632], %broadcast_in_dim3A_2 {strides = array<i32>} : memref<256xi32, #tpu.memory_space<vmem>>, vector<16xi32>,
      %swap3A_634 = arith.constant 160 : index
      %swap3A_635 = tpu.vector_load %arg14[%swap3A_634] {strides = array<i32>} : memref<256xi32, #tpu.memory_space<vmem>>, vector<16xi32>,
      tpu.vector_store %arg14[%swap3A_634], %broadcast_in_dim3A_2 {strides = array<i32>} : memref<256xi32, #tpu.memory_space<vmem>>, vector<16xi32>,
      %swap3A_636 = arith.constant 176 : index
      %swap3A_637 = tpu.vector_load %arg14[%swap3A_636] {strides = array<i32>} : memref<256xi32, #tpu.memory_space<vmem>>, vector<16xi32>,
      tpu.vector_store %arg14[%swap3A_636], %broadcast_in_dim3A_2 {strides = array<i32>} : memref<256xi32, #tpu.memory_space<vmem>>, vector<16xi32>,
      %swap3A_638 = arith.constant 192 : index
      %swap3A_639 = tpu.vector_load %arg14[%swap3A_638] {strides = array<i32>} : memref<256xi32, #tpu.memory_space<vmem>>, vector<16xi32>,
      tpu.vector_store %arg14[%swap3A_638], %broadcast_in_dim3A_2 {strides = array<i32>} : memref<256xi32, #tpu.memory_space<vmem>>, vector<16xi32>,
      %swap3A_640 = arith.constant 208 : index
      %swap3A_641 = tpu.vector_load %arg14[%swap3A_640] {strides = array<i32>} : memref<256xi32, #tpu.memory_space<vmem>>, vector<16xi32>,
      tpu.vector_store %arg14[%swap3A_640], %broadcast_in_dim3A_2 {strides = array<i32>} : memref<256xi32, #tpu.memory_space<vmem>>, vector<16xi32>,
      %swap3A_642 = arith.constant 224 : index
      %swap3A_643 = tpu.vector_load %arg14[%swap3A_642] {strides = array<i32>} : memref<256xi32, #tpu.memory_space<vmem>>, vector<16xi32>,
      tpu.vector_store %arg14[%swap3A_642], %broadcast_in_dim3A_2 {strides = array<i32>} : memref<256xi32, #tpu.memory_space<vmem>>, vector<16xi32>,
      %swap3A_644 = arith.constant 240 : index
      %swap3A_645 = tpu.vector_load %arg14[%swap3A_644] {strides = array<i32>} : memref<256xi32, #tpu.memory_space<vmem>>, vector<16xi32>,
      tpu.vector_store %arg14[%swap3A_644], %broadcast_in_dim3A_2 {strides = array<i32>} : memref<256xi32, #tpu.memory_space<vmem>>, vector<16xi32>,
      %get3A_646 = arith.constant 0 : index
      %get3A_647 = tpu.vector_load %arg7[%get3A_646] {strides = array<i32>} : memref<336xi32, #tpu.memory_space<vmem>>, vector<16xi32>,
      %sub3A_648 = vector.broadcast %multiple_of3A_613 : i32 to vector<16xi32>
      %sub3A_649 = arith.subi %get3A_647, %sub3A_648 : vector<16xi32>
      %add3A_650 = arith.constant 0 : i32
      %add3A_651 = vector.broadcast %add3A_650 : i32 to vector<16xi32>
      %add3A_652 = arith.addi %add3A_651, %iota3A : vector<16xi32>
      %ge3A_653 = arith.constant 0 : i32
      %ge3A_654 = vector.broadcast %ge3A_653 : i32 to vector<16xi32>
      %ge3A_655 = arith.cmpi sge, %sub3A_649, %ge3A_654 : vector<16xi32>
      %lt3A_656 = arith.constant 256 : i32
      %lt3A_657 = vector.broadcast %lt3A_656 : i32 to vector<16xi32>
      %lt3A_658 = arith.cmpi slt, %sub3A_649, %lt3A_657 : vector<16xi32>
      %and3A_659 = arith.andi %ge3A_655, %lt3A_658 : vector<16xi1>
      %le3A_660 = arith.constant 320 : i32
      %le3A_661 = vector.broadcast %le3A_660 : i32 to vector<16xi32>
      %le3A_662 = arith.cmpi sle, %add3A_652, %le3A_661 : vector<16xi32>
      %and3A_663 = arith.andi %and3A_659, %le3A_662 : vector<16xi1>
      tpu.vector_store_idx %arg14[%sub3A_649], %broadcast_in_dim3A_4 masked %and3A_663 {add = true} : memref<256xi32, #tpu.memory_space<vmem>>[vector<16xi32>], vector<16xi32>, vector<16xi1>
      %get3A_664 = arith.constant 16 : index
      %get3A_665 = tpu.vector_load %arg7[%get3A_664] {strides = array<i32>} : memref<336xi32, #tpu.memory_space<vmem>>, vector<16xi32>,
      %sub3A_666 = vector.broadcast %multiple_of3A_613 : i32 to vector<16xi32>
      %sub3A_667 = arith.subi %get3A_665, %sub3A_666 : vector<16xi32>
      %add3A_668 = arith.constant 16 : i32
      %add3A_669 = vector.broadcast %add3A_668 : i32 to vector<16xi32>
      %add3A_670 = arith.addi %add3A_669, %iota3A : vector<16xi32>
      %ge3A_671 = arith.constant 0 : i32
      %ge3A_672 = vector.broadcast %ge3A_671 : i32 to vector<16xi32>
      %ge3A_673 = arith.cmpi sge, %sub3A_667, %ge3A_672 : vector<16xi32>
      %lt3A_674 = arith.constant 256 : i32
      %lt3A_675 = vector.broadcast %lt3A_674 : i32 to vector<16xi32>
      %lt3A_676 = arith.cmpi slt, %sub3A_667, %lt3A_675 : vector<16xi32>
      %and3A_677 = arith.andi %ge3A_673, %lt3A_676 : vector<16xi1>
      %le3A_678 = arith.constant 320 : i32
      %le3A_679 = vector.broadcast %le3A_678 : i32 to vector<16xi32>
      %le3A_680 = arith.cmpi sle, %add3A_670, %le3A_679 : vector<16xi32>
      %and3A_681 = arith.andi %and3A_677, %le3A_680 : vector<16xi1>
      tpu.vector_store_idx %arg14[%sub3A_667], %broadcast_in_dim3A_4 masked %and3A_681 {add = true} : memref<256xi32, #tpu.memory_space<vmem>>[vector<16xi32>], vector<16xi32>, vector<16xi1>
      %get3A_682 = arith.constant 32 : index
      %get3A_683 = tpu.vector_load %arg7[%get3A_682] {strides = array<i32>} : memref<336xi32, #tpu.memory_space<vmem>>, vector<16xi32>,
      %sub3A_684 = vector.broadcast %multiple_of3A_613 : i32 to vector<16xi32>
      %sub3A_685 = arith.subi %get3A_683, %sub3A_684 : vector<16xi32>
      %add3A_686 = arith.constant 32 : i32
      %add3A_687 = vector.broadcast %add3A_686 : i32 to vector<16xi32>
      %add3A_688 = arith.addi %add3A_687, %iota3A : vector<16xi32>
      %ge3A_689 = arith.constant 0 : i32
      %ge3A_690 = vector.broadcast %ge3A_689 : i32 to vector<16xi32>
      %ge3A_691 = arith.cmpi sge, %sub3A_685, %ge3A_690 : vector<16xi32>
      %lt3A_692 = arith.constant 256 : i32
      %lt3A_693 = vector.broadcast %lt3A_692 : i32 to vector<16xi32>
      %lt3A_694 = arith.cmpi slt, %sub3A_685, %lt3A_693 : vector<16xi32>
      %and3A_695 = arith.andi %ge3A_691, %lt3A_694 : vector<16xi1>
      %le3A_696 = arith.constant 320 : i32
      %le3A_697 = vector.broadcast %le3A_696 : i32 to vector<16xi32>
      %le3A_698 = arith.cmpi sle, %add3A_688, %le3A_697 : vector<16xi32>
      %and3A_699 = arith.andi %and3A_695, %le3A_698 : vector<16xi1>
      tpu.vector_store_idx %arg14[%sub3A_685], %broadcast_in_dim3A_4 masked %and3A_699 {add = true} : memref<256xi32, #tpu.memory_space<vmem>>[vector<16xi32>], vector<16xi32>, vector<16xi1>
      %get3A_700 = arith.constant 48 : index
      %get3A_701 = tpu.vector_load %arg7[%get3A_700] {strides = array<i32>} : memref<336xi32, #tpu.memory_space<vmem>>, vector<16xi32>,
      %sub3A_702 = vector.broadcast %multiple_of3A_613 : i32 to vector<16xi32>
      %sub3A_703 = arith.subi %get3A_701, %sub3A_702 : vector<16xi32>
      %add3A_704 = arith.constant 48 : i32
      %add3A_705 = vector.broadcast %add3A_704 : i32 to vector<16xi32>
      %add3A_706 = arith.addi %add3A_705, %iota3A : vector<16xi32>
      %ge3A_707 = arith.constant 0 : i32
      %ge3A_708 = vector.broadcast %ge3A_707 : i32 to vector<16xi32>
      %ge3A_709 = arith.cmpi sge, %sub3A_703, %ge3A_708 : vector<16xi32>
      %lt3A_710 = arith.constant 256 : i32
      %lt3A_711 = vector.broadcast %lt3A_710 : i32 to vector<16xi32>
      %lt3A_712 = arith.cmpi slt, %sub3A_703, %lt3A_711 : vector<16xi32>
      %and3A_713 = arith.andi %ge3A_709, %lt3A_712 : vector<16xi1>
      %le3A_714 = arith.constant 320 : i32
      %le3A_715 = vector.broadcast %le3A_714 : i32 to vector<16xi32>
      %le3A_716 = arith.cmpi sle, %add3A_706, %le3A_715 : vector<16xi32>
      %and3A_717 = arith.andi %and3A_713, %le3A_716 : vector<16xi1>
      tpu.vector_store_idx %arg14[%sub3A_703], %broadcast_in_dim3A_4 masked %and3A_717 {add = true} : memref<256xi32, #tpu.memory_space<vmem>>[vector<16xi32>], vector<16xi32>, vector<16xi1>
      %get3A_718 = arith.constant 64 : index
      %get3A_719 = tpu.vector_load %arg7[%get3A_718] {strides = array<i32>} : memref<336xi32, #tpu.memory_space<vmem>>, vector<16xi32>,
      %sub3A_720 = vector.broadcast %multiple_of3A_613 : i32 to vector<16xi32>
      %sub3A_721 = arith.subi %get3A_719, %sub3A_720 : vector<16xi32>
      %add3A_722 = arith.constant 64 : i32
      %add3A_723 = vector.broadcast %add3A_722 : i32 to vector<16xi32>
      %add3A_724 = arith.addi %add3A_723, %iota3A : vector<16xi32>
      %ge3A_725 = arith.constant 0 : i32
      %ge3A_726 = vector.broadcast %ge3A_725 : i32 to vector<16xi32>
      %ge3A_727 = arith.cmpi sge, %sub3A_721, %ge3A_726 : vector<16xi32>
      %lt3A_728 = arith.constant 256 : i32
      %lt3A_729 = vector.broadcast %lt3A_728 : i32 to vector<16xi32>
      %lt3A_730 = arith.cmpi slt, %sub3A_721, %lt3A_729 : vector<16xi32>
      %and3A_731 = arith.andi %ge3A_727, %lt3A_730 : vector<16xi1>
      %le3A_732 = arith.constant 320 : i32
      %le3A_733 = vector.broadcast %le3A_732 : i32 to vector<16xi32>
      %le3A_734 = arith.cmpi sle, %add3A_724, %le3A_733 : vector<16xi32>
      %and3A_735 = arith.andi %and3A_731, %le3A_734 : vector<16xi1>
      tpu.vector_store_idx %arg14[%sub3A_721], %broadcast_in_dim3A_4 masked %and3A_735 {add = true} : memref<256xi32, #tpu.memory_space<vmem>>[vector<16xi32>], vector<16xi32>, vector<16xi1>
      %get3A_736 = arith.constant 80 : index
      %get3A_737 = tpu.vector_load %arg7[%get3A_736] {strides = array<i32>} : memref<336xi32, #tpu.memory_space<vmem>>, vector<16xi32>,
      %sub3A_738 = vector.broadcast %multiple_of3A_613 : i32 to vector<16xi32>
      %sub3A_739 = arith.subi %get3A_737, %sub3A_738 : vector<16xi32>
      %add3A_740 = arith.constant 80 : i32
      %add3A_741 = vector.broadcast %add3A_740 : i32 to vector<16xi32>
      %add3A_742 = arith.addi %add3A_741, %iota3A : vector<16xi32>
      %ge3A_743 = arith.constant 0 : i32
      %ge3A_744 = vector.broadcast %ge3A_743 : i32 to vector<16xi32>
      %ge3A_745 = arith.cmpi sge, %sub3A_739, %ge3A_744 : vector<16xi32>
      %lt3A_746 = arith.constant 256 : i32
      %lt3A_747 = vector.broadcast %lt3A_746 : i32 to vector<16xi32>
      %lt3A_748 = arith.cmpi slt, %sub3A_739, %lt3A_747 : vector<16xi32>
      %and3A_749 = arith.andi %ge3A_745, %lt3A_748 : vector<16xi1>
      %le3A_750 = arith.constant 320 : i32
      %le3A_751 = vector.broadcast %le3A_750 : i32 to vector<16xi32>
      %le3A_752 = arith.cmpi sle, %add3A_742, %le3A_751 : vector<16xi32>
      %and3A_753 = arith.andi %and3A_749, %le3A_752 : vector<16xi1>
      tpu.vector_store_idx %arg14[%sub3A_739], %broadcast_in_dim3A_4 masked %and3A_753 {add = true} : memref<256xi32, #tpu.memory_space<vmem>>[vector<16xi32>], vector<16xi32>, vector<16xi1>
      %get3A_754 = arith.constant 96 : index
      %get3A_755 = tpu.vector_load %arg7[%get3A_754] {strides = array<i32>} : memref<336xi32, #tpu.memory_space<vmem>>, vector<16xi32>,
      %sub3A_756 = vector.broadcast %multiple_of3A_613 : i32 to vector<16xi32>
      %sub3A_757 = arith.subi %get3A_755, %sub3A_756 : vector<16xi32>
      %add3A_758 = arith.constant 96 : i32
      %add3A_759 = vector.broadcast %add3A_758 : i32 to vector<16xi32>
      %add3A_760 = arith.addi %add3A_759, %iota3A : vector<16xi32>
      %ge3A_761 = arith.constant 0 : i32
      %ge3A_762 = vector.broadcast %ge3A_761 : i32 to vector<16xi32>
      %ge3A_763 = arith.cmpi sge, %sub3A_757, %ge3A_762 : vector<16xi32>
      %lt3A_764 = arith.constant 256 : i32
      %lt3A_765 = vector.broadcast %lt3A_764 : i32 to vector<16xi32>
      %lt3A_766 = arith.cmpi slt, %sub3A_757, %lt3A_765 : vector<16xi32>
      %and3A_767 = arith.andi %ge3A_763, %lt3A_766 : vector<16xi1>
      %le3A_768 = arith.constant 320 : i32
      %le3A_769 = vector.broadcast %le3A_768 : i32 to vector<16xi32>
      %le3A_770 = arith.cmpi sle, %add3A_760, %le3A_769 : vector<16xi32>
      %and3A_771 = arith.andi %and3A_767, %le3A_770 : vector<16xi1>
      tpu.vector_store_idx %arg14[%sub3A_757], %broadcast_in_dim3A_4 masked %and3A_771 {add = true} : memref<256xi32, #tpu.memory_space<vmem>>[vector<16xi32>], vector<16xi32>, vector<16xi1>
      %get3A_772 = arith.constant 112 : index
      %get3A_773 = tpu.vector_load %arg7[%get3A_772] {strides = array<i32>} : memref<336xi32, #tpu.memory_space<vmem>>, vector<16xi32>,
      %sub3A_774 = vector.broadcast %multiple_of3A_613 : i32 to vector<16xi32>
      %sub3A_775 = arith.subi %get3A_773, %sub3A_774 : vector<16xi32>
      %add3A_776 = arith.constant 112 : i32
      %add3A_777 = vector.broadcast %add3A_776 : i32 to vector<16xi32>
      %add3A_778 = arith.addi %add3A_777, %iota3A : vector<16xi32>
      %ge3A_779 = arith.constant 0 : i32
      %ge3A_780 = vector.broadcast %ge3A_779 : i32 to vector<16xi32>
      %ge3A_781 = arith.cmpi sge, %sub3A_775, %ge3A_780 : vector<16xi32>
      %lt3A_782 = arith.constant 256 : i32
      %lt3A_783 = vector.broadcast %lt3A_782 : i32 to vector<16xi32>
      %lt3A_784 = arith.cmpi slt, %sub3A_775, %lt3A_783 : vector<16xi32>
      %and3A_785 = arith.andi %ge3A_781, %lt3A_784 : vector<16xi1>
      %le3A_786 = arith.constant 320 : i32
      %le3A_787 = vector.broadcast %le3A_786 : i32 to vector<16xi32>
      %le3A_788 = arith.cmpi sle, %add3A_778, %le3A_787 : vector<16xi32>
      %and3A_789 = arith.andi %and3A_785, %le3A_788 : vector<16xi1>
      tpu.vector_store_idx %arg14[%sub3A_775], %broadcast_in_dim3A_4 masked %and3A_789 {add = true} : memref<256xi32, #tpu.memory_space<vmem>>[vector<16xi32>], vector<16xi32>, vector<16xi1>
      %get3A_790 = arith.constant 128 : index
      %get3A_791 = tpu.vector_load %arg7[%get3A_790] {strides = array<i32>} : memref<336xi32, #tpu.memory_space<vmem>>, vector<16xi32>,
      %sub3A_792 = vector.broadcast %multiple_of3A_613 : i32 to vector<16xi32>
      %sub3A_793 = arith.subi %get3A_791, %sub3A_792 : vector<16xi32>
      %add3A_794 = arith.constant 128 : i32
      %add3A_795 = vector.broadcast %add3A_794 : i32 to vector<16xi32>
      %add3A_796 = arith.addi %add3A_795, %iota3A : vector<16xi32>
      %ge3A_797 = arith.constant 0 : i32
      %ge3A_798 = vector.broadcast %ge3A_797 : i32 to vector<16xi32>
      %ge3A_799 = arith.cmpi sge, %sub3A_793, %ge3A_798 : vector<16xi32>
      %lt3A_800 = arith.constant 256 : i32
      %lt3A_801 = vector.broadcast %lt3A_800 : i32 to vector<16xi32>
      %lt3A_802 = arith.cmpi slt, %sub3A_793, %lt3A_801 : vector<16xi32>
      %and3A_803 = arith.andi %ge3A_799, %lt3A_802 : vector<16xi1>
      %le3A_804 = arith.constant 320 : i32
      %le3A_805 = vector.broadcast %le3A_804 : i32 to vector<16xi32>
      %le3A_806 = arith.cmpi sle, %add3A_796, %le3A_805 : vector<16xi32>
      %and3A_807 = arith.andi %and3A_803, %le3A_806 : vector<16xi1>
      tpu.vector_store_idx %arg14[%sub3A_793], %broadcast_in_dim3A_4 masked %and3A_807 {add = true} : memref<256xi32, #tpu.memory_space<vmem>>[vector<16xi32>], vector<16xi32>, vector<16xi1>
      %get3A_808 = arith.constant 144 : index
      %get3A_809 = tpu.vector_load %arg7[%get3A_808] {strides = array<i32>} : memref<336xi32, #tpu.memory_space<vmem>>, vector<16xi32>,
      %sub3A_810 = vector.broadcast %multiple_of3A_613 : i32 to vector<16xi32>
      %sub3A_811 = arith.subi %get3A_809, %sub3A_810 : vector<16xi32>
      %add3A_812 = arith.constant 144 : i32
      %add3A_813 = vector.broadcast %add3A_812 : i32 to vector<16xi32>
      %add3A_814 = arith.addi %add3A_813, %iota3A : vector<16xi32>
      %ge3A_815 = arith.constant 0 : i32
      %ge3A_816 = vector.broadcast %ge3A_815 : i32 to vector<16xi32>
      %ge3A_817 = arith.cmpi sge, %sub3A_811, %ge3A_816 : vector<16xi32>
      %lt3A_818 = arith.constant 256 : i32
      %lt3A_819 = vector.broadcast %lt3A_818 : i32 to vector<16xi32>
      %lt3A_820 = arith.cmpi slt, %sub3A_811, %lt3A_819 : vector<16xi32>
      %and3A_821 = arith.andi %ge3A_817, %lt3A_820 : vector<16xi1>
      %le3A_822 = arith.constant 320 : i32
      %le3A_823 = vector.broadcast %le3A_822 : i32 to vector<16xi32>
      %le3A_824 = arith.cmpi sle, %add3A_814, %le3A_823 : vector<16xi32>
      %and3A_825 = arith.andi %and3A_821, %le3A_824 : vector<16xi1>
      tpu.vector_store_idx %arg14[%sub3A_811], %broadcast_in_dim3A_4 masked %and3A_825 {add = true} : memref<256xi32, #tpu.memory_space<vmem>>[vector<16xi32>], vector<16xi32>, vector<16xi1>
      %get3A_826 = arith.constant 160 : index
      %get3A_827 = tpu.vector_load %arg7[%get3A_826] {strides = array<i32>} : memref<336xi32, #tpu.memory_space<vmem>>, vector<16xi32>,
      %sub3A_828 = vector.broadcast %multiple_of3A_613 : i32 to vector<16xi32>
      %sub3A_829 = arith.subi %get3A_827, %sub3A_828 : vector<16xi32>
      %add3A_830 = arith.constant 160 : i32
      %add3A_831 = vector.broadcast %add3A_830 : i32 to vector<16xi32>
      %add3A_832 = arith.addi %add3A_831, %iota3A : vector<16xi32>
      %ge3A_833 = arith.constant 0 : i32
      %ge3A_834 = vector.broadcast %ge3A_833 : i32 to vector<16xi32>
      %ge3A_835 = arith.cmpi sge, %sub3A_829, %ge3A_834 : vector<16xi32>
      %lt3A_836 = arith.constant 256 : i32
      %lt3A_837 = vector.broadcast %lt3A_836 : i32 to vector<16xi32>
      %lt3A_838 = arith.cmpi slt, %sub3A_829, %lt3A_837 : vector<16xi32>
      %and3A_839 = arith.andi %ge3A_835, %lt3A_838 : vector<16xi1>
      %le3A_840 = arith.constant 320 : i32
      %le3A_841 = vector.broadcast %le3A_840 : i32 to vector<16xi32>
      %le3A_842 = arith.cmpi sle, %add3A_832, %le3A_841 : vector<16xi32>
      %and3A_843 = arith.andi %and3A_839, %le3A_842 : vector<16xi1>
      tpu.vector_store_idx %arg14[%sub3A_829], %broadcast_in_dim3A_4 masked %and3A_843 {add = true} : memref<256xi32, #tpu.memory_space<vmem>>[vector<16xi32>], vector<16xi32>, vector<16xi1>
      %get3A_844 = arith.constant 176 : index
      %get3A_845 = tpu.vector_load %arg7[%get3A_844] {strides = array<i32>} : memref<336xi32, #tpu.memory_space<vmem>>, vector<16xi32>,
      %sub3A_846 = vector.broadcast %multiple_of3A_613 : i32 to vector<16xi32>
      %sub3A_847 = arith.subi %get3A_845, %sub3A_846 : vector<16xi32>
      %add3A_848 = arith.constant 176 : i32
      %add3A_849 = vector.broadcast %add3A_848 : i32 to vector<16xi32>
      %add3A_850 = arith.addi %add3A_849, %iota3A : vector<16xi32>
      %ge3A_851 = arith.constant 0 : i32
      %ge3A_852 = vector.broadcast %ge3A_851 : i32 to vector<16xi32>
      %ge3A_853 = arith.cmpi sge, %sub3A_847, %ge3A_852 : vector<16xi32>
      %lt3A_854 = arith.constant 256 : i32
      %lt3A_855 = vector.broadcast %lt3A_854 : i32 to vector<16xi32>
      %lt3A_856 = arith.cmpi slt, %sub3A_847, %lt3A_855 : vector<16xi32>
      %and3A_857 = arith.andi %ge3A_853, %lt3A_856 : vector<16xi1>
      %le3A_858 = arith.constant 320 : i32
      %le3A_859 = vector.broadcast %le3A_858 : i32 to vector<16xi32>
      %le3A_860 = arith.cmpi sle, %add3A_850, %le3A_859 : vector<16xi32>
      %and3A_861 = arith.andi %and3A_857, %le3A_860 : vector<16xi1>
      tpu.vector_store_idx %arg14[%sub3A_847], %broadcast_in_dim3A_4 masked %and3A_861 {add = true} : memref<256xi32, #tpu.memory_space<vmem>>[vector<16xi32>], vector<16xi32>, vector<16xi1>
      %get3A_862 = arith.constant 192 : index
      %get3A_863 = tpu.vector_load %arg7[%get3A_862] {strides = array<i32>} : memref<336xi32, #tpu.memory_space<vmem>>, vector<16xi32>,
      %sub3A_864 = vector.broadcast %multiple_of3A_613 : i32 to vector<16xi32>
      %sub3A_865 = arith.subi %get3A_863, %sub3A_864 : vector<16xi32>
      %add3A_866 = arith.constant 192 : i32
      %add3A_867 = vector.broadcast %add3A_866 : i32 to vector<16xi32>
      %add3A_868 = arith.addi %add3A_867, %iota3A : vector<16xi32>
      %ge3A_869 = arith.constant 0 : i32
      %ge3A_870 = vector.broadcast %ge3A_869 : i32 to vector<16xi32>
      %ge3A_871 = arith.cmpi sge, %sub3A_865, %ge3A_870 : vector<16xi32>
      %lt3A_872 = arith.constant 256 : i32
      %lt3A_873 = vector.broadcast %lt3A_872 : i32 to vector<16xi32>
      %lt3A_874 = arith.cmpi slt, %sub3A_865, %lt3A_873 : vector<16xi32>
      %and3A_875 = arith.andi %ge3A_871, %lt3A_874 : vector<16xi1>
      %le3A_876 = arith.constant 320 : i32
      %le3A_877 = vector.broadcast %le3A_876 : i32 to vector<16xi32>
      %le3A_878 = arith.cmpi sle, %add3A_868, %le3A_877 : vector<16xi32>
      %and3A_879 = arith.andi %and3A_875, %le3A_878 : vector<16xi1>
      tpu.vector_store_idx %arg14[%sub3A_865], %broadcast_in_dim3A_4 masked %and3A_879 {add = true} : memref<256xi32, #tpu.memory_space<vmem>>[vector<16xi32>], vector<16xi32>, vector<16xi1>
      %get3A_880 = arith.constant 208 : index
      %get3A_881 = tpu.vector_load %arg7[%get3A_880] {strides = array<i32>} : memref<336xi32, #tpu.memory_space<vmem>>, vector<16xi32>,
      %sub3A_882 = vector.broadcast %multiple_of3A_613 : i32 to vector<16xi32>
      %sub3A_883 = arith.subi %get3A_881, %sub3A_882 : vector<16xi32>
      %add3A_884 = arith.constant 208 : i32
      %add3A_885 = vector.broadcast %add3A_884 : i32 to vector<16xi32>
      %add3A_886 = arith.addi %add3A_885, %iota3A : vector<16xi32>
      %ge3A_887 = arith.constant 0 : i32
      %ge3A_888 = vector.broadcast %ge3A_887 : i32 to vector<16xi32>
      %ge3A_889 = arith.cmpi sge, %sub3A_883, %ge3A_888 : vector<16xi32>
      %lt3A_890 = arith.constant 256 : i32
      %lt3A_891 = vector.broadcast %lt3A_890 : i32 to vector<16xi32>
      %lt3A_892 = arith.cmpi slt, %sub3A_883, %lt3A_891 : vector<16xi32>
      %and3A_893 = arith.andi %ge3A_889, %lt3A_892 : vector<16xi1>
      %le3A_894 = arith.constant 320 : i32
      %le3A_895 = vector.broadcast %le3A_894 : i32 to vector<16xi32>
      %le3A_896 = arith.cmpi sle, %add3A_886, %le3A_895 : vector<16xi32>
      %and3A_897 = arith.andi %and3A_893, %le3A_896 : vector<16xi1>
      tpu.vector_store_idx %arg14[%sub3A_883], %broadcast_in_dim3A_4 masked %and3A_897 {add = true} : memref<256xi32, #tpu.memory_space<vmem>>[vector<16xi32>], vector<16xi32>, vector<16xi1>
      %get3A_898 = arith.constant 224 : index
      %get3A_899 = tpu.vector_load %arg7[%get3A_898] {strides = array<i32>} : memref<336xi32, #tpu.memory_space<vmem>>, vector<16xi32>,
      %sub3A_900 = vector.broadcast %multiple_of3A_613 : i32 to vector<16xi32>
      %sub3A_901 = arith.subi %get3A_899, %sub3A_900 : vector<16xi32>
      %add3A_902 = arith.constant 224 : i32
      %add3A_903 = vector.broadcast %add3A_902 : i32 to vector<16xi32>
      %add3A_904 = arith.addi %add3A_903, %iota3A : vector<16xi32>
      %ge3A_905 = arith.constant 0 : i32
      %ge3A_906 = vector.broadcast %ge3A_905 : i32 to vector<16xi32>
      %ge3A_907 = arith.cmpi sge, %sub3A_901, %ge3A_906 : vector<16xi32>
      %lt3A_908 = arith.constant 256 : i32
      %lt3A_909 = vector.broadcast %lt3A_908 : i32 to vector<16xi32>
      %lt3A_910 = arith.cmpi slt, %sub3A_901, %lt3A_909 : vector<16xi32>
      %and3A_911 = arith.andi %ge3A_907, %lt3A_910 : vector<16xi1>
      %le3A_912 = arith.constant 320 : i32
      %le3A_913 = vector.broadcast %le3A_912 : i32 to vector<16xi32>
      %le3A_914 = arith.cmpi sle, %add3A_904, %le3A_913 : vector<16xi32>
      %and3A_915 = arith.andi %and3A_911, %le3A_914 : vector<16xi1>
      tpu.vector_store_idx %arg14[%sub3A_901], %broadcast_in_dim3A_4 masked %and3A_915 {add = true} : memref<256xi32, #tpu.memory_space<vmem>>[vector<16xi32>], vector<16xi32>, vector<16xi1>
      %get3A_916 = arith.constant 240 : index
      %get3A_917 = tpu.vector_load %arg7[%get3A_916] {strides = array<i32>} : memref<336xi32, #tpu.memory_space<vmem>>, vector<16xi32>,
      %sub3A_918 = vector.broadcast %multiple_of3A_613 : i32 to vector<16xi32>
      %sub3A_919 = arith.subi %get3A_917, %sub3A_918 : vector<16xi32>
      %add3A_920 = arith.constant 240 : i32
      %add3A_921 = vector.broadcast %add3A_920 : i32 to vector<16xi32>
      %add3A_922 = arith.addi %add3A_921, %iota3A : vector<16xi32>
      %ge3A_923 = arith.constant 0 : i32
      %ge3A_924 = vector.broadcast %ge3A_923 : i32 to vector<16xi32>
      %ge3A_925 = arith.cmpi sge, %sub3A_919, %ge3A_924 : vector<16xi32>
      %lt3A_926 = arith.constant 256 : i32
      %lt3A_927 = vector.broadcast %lt3A_926 : i32 to vector<16xi32>
      %lt3A_928 = arith.cmpi slt, %sub3A_919, %lt3A_927 : vector<16xi32>
      %and3A_929 = arith.andi %ge3A_925, %lt3A_928 : vector<16xi1>
      %le3A_930 = arith.constant 320 : i32
      %le3A_931 = vector.broadcast %le3A_930 : i32 to vector<16xi32>
      %le3A_932 = arith.cmpi sle, %add3A_922, %le3A_931 : vector<16xi32>
      %and3A_933 = arith.andi %and3A_929, %le3A_932 : vector<16xi1>
      tpu.vector_store_idx %arg14[%sub3A_919], %broadcast_in_dim3A_4 masked %and3A_933 {add = true} : memref<256xi32, #tpu.memory_space<vmem>>[vector<16xi32>], vector<16xi32>, vector<16xi1>
      %get3A_934 = arith.constant 256 : index
      %get3A_935 = tpu.vector_load %arg7[%get3A_934] {strides = array<i32>} : memref<336xi32, #tpu.memory_space<vmem>>, vector<16xi32>,
      %sub3A_936 = vector.broadcast %multiple_of3A_613 : i32 to vector<16xi32>
      %sub3A_937 = arith.subi %get3A_935, %sub3A_936 : vector<16xi32>
      %add3A_938 = arith.constant 256 : i32
      %add3A_939 = vector.broadcast %add3A_938 : i32 to vector<16xi32>
      %add3A_940 = arith.addi %add3A_939, %iota3A : vector<16xi32>
      %ge3A_941 = arith.constant 0 : i32
      %ge3A_942 = vector.broadcast %ge3A_941 : i32 to vector<16xi32>
      %ge3A_943 = arith.cmpi sge, %sub3A_937, %ge3A_942 : vector<16xi32>
      %lt3A_944 = arith.constant 256 : i32
      %lt3A_945 = vector.broadcast %lt3A_944 : i32 to vector<16xi32>
      %lt3A_946 = arith.cmpi slt, %sub3A_937, %lt3A_945 : vector<16xi32>
      %and3A_947 = arith.andi %ge3A_943, %lt3A_946 : vector<16xi1>
      %le3A_948 = arith.constant 320 : i32
      %le3A_949 = vector.broadcast %le3A_948 : i32 to vector<16xi32>
      %le3A_950 = arith.cmpi sle, %add3A_940, %le3A_949 : vector<16xi32>
      %and3A_951 = arith.andi %and3A_947, %le3A_950 : vector<16xi1>
      tpu.vector_store_idx %arg14[%sub3A_937], %broadcast_in_dim3A_4 masked %and3A_951 {add = true} : memref<256xi32, #tpu.memory_space<vmem>>[vector<16xi32>], vector<16xi32>, vector<16xi1>
      %get3A_952 = arith.constant 272 : index
      %get3A_953 = tpu.vector_load %arg7[%get3A_952] {strides = array<i32>} : memref<336xi32, #tpu.memory_space<vmem>>, vector<16xi32>,
      %sub3A_954 = vector.broadcast %multiple_of3A_613 : i32 to vector<16xi32>
      %sub3A_955 = arith.subi %get3A_953, %sub3A_954 : vector<16xi32>
      %add3A_956 = arith.constant 272 : i32
      %add3A_957 = vector.broadcast %add3A_956 : i32 to vector<16xi32>
      %add3A_958 = arith.addi %add3A_957, %iota3A : vector<16xi32>
      %ge3A_959 = arith.constant 0 : i32
      %ge3A_960 = vector.broadcast %ge3A_959 : i32 to vector<16xi32>
      %ge3A_961 = arith.cmpi sge, %sub3A_955, %ge3A_960 : vector<16xi32>
      %lt3A_962 = arith.constant 256 : i32
      %lt3A_963 = vector.broadcast %lt3A_962 : i32 to vector<16xi32>
      %lt3A_964 = arith.cmpi slt, %sub3A_955, %lt3A_963 : vector<16xi32>
      %and3A_965 = arith.andi %ge3A_961, %lt3A_964 : vector<16xi1>
      %le3A_966 = arith.constant 320 : i32
      %le3A_967 = vector.broadcast %le3A_966 : i32 to vector<16xi32>
      %le3A_968 = arith.cmpi sle, %add3A_958, %le3A_967 : vector<16xi32>
      %and3A_969 = arith.andi %and3A_965, %le3A_968 : vector<16xi1>
      tpu.vector_store_idx %arg14[%sub3A_955], %broadcast_in_dim3A_4 masked %and3A_969 {add = true} : memref<256xi32, #tpu.memory_space<vmem>>[vector<16xi32>], vector<16xi32>, vector<16xi1>
      %get3A_970 = arith.constant 288 : index
      %get3A_971 = tpu.vector_load %arg7[%get3A_970] {strides = array<i32>} : memref<336xi32, #tpu.memory_space<vmem>>, vector<16xi32>,
      %sub3A_972 = vector.broadcast %multiple_of3A_613 : i32 to vector<16xi32>
      %sub3A_973 = arith.subi %get3A_971, %sub3A_972 : vector<16xi32>
      %add3A_974 = arith.constant 288 : i32
      %add3A_975 = vector.broadcast %add3A_974 : i32 to vector<16xi32>
      %add3A_976 = arith.addi %add3A_975, %iota3A : vector<16xi32>
      %ge3A_977 = arith.constant 0 : i32
      %ge3A_978 = vector.broadcast %ge3A_977 : i32 to vector<16xi32>
      %ge3A_979 = arith.cmpi sge, %sub3A_973, %ge3A_978 : vector<16xi32>
      %lt3A_980 = arith.constant 256 : i32
      %lt3A_981 = vector.broadcast %lt3A_980 : i32 to vector<16xi32>
      %lt3A_982 = arith.cmpi slt, %sub3A_973, %lt3A_981 : vector<16xi32>
      %and3A_983 = arith.andi %ge3A_979, %lt3A_982 : vector<16xi1>
      %le3A_984 = arith.constant 320 : i32
      %le3A_985 = vector.broadcast %le3A_984 : i32 to vector<16xi32>
      %le3A_986 = arith.cmpi sle, %add3A_976, %le3A_985 : vector<16xi32>
      %and3A_987 = arith.andi %and3A_983, %le3A_986 : vector<16xi1>
      tpu.vector_store_idx %arg14[%sub3A_973], %broadcast_in_dim3A_4 masked %and3A_987 {add = true} : memref<256xi32, #tpu.memory_space<vmem>>[vector<16xi32>], vector<16xi32>, vector<16xi1>
      %get3A_988 = arith.constant 304 : index
      %get3A_989 = tpu.vector_load %arg7[%get3A_988] {strides = array<i32>} : memref<336xi32, #tpu.memory_space<vmem>>, vector<16xi32>,
      %sub3A_990 = vector.broadcast %multiple_of3A_613 : i32 to vector<16xi32>
      %sub3A_991 = arith.subi %get3A_989, %sub3A_990 : vector<16xi32>
      %add3A_992 = arith.constant 304 : i32
      %add3A_993 = vector.broadcast %add3A_992 : i32 to vector<16xi32>
      %add3A_994 = arith.addi %add3A_993, %iota3A : vector<16xi32>
      %ge3A_995 = arith.constant 0 : i32
      %ge3A_996 = vector.broadcast %ge3A_995 : i32 to vector<16xi32>
      %ge3A_997 = arith.cmpi sge, %sub3A_991, %ge3A_996 : vector<16xi32>
      %lt3A_998 = arith.constant 256 : i32
      %lt3A_999 = vector.broadcast %lt3A_998 : i32 to vector<16xi32>
      %lt3A_1000 = arith.cmpi slt, %sub3A_991, %lt3A_999 : vector<16xi32>
      %and3A_1001 = arith.andi %ge3A_997, %lt3A_1000 : vector<16xi1>
      %le3A_1002 = arith.constant 320 : i32
      %le3A_1003 = vector.broadcast %le3A_1002 : i32 to vector<16xi32>
      %le3A_1004 = arith.cmpi sle, %add3A_994, %le3A_1003 : vector<16xi32>
      %and3A_1005 = arith.andi %and3A_1001, %le3A_1004 : vector<16xi1>
      tpu.vector_store_idx %arg14[%sub3A_991], %broadcast_in_dim3A_4 masked %and3A_1005 {add = true} : memref<256xi32, #tpu.memory_space<vmem>>[vector<16xi32>], vector<16xi32>, vector<16xi1>
      %get3A_1006 = arith.constant 320 : index
      %get3A_1007 = tpu.vector_load %arg7[%get3A_1006] {strides = array<i32>} : memref<336xi32, #tpu.memory_space<vmem>>, vector<16xi32>,
      %sub3A_1008 = vector.broadcast %multiple_of3A_613 : i32 to vector<16xi32>
      %sub3A_1009 = arith.subi %get3A_1007, %sub3A_1008 : vector<16xi32>
      %add3A_1010 = arith.constant 320 : i32
      %add3A_1011 = vector.broadcast %add3A_1010 : i32 to vector<16xi32>
      %add3A_1012 = arith.addi %add3A_1011, %iota3A : vector<16xi32>
      %ge3A_1013 = arith.constant 0 : i32
      %ge3A_1014 = vector.broadcast %ge3A_1013 : i32 to vector<16xi32>
      %ge3A_1015 = arith.cmpi sge, %sub3A_1009, %ge3A_1014 : vector<16xi32>
      %lt3A_1016 = arith.constant 256 : i32
      %lt3A_1017 = vector.broadcast %lt3A_1016 : i32 to vector<16xi32>
      %lt3A_1018 = arith.cmpi slt, %sub3A_1009, %lt3A_1017 : vector<16xi32>
      %and3A_1019 = arith.andi %ge3A_1015, %lt3A_1018 : vector<16xi1>
      %le3A_1020 = arith.constant 320 : i32
      %le3A_1021 = vector.broadcast %le3A_1020 : i32 to vector<16xi32>
      %le3A_1022 = arith.cmpi sle, %add3A_1012, %le3A_1021 : vector<16xi32>
      %and3A_1023 = arith.andi %and3A_1019, %le3A_1022 : vector<16xi1>
      tpu.vector_store_idx %arg14[%sub3A_1009], %broadcast_in_dim3A_4 masked %and3A_1023 {add = true} : memref<256xi32, #tpu.memory_space<vmem>>[vector<16xi32>], vector<16xi32>, vector<16xi1>
      %scan3A_1024 = arith.constant 0 : i32
      %scan3A_1025 = arith.constant 16 : i32
      %scan3A_1026 = arith.addi %scan3A_1024, %scan3A_1025 : i32
      %scan3A_1027 = arith.constant 1 : i32
      %scan3A_1028 = scf.for %scan3A_1055 = %scan3A_1024 to %scan3A_1026 step %scan3A_1027 iter_args(%scan3A_1056 = %scan3A_554) -> (i32)  : i32 {
        %mul3A_1057 = arith.constant 16 : i32
        %mul3A_1058 = arith.muli %mul3A_1057, %scan3A_1055 : i32
        %get3A_1059 = arith.index_cast %mul3A_1058 : i32 to index
        %get3A_1060 = tpu.vector_load %arg14[%get3A_1059] {strides = array<i32>} : memref<256xi32, #tpu.memory_space<vmem>>, vector<16xi32>,
        %broadcast_in_dim3A_1061 = arith.constant true
        %broadcast_in_dim3A_1062 = vector.broadcast %broadcast_in_dim3A_1061 : i1 to vector<16xi1>
        %masked_cumsum3A = tpu.scan <sum>, %get3A_1060 masked %broadcast_in_dim3A_1062 : vector<16xi32>, vector<16xi1> -> vector<16xi32>
        %add3A_1063 = vector.broadcast %scan3A_1056 : i32 to vector<16xi32>
        %add3A_1064 = arith.addi %masked_cumsum3A, %add3A_1063 : vector<16xi32>
        %sub3A_1065 = arith.constant 1 : i32
        %sub3A_1066 = vector.broadcast %sub3A_1065 : i32 to vector<16xi32>
        %sub3A_1067 = arith.subi %add3A_1064, %sub3A_1066 : vector<16xi32>
        %lt3A_1068 = arith.constant 0 : i32
        %lt3A_1069 = vector.broadcast %lt3A_1068 : i32 to vector<16xi32>
        %lt3A_1070 = arith.cmpi slt, %sub3A_1067, %lt3A_1069 : vector<16xi32>
        %ge3A_1071 = arith.constant 320 : i32
        %ge3A_1072 = vector.broadcast %ge3A_1071 : i32 to vector<16xi32>
        %ge3A_1073 = arith.cmpi sge, %sub3A_1067, %ge3A_1072 : vector<16xi32>
        %or3A = arith.ori %lt3A_1070, %ge3A_1073 : vector<16xi1>
        %jit3A_1074 = arith.constant 320 : i32
        %broadcast_in_dim3A_1075 = vector.broadcast %jit3A_1074 : i32 to vector<16xi32>
        %select_n3A_1076 = arith.select %or3A, %broadcast_in_dim3A_1075, %sub3A_1067 : vector<16xi1>, vector<16xi32>
        %mul3A_1077 = arith.constant 16 : i32
        %mul3A_1078 = arith.muli %mul3A_1077, %scan3A_1055 : i32
        %swap3A_1079 = arith.index_cast %mul3A_1078 : i32 to index
        %swap3A_1080 = tpu.vector_load %arg15[%swap3A_1079] {strides = array<i32>} : memref<256xi32, #tpu.memory_space<vmem>>, vector<16xi32>,
        tpu.vector_store %arg15[%swap3A_1079], %select_n3A_1076 {strides = array<i32>} : memref<256xi32, #tpu.memory_space<vmem>>, vector<16xi32>,
        %reduce_sum3A_1081 = arith.constant true
        %reduce_sum3A_1082 = vector.broadcast %reduce_sum3A_1081 : i1 to vector<16xi1>
        %reduce_sum3A_1083 = tpu.scan <sum>, %get3A_1060 masked %reduce_sum3A_1082 : vector<16xi32>, vector<16xi1> -> vector<16xi32>
        %reduce_sum3A_1084 = vector.extract %reduce_sum3A_1083[15] : i32 from vector<16xi32>
        %add3A_1085 = arith.addi %scan3A_1056, %reduce_sum3A_1084 : i32
        scf.yield %add3A_1085 : i32
      }
      %scan3A_1029 = arith.constant 16 : i32
      %dma_wait3A_1030 = arith.constant 0 : i32
      %dma_wait3A_1031 = arith.constant 0 : i32
      %dma_wait3A_1032 = tpu.memref_slice %arg5[%dma_wait3A_1030, %dma_wait3A_1031] : memref<10000x128xf32, #tpu.memory_space<hbm>> -> memref<10000x128xf32, #tpu.memory_space<hbm>>
      tpu.wait_indirect_dma semaphore(%arg21 : memref<!tpu.dma_semaphore, #tpu.memory_space<semaphore_mem>>) src(%dma_wait3A_1032 : memref<10000x128xf32, #tpu.memory_space<hbm>>) dst(%arg11 : memref<256x128xf32, #tpu.memory_space<vmem>>)
      %dma_wait3A_1033 = arith.constant 0 : i32
      %dma_wait3A_1034 = tpu.memref_slice %arg13[%dma_wait3A_1033] : memref<2064xf32, #tpu.memory_space<vmem>> -> memref<2048xf32, #tpu.memory_space<vmem>>
      %dma_wait3A_1035 = arith.constant 0 : i32
      %dma_wait3A_1036 = tpu.memref_slice %arg4[%dma_wait3A_1035] : memref<2560000xf32, #tpu.memory_space<hbm>> -> memref<2048xf32, #tpu.memory_space<hbm>>
      %dma_wait3A_1037 = arith.constant 0 : i32
      %dma_wait3A_1038 = tpu.memref_slice %arg13[%dma_wait3A_1037] : memref<2064xf32, #tpu.memory_space<vmem>> -> memref<2048xf32, #tpu.memory_space<vmem>>
      %dma_wait3A_1039 = arith.constant 0 : i32
      %dma_wait3A_1040 = tpu.memref_slice %arg4[%dma_wait3A_1039] : memref<2560000xf32, #tpu.memory_space<hbm>> -> memref<2048xf32, #tpu.memory_space<hbm>>
      tpu.wait_dma2 semaphore(%arg24 : memref<!tpu.dma_semaphore, #tpu.memory_space<semaphore_mem>>) src(%dma_wait3A_1040 : memref<2048xf32, #tpu.memory_space<hbm>>) dst(%dma_wait3A_1038 : memref<2048xf32, #tpu.memory_space<vmem>>)
      %add3A_1041 = arith.constant 2 : i32
      %add3A_1042 = arith.addi %add3A_584, %add3A_1041 : i32
      %mul3A_1043 = arith.constant 256 : i32
      %mul3A_1044 = arith.muli %mul3A_1043, %add3A_1042 : i32
      %add3A_1045 = arith.addi %sub3A, %mul3A_1044 : i32
      %multiple_of3A_1046 = tpu.assume_multiple %add3A_1045, 256 : i32
      %min3A_1047 = arith.constant 319744 : i32
      %min3A_1048 = arith.minsi %multiple_of3A_1046, %min3A_1047 : i32
      %multiple_of3A_1049 = tpu.assume_multiple %min3A_1048, 256 : i32
      %dma_start3A_1050 = tpu.memref_slice %arg3[%multiple_of3A_1049] : memref<320000xi32, #tpu.memory_space<hbm>> -> memref<256xi32, #tpu.memory_space<hbm>>
      %dma_start3A_1051 = tpu.memref_slice %arg3[%multiple_of3A_1049] : memref<320000xi32, #tpu.memory_space<hbm>> -> memref<256xi32, #tpu.memory_space<hbm>>
      tpu.enqueue_dma source(%dma_start3A_1051 : memref<256xi32, #tpu.memory_space<hbm>>) target(%arg9 : memref<256xi32, #tpu.memory_space<vmem>>) target_semaphore(%arg18 : memref<!tpu.dma_semaphore, #tpu.memory_space<semaphore_mem>>)
      %parallel_loop3A_1052 = arith.constant 0 : i32
      %parallel_loop3A_1053 = arith.constant 256 : i32
      %parallel_loop3A_1054 = arith.constant 1 : i32
      scf.for %parallel_loop3A_1055 = %parallel_loop3A_1052 to %parallel_loop3A_1053 step %parallel_loop3A_1054  : i32 {
        %parallel_loop3A_1056 = vector.broadcast %parallel_loop3A_1055 : i32 to vector<16xi32>
        %parallel_loop3A_1057 = tpu.vector_load_idx %arg15[%parallel_loop3A_1056] : memref<256xi32, #tpu.memory_space<vmem>>[vector<16xi32>], vector<16xi32>,
        %parallel_loop3A_1058 = arith.constant 8 : i32
        %parallel_loop3A_1059 = arith.muli %parallel_loop3A_1058, %parallel_loop3A_1055 : i32
        %parallel_loop3A_1060 = arith.index_cast %parallel_loop3A_1059 : i32 to index
        %parallel_loop3A_1061 = tpu.vector_load %arg13[%parallel_loop3A_1060] {strides = array<i32>} : memref<2064xf32, #tpu.memory_space<vmem>>, vector<16xf32>,
        %parallel_loop3A_1062 = arith.constant 0 : i32
        %parallel_loop3A_1063 = vector.broadcast %parallel_loop3A_1062 : i32 to vector<16xi32>
        %parallel_loop3A_1064 = vector.shape_cast %parallel_loop3A_1063 : vector<16xi32> to vector<16x1xi32>
        %parallel_loop3A_1065 = vector.shape_cast %parallel_loop3A_1064 : vector<16x1xi32> to vector<16xi32>
        %parallel_loop3A_1066 = tpu.dynamic_gather %parallel_loop3A_1061[%parallel_loop3A_1065] in [0] : vector<16xf32>, vector<16xi32> -> vector<16xf32>
        %parallel_loop3A_1067 = arith.index_cast %parallel_loop3A_1055 : i32 to index
        %parallel_loop3A_1068 = arith.constant 0 : index
        %parallel_loop3A_1069 = tpu.vector_load %arg11[%parallel_loop3A_1067, %parallel_loop3A_1068] {strides = array<i32>} : memref<256x128xf32, #tpu.memory_space<vmem>>, vector<16xf32>,
        %parallel_loop3A_1070 = arith.constant 0 : i32
        %parallel_loop3A_1071 = vector.broadcast %parallel_loop3A_1070 : i32 to vector<16xi32>
        %parallel_loop3A_1072 = arith.addi %iota3A, %parallel_loop3A_1071 : vector<16xi32>
        %parallel_loop3A_1073 = arith.mulf %parallel_loop3A_1069, %parallel_loop3A_1066 : vector<16xf32>
        tpu.vector_store_idx %arg16[%parallel_loop3A_1057, %parallel_loop3A_1072], %parallel_loop3A_1073 {add = true} : memref<321x128xf32, #tpu.memory_space<vmem>>[vector<16xi32>, vector<16xi32>], vector<16xf32>,
        %parallel_loop3A_1074 = arith.constant 1 : i32
        %parallel_loop3A_1075 = vector.broadcast %parallel_loop3A_1074 : i32 to vector<16xi32>
        %parallel_loop3A_1076 = vector.shape_cast %parallel_loop3A_1075 : vector<16xi32> to vector<16x1xi32>
        %parallel_loop3A_1077 = vector.shape_cast %parallel_loop3A_1076 : vector<16x1xi32> to vector<16xi32>
        %parallel_loop3A_1078 = tpu.dynamic_gather %parallel_loop3A_1061[%parallel_loop3A_1077] in [0] : vector<16xf32>, vector<16xi32> -> vector<16xf32>
        %parallel_loop3A_1079 = arith.index_cast %parallel_loop3A_1055 : i32 to index
        %parallel_loop3A_1080 = arith.constant 16 : index
        %parallel_loop3A_1081 = tpu.vector_load %arg11[%parallel_loop3A_1079, %parallel_loop3A_1080] {strides = array<i32>} : memref<256x128xf32, #tpu.memory_space<vmem>>, vector<16xf32>,
        %parallel_loop3A_1082 = arith.constant 16 : i32
        %parallel_loop3A_1083 = vector.broadcast %parallel_loop3A_1082 : i32 to vector<16xi32>
        %parallel_loop3A_1084 = arith.addi %iota3A, %parallel_loop3A_1083 : vector<16xi32>
        %parallel_loop3A_1085 = arith.mulf %parallel_loop3A_1081, %parallel_loop3A_1078 : vector<16xf32>
        tpu.vector_store_idx %arg16[%parallel_loop3A_1057, %parallel_loop3A_1084], %parallel_loop3A_1085 {add = true} : memref<321x128xf32, #tpu.memory_space<vmem>>[vector<16xi32>, vector<16xi32>], vector<16xf32>,
        %parallel_loop3A_1086 = arith.constant 2 : i32
        %parallel_loop3A_1087 = vector.broadcast %parallel_loop3A_1086 : i32 to vector<16xi32>
        %parallel_loop3A_1088 = vector.shape_cast %parallel_loop3A_1087 : vector<16xi32> to vector<16x1xi32>
        %parallel_loop3A_1089 = vector.shape_cast %parallel_loop3A_1088 : vector<16x1xi32> to vector<16xi32>
        %parallel_loop3A_1090 = tpu.dynamic_gather %parallel_loop3A_1061[%parallel_loop3A_1089] in [0] : vector<16xf32>, vector<16xi32> -> vector<16xf32>
        %parallel_loop3A_1091 = arith.index_cast %parallel_loop3A_1055 : i32 to index
        %parallel_loop3A_1092 = arith.constant 32 : index
        %parallel_loop3A_1093 = tpu.vector_load %arg11[%parallel_loop3A_1091, %parallel_loop3A_1092] {strides = array<i32>} : memref<256x128xf32, #tpu.memory_space<vmem>>, vector<16xf32>,
        %parallel_loop3A_1094 = arith.constant 32 : i32
        %parallel_loop3A_1095 = vector.broadcast %parallel_loop3A_1094 : i32 to vector<16xi32>
        %parallel_loop3A_1096 = arith.addi %iota3A, %parallel_loop3A_1095 : vector<16xi32>
        %parallel_loop3A_1097 = arith.mulf %parallel_loop3A_1093, %parallel_loop3A_1090 : vector<16xf32>
        tpu.vector_store_idx %arg16[%parallel_loop3A_1057, %parallel_loop3A_1096], %parallel_loop3A_1097 {add = true} : memref<321x128xf32, #tpu.memory_space<vmem>>[vector<16xi32>, vector<16xi32>], vector<16xf32>,
        %parallel_loop3A_1098 = arith.constant 3 : i32
        %parallel_loop3A_1099 = vector.broadcast %parallel_loop3A_1098 : i32 to vector<16xi32>
        %parallel_loop3A_1100 = vector.shape_cast %parallel_loop3A_1099 : vector<16xi32> to vector<16x1xi32>
        %parallel_loop3A_1101 = vector.shape_cast %parallel_loop3A_1100 : vector<16x1xi32> to vector<16xi32>
        %parallel_loop3A_1102 = tpu.dynamic_gather %parallel_loop3A_1061[%parallel_loop3A_1101] in [0] : vector<16xf32>, vector<16xi32> -> vector<16xf32>
        %parallel_loop3A_1103 = arith.index_cast %parallel_loop3A_1055 : i32 to index
        %parallel_loop3A_1104 = arith.constant 48 : index
        %parallel_loop3A_1105 = tpu.vector_load %arg11[%parallel_loop3A_1103, %parallel_loop3A_1104] {strides = array<i32>} : memref<256x128xf32, #tpu.memory_space<vmem>>, vector<16xf32>,
        %parallel_loop3A_1106 = arith.constant 48 : i32
        %parallel_loop3A_1107 = vector.broadcast %parallel_loop3A_1106 : i32 to vector<16xi32>
        %parallel_loop3A_1108 = arith.addi %iota3A, %parallel_loop3A_1107 : vector<16xi32>
        %parallel_loop3A_1109 = arith.mulf %parallel_loop3A_1105, %parallel_loop3A_1102 : vector<16xf32>
        tpu.vector_store_idx %arg16[%parallel_loop3A_1057, %parallel_loop3A_1108], %parallel_loop3A_1109 {add = true} : memref<321x128xf32, #tpu.memory_space<vmem>>[vector<16xi32>, vector<16xi32>], vector<16xf32>,
        %parallel_loop3A_1110 = arith.constant 4 : i32
        %parallel_loop3A_1111 = vector.broadcast %parallel_loop3A_1110 : i32 to vector<16xi32>
        %parallel_loop3A_1112 = vector.shape_cast %parallel_loop3A_1111 : vector<16xi32> to vector<16x1xi32>
        %parallel_loop3A_1113 = vector.shape_cast %parallel_loop3A_1112 : vector<16x1xi32> to vector<16xi32>
        %parallel_loop3A_1114 = tpu.dynamic_gather %parallel_loop3A_1061[%parallel_loop3A_1113] in [0] : vector<16xf32>, vector<16xi32> -> vector<16xf32>
        %parallel_loop3A_1115 = arith.index_cast %parallel_loop3A_1055 : i32 to index
        %parallel_loop3A_1116 = arith.constant 64 : index
        %parallel_loop3A_1117 = tpu.vector_load %arg11[%parallel_loop3A_1115, %parallel_loop3A_1116] {strides = array<i32>} : memref<256x128xf32, #tpu.memory_space<vmem>>, vector<16xf32>,
        %parallel_loop3A_1118 = arith.constant 64 : i32
        %parallel_loop3A_1119 = vector.broadcast %parallel_loop3A_1118 : i32 to vector<16xi32>
        %parallel_loop3A_1120 = arith.addi %iota3A, %parallel_loop3A_1119 : vector<16xi32>
        %parallel_loop3A_1121 = arith.mulf %parallel_loop3A_1117, %parallel_loop3A_1114 : vector<16xf32>
        tpu.vector_store_idx %arg16[%parallel_loop3A_1057, %parallel_loop3A_1120], %parallel_loop3A_1121 {add = true} : memref<321x128xf32, #tpu.memory_space<vmem>>[vector<16xi32>, vector<16xi32>], vector<16xf32>,
        %parallel_loop3A_1122 = arith.constant 5 : i32
        %parallel_loop3A_1123 = vector.broadcast %parallel_loop3A_1122 : i32 to vector<16xi32>
        %parallel_loop3A_1124 = vector.shape_cast %parallel_loop3A_1123 : vector<16xi32> to vector<16x1xi32>
        %parallel_loop3A_1125 = vector.shape_cast %parallel_loop3A_1124 : vector<16x1xi32> to vector<16xi32>
        %parallel_loop3A_1126 = tpu.dynamic_gather %parallel_loop3A_1061[%parallel_loop3A_1125] in [0] : vector<16xf32>, vector<16xi32> -> vector<16xf32>
        %parallel_loop3A_1127 = arith.index_cast %parallel_loop3A_1055 : i32 to index
        %parallel_loop3A_1128 = arith.constant 80 : index
        %parallel_loop3A_1129 = tpu.vector_load %arg11[%parallel_loop3A_1127, %parallel_loop3A_1128] {strides = array<i32>} : memref<256x128xf32, #tpu.memory_space<vmem>>, vector<16xf32>,
        %parallel_loop3A_1130 = arith.constant 80 : i32
        %parallel_loop3A_1131 = vector.broadcast %parallel_loop3A_1130 : i32 to vector<16xi32>
        %parallel_loop3A_1132 = arith.addi %iota3A, %parallel_loop3A_1131 : vector<16xi32>
        %parallel_loop3A_1133 = arith.mulf %parallel_loop3A_1129, %parallel_loop3A_1126 : vector<16xf32>
        tpu.vector_store_idx %arg16[%parallel_loop3A_1057, %parallel_loop3A_1132], %parallel_loop3A_1133 {add = true} : memref<321x128xf32, #tpu.memory_space<vmem>>[vector<16xi32>, vector<16xi32>], vector<16xf32>,
        %parallel_loop3A_1134 = arith.constant 6 : i32
        %parallel_loop3A_1135 = vector.broadcast %parallel_loop3A_1134 : i32 to vector<16xi32>
        %parallel_loop3A_1136 = vector.shape_cast %parallel_loop3A_1135 : vector<16xi32> to vector<16x1xi32>
        %parallel_loop3A_1137 = vector.shape_cast %parallel_loop3A_1136 : vector<16x1xi32> to vector<16xi32>
        %parallel_loop3A_1138 = tpu.dynamic_gather %parallel_loop3A_1061[%parallel_loop3A_1137] in [0] : vector<16xf32>, vector<16xi32> -> vector<16xf32>
        %parallel_loop3A_1139 = arith.index_cast %parallel_loop3A_1055 : i32 to index
        %parallel_loop3A_1140 = arith.constant 96 : index
        %parallel_loop3A_1141 = tpu.vector_load %arg11[%parallel_loop3A_1139, %parallel_loop3A_1140] {strides = array<i32>} : memref<256x128xf32, #tpu.memory_space<vmem>>, vector<16xf32>,
        %parallel_loop3A_1142 = arith.constant 96 : i32
        %parallel_loop3A_1143 = vector.broadcast %parallel_loop3A_1142 : i32 to vector<16xi32>
        %parallel_loop3A_1144 = arith.addi %iota3A, %parallel_loop3A_1143 : vector<16xi32>
        %parallel_loop3A_1145 = arith.mulf %parallel_loop3A_1141, %parallel_loop3A_1138 : vector<16xf32>
        tpu.vector_store_idx %arg16[%parallel_loop3A_1057, %parallel_loop3A_1144], %parallel_loop3A_1145 {add = true} : memref<321x128xf32, #tpu.memory_space<vmem>>[vector<16xi32>, vector<16xi32>], vector<16xf32>,
        %parallel_loop3A_1146 = arith.constant 7 : i32
        %parallel_loop3A_1147 = vector.broadcast %parallel_loop3A_1146 : i32 to vector<16xi32>
        %parallel_loop3A_1148 = vector.shape_cast %parallel_loop3A_1147 : vector<16xi32> to vector<16x1xi32>
        %parallel_loop3A_1149 = vector.shape_cast %parallel_loop3A_1148 : vector<16x1xi32> to vector<16xi32>
        %parallel_loop3A_1150 = tpu.dynamic_gather %parallel_loop3A_1061[%parallel_loop3A_1149] in [0] : vector<16xf32>, vector<16xi32> -> vector<16xf32>
        %parallel_loop3A_1151 = arith.index_cast %parallel_loop3A_1055 : i32 to index
        %parallel_loop3A_1152 = arith.constant 112 : index
        %parallel_loop3A_1153 = tpu.vector_load %arg11[%parallel_loop3A_1151, %parallel_loop3A_1152] {strides = array<i32>} : memref<256x128xf32, #tpu.memory_space<vmem>>, vector<16xf32>,
        %parallel_loop3A_1154 = arith.constant 112 : i32
        %parallel_loop3A_1155 = vector.broadcast %parallel_loop3A_1154 : i32 to vector<16xi32>
        %parallel_loop3A_1156 = arith.addi %iota3A, %parallel_loop3A_1155 : vector<16xi32>
        %parallel_loop3A_1157 = arith.mulf %parallel_loop3A_1153, %parallel_loop3A_1150 : vector<16xf32>
        tpu.vector_store_idx %arg16[%parallel_loop3A_1057, %parallel_loop3A_1156], %parallel_loop3A_1157 {add = true} : memref<321x128xf32, #tpu.memory_space<vmem>>[vector<16xi32>, vector<16xi32>], vector<16xf32>,
      } {sc.loop_unroll_factor = 4 : i64, sc.parallel_access}
      scf.yield %scan3A_1028 : i32
    }
    %dma_wait3A_90 = arith.constant 0 : i32
    %dma_wait3A_91 = arith.constant 0 : i32
    %dma_wait3A_92 = tpu.memref_slice %arg5[%dma_wait3A_90, %dma_wait3A_91] : memref<10000x128xf32, #tpu.memory_space<hbm>> -> memref<10000x128xf32, #tpu.memory_space<hbm>>
    tpu.wait_indirect_dma semaphore(%arg19 : memref<!tpu.dma_semaphore, #tpu.memory_space<semaphore_mem>>) src(%dma_wait3A_92 : memref<10000x128xf32, #tpu.memory_space<hbm>>) dst(%arg10 : memref<256x128xf32, #tpu.memory_space<vmem>>)
    %dma_wait3A_93 = arith.constant 0 : i32
    %dma_wait3A_94 = tpu.memref_slice %arg12[%dma_wait3A_93] : memref<2064xf32, #tpu.memory_space<vmem>> -> memref<2048xf32, #tpu.memory_space<vmem>>
    %dma_wait3A_95 = arith.constant 0 : i32
    %dma_wait3A_96 = tpu.memref_slice %arg4[%dma_wait3A_95] : memref<2560000xf32, #tpu.memory_space<hbm>> -> memref<2048xf32, #tpu.memory_space<hbm>>
    %dma_wait3A_97 = arith.constant 0 : i32
    %dma_wait3A_98 = tpu.memref_slice %arg12[%dma_wait3A_97] : memref<2064xf32, #tpu.memory_space<vmem>> -> memref<2048xf32, #tpu.memory_space<vmem>>
    %dma_wait3A_99 = arith.constant 0 : i32
    %dma_wait3A_100 = tpu.memref_slice %arg4[%dma_wait3A_99] : memref<2560000xf32, #tpu.memory_space<hbm>> -> memref<2048xf32, #tpu.memory_space<hbm>>
    tpu.wait_dma2 semaphore(%arg23 : memref<!tpu.dma_semaphore, #tpu.memory_space<semaphore_mem>>) src(%dma_wait3A_100 : memref<2048xf32, #tpu.memory_space<hbm>>) dst(%dma_wait3A_98 : memref<2048xf32, #tpu.memory_space<vmem>>)
    %dma_wait3A_101 = arith.constant 0 : i32
    %dma_wait3A_102 = tpu.memref_slice %arg3[%dma_wait3A_101] : memref<320000xi32, #tpu.memory_space<hbm>> -> memref<256xi32, #tpu.memory_space<hbm>>
    %dma_wait3A_103 = arith.constant 0 : i32
    %dma_wait3A_104 = tpu.memref_slice %arg3[%dma_wait3A_103] : memref<320000xi32, #tpu.memory_space<hbm>> -> memref<256xi32, #tpu.memory_space<hbm>>
    tpu.wait_dma2 semaphore(%arg18 : memref<!tpu.dma_semaphore, #tpu.memory_space<semaphore_mem>>) src(%dma_wait3A_104 : memref<256xi32, #tpu.memory_space<hbm>>) dst(%arg9 : memref<256xi32, #tpu.memory_space<vmem>>)
    %lt3A = arith.constant 31 : i32
    %lt3A_105 = arith.cmpi slt, %add3A, %lt3A : i32
    %convert_element_type3A = arith.extui %lt3A_105 : i1 to i32
    %cond3A = arith.constant 0 : i32
    %cond3A_106 = arith.cmpi ne, %convert_element_type3A, %cond3A : i32
    scf.if %cond3A_106 {
      %dma_start3A_112 = arith.constant 0 : i32
      %dma_start3A_113 = arith.constant 0 : i32
      %dma_start3A_114 = tpu.memref_slice %arg16[%dma_start3A_112, %dma_start3A_113] : memref<321x128xf32, #tpu.memory_space<vmem>> -> memref<320x128xf32, #tpu.memory_space<vmem>>
      %dma_start3A_115 = arith.constant 0 : i32
      %dma_start3A_116 = tpu.memref_slice %arg6[%multiple_of3A, %dma_start3A_115] : memref<10000x128xf32, #tpu.memory_space<hbm>> -> memref<320x128xf32, #tpu.memory_space<hbm>>
      %dma_start3A_117 = arith.constant 0 : i32
      %dma_start3A_118 = tpu.memref_slice %arg6[%multiple_of3A, %dma_start3A_117] : memref<10000x128xf32, #tpu.memory_space<hbm>> -> memref<320x128xf32, #tpu.memory_space<hbm>>
      %dma_start3A_119 = arith.constant 0 : i32
      %dma_start3A_120 = arith.constant 0 : i32
      %dma_start3A_121 = tpu.memref_slice %arg16[%dma_start3A_119, %dma_start3A_120] : memref<321x128xf32, #tpu.memory_space<vmem>> -> memref<320x128xf32, #tpu.memory_space<vmem>>
      tpu.enqueue_dma source(%dma_start3A_121 : memref<320x128xf32, #tpu.memory_space<vmem>>) target(%dma_start3A_118 : memref<320x128xf32, #tpu.memory_space<hbm>>) target_semaphore(%arg17 : memref<!tpu.dma_semaphore, #tpu.memory_space<semaphore_mem>>)
      %dma_wait3A_122 = arith.constant 0 : i32
      %dma_wait3A_123 = arith.constant 0 : i32
      %dma_wait3A_124 = tpu.memref_slice %arg16[%dma_wait3A_122, %dma_wait3A_123] : memref<321x128xf32, #tpu.memory_space<vmem>> -> memref<320x128xf32, #tpu.memory_space<vmem>>
      %dma_wait3A_125 = arith.constant 0 : i32
      %dma_wait3A_126 = tpu.memref_slice %arg6[%multiple_of3A, %dma_wait3A_125] : memref<10000x128xf32, #tpu.memory_space<hbm>> -> memref<320x128xf32, #tpu.memory_space<hbm>>
      %dma_wait3A_127 = arith.constant 0 : i32
      %dma_wait3A_128 = tpu.memref_slice %arg6[%multiple_of3A, %dma_wait3A_127] : memref<10000x128xf32, #tpu.memory_space<hbm>> -> memref<320x128xf32, #tpu.memory_space<hbm>>
      %dma_wait3A_129 = arith.constant 0 : i32
      %dma_wait3A_130 = arith.constant 0 : i32
      %dma_wait3A_131 = tpu.memref_slice %arg16[%dma_wait3A_129, %dma_wait3A_130] : memref<321x128xf32, #tpu.memory_space<vmem>> -> memref<320x128xf32, #tpu.memory_space<vmem>>
      tpu.wait_dma2 semaphore(%arg17 : memref<!tpu.dma_semaphore, #tpu.memory_space<semaphore_mem>>) src(%dma_wait3A_131 : memref<320x128xf32, #tpu.memory_space<vmem>>) dst(%dma_wait3A_128 : memref<320x128xf32, #tpu.memory_space<hbm>>)
    } else {
    }
    %eq3A_107 = arith.constant 31 : i32
    %eq3A_108 = arith.cmpi eq, %add3A, %eq3A_107 : i32
    %convert_element_type3A_109 = arith.extui %eq3A_108 : i1 to i32
    %cond3A_110 = arith.constant 0 : i32
    %cond3A_111 = arith.cmpi ne, %convert_element_type3A_109, %cond3A_110 : i32
    scf.if %cond3A_111 {
      %dma_start3A_112 = arith.constant 0 : i32
      %dma_start3A_113 = arith.constant 0 : i32
      %dma_start3A_114 = tpu.memref_slice %arg16[%dma_start3A_112, %dma_start3A_113] : memref<321x128xf32, #tpu.memory_space<vmem>> -> memref<80x128xf32, #tpu.memory_space<vmem>>
      %dma_start3A_115 = arith.constant 9920 : i32
      %dma_start3A_116 = arith.constant 0 : i32
      %dma_start3A_117 = tpu.memref_slice %arg6[%dma_start3A_115, %dma_start3A_116] : memref<10000x128xf32, #tpu.memory_space<hbm>> -> memref<80x128xf32, #tpu.memory_space<hbm>>
      %dma_start3A_118 = arith.constant 9920 : i32
      %dma_start3A_119 = arith.constant 0 : i32
      %dma_start3A_120 = tpu.memref_slice %arg6[%dma_start3A_118, %dma_start3A_119] : memref<10000x128xf32, #tpu.memory_space<hbm>> -> memref<80x128xf32, #tpu.memory_space<hbm>>
      %dma_start3A_121 = arith.constant 0 : i32
      %dma_start3A_122 = arith.constant 0 : i32
      %dma_start3A_123 = tpu.memref_slice %arg16[%dma_start3A_121, %dma_start3A_122] : memref<321x128xf32, #tpu.memory_space<vmem>> -> memref<80x128xf32, #tpu.memory_space<vmem>>
      tpu.enqueue_dma source(%dma_start3A_123 : memref<80x128xf32, #tpu.memory_space<vmem>>) target(%dma_start3A_120 : memref<80x128xf32, #tpu.memory_space<hbm>>) target_semaphore(%arg17 : memref<!tpu.dma_semaphore, #tpu.memory_space<semaphore_mem>>)
      %dma_wait3A_124 = arith.constant 0 : i32
      %dma_wait3A_125 = arith.constant 0 : i32
      %dma_wait3A_126 = tpu.memref_slice %arg16[%dma_wait3A_124, %dma_wait3A_125] : memref<321x128xf32, #tpu.memory_space<vmem>> -> memref<80x128xf32, #tpu.memory_space<vmem>>
      %dma_wait3A_127 = arith.constant 9920 : i32
      %dma_wait3A_128 = arith.constant 0 : i32
      %dma_wait3A_129 = tpu.memref_slice %arg6[%dma_wait3A_127, %dma_wait3A_128] : memref<10000x128xf32, #tpu.memory_space<hbm>> -> memref<80x128xf32, #tpu.memory_space<hbm>>
      %dma_wait3A_130 = arith.constant 9920 : i32
      %dma_wait3A_131 = arith.constant 0 : i32
      %dma_wait3A_132 = tpu.memref_slice %arg6[%dma_wait3A_130, %dma_wait3A_131] : memref<10000x128xf32, #tpu.memory_space<hbm>> -> memref<80x128xf32, #tpu.memory_space<hbm>>
      %dma_wait3A_133 = arith.constant 0 : i32
      %dma_wait3A_134 = arith.constant 0 : i32
      %dma_wait3A_135 = tpu.memref_slice %arg16[%dma_wait3A_133, %dma_wait3A_134] : memref<321x128xf32, #tpu.memory_space<vmem>> -> memref<80x128xf32, #tpu.memory_space<vmem>>
      tpu.wait_dma2 semaphore(%arg17 : memref<!tpu.dma_semaphore, #tpu.memory_space<semaphore_mem>>) src(%dma_wait3A_135 : memref<80x128xf32, #tpu.memory_space<vmem>>) dst(%dma_wait3A_132 : memref<80x128xf32, #tpu.memory_space<hbm>>)
    } else {
    }
    return
  }
}

</mosaic_0001>

<sc_bundles>
// kernel: kernel.3.cloned.1.call-start
scs
__scs_entry_jumppad:
0x0: {  	(pc) =	sbr.rel $0x88, $3  }
0x1: {  	(tag) =	ssettag $0x0;
	lr =	simm.s32 $0x1  }
0x2: {  	[smem:$0x3F9D] =	sst lr;
	_ =	strace $0xD0000000  }
0x3: {  	_ = 	snop  }
0x4: {  	_ = 	snop  }
0x5: {  	_ = 	snop  }
0x6: {  	_ = 	snop  }
0x7: {  	_ = 	snop  }
__scs_overlays_trampoline_lowered:
0x8: {  	[smem:$0x3FAC] =	sst s0  }
0x9: {  	[smem:$0x3FAD] =	sst s1  }
0xa: {  	[smem:$0x3FAE] =	sst s2  }
0xb: {  	[smem:$0x3FAF] =	sst s3  }
0xc: {  	[smem:$0x3FB0] =	sst s4  }
0xd: {  	[smem:$0x3FB1] =	sst s5  }
0xe: {  	[smem:$0x3FB2] =	sst s6  }
0xf: {  	[smem:$0x3FB3] =	sst s7  }
0x10: {  	[smem:$0x3FB4] =	sst s8  }
0x11: {  	[smem:$0x3FB5] =	sst s9;
	s0 =	simm.s32 @!p0 $0x0  }
0x12: {  	s1 =	sld [smem:$0x3F9B];
	s0 =	simm.s32 @p0 $0x1  }
0x13: {  	[smem:$0x3FB6] =	sst s0;
	s0 =	simm.s32 @!p1 $0x0  }
0x14: {  	s2 =	sld [smem:$0x3F9A];
	s0 =	simm.s32 @p1 $0x1  }
0x15: {  	[smem:$0x3FB7] =	sst s0;
	s0 =	simm.s32 @!p2 $0x0  }
0x16: {  	s3 =	sld [smem:$0x3FDB];
	s0 =	simm.s32 @p2 $0x1  }
0x17: {  	s4 =	simm.s32 $0x1BF5;
	[smem:$0x3FB9] =	sst s0  }
0x18: {  	s0 =	sld [smem:$0x3F9C];
	_ =	swait.ge [sflag:s4], $0x0  }
0x19: {  	s7 =	sld [smem:$0x3F9D]  }
0x1a: {  	s8 =	sadd.s32 $0xFFFFE003, lr  }
0x1b: {  	s9 =	sadd.s32 $0xFFFFFEF7, lr;
	s5 =	simm.s32 $0xFFFFFFFF;
	p2 =	slt.u32 s8, $0xFFFFF086  }
0x1c: {  	p1 =	slt.u32 s9, $0xF7A;
	s5 =	simm.s32 @!p2 $0x0  }
0x1d: {  	s5 =	simm.s32 @p1 $0x1;
	p0 =	seq.s32 s7, s2  }
0x1e: {  	s7 =	smul.u32 @!p0 $0xF7A, s2;
	p2 =	seq.s32 @!p0 s5, $0x0  }
0x1f: {  	s9 =	smul.u32 $0xF7A, s1;
	s8 =	simm.s32 @!p0 $0x1BF5;
	p2 =	por !p2, p0  }
0x20: {  	[sflag:s8] =	ssyncset.s32 @!p0 $0xFFFFF086;
	s6 =	sadd.s32 @!p0 s3, s7;
	s7 =	simm.s32 @!p0 $0x108  }
0x21: {  	s3 =	sadd.s32 s3, s9;
	s6 =	sadd.s32 @!p0 $0x88, s6;
	s7 =	simm.s32 @p2 $0x1082  }
0x22: {  	[simem:s7], [sflag:s8] =	dma.local @!p0 [hbm:s6], $0xF7A  }
0x23: {  	s9 =	sor.u32 $0xD0000000, s2;
	s6 =	simm.s32 $0x108;
	_ =	swait.ge @!p0 [sflag:s8], $0x0  }
0x24: {  	s3 =	sadd.s32 $0x88, s3;
	s6 =	simm.s32 @!p1 $0x1082;
	[sflag:s4] =	ssyncset.s32 $0xFFFFF086  }
0x25: {  	[simem:s6], [sflag:s4] =	dma.local [hbm:s3], $0xF7A  }
0x26: {  	[smem:$0x3F9D] =	sst s1;
	(tag) =	ssettag s2;
	_ =	strace s9  }
0x27: {  	s1 =	sld [smem:$0x3FAD]  }
0x28: {  	s2 =	sld [smem:$0x3FAE]  }
0x29: {  	s4 =	sld [smem:$0x3FB0]  }
0x2a: {  	p0 =	seq.s32 s5, $0x0;
	s5 =	sld [smem:$0x3FB1]  }
0x2b: {  	s6 =	sld [smem:$0x3FB2]  }
0x2c: {  	s7 =	sld [smem:$0x3FB3]  }
0x2d: {  	s3 =	simm.s32 $0x108;
	s8 =	sld [smem:$0x3FB4]  }
0x2e: {  	s3 =	simm.s32 @!p0 $0x1082;
	s9 =	sld [smem:$0x3FB5]  }
0x2f: {  	lr =	sadd.s32 s0, s3;
	s0 =	sld [smem:$0x3FAC]  }
0x30: {  	s3 =	sld [smem:$0x3FAF]  }
0x31: {  	[smem:$0x3FB8] =	sst s10  }
0x32: {  	s10 =	sld [smem:$0x3FB6];
	_ =	sdelay $0x3  }
0x33: {  	p0 =	seq.s32 s10, $0x1;
	s10 =	sld [smem:$0x3FB8];
	_ =	sdelay $0x3  }
0x34: {  	[smem:$0x3FB8] =	sst s10  }
0x35: {  	s10 =	sld [smem:$0x3FB7];
	_ =	sdelay $0x3  }
0x36: {  	p1 =	seq.s32 s10, $0x1;
	s10 =	sld [smem:$0x3FB8];
	_ =	sdelay $0x3  }
0x37: {  	[smem:$0x3FB8] =	sst s10  }
0x38: {  	s10 =	sld [smem:$0x3FB9]  }
0x39: {  	_ = 	snop;
	(pc) =	sbr.ind lr, $3  }
0x3a: {  	_ = 	snop  }
0x3b: {  	_ = 	snop  }
0x3c: {  	p2 =	seq.s32 s10, $0x1;
	s10 =	sld [smem:$0x3FB8]  }
0x3d: {  	_ =	shalt  }
0x3e: {  	_ =	shalt  }
0x3f: {  	_ =	shalt  }
0x40: {  	_ =	shalt  }
0x41: {  	_ =	shalt  }
0x42: {  	_ =	shalt  }
0x43: {  	_ =	shalt  }
0x44: {  	_ =	shalt  }
0x45: {  	_ =	shalt  }
0x46: {  	_ =	shalt  }
0x47: {  	_ =	shalt  }
0x48: {  	_ =	shalt  }
0x49: {  	_ =	shalt  }
0x4a: {  	_ =	shalt  }
0x4b: {  	_ =	shalt  }
0x4c: {  	_ =	shalt  }
0x4d: {  	_ =	shalt  }
0x4e: {  	_ =	shalt  }
0x4f: {  	_ =	shalt  }
0x50: {  	_ =	shalt  }
0x51: {  	_ =	shalt  }
0x52: {  	_ =	shalt  }
0x53: {  	_ =	shalt  }
0x54: {  	_ =	shalt  }
0x55: {  	_ =	shalt  }
0x56: {  	_ =	shalt  }
0x57: {  	_ =	shalt  }
0x58: {  	_ =	shalt  }
0x59: {  	_ =	shalt  }
0x5a: {  	_ =	shalt  }
0x5b: {  	_ =	shalt  }
0x5c: {  	_ =	shalt  }
0x5d: {  	_ =	shalt  }
0x5e: {  	_ =	shalt  }
0x5f: {  	_ =	shalt  }
0x60: {  	_ =	shalt  }
0x61: {  	_ =	shalt  }
0x62: {  	_ =	shalt  }
0x63: {  	_ =	shalt  }
0x64: {  	_ =	shalt  }
0x65: {  	_ =	shalt  }
0x66: {  	_ =	shalt  }
0x67: {  	_ =	shalt  }
0x68: {  	_ =	shalt  }
0x69: {  	_ =	shalt  }
0x6a: {  	_ =	shalt  }
0x6b: {  	_ =	shalt  }
0x6c: {  	_ =	shalt  }
0x6d: {  	_ =	shalt  }
0x6e: {  	_ =	shalt  }
0x6f: {  	_ =	shalt  }
0x70: {  	_ =	shalt  }
0x71: {  	_ =	shalt  }
0x72: {  	_ =	shalt  }
0x73: {  	_ =	shalt  }
0x74: {  	_ =	shalt  }
0x75: {  	_ =	shalt  }
0x76: {  	_ =	shalt  }
0x77: {  	_ =	shalt  }
0x78: {  	_ =	shalt  }
0x79: {  	_ =	shalt  }
0x7a: {  	_ =	shalt  }
0x7b: {  	_ =	shalt  }
0x7c: {  	_ =	shalt  }
0x7d: {  	_ =	shalt  }
0x7e: {  	_ =	shalt  }
0x7f: {  	_ =	shalt  }
0x80: {  	_ =	shalt  }
0x81: {  	_ =	shalt  }
0x82: {  	_ =	shalt  }
0x83: {  	_ =	shalt  }
0x84: {  	_ =	shalt  }
0x85: {  	_ =	shalt  }
0x86: {  	_ =	shalt  }
0x87: {  	_ =	shalt  }
.Lfunc_end0:
.L_simem_size_0:
called_computation_lowered:
.L_overlay_start_0:
0x88: {  	s2 =	sld [smem:$0x3FD9]  }
0x89: {  	s3 =	sld [smem:$0x3FFE];
	_ =	sdelay $0x1  }
0x8a: {  	s1 =	srdreg.scid  }
0x8b: {  	s0 =	sand.u32 $0x1, s1  }
0x8c: {  	s17 =	sshll.u32 s0, $0xA;
	s2 =	sadd.s32 s3, s2  }
0x8d: {  	s2 =	sadd.s32 s2, s17  }
0x8e: {  	[smem:$0x3FC4] =	sst s2  }
0x8f: {  	_ = 	snop  }
0x90: {  	s2 =	sld [smem:$0x3FC8]  }
0x91: {  	s18 =	sld [smem:$0x3FD0];
	(tm) =	ssettm $0x1  }
0x92: {  	s4 =	sld [smem:$0x3FFB];
	_ =	sdelay $0x3  }
0x93: {  	_ =	strace s4  }
0x94: {  	s4 =	sld [smem:$0x3FFC];
	_ =	sdelay $0x3  }
0x95: {  	_ =	strace s4  }
0x96: {  	s4 =	sld [smem:$0x3FFD];
	_ =	sdelay $0x3  }
0x97: {  	_ =	strace s4  }
0x98: {  	_ =	strace $0x8FFFFFFF  }
0x99: {  	s19 =	sld [smem:$0x3FDB];
	_ =	sdelay $0x1  }
0x9a: {  	s5 =	simm.s32 $_scs_section_size  }
0x9b: {  	s6 =	simm.s32 $_size__tile_overlayer_lowered;
	s7 =	simm.s32 $_tile_overlayer_lowered  }
0x9c: {  	s22 =	simm.s32 $0x1BFF;
	s21 =	sshll.u32 s7, $0x1;
	s4 =	sadd.s32 s5, s19  }
0x9d: {  	s8 =	simm.s32 $0x0;
	s20 =	sshll.u32 s6, $0x1;
	s6 =	sadd.s32 s21, s4  }
0x9e: {  	[timem:s8], [sflag:s22] =	dma.local [hbm:s6], s20  }
0x9f: {  	_ =	swait.ge [sflag:s22], s20  }
0xa0: {  	s5 =	ssub.s32 $0x0, s20;
	[sflag:s22] =	ssyncset.done $0x0  }
0xa1: {  	[sflag:s22] =	ssyncadd.s32 s5;
	_ =	sdelay $0x1  }
0xa2: {  	s23 =	simm.s32 $0x1B8B  }
0xa3: {  	_ =	swait.ge [sflag:s23], $0x1  }
0xa4: {  	[sflag:s23] =	ssyncset.done $0x0  }
0xa5: {  	s25 =	simm.s32 $0x1B8E;
	s24 =	sld [smem:$0x3FFE];
	[sflag:s23] =	ssyncadd.s32 $0xFFFFFFFF  }
0xa6: {  	s26 =	simm.s32 $execute0_lowered;
	[smem:$0x3FD2] =	sst s25  }
0xa7: {  	s6 =	sshll.u32 s26, $0x1;
	_ =	strace $0x80000046;
	[dreg:$0x1] =	wrdreg $0xFFFFFFFF  }
0xa8: {  	s28 =	simm.s32 $_size_execute0_lowered;
	s4 =	sadd.s32 s4, s6;
	[dreg:$0x0] =	wrdreg $0x0  }
0xa9: {  	s6 =	sshll.u32 s28, $0x1;
	[dreg:$0x2] =	wrdreg s4  }
0xaa: {  	[dreg:$0x3] =	wrdreg s6  }
0xab: {  	[dreg:$0x4] =	wrdreg $0xC0  }
0xac: {  	_ =	task [dreg:s8], $0x5FFFF  }
0xad: {  	[dreg:$0x1] =	wrdreg $0xFFFFFFFF  }
0xae: {  	[dreg:$0x0] =	wrdreg $0x60  }
0xaf: {  	[dreg:$0x2] =	wrdreg s24  }
0xb0: {  	[dreg:$0x3] =	wrdreg s2  }
0xb1: {  	[dreg:$0x4] =	wrdreg s18  }
0xb2: {  	[dreg:$0x5] =	wrdreg $0x9  }
0xb3: {  	_ =	task.clear_ibuf [dreg:s8], $0x6FFFF;
	_ =	strace $0x90000046  }
0xb4: {  	s29 =	simm.s32 $0x9;
	_ =	strace $0x80000048  }
0xb5: {  	_ =	swait.ge [sflag:s29], $0x1  }
0xb6: {  	[sflag:s29] =	ssyncadd.s32 $0xFFFFFFFF  }
0xb7: {  	_ =	strace $0x90000048  }
0xb8: {  	_ =	sfence  }
0xb9: {  	s30 =	sld [smem:$0x0];
	_ =	sdelay $0x2  }
0xba: {  	s31 =	sshll.u32 s1, $0xD;
	s1 =	sshrl.u32 s1, $0x2  }
0xbb: {  	s3 =	sand.u32 $0x4000, s31;
	s1 =	sadd.s32 s1, s30  }
0xbc: {  	s0 =	sor.u32 s3, s0;
	s1 =	sshll.u32 s1, $0x11  }
0xbd: {  	s0 =	sor.u32 s1, s0  }
0xbe: {  	s0 =	sadd.s32 $0x8F2B, s0  }
0xbf: {  	[sflag:s0] =	ssyncadd.remote.s32 $0x1  }
0xc0: {  	_ =	sfence.sel $0xFFFF  }
0xc1: {  	[dreg:$0x0] =	wrdreg $0xFFFFFFFF;
	(pc) =	sbr.abs _section_cstart, $3  }
0xc2: {  	[dreg:$0x1] =	wrdreg $0xFFFFFFFF  }
0xc3: {  	_ =	task.clear_ibuf [dreg:s8], $0x2FFFF;
	_ =	strace $0x9FFFFFFF  }
0xc4: {  	(tm) =	ssettm $0x7FFFFFFF  }
0xc5: {  	_ =	shalt  }
tec
execute0_lowered:
.L_overlay_start_1:
0x0: {  	(tag) =	ssettag $0x1  }
0x1: {  	s0 =	rddreg [dreg:$0x0]  }
0x2: {  	s1 =	srdreg.scid;
	s2 =	rddreg [dreg:$0x1]  }
0x3: {  	s3 =	rddreg [dreg:$0x2];
	s5 =	stileid.u32;
	s9 =	simm.s32 $0x0  }
0x4: {  	s10 =	simm.s32 $0x5;
	s11 =	simm.s32 $0x180;
	s12 =	simm.s32 $0x1  }
0x5: {  	s13 =	simm.s32 $0x100;
	s16 =	simm.s32 $0x280;
	s17 =	simm.s32 $0x3  }
0x6: {  	s18 =	simm.s32 $0x2;
	s21 =	simm.s32 $0x11480;
	s1 =	sand.u32 $0x1, s1  }
0x7: {  	s22 =	simm.s32 $0x11580;
	s4 =	sshll.u32 s1, $0x4;
	s1 =	ssub.s32 $0x2, s1  }
0x8: {  	s23 =	simm.s32 $0x11680;
	s4 =	sor.u32 s5, s4;
	s8 =	sshrl.u32 s1, $0x1  }
0x9: {  	[smem:$0x7FF] =	sst s9;
	s5 =	smul.u32 $0x28, s4;
	s1 =	ssub.s32 s1, s8  }
0xa: {  	v0 =	vimm.f32 $0.0e+00;
	vm0 =	vmmov $0x1;
	_ =	strace $0x80000047;
	s6 =	smul.u32 $0x1400, s4;
	s31 =	smax.u32 s1, $0x1  }
.Ltmp0:
0xb: {  	v1 =	vimm.s32 $0x0;
	v2 =	vimm.s32 $0x1;
	v3 =	vlaneseq.u32;
	s7 =	sadd.s32 s5, s0;
	s5 =	sadd.s32 $0x4E2E00, s0;
	(pc) =	sbr.rel .LBB2_1-.Ltmp0, $4  }
0xc: {  	v4 =	vimm.s32 $0x7;
	v6 =	vimm.s32 $0x2;
	v8 =	vimm.s32 $0x3;
	s6 =	sadd.s32 s6, s0;
	s0 =	sadd.s32 $0x28200, s0;
	[dreg:$0x7] =	wrdreg s31  }
0xd: {  	v10 =	vimm.s32 $0x4;
	v12 =	vimm.s32 $0x5;
	v14 =	vimm.s32 $0x6;
	s24 =	simm.s32 $0x4;
	s7 =	sadd.s32 $0x1000, s7;
	[dreg:$0x6] =	wrdreg s0  }
0xe: {  	s25 =	simm.s32 $0x6;
	v5 =	vor.u32 $0x10, v3;
	v7 =	vor.u32 $0x20, v3;
	v9 =	vor.u32 $0x30, v3;
	s6 =	sadd.s32 $0x1600, s6;
	[dreg:$0x4] =	wrdreg s7  }
0xf: {  	v11 =	vor.u32 $0x40, v3;
	v13 =	vor.u32 $0x50, v3;
	v15 =	vor.u32 $0x60, v3;
	p0 =	seq.s32 s4, $0x1F;
	s4 =	simm.s32 $0x0;
	[dreg:$0x5] =	wrdreg s6  }
.LBB2_14:
0x10: {  	_ =	swait.ge [sflag:s17], $0x8000  }
0x11: {  	[sflag:s17] =	ssyncset.done $0x0  }
0x12: {  	[sflag:s17] =	ssyncadd.s32 $0xFFFF8000  }
0x13: {  	_ =	swait.ge [sflag:s10], $0x800  }
0x14: {  	[sflag:s10] =	ssyncset.done $0x0  }
0x15: {  	[sflag:s10] =	ssyncadd.s32 $0xFFFFF800  }
0x16: {  	_ =	swait.ge [sflag:s18], $0x100  }
0x17: {  	s0 =	simm.s32 @p0 $0x0;
	[sflag:s18] =	ssyncset.done $0x0  }
0x18: {  	s1 =	simm.s32 @p0 $0x11680;
	s4 =	rddreg [dreg:$0x6];
	[sflag:s18] =	ssyncadd.s32 $0xFFFFFF00  }
0x19: {  	[hbm4b:s4+s0] =	stream.linear.scatter @p0 [tilespmem:s1], [sflag:$0x1], $0x2800, $0x38;
	[tilespmem:$0x1BA80] =	vst v63  }
0x1a: {  	s0 =	simm.s32 @p0 $0x1  }
0x1b: {  	_ =	swait.ge @p0 [sflag:s0], $0x2800  }
0x1c: {  	s1 =	simm.s32 @!p0 $0x11680;
	[sflag:s0] =	ssyncset.done @p0 $0x0  }
0x1d: {  	s4 =	rddreg [dreg:$0x5];
	[sflag:s0] =	ssyncadd.s32 @p0 $0xFFFFD800;
	s0 =	simm.s32 @!p0 $0x0  }
0x1e: {  	[hbm4b:s4+s0] =	stream.linear.scatter @!p0 [tilespmem:s1], [sflag:$0x1], $0xA000, $0x38;
	[tilespmem:$0x1BA80] =	vst v63  }
0x1f: {  	s0 =	simm.s32 @!p0 $0x1  }
0x20: {  	_ =	swait.ge @!p0 [sflag:s0], $0xA000  }
0x21: {  	s30 =	rddreg [dreg:$0x8]  }
0x22: {  	s31 =	rddreg [dreg:$0x7];
	s4 =	sadd.s32 $0x1, s30  }
0x23: {  	p1 =	sne.s32 s4, s31  }
.Ltmp1:
0x24: {  	_ = 	snop;
	(pc) =	sbr.rel @!p1 .LBB2_15-.Ltmp1, $3  }
0x25: {  	_ =	sdelay $0x1  }
0x26: {  	[sflag:s0] =	ssyncset.done @!p0 $0x0  }
0x27: {  	s9 =	simm.s32 $0x0;
	[sflag:s0] =	ssyncadd.s32 @!p0 $0xFFFF6000  }
.LBB2_1:
0x28: {  	s0 =	rddreg [dreg:$0x4]  }
0x29: {  	[tilespmem:s9], [sflag:$0x5] =	stream.linear.gather [hbm4b:s0+s9], $0x150, $0x38;
	[tilespmem:$0x1BA80] =	vst v63  }
0x2a: {  	[dreg:$0x8] =	wrdreg s4;
	s1 =	simm.s32 $0x200;
	s0 =	simm.s32 $0x0  }
.LBB2_2:
0x2b: {  	p1 =	sne.s32 s1, $0x28000;
	[tilespmem:s0+$0x116F0] =	vst v0  }
0x2c: {  	[tilespmem:s0+$0x11680] =	vst v0  }
0x2d: {  	[tilespmem:s0+$0x11690] =	vst v0  }
.Ltmp2:
0x2e: {  	[tilespmem:s0+$0x116A0] =	vst v0;
	(pc) =	sbr.rel @p1 .LBB2_2-.Ltmp2, $4  }
0x2f: {  	[tilespmem:s0+$0x116B0] =	vst v0  }
0x30: {  	[tilespmem:s0+$0x116C0] =	vst v0  }
0x31: {  	[tilespmem:s0+$0x116D0] =	vst v0  }
0x32: {  	[tilespmem:s0+$0x116E0] =	vst v0;
	s0 =	sshra.s32 s1, $0x2;
	s1 =	sadd.s32 $0x200, s1  }
0x33: {  	[tilespmem:s0+$0x116F0] =	vst v0  }
0x34: {  	[tilespmem:s0+$0x11680] =	vst v0  }
0x35: {  	[tilespmem:s0+$0x11690] =	vst v0  }
0x36: {  	[tilespmem:s0+$0x116A0] =	vst v0  }
0x37: {  	[tilespmem:s0+$0x116B0] =	vst v0  }
0x38: {  	[tilespmem:s0+$0x116C0] =	vst v0  }
0x39: {  	[tilespmem:s0+$0x116D0] =	vst v0  }
0x3a: {  	[tilespmem:s0+$0x116E0] =	vst v0  }
0x3b: {  	_ =	swait.ge [sflag:s10], $0x150  }
0x3c: {  	[sflag:s10] =	ssyncset.done $0x0  }
0x3d: {  	[sflag:s10] =	ssyncadd.s32 $0xFFFFFEB0  }
0x3e: {  	v16 =	vld [tilespmem:$0x0];
	_ =	sdelay $0x4  }
0x3f: {  	v16 =	vnsel vm0, $0x0, v16  }
0x40: {  	(xrf0) =	vadd.scan.msk.s32 $0xffff, v16;
	_ =	sdelay $0x1  }
0x41: {  	v16 =	vld [tilespmem:$0x140];
	_ =	sdelay $0x3  }
0x42: {  	v17, _, _ =	vpop (xrf0)  }
0x43: {  	v16 =	vnsel vm0, $0x0, v16;
	(v2sf) =	vpush v17, $0xF  }
0x44: {  	(xrf0) =	vadd.scan.msk.s32 $0xffff, v16;
	_ =	sdelay $0x5  }
0x45: {  	v16, _, _ =	vpop (xrf0)  }
0x46: {  	(v2sf) =	vpush v16, $0xF;
	_ =	sdelay $0x6  }
0x47: {  	s15 =	spop (v2sf)  }
0x48: {  	s1 =	sshra.s32 s15, $0x1F  }
0x49: {  	s1 =	sshrl.u32 s1, $0x18  }
0x4a: {  	s0 =	sadd.s32 s1, s15  }
0x4b: {  	s28 =	sand.u32 $0xFFFFFF00, s0  }
0x4c: {  	p1 =	slt.s32 s28, $0x4E100;
	s0 =	smov.u32 s28  }
0x4d: {  	s0 =	simm.s32 @!p1 $0x4E100  }
0x4e: {  	s19 =	sshrl.u32 s0, $0x3  }
0x4f: {  	s4 =	spop (v2sf);
	s1 =	sadd.s32 s2, s19  }
0x50: {  	[tilespmem:s11], [sflag:$0x1] =	stream.linear.gather [hbm4b:s1+s9], $0x100, $0x38;
	[tilespmem:$0x1BA80] =	vst v63  }
0x51: {  	_ =	swait.ge [sflag:s12], $0x100  }
0x52: {  	s20 =	simm.s32 $0x380;
	s30 =	ssub.s32 s4, s28;
	[sflag:s12] =	ssyncset.done $0x0  }
0x53: {  	s0 =	sand.u32 $0x1FFFFF00, s0;
	s1 =	sadd.s32 $0xFF, s30;
	[sflag:s12] =	ssyncadd.s32 $0xFFFFFF00  }
0x54: {  	[tilespmem:s20], [sflag:$0x3] =	stream.indirect.gather [hbm4b:s3+s13], $0x80, s11, s13, $0xb8;
	[tilespmem:$0x1BA80] =	vst v63  }
0x55: {  	s26 =	simm.s32 $0x10380;
	s0 =	sadd.s32 s5, s0;
	s1 =	sshrl.u32 s1, $0x8  }
0x56: {  	[tilespmem:s26], [sflag:$0x5] =	stream.linear.gather [hbm4b:s0+s9], $0x800, $0x38;
	[tilespmem:$0x1BA80] =	vst v63  }
0x57: {  	s31 =	sadd.s32 $0x1, s1;
	s0 =	sadd.s32 $0x100, s28  }
0x58: {  	s29 =	sshrl.u32 s31, $0x1;
	p1 =	slt.s32 s0, $0x4E100  }
0x59: {  	s0 =	simm.s32 @!p1 $0x4E100;
	p1 =	seq.s32 s29, $0x0  }
.Ltmp3:
0x5a: {  	_ = 	snop;
	(pc) =	sbr.rel @p1 .LBB2_14-.Ltmp3, $4  }
0x5b: {  	_ = 	snop  }
0x5c: {  	s0 =	sshrl.u32 s0, $0x3  }
0x5d: {  	s0 =	sadd.s32 s2, s0  }
0x5e: {  	[tilespmem:s16], [sflag:$0x2] =	stream.linear.gather [hbm4b:s0+s9], $0x100, $0x38;
	[tilespmem:$0x1BA80] =	vst v63  }
0x5f: {  	s30 =	sadd.s32 $0x200, s28;
	s31 =	sadd.s32 $0x300, s28  }
0x60: {  	s0 =	simm.s32 $0x0;
	s8 =	simm.s32 $0x0;
	s1 =	simm.s32 $0x0  }
.LBB2_5:
0x61: {  	_ =	swait.ge [sflag:s18], $0x100;
	s6 =	sshll.u32 s1, $0x9  }
0x62: {  	[sflag:s18] =	ssyncset.done $0x0;
	s26 =	sadd.s32 s28, s6  }
0x63: {  	s4 =	simm.s32 $0x8380;
	[sflag:s18] =	ssyncadd.s32 $0xFFFFFF00;
	s7 =	sadd.s32 $0x100, s26  }
0x64: {  	[tilespmem:s4], [sflag:$0x4] =	stream.indirect.gather [hbm4b:s3+s13], $0x80, s16, s13, $0xb8;
	[tilespmem:$0x1BA80] =	vst v63  }
0x65: {  	p1 =	slt.s32 s7, $0x4E100;
	s9 =	smov.u32 s7  }
0x66: {  	s9 =	simm.s32 @!p1 $0x4E100  }
0x67: {  	s9 =	sand.u32 $0x1FFFFF00, s9  }
0x68: {  	s14 =	simm.s32 $0x10C00;
	s9 =	sadd.s32 s5, s9  }
0x69: {  	[tilespmem:s14], [sflag:$0x6] =	stream.linear.gather [hbm4b:s9+s0], $0x800, $0x38;
	[tilespmem:$0x1BA80] =	vst v63  }
0x6a: {  	[tilespmem:$0x11480] =	vst v1  }
0x6b: {  	[tilespmem:$0x11490] =	vst v1  }
0x6c: {  	[tilespmem:$0x114A0] =	vst v1  }
0x6d: {  	[tilespmem:$0x114B0] =	vst v1  }
0x6e: {  	[tilespmem:$0x114C0] =	vst v1;
	v17 =	vld [tilespmem:$0x0]  }
0x6f: {  	[tilespmem:$0x114D0] =	vst v1  }
0x70: {  	[tilespmem:$0x114E0] =	vst v1  }
0x71: {  	[tilespmem:$0x114F0] =	vst v1  }
0x72: {  	v16 =	vmov s26;
	[tilespmem:$0x11500] =	vst v1  }
0x73: {  	[tilespmem:$0x11510] =	vst v1;
	v18 =	vsub.s32 v17, v16  }
0x74: {  	[tilespmem:$0x11520] =	vst v1;
	v17 =	vand.u32 $0x7F, v17;
	vm1 =	vlt.u32 v18, $0x100;
	v18 =	vand.u32 $0xFFFFFF80, v18  }
0x75: {  	[tilespmem:$0x11530] =	vst v1;
	v17 =	vor.u32 v17, v18  }
0x76: {  	[tilespmem:$0x11540] =	vst v1  }
0x77: {  	[tilespmem:$0x11550] =	vst v1  }
0x78: {  	[tilespmem:$0x11560] =	vst v1  }
0x79: {  	[tilespmem:$0x11570] =	vst v1  }
0x7a: {  	[tilespmem:v17+s21+$0x0] =	vst.idx.add.s32.msk vm1, v2  }
0x7b: {  	v17 =	vld [tilespmem:$0x10];
	_ =	sdelay $0x4  }
0x7c: {  	v18 =	vsub.s32 v17, v16  }
0x7d: {  	v17 =	vand.u32 $0x7F, v17;
	vm1 =	vlt.u32 v18, $0x100;
	v18 =	vand.u32 $0xFFFFFF80, v18  }
0x7e: {  	v17 =	vor.u32 v17, v18;
	_ =	sdelay $0x4  }
0x7f: {  	[tilespmem:v17+s21+$0x0] =	vst.idx.add.s32.msk vm1, v2  }
0x80: {  	v17 =	vld [tilespmem:$0x20];
	_ =	sdelay $0x4  }
0x81: {  	v18 =	vsub.s32 v17, v16  }
0x82: {  	v17 =	vand.u32 $0x7F, v17;
	vm1 =	vlt.u32 v18, $0x100;
	v18 =	vand.u32 $0xFFFFFF80, v18  }
0x83: {  	v17 =	vor.u32 v17, v18;
	_ =	sdelay $0x4  }
0x84: {  	[tilespmem:v17+s21+$0x0] =	vst.idx.add.s32.msk vm1, v2  }
0x85: {  	v17 =	vld [tilespmem:$0x30];
	_ =	sdelay $0x4  }
0x86: {  	v18 =	vsub.s32 v17, v16  }
0x87: {  	v17 =	vand.u32 $0x7F, v17;
	vm1 =	vlt.u32 v18, $0x100;
	v18 =	vand.u32 $0xFFFFFF80, v18  }
0x88: {  	v17 =	vor.u32 v17, v18;
	_ =	sdelay $0x4  }
0x89: {  	[tilespmem:v17+s21+$0x0] =	vst.idx.add.s32.msk vm1, v2  }
0x8a: {  	v17 =	vld [tilespmem:$0x40];
	_ =	sdelay $0x4  }
0x8b: {  	v18 =	vsub.s32 v17, v16  }
0x8c: {  	v17 =	vand.u32 $0x7F, v17;
	vm1 =	vlt.u32 v18, $0x100;
	v18 =	vand.u32 $0xFFFFFF80, v18  }
0x8d: {  	v17 =	vor.u32 v17, v18;
	_ =	sdelay $0x4  }
0x8e: {  	[tilespmem:v17+s21+$0x0] =	vst.idx.add.s32.msk vm1, v2  }
0x8f: {  	v17 =	vld [tilespmem:$0x50];
	_ =	sdelay $0x4  }
0x90: {  	v18 =	vsub.s32 v17, v16  }
0x91: {  	v17 =	vand.u32 $0x7F, v17;
	vm1 =	vlt.u32 v18, $0x100;
	v18 =	vand.u32 $0xFFFFFF80, v18  }
0x92: {  	v17 =	vor.u32 v17, v18;
	_ =	sdelay $0x4  }
0x93: {  	[tilespmem:v17+s21+$0x0] =	vst.idx.add.s32.msk vm1, v2  }
0x94: {  	v17 =	vld [tilespmem:$0x60];
	_ =	sdelay $0x4  }
0x95: {  	v18 =	vsub.s32 v17, v16  }
0x96: {  	v17 =	vand.u32 $0x7F, v17;
	vm1 =	vlt.u32 v18, $0x100;
	v18 =	vand.u32 $0xFFFFFF80, v18  }
0x97: {  	v17 =	vor.u32 v17, v18;
	_ =	sdelay $0x4  }
0x98: {  	[tilespmem:v17+s21+$0x0] =	vst.idx.add.s32.msk vm1, v2  }
0x99: {  	v17 =	vld [tilespmem:$0x70];
	_ =	sdelay $0x4  }
0x9a: {  	v18 =	vsub.s32 v17, v16  }
0x9b: {  	v17 =	vand.u32 $0x7F, v17;
	vm1 =	vlt.u32 v18, $0x100;
	v18 =	vand.u32 $0xFFFFFF80, v18  }
0x9c: {  	v17 =	vor.u32 v17, v18;
	_ =	sdelay $0x4  }
0x9d: {  	[tilespmem:v17+s21+$0x0] =	vst.idx.add.s32.msk vm1, v2  }
0x9e: {  	v17 =	vld [tilespmem:$0x80];
	_ =	sdelay $0x4  }
0x9f: {  	v18 =	vsub.s32 v17, v16  }
0xa0: {  	v17 =	vand.u32 $0x7F, v17;
	vm1 =	vlt.u32 v18, $0x100;
	v18 =	vand.u32 $0xFFFFFF80, v18  }
0xa1: {  	v17 =	vor.u32 v17, v18;
	_ =	sdelay $0x4  }
0xa2: {  	[tilespmem:v17+s21+$0x0] =	vst.idx.add.s32.msk vm1, v2  }
0xa3: {  	v17 =	vld [tilespmem:$0x90];
	_ =	sdelay $0x4  }
0xa4: {  	v18 =	vsub.s32 v17, v16  }
0xa5: {  	v17 =	vand.u32 $0x7F, v17;
	vm1 =	vlt.u32 v18, $0x100;
	v18 =	vand.u32 $0xFFFFFF80, v18  }
0xa6: {  	v17 =	vor.u32 v17, v18;
	_ =	sdelay $0x4  }
0xa7: {  	[tilespmem:v17+s21+$0x0] =	vst.idx.add.s32.msk vm1, v2  }
0xa8: {  	v17 =	vld [tilespmem:$0xA0];
	_ =	sdelay $0x4  }
0xa9: {  	v18 =	vsub.s32 v17, v16  }
0xaa: {  	v17 =	vand.u32 $0x7F, v17;
	vm1 =	vlt.u32 v18, $0x100;
	v18 =	vand.u32 $0xFFFFFF80, v18  }
0xab: {  	v17 =	vor.u32 v17, v18;
	_ =	sdelay $0x4  }
0xac: {  	[tilespmem:v17+s21+$0x0] =	vst.idx.add.s32.msk vm1, v2  }
0xad: {  	v17 =	vld [tilespmem:$0xB0];
	_ =	sdelay $0x4  }
0xae: {  	v18 =	vsub.s32 v17, v16  }
0xaf: {  	v17 =	vand.u32 $0x7F, v17;
	vm1 =	vlt.u32 v18, $0x100;
	v18 =	vand.u32 $0xFFFFFF80, v18  }
0xb0: {  	v17 =	vor.u32 v17, v18;
	_ =	sdelay $0x4  }
0xb1: {  	[tilespmem:v17+s21+$0x0] =	vst.idx.add.s32.msk vm1, v2  }
0xb2: {  	v17 =	vld [tilespmem:$0xC0];
	_ =	sdelay $0x4  }
0xb3: {  	v18 =	vsub.s32 v17, v16  }
0xb4: {  	v17 =	vand.u32 $0x7F, v17;
	vm1 =	vlt.u32 v18, $0x100;
	v18 =	vand.u32 $0xFFFFFF80, v18  }
0xb5: {  	v17 =	vor.u32 v17, v18;
	_ =	sdelay $0x4  }
0xb6: {  	[tilespmem:v17+s21+$0x0] =	vst.idx.add.s32.msk vm1, v2  }
0xb7: {  	v17 =	vld [tilespmem:$0xD0];
	_ =	sdelay $0x4  }
0xb8: {  	v18 =	vsub.s32 v17, v16  }
0xb9: {  	v17 =	vand.u32 $0x7F, v17;
	vm1 =	vlt.u32 v18, $0x100;
	v18 =	vand.u32 $0xFFFFFF80, v18  }
0xba: {  	v17 =	vor.u32 v17, v18;
	_ =	sdelay $0x4  }
0xbb: {  	[tilespmem:v17+s21+$0x0] =	vst.idx.add.s32.msk vm1, v2  }
0xbc: {  	v17 =	vld [tilespmem:$0xE0];
	_ =	sdelay $0x4  }
0xbd: {  	v18 =	vsub.s32 v17, v16  }
0xbe: {  	v17 =	vand.u32 $0x7F, v17;
	vm1 =	vlt.u32 v18, $0x100;
	v18 =	vand.u32 $0xFFFFFF80, v18  }
0xbf: {  	v17 =	vor.u32 v17, v18;
	_ =	sdelay $0x4  }
0xc0: {  	[tilespmem:v17+s21+$0x0] =	vst.idx.add.s32.msk vm1, v2  }
0xc1: {  	v17 =	vld [tilespmem:$0xF0];
	_ =	sdelay $0x4  }
0xc2: {  	v18 =	vsub.s32 v17, v16  }
0xc3: {  	v17 =	vand.u32 $0x7F, v17;
	vm1 =	vlt.u32 v18, $0x100;
	v18 =	vand.u32 $0xFFFFFF80, v18  }
0xc4: {  	v17 =	vor.u32 v17, v18;
	_ =	sdelay $0x4  }
0xc5: {  	[tilespmem:v17+s21+$0x0] =	vst.idx.add.s32.msk vm1, v2  }
0xc6: {  	v17 =	vld [tilespmem:$0x100];
	_ =	sdelay $0x4  }
0xc7: {  	v18 =	vsub.s32 v17, v16  }
0xc8: {  	v17 =	vand.u32 $0x7F, v17;
	vm1 =	vlt.u32 v18, $0x100;
	v18 =	vand.u32 $0xFFFFFF80, v18  }
0xc9: {  	v17 =	vor.u32 v17, v18;
	_ =	sdelay $0x4  }
0xca: {  	[tilespmem:v17+s21+$0x0] =	vst.idx.add.s32.msk vm1, v2  }
0xcb: {  	v17 =	vld [tilespmem:$0x110];
	_ =	sdelay $0x4  }
0xcc: {  	v18 =	vsub.s32 v17, v16  }
0xcd: {  	v17 =	vand.u32 $0x7F, v17;
	vm1 =	vlt.u32 v18, $0x100;
	v18 =	vand.u32 $0xFFFFFF80, v18  }
0xce: {  	v17 =	vor.u32 v17, v18;
	_ =	sdelay $0x4  }
0xcf: {  	[tilespmem:v17+s21+$0x0] =	vst.idx.add.s32.msk vm1, v2  }
0xd0: {  	v17 =	vld [tilespmem:$0x120];
	_ =	sdelay $0x4  }
0xd1: {  	v18 =	vsub.s32 v17, v16  }
0xd2: {  	v17 =	vand.u32 $0x7F, v17;
	vm1 =	vlt.u32 v18, $0x100;
	v18 =	vand.u32 $0xFFFFFF80, v18  }
0xd3: {  	v17 =	vor.u32 v17, v18;
	_ =	sdelay $0x4  }
0xd4: {  	[tilespmem:v17+s21+$0x0] =	vst.idx.add.s32.msk vm1, v2  }
0xd5: {  	v17 =	vld [tilespmem:$0x130];
	_ =	sdelay $0x4  }
0xd6: {  	v18 =	vsub.s32 v17, v16  }
0xd7: {  	v17 =	vand.u32 $0x7F, v17;
	vm1 =	vlt.u32 v18, $0x100;
	v18 =	vand.u32 $0xFFFFFF80, v18  }
0xd8: {  	v17 =	vor.u32 v17, v18;
	_ =	sdelay $0x4  }
0xd9: {  	[tilespmem:v17+s21+$0x0] =	vst.idx.add.s32.msk vm1, v2  }
0xda: {  	v17 =	vld [tilespmem:$0x140];
	_ =	sdelay $0x4  }
0xdb: {  	v16 =	vsub.s32 v17, v16  }
0xdc: {  	vm1 =	vlt.u32 v16, $0x100  }
0xdd: {  	v17 =	vand.u32 $0x7F, v17;
	v16 =	vand.u32 $0xFFFFFF80, v16;
	vm1 =	vmand vm1, vm0  }
0xde: {  	v16 =	vor.u32 v17, v16;
	_ =	sdelay $0x4  }
0xdf: {  	s20 =	simm.s32 $0x0;
	[tilespmem:v16+s21+$0x0] =	vst.idx.add.s32.msk vm1, v2  }
0xe0: {  	s4 =	simm.s32 $0x10;
	v16 =	vld [tilespmem:s20+$0x11480]  }
0xe1: {  	v17 =	vld [tilespmem:s4+$0x11480];
	_ =	sdelay $0x3  }
0xe2: {  	(xrf0) =	vadd.scan.msk.s32 $0xffff, v16  }
0xe3: {  	(xrf0) =	vadd.scan.msk.s32 $0xffff, v17;
	_ =	sdelay $0x4  }
0xe4: {  	s19 =	simm.s32 $0x20;
	v17, _, _ =	vpop (xrf0)  }
0xe5: {  	v18 =	vld [tilespmem:s19+$0x11480];
	(v2sf) =	vpush v17, $0xF;
	v16, _, _ =	vpop (xrf0)  }
0xe6: {  	(v2sf) =	vpush v16, $0xF;
	_ =	sdelay $0x3  }
0xe7: {  	s9 =	simm.s32 $0x30;
	(xrf0) =	vadd.scan.msk.s32 $0xffff, v18  }
0xe8: {  	v18 =	vld [tilespmem:s9+$0x11480];
	_ =	sdelay $0x3  }
0xe9: {  	s26 =	simm.s32 $0x100  }
.LBB2_6:
0xea: {  	s14 =	sshra.s32 s26, $0x2;
	p1 =	sne.s32 s26, $0x3C0;
	s26 =	sadd.s32 $0x40, s26;
	(xrf0) =	vadd.scan.msk.s32 $0xffff, v18;
	v19 =	vadd.s32 s8, v17;
	v17 =	vmov v16;
	v16, _, _ =	vpop (xrf0)  }
.Ltmp4:
0xeb: {  	v18 =	vld [tilespmem:s14+$0x11480];
	(v2sf) =	vpush v16, $0xF;
	v20 =	vadd.s32 $0xFFFFFFFF, v19;
	v19 =	vadd.s32 $0xFFFFFEBF, v19;
	(pc) =	sbr.rel @p1 .LBB2_6-.Ltmp4, $4  }
0xec: {  	vm1 =	vlt.u32 v19, $0xFFFFFEC0  }
0xed: {  	v19 =	vsel vm1, $0x140, v20  }
0xee: {  	[tilespmem:s20+$0x11580] =	vst v19;
	s15 =	spop (v2sf);
	s20 =	smov.u32 s4;
	s4 =	smov.u32 s19  }
0xef: {  	s19 =	smov.u32 s9;
	s9 =	smov.u32 s14;
	s8 =	sadd.s32 s8, s15  }
0xf0: {  	(xrf0) =	vadd.scan.msk.s32 $0xffff, v18;
	v18, _, _ =	vpop (xrf0)  }
0xf1: {  	(v2sf) =	vpush v18, $0xF;
	_ =	sdelay $0x4  }
0xf2: {  	v19, _, _ =	vpop (xrf0)  }
0xf3: {  	(v2sf) =	vpush v19, $0xF;
	_ =	sdelay $0x5  }
0xf4: {  	s14 =	spop (v2sf);
	v17 =	vadd.s32 s8, v17  }
0xf5: {  	v20 =	vadd.s32 $0xFFFFFEBF, v17;
	s14 =	sadd.s32 s8, s14  }
0xf6: {  	v17 =	vadd.s32 $0xFFFFFFFF, v17;
	vm1 =	vlt.u32 v20, $0xFFFFFEC0;
	v16 =	vadd.s32 s14, v16;
	s15 =	spop (v2sf)  }
0xf7: {  	v17 =	vsel vm1, $0x140, v17;
	v20 =	vadd.s32 $0xFFFFFEBF, v16;
	s8 =	sadd.s32 s14, s15;
	s26 =	spop (v2sf)  }
0xf8: {  	v16 =	vadd.s32 $0xFFFFFFFF, v16;
	vm1 =	vlt.u32 v20, $0xFFFFFEC0;
	v18 =	vadd.s32 s8, v18;
	s8 =	sadd.s32 s8, s26  }
0xf9: {  	v16 =	vsel vm1, $0x140, v16;
	v20 =	vadd.s32 $0xFFFFFEBF, v18;
	v19 =	vadd.s32 s8, v19  }
0xfa: {  	[tilespmem:s20+$0x11580] =	vst v17;
	v17 =	vadd.s32 $0xFFFFFFFF, v18;
	vm1 =	vlt.u32 v20, $0xFFFFFEC0;
	v18 =	vadd.s32 $0xFFFFFEBF, v19  }
0xfb: {  	[tilespmem:s4+$0x11580] =	vst v16;
	v16 =	vsel vm1, $0x140, v17;
	v17 =	vadd.s32 $0xFFFFFFFF, v19;
	vm1 =	vlt.u32 v18, $0xFFFFFEC0  }
0xfc: {  	s15 =	simm.s32 $0x2;
	[tilespmem:s19+$0x11580] =	vst v16;
	v16 =	vsel vm1, $0x140, v17  }
0xfd: {  	[tilespmem:s9+$0x11580] =	vst v16;
	s19 =	spop (v2sf);
	v16 =	vmov s15  }
0xfe: {  	_ =	swait.ge [sflag:s17], $0x8000;
	v16 =	vand.u32 $0xFFFFFFFE, v16  }
0xff: {  	s4 =	simm.s32 $0x0;
	s9 =	sadd.s32 s6, s30;
	[sflag:s17] =	ssyncset.done $0x0;
	v16 =	vbroadcast v16, $0x0  }
0x100: {  	s20 =	simm.s32 $0x3;
	v17 =	vmov s4;
	p1 =	slt.s32 s9, $0x4E100;
	[sflag:s17] =	ssyncadd.s32 $0xFFFF8000  }
0x101: {  	s26 =	simm.s32 $0x1;
	v18 =	vmov s20;
	v17 =	vand.u32 $0xFFFFFFFC, v17;
	s9 =	simm.s32 @!p1 $0x4E100;
	_ =	swait.ge [sflag:s10], $0x800  }
0x102: {  	v19 =	vmov s26;
	v17 =	vbroadcast v17, $0x0;
	s15 =	sshrl.u32 s9, $0x3;
	[sflag:s10] =	ssyncset.done $0x0  }
0x103: {  	v19 =	vand.u32 $0xFFFFFFFD, v19;
	s15 =	sadd.s32 s2, s15;
	[sflag:s10] =	ssyncadd.s32 $0xFFFFF800  }
0x104: {  	v19 =	vbroadcast v19, $0x0;
	[tilespmem:s11], [sflag:$0x1] =	stream.linear.gather [hbm4b:s15+s4], $0x100, $0x38;
	[tilespmem:$0x1BA80] =	vst v63  }
0x105: {  	v16 =	vld.idx.msk [tilespmem:v16+s22+$0x0], $0xffff  }
0x106: {  	s26 =	simm.s32 $0x10390;
	v20 =	vld.idx.msk [tilespmem:v18+s22+$0x0], $0xffff  }
0x107: {  	v21 =	vld [tilespmem:s26+$0x0]  }
0x108: {  	s4 =	simm.s32 $0x480;
	v17 =	vld.idx.msk [tilespmem:v17+s22+$0x0], $0xffff  }
0x109: {  	v22 =	vld [tilespmem:s4+$0x0]  }
0x10a: {  	v19 =	vld.idx.msk [tilespmem:v19+s22+$0x0], $0xffff;
	v26 =	vshll.u32 v16, $0x7  }
0x10b: {  	v16 =	vld [tilespmem:s26+$0xFFFFFFF0];
	v23 =	vor.u32 v3, v26  }
0x10c: {  	v28 =	vld [tilespmem:s26+$0xFFFFFFF8];
	v24 =	vperm.xlane v21, v1  }
0x10d: {  	v25 =	vld [tilespmem:s4+$0xFFFFFF00]  }
0x10e: {  	v18 =	vshll.u32 v17, $0x7;
	v17 =	vld [tilespmem:s4+$0xFFFFFF80];
	v22 =	vmul.f32 v22, v24  }
0x10f: {  	v32 =	vld [tilespmem:s26+$0x8];
	v27 =	vor.u32 v3, v18;
	v24 =	vshll.u32 v19, $0x7  }
0x110: {  	v29 =	vor.u32 v3, v24;
	v19 =	vperm.xlane v16, v1;
	[tilespmem:v23+s23+$0x0] =	vst.idx.add.f32.msk $0xffff, v22  }
0x111: {  	v22 =	vperm.xlane v28, v1;
	v23 =	vld [tilespmem:s4+$0x10]  }
0x112: {  	v19 =	vmul.f32 v25, v19  }
0x113: {  	v30 =	vor.u32 v5, v26;
	v25 =	vld [tilespmem:s4+$0x80];
	v22 =	vmul.f32 v17, v22  }
0x114: {  	v17 =	vshll.u32 v20, $0x7;
	[tilespmem:v27+s23+$0x0] =	vst.idx.add.f32.msk $0xffff, v19;
	v19 =	vperm.xlane v21, v2  }
0x115: {  	v20 =	vor.u32 v3, v17;
	[tilespmem:v29+s23+$0x0] =	vst.idx.add.f32.msk $0xffff, v22  }
0x116: {  	v22 =	vperm.xlane v32, v1;
	v27 =	vld [tilespmem:s4+$0xFFFFFF90];
	v19 =	vmul.f32 v23, v19  }
0x117: {  	v23 =	vld [tilespmem:s4+$0xFFFFFF10]  }
0x118: {  	v22 =	vmul.f32 v25, v22;
	v25 =	vor.u32 v5, v24;
	[tilespmem:v30+s23+$0x0] =	vst.idx.add.f32.msk $0xffff, v19  }
0x119: {  	v29 =	vor.u32 v5, v18;
	v19 =	vperm.xlane v28, v2;
	v30 =	vld [tilespmem:s4+$0x20]  }
0x11a: {  	v31 =	vperm.xlane v16, v2;
	[tilespmem:v20+s23+$0x0] =	vst.idx.add.f32.msk $0xffff, v22  }
0x11b: {  	v22 =	vor.u32 v7, v26;
	v20 =	vld [tilespmem:s4+$0x90];
	v19 =	vmul.f32 v27, v19  }
0x11c: {  	v27 =	vperm.xlane v21, v6;
	v23 =	vmul.f32 v23, v31  }
0x11d: {  	v31 =	vor.u32 v5, v17;
	[tilespmem:v25+s23+$0x0] =	vst.idx.add.f32.msk $0xffff, v19  }
0x11e: {  	v19 =	vperm.xlane v32, v2;
	[tilespmem:v29+s23+$0x0] =	vst.idx.add.f32.msk $0xffff, v23;
	v23 =	vmul.f32 v30, v27  }
0x11f: {  	v25 =	vld [tilespmem:s4+$0xFFFFFFA0]  }
0x120: {  	v19 =	vmul.f32 v20, v19;
	[tilespmem:v22+s23+$0x0] =	vst.idx.add.f32.msk $0xffff, v23  }
0x121: {  	v20 =	vor.u32 v7, v24;
	v22 =	vld [tilespmem:s4+$0x30]  }
0x122: {  	v23 =	vperm.xlane v28, v6;
	[tilespmem:v31+s23+$0x0] =	vst.idx.add.f32.msk $0xffff, v19  }
0x123: {  	v27 =	vor.u32 v9, v26;
	v19 =	vld [tilespmem:s4+$0xFFFFFF20]  }
0x124: {  	v29 =	vld [tilespmem:s4+$0xA0];
	v23 =	vmul.f32 v25, v23;
	v25 =	vperm.xlane v21, v8  }
0x125: {  	v30 =	vperm.xlane v16, v6;
	v31 =	vor.u32 v7, v18  }
0x126: {  	[tilespmem:v20+s23+$0x0] =	vst.idx.add.f32.msk $0xffff, v23;
	v20 =	vmul.f32 v22, v25;
	v22 =	vor.u32 v7, v17  }
0x127: {  	v23 =	vperm.xlane v32, v6;
	v25 =	vld [tilespmem:s4+$0xFFFFFFB0]  }
0x128: {  	v19 =	vmul.f32 v19, v30;
	[tilespmem:v27+s23+$0x0] =	vst.idx.add.f32.msk $0xffff, v20  }
0x129: {  	v23 =	vmul.f32 v29, v23;
	v20 =	vor.u32 v9, v24;
	v27 =	vld [tilespmem:s4+$0x40]  }
0x12a: {  	v29 =	vperm.xlane v28, v8;
	[tilespmem:v31+s23+$0x0] =	vst.idx.add.f32.msk $0xffff, v19  }
0x12b: {  	v19 =	vor.u32 v11, v26;
	[tilespmem:v22+s23+$0x0] =	vst.idx.add.f32.msk $0xffff, v23  }
0x12c: {  	v22 =	vld [tilespmem:s4+$0xFFFFFF30];
	v23 =	vmul.f32 v25, v29;
	v25 =	vperm.xlane v21, v10  }
0x12d: {  	v29 =	vld [tilespmem:s4+$0xB0]  }
0x12e: {  	v30 =	vor.u32 v9, v18;
	[tilespmem:v20+s23+$0x0] =	vst.idx.add.f32.msk $0xffff, v23;
	v20 =	vmul.f32 v27, v25  }
0x12f: {  	v23 =	vperm.xlane v16, v8;
	v25 =	vld [tilespmem:s4+$0xFFFFFFC0];
	v27 =	vor.u32 v9, v17  }
0x130: {  	v31 =	vperm.xlane v32, v8;
	[tilespmem:v19+s23+$0x0] =	vst.idx.add.f32.msk $0xffff, v20  }
0x131: {  	v19 =	vmul.f32 v22, v23;
	v20 =	vld [tilespmem:s4+$0x50]  }
0x132: {  	v22 =	vor.u32 v11, v24;
	v23 =	vmul.f32 v29, v31  }
0x133: {  	v29 =	vperm.xlane v28, v10;
	[tilespmem:v30+s23+$0x0] =	vst.idx.add.f32.msk $0xffff, v19;
	v19 =	vor.u32 v13, v26  }
0x134: {  	v30 =	vperm.xlane v21, v12;
	[tilespmem:v27+s23+$0x0] =	vst.idx.add.f32.msk $0xffff, v23  }
0x135: {  	v23 =	vmul.f32 v25, v29;
	v25 =	vld [tilespmem:s4+$0xFFFFFF40]  }
0x136: {  	v29 =	vld [tilespmem:s4+$0xC0];
	v20 =	vmul.f32 v20, v30  }
0x137: {  	[tilespmem:v22+s23+$0x0] =	vst.idx.add.f32.msk $0xffff, v23;
	v30 =	vor.u32 v11, v18  }
0x138: {  	s20 =	simm.s32 $0x7;
	v22 =	vperm.xlane v16, v10;
	[tilespmem:v19+s23+$0x0] =	vst.idx.add.f32.msk $0xffff, v20;
	v19 =	vor.u32 v11, v17  }
0x139: {  	v27 =	vmov s20;
	v20 =	vperm.xlane v32, v10  }
0x13a: {  	v22 =	vmul.f32 v25, v22;
	v33 =	vld [tilespmem:s4+$0x60]  }
0x13b: {  	v36 =	vor.u32 v15, v26;
	v35 =	vld [tilespmem:s4+$0xFFFFFFD0];
	v20 =	vmul.f32 v29, v20  }
0x13c: {  	s15 =	simm.s32 $0x4;
	v39 =	vperm.xlane v16, v12;
	v25 =	vperm.xlane v16, v14;
	[tilespmem:v30+s23+$0x0] =	vst.idx.add.f32.msk $0xffff, v22  }
0x13d: {  	v22 =	vperm.xlane v21, v14;
	[tilespmem:v19+s23+$0x0] =	vst.idx.add.f32.msk $0xffff, v20;
	v20 =	vperm.xlane v16, v4;
	v16 =	vmov s15  }
0x13e: {  	v34 =	vperm.xlane v28, v12;
	v40 =	vor.u32 v13, v24;
	v31 =	vld.idx.msk [tilespmem:v27+s22+$0x0], $0xffff;
	v16 =	vand.u32 $0xFFFFFFFC, v16  }
0x13f: {  	v41 =	vld [tilespmem:s4+$0xFFFFFF50];
	v33 =	vmul.f32 v33, v22;
	v37 =	vbroadcast v16, $0x0  }
0x140: {  	s20 =	simm.s32 $0x5;
	v27 =	vperm.xlane v28, v14;
	v22 =	vperm.xlane v28, v4;
	v30 =	vld [tilespmem:s4+$0xD0]  }
0x141: {  	v38 =	vmov s20;
	v28 =	vmul.f32 v35, v34;
	[tilespmem:v36+s23+$0x0] =	vst.idx.add.f32.msk $0xffff, v33;
	v33 =	vor.u32 v13, v18  }
0x142: {  	v23 =	vperm.xlane v32, v14;
	v29 =	vperm.xlane v32, v12;
	v36 =	vor.u32 v13, v17;
	v35 =	vld [tilespmem:s4+$0x70]  }
0x143: {  	s14 =	simm.s32 $0x6;
	v19 =	vperm.xlane v32, v4;
	v34 =	vor.u32 v15, v24;
	v16 =	vor.u32 $0x70, v3;
	[tilespmem:v40+s23+$0x0] =	vst.idx.add.f32.msk $0xffff, v28  }
0x144: {  	s8 =	sadd.s32 s8, s19;
	s19 =	simm.s32 $0x480;
	s20 =	simm.s32 $0x8;
	v24 =	vor.u32 v16, v24;
	v26 =	vor.u32 v16, v26;
	v39 =	vmul.f32 v41, v39;
	v32 =	vld [tilespmem:s4+$0xFFFFFFE0]  }
.LBB2_8:
0x145: {  	p1 =	slt.u32 s20, $0xFC;
	v28 =	vld.idx.msk [tilespmem:v37+s22+$0x0], $0xffff;
	v37 =	vmov s14;
	v21 =	vperm.xlane v21, v4;
	v29 =	vmul.f32 v30, v29  }
0x146: {  	v30 =	vor.u32 v16, v17;
	v37 =	vand.u32 $0xFFFFFFFE, v37;
	[tilespmem:v33+s23+$0x0] =	vst.idx.add.f32.msk $0xffff, v39;
	v33 =	vor.u32 v16, v18  }
0x147: {  	v38 =	vand.u32 $0xFFFFFFFD, v38;
	v37 =	vbroadcast v37, $0x0;
	v21 =	vmul.f32 v35, v21;
	[tilespmem:v36+s23+$0x0] =	vst.idx.add.f32.msk $0xffff, v29  }
0x148: {  	v29 =	vbroadcast v38, $0x0;
	v35 =	vld [tilespmem:s4+$0xFFFFFF60]  }
0x149: {  	v27 =	vmul.f32 v32, v27;
	[tilespmem:v26+s23+$0x0] =	vst.idx.add.f32.msk $0xffff, v21  }
0x14a: {  	v18 =	vor.u32 v15, v18;
	v21 =	vld [tilespmem:s4+$0xE0]  }
0x14b: {  	[tilespmem:v34+s23+$0x0] =	vst.idx.add.f32.msk $0xffff, v27  }
0x14c: {  	v26 =	vld [tilespmem:s4+$0xFFFFFFF0]  }
0x14d: {  	v27 =	vld.idx.msk [tilespmem:v37+s22+$0x0], $0xffff;
	v25 =	vmul.f32 v35, v25  }
0x14e: {  	v29 =	vld.idx.msk [tilespmem:v29+s22+$0x0], $0xffff  }
0x14f: {  	s26 =	sadd.s32 $0x20, s26;
	[tilespmem:v18+s23+$0x0] =	vst.idx.add.f32.msk $0xffff, v25;
	v23 =	vmul.f32 v21, v23  }
0x150: {  	v21 =	vld [tilespmem:s26+$0x0]  }
0x151: {  	s4 =	sadd.s32 $0x200, s4;
	v35 =	vld [tilespmem:s26+$0xFFFFFFF0];
	v22 =	vmul.f32 v26, v22  }
0x152: {  	v25 =	vld [tilespmem:s4+$0x0]  }
0x153: {  	v26 =	vshll.u32 v27, $0x7;
	v27 =	vor.u32 v15, v17;
	v36 =	vld [tilespmem:s26+$0xFFFFFFF8]  }
0x154: {  	v18 =	vshll.u32 v28, $0x7;
	v17 =	vshll.u32 v31, $0x7;
	v32 =	vor.u32 v3, v26;
	v37 =	vld [tilespmem:s26+$0x8]  }
0x155: {  	v34 =	vor.u32 v3, v18;
	v39 =	vor.u32 v3, v17;
	v31 =	vld [tilespmem:s4+$0xFFFFFF00];
	v38 =	vperm.xlane v21, v1  }
0x156: {  	v28 =	vshll.u32 v29, $0x7;
	v40 =	vperm.xlane v35, v1;
	v41 =	vperm.xlane v35, v2;
	v42 =	vld [tilespmem:s4+$0xFFFFFF80]  }
0x157: {  	v29 =	vor.u32 v3, v28;
	v43 =	vperm.xlane v35, v6;
	v25 =	vmul.f32 v25, v38;
	v38 =	vld [tilespmem:s4+$0x80]  }
0x158: {  	v44 =	vperm.xlane v36, v1;
	v45 =	vperm.xlane v36, v2;
	[tilespmem:v27+s23+$0x0] =	vst.idx.add.f32.msk $0xffff, v23  }
0x159: {  	[tilespmem:v32+s23+$0x0] =	vst.idx.add.f32.msk $0xffff, v25;
	v23 =	vperm.xlane v37, v1;
	v46 =	vperm.xlane v37, v2  }
0x15a: {  	v25 =	vmul.f32 v31, v40;
	v31 =	vperm.xlane v36, v6;
	v27 =	vld [tilespmem:s4+$0x10]  }
0x15b: {  	v40 =	vperm.xlane v37, v6;
	v32 =	vmul.f32 v42, v44;
	v42 =	vld [tilespmem:s19+$0xFFFFFF70]  }
0x15c: {  	[tilespmem:v34+s23+$0x0] =	vst.idx.add.f32.msk $0xffff, v25;
	v25 =	vor.u32 v5, v26;
	v23 =	vmul.f32 v38, v23  }
0x15d: {  	v38 =	vperm.xlane v35, v8;
	[tilespmem:v29+s23+$0x0] =	vst.idx.add.f32.msk $0xffff, v32;
	v29 =	vperm.xlane v21, v2  }
0x15e: {  	v44 =	vperm.xlane v36, v8;
	[tilespmem:v39+s23+$0x0] =	vst.idx.add.f32.msk $0xffff, v23;
	v39 =	vperm.xlane v37, v8  }
0x15f: {  	v47 =	vperm.xlane v35, v10;
	v48 =	vld [tilespmem:s4+$0xFFFFFF90];
	v23 =	vmul.f32 v27, v29  }
0x160: {  	v50 =	vor.u32 v5, v28;
	v51 =	vperm.xlane v36, v10;
	v52 =	vperm.xlane v37, v10;
	v49 =	vld [tilespmem:s4+$0xFFFFFF10]  }
0x161: {  	v34 =	vperm.xlane v36, v12;
	v32 =	vperm.xlane v35, v12;
	[tilespmem:v25+s23+$0x0] =	vst.idx.add.f32.msk $0xffff, v23  }
0x162: {  	v53 =	vor.u32 v5, v18;
	v29 =	vperm.xlane v37, v12;
	v25 =	vperm.xlane v35, v14;
	v54 =	vld [tilespmem:s4+$0x20]  }
0x163: {  	v56 =	vor.u32 v5, v17;
	v27 =	vperm.xlane v36, v14;
	v23 =	vperm.xlane v37, v14;
	v55 =	vld [tilespmem:s4+$0x90]  }
0x164: {  	v35 =	vperm.xlane v35, v4;
	v45 =	vmul.f32 v48, v45;
	v48 =	vor.u32 v7, v26;
	v57 =	vld [tilespmem:s19+$0xF0];
	s19 =	smov.u32 s4  }
0x165: {  	v41 =	vmul.f32 v49, v41;
	v49 =	vperm.xlane v21, v6;
	[tilespmem:v24+s23+$0x0] =	vst.idx.add.f32.msk $0xffff, v22  }
0x166: {  	v22 =	vperm.xlane v36, v4;
	v24 =	vperm.xlane v37, v4;
	[tilespmem:v50+s23+$0x0] =	vst.idx.add.f32.msk $0xffff, v45  }
0x167: {  	v37 =	vmul.f32 v42, v20;
	v20 =	vmov v35;
	[tilespmem:v53+s23+$0x0] =	vst.idx.add.f32.msk $0xffff, v41;
	v36 =	vmul.f32 v54, v49  }
0x168: {  	v35 =	vld [tilespmem:s4+$0xFFFFFFA0];
	v41 =	vmul.f32 v55, v46  }
0x169: {  	[tilespmem:v48+s23+$0x0] =	vst.idx.add.f32.msk $0xffff, v36;
	v36 =	vmul.f32 v57, v19;
	v19 =	vmov v24  }
0x16a: {  	v24 =	vor.u32 v7, v28;
	v42 =	vld [tilespmem:s4+$0x30]  }
0x16b: {  	[tilespmem:v56+s23+$0x0] =	vst.idx.add.f32.msk $0xffff, v41  }
0x16c: {  	v45 =	vor.u32 v9, v26;
	v41 =	vld [tilespmem:s4+$0xFFFFFF20]  }
0x16d: {  	v31 =	vmul.f32 v35, v31;
	v35 =	vperm.xlane v21, v8;
	v46 =	vld [tilespmem:s4+$0xA0]  }
0x16e: {  	v48 =	vor.u32 v7, v18;
	[tilespmem:v33+s23+$0x0] =	vst.idx.add.f32.msk $0xffff, v37  }
0x16f: {  	[tilespmem:v24+s23+$0x0] =	vst.idx.add.f32.msk $0xffff, v31;
	v24 =	vmul.f32 v42, v35;
	v31 =	vor.u32 v7, v17  }
0x170: {  	v33 =	vld [tilespmem:s4+$0xFFFFFFB0]  }
0x171: {  	v35 =	vmul.f32 v41, v43;
	[tilespmem:v45+s23+$0x0] =	vst.idx.add.f32.msk $0xffff, v24  }
0x172: {  	v24 =	vor.u32 v9, v28;
	v37 =	vld [tilespmem:s4+$0x40];
	v40 =	vmul.f32 v46, v40  }
0x173: {  	[tilespmem:v48+s23+$0x0] =	vst.idx.add.f32.msk $0xffff, v35  }
0x174: {  	v35 =	vor.u32 v11, v26;
	[tilespmem:v31+s23+$0x0] =	vst.idx.add.f32.msk $0xffff, v40  }
0x175: {  	v40 =	vperm.xlane v21, v10;
	v31 =	vld [tilespmem:s4+$0xFFFFFF30];
	v33 =	vmul.f32 v33, v44  }
0x176: {  	v41 =	vld [tilespmem:s4+$0xB0]  }
0x177: {  	v42 =	vor.u32 v9, v18;
	[tilespmem:v24+s23+$0x0] =	vst.idx.add.f32.msk $0xffff, v33;
	v24 =	vmul.f32 v37, v40  }
0x178: {  	v37 =	vor.u32 v9, v17;
	v33 =	vld [tilespmem:s4+$0xFFFFFFC0]  }
0x179: {  	[tilespmem:v35+s23+$0x0] =	vst.idx.add.f32.msk $0xffff, v24  }
0x17a: {  	v24 =	vmul.f32 v31, v38;
	v31 =	vld [tilespmem:s4+$0x50]  }
0x17b: {  	v35 =	vor.u32 v11, v28;
	v38 =	vmul.f32 v41, v39;
	[tilespmem:v30+s23+$0x0] =	vst.idx.add.f32.msk $0xffff, v36  }
0x17c: {  	[tilespmem:v42+s23+$0x0] =	vst.idx.add.f32.msk $0xffff, v24;
	v24 =	vor.u32 v13, v26  }
0x17d: {  	v30 =	vmul.f32 v33, v51;
	v33 =	vperm.xlane v21, v12;
	[tilespmem:v37+s23+$0x0] =	vst.idx.add.f32.msk $0xffff, v38  }
0x17e: {  	s14 =	sadd.s32 $0x3, s20;
	v36 =	vld [tilespmem:s4+$0xFFFFFF40]  }
0x17f: {  	v37 =	vmov s14;
	v31 =	vmul.f32 v31, v33;
	v33 =	vld [tilespmem:s4+$0xC0]  }
0x180: {  	v38 =	vor.u32 v11, v18;
	[tilespmem:v35+s23+$0x0] =	vst.idx.add.f32.msk $0xffff, v30  }
0x181: {  	[tilespmem:v24+s23+$0x0] =	vst.idx.add.f32.msk $0xffff, v31;
	v24 =	vor.u32 v11, v17  }
0x182: {  	v30 =	vld [tilespmem:s4+$0x60]  }
0x183: {  	v35 =	vmul.f32 v36, v47;
	v36 =	vld [tilespmem:s4+$0xFFFFFFD0]  }
0x184: {  	v39 =	vor.u32 v15, v26;
	v31 =	vld.idx.msk [tilespmem:v37+s22+$0x0], $0xffff;
	v33 =	vmul.f32 v33, v52  }
0x185: {  	v37 =	vmov s20;
	[tilespmem:v38+s23+$0x0] =	vst.idx.add.f32.msk $0xffff, v35;
	v35 =	vperm.xlane v21, v14  }
0x186: {  	v40 =	vor.u32 v13, v28;
	v37 =	vand.u32 $0xFFFFFFFC, v37;
	[tilespmem:v24+s23+$0x0] =	vst.idx.add.f32.msk $0xffff, v33  }
0x187: {  	v37 =	vbroadcast v37, $0x0;
	v24 =	vld [tilespmem:s4+$0xFFFFFF50];
	v35 =	vmul.f32 v30, v35  }
.Ltmp5:
0x188: {  	v34 =	vmul.f32 v36, v34;
	v30 =	vld [tilespmem:s4+$0xD0];
	(pc) =	sbr.rel @p1 .LBB2_8-.Ltmp5, $4  }
0x189: {  	v33 =	vor.u32 v13, v18;
	[tilespmem:v39+s23+$0x0] =	vst.idx.add.f32.msk $0xffff, v35  }
0x18a: {  	s14 =	sadd.s32 $0x1, s20;
	v36 =	vor.u32 v13, v17;
	v35 =	vld [tilespmem:s4+$0x70]  }
0x18b: {  	v38 =	vmov s14;
	[tilespmem:v40+s23+$0x0] =	vst.idx.add.f32.msk $0xffff, v34;
	v34 =	vor.u32 v15, v28  }
0x18c: {  	v26 =	vor.u32 v16, v26;
	s14 =	sadd.s32 $0x2, s20;
	s20 =	sadd.s32 $0x4, s20;
	v39 =	vmul.f32 v24, v32;
	v32 =	vld [tilespmem:s4+$0xFFFFFFE0];
	v24 =	vor.u32 v16, v28  }
0x18d: {  	_ =	sdelay $0x3  }
0x18e: {  	v21 =	vperm.xlane v21, v4;
	v37 =	vld.idx.msk [tilespmem:v37+s22+$0x0], $0xffff;
	v29 =	vmul.f32 v30, v29;
	s20 =	sadd.s32 $0x200, s4  }
0x18f: {  	v28 =	vmov s14;
	v43 =	vand.u32 $0xFFFFFFFD, v38;
	v48 =	vld [tilespmem:s20+$0xFFFFFF00]  }
0x190: {  	s26 =	sadd.s32 $0x20, s26;
	v28 =	vand.u32 $0xFFFFFFFE, v28;
	v30 =	vbroadcast v43, $0x0;
	v21 =	vmul.f32 v35, v21;
	[tilespmem:v36+s23+$0x0] =	vst.idx.add.f32.msk $0xffff, v29  }
0x191: {  	v28 =	vbroadcast v28, $0x0;
	v29 =	vld [tilespmem:s26+$0xFFFFFFF0]  }
0x192: {  	v27 =	vmul.f32 v32, v27;
	[tilespmem:v26+s23+$0x0] =	vst.idx.add.f32.msk $0xffff, v21  }
0x193: {  	v26 =	vld [tilespmem:s26+$0xFFFFFFF8]  }
0x194: {  	[tilespmem:v34+s23+$0x0] =	vst.idx.add.f32.msk $0xffff, v27  }
0x195: {  	v27 =	vld [tilespmem:s26+$0x8]  }
0x196: {  	v45 =	vld.idx.msk [tilespmem:v30+s22+$0x0], $0xffff  }
0x197: {  	v44 =	vld.idx.msk [tilespmem:v28+s22+$0x0], $0xffff;
	v28 =	vshll.u32 v37, $0x7  }
0x198: {  	v52 =	vld [tilespmem:s20+$0x80];
	v51 =	vor.u32 v3, v28  }
0x199: {  	v31 =	vshll.u32 v31, $0x7;
	v21 =	vld [tilespmem:s26+$0x0];
	v41 =	vperm.xlane v29, v1  }
0x19a: {  	v50 =	vld [tilespmem:s20+$0xFFFFFF80];
	v54 =	vor.u32 v3, v31  }
0x19b: {  	v46 =	vld [tilespmem:s20+$0x0];
	v53 =	vmul.f32 v48, v41;
	v56 =	vperm.xlane v27, v1;
	v32 =	vshll.u32 v45, $0x7  }
0x19c: {  	v43 =	vperm.xlane v26, v1;
	v30 =	vshll.u32 v44, $0x7;
	v42 =	vor.u32 v3, v32  }
0x19d: {  	v37 =	vmul.f32 v52, v56;
	v47 =	vor.u32 v3, v30;
	[tilespmem:v51+s23+$0x0] =	vst.idx.add.f32.msk $0xffff, v53  }
0x19e: {  	v49 =	vperm.xlane v21, v1;
	v59 =	vld [tilespmem:s20+$0xFFFFFF10]  }
0x19f: {  	v38 =	vmul.f32 v50, v43;
	[tilespmem:v54+s23+$0x0] =	vst.idx.add.f32.msk $0xffff, v37  }
0x1a0: {  	v34 =	vmul.f32 v46, v49;
	v63 =	vld [tilespmem:s20+$0x90]  }
0x1a1: {  	[tilespmem:v42+s23+$0x0] =	vst.idx.add.f32.msk $0xffff, v38  }
0x1a2: {  	v62 =	vor.u32 v5, v28;
	[tilespmem:v47+s23+$0x0] =	vst.idx.add.f32.msk $0xffff, v34  }
0x1a3: {  	v48 =	vor.u32 v5, v31;
	v44 =	vperm.xlane v29, v2;
	v38 =	vld [tilespmem:s20+$0xFFFFFF90]  }
0x1a4: {  	v50 =	vperm.xlane v27, v2;
	v55 =	vld [tilespmem:s20+$0x10]  }
0x1a5: {  	[tilespmem:v33+s23+$0x0] =	vst.idx.add.f32.msk $0xffff, v39;
	v60 =	vor.u32 v5, v32;
	v41 =	vmul.f32 v59, v44  }
0x1a6: {  	v33 =	vld [tilespmem:s4+$0xFFFFFF60];
	v61 =	vperm.xlane v26, v2;
	v53 =	vmul.f32 v63, v50  }
0x1a7: {  	v58 =	vperm.xlane v21, v2;
	v57 =	vor.u32 v5, v30;
	[tilespmem:v62+s23+$0x0] =	vst.idx.add.f32.msk $0xffff, v41  }
0x1a8: {  	[tilespmem:v48+s23+$0x0] =	vst.idx.add.f32.msk $0xffff, v53;
	v49 =	vmul.f32 v38, v61  }
0x1a9: {  	v36 =	vmul.f32 v55, v58;
	v58 =	vld [tilespmem:s20+$0xFFFFFF20]  }
0x1aa: {  	v52 =	vor.u32 v15, v18;
	[tilespmem:v60+s23+$0x0] =	vst.idx.add.f32.msk $0xffff, v49  }
0x1ab: {  	v60 =	vld [tilespmem:s20+$0xA0]  }
0x1ac: {  	v62 =	vor.u32 v7, v28;
	[tilespmem:v57+s23+$0x0] =	vst.idx.add.f32.msk $0xffff, v36  }
0x1ad: {  	v25 =	vmul.f32 v33, v25;
	v63 =	vor.u32 v7, v31;
	v61 =	vperm.xlane v29, v6;
	v55 =	vld [tilespmem:s20+$0xFFFFFFA0]  }
0x1ae: {  	v42 =	vperm.xlane v27, v6;
	v51 =	vld [tilespmem:s20+$0x20]  }
0x1af: {  	[tilespmem:v52+s23+$0x0] =	vst.idx.add.f32.msk $0xffff, v25;
	v57 =	vor.u32 v7, v32;
	v25 =	vmul.f32 v58, v61  }
0x1b0: {  	v40 =	vld [tilespmem:s4+$0xE0];
	v59 =	vperm.xlane v26, v6;
	v47 =	vmul.f32 v60, v42  }
0x1b1: {  	v56 =	vperm.xlane v21, v6;
	v54 =	vor.u32 v7, v30;
	[tilespmem:v62+s23+$0x0] =	vst.idx.add.f32.msk $0xffff, v25  }
0x1b2: {  	v36 =	vmul.f32 v55, v59;
	[tilespmem:v63+s23+$0x0] =	vst.idx.add.f32.msk $0xffff, v47  }
0x1b3: {  	v45 =	vor.u32 v15, v17;
	v38 =	vmul.f32 v51, v56;
	v51 =	vld [tilespmem:s20+$0xFFFFFF30]  }
0x1b4: {  	[tilespmem:v57+s23+$0x0] =	vst.idx.add.f32.msk $0xffff, v36  }
0x1b5: {  	v53 =	vld [tilespmem:s20+$0xB0]  }
0x1b6: {  	v23 =	vmul.f32 v40, v23;
	v55 =	vor.u32 v9, v28;
	[tilespmem:v54+s23+$0x0] =	vst.idx.add.f32.msk $0xffff, v38  }
0x1b7: {  	v57 =	vor.u32 v9, v31;
	v46 =	vld [tilespmem:s20+$0xFFFFFFB0];
	v54 =	vperm.xlane v29, v8  }
0x1b8: {  	[tilespmem:v45+s23+$0x0] =	vst.idx.add.f32.msk $0xffff, v23;
	v58 =	vperm.xlane v27, v8  }
0x1b9: {  	v50 =	vor.u32 v9, v32;
	v44 =	vld [tilespmem:s20+$0x30];
	v23 =	vmul.f32 v51, v54  }
0x1ba: {  	v52 =	vperm.xlane v26, v8;
	v59 =	vmul.f32 v53, v58  }
0x1bb: {  	v48 =	vor.u32 v9, v30;
	[tilespmem:v55+s23+$0x0] =	vst.idx.add.f32.msk $0xffff, v23  }
0x1bc: {  	v49 =	vperm.xlane v21, v8;
	v56 =	vmul.f32 v46, v52;
	[tilespmem:v57+s23+$0x0] =	vst.idx.add.f32.msk $0xffff, v59  }
0x1bd: {  	v63 =	vld [tilespmem:s20+$0xFFFFFF40]  }
0x1be: {  	v25 =	vmul.f32 v44, v49;
	[tilespmem:v50+s23+$0x0] =	vst.idx.add.f32.msk $0xffff, v56  }
0x1bf: {  	v45 =	vld [tilespmem:s20+$0xC0]  }
0x1c0: {  	v47 =	vor.u32 v11, v28;
	[tilespmem:v48+s23+$0x0] =	vst.idx.add.f32.msk $0xffff, v25  }
0x1c1: {  	v46 =	vperm.xlane v29, v10;
	v49 =	vor.u32 v11, v31;
	v25 =	vld [tilespmem:s20+$0xFFFFFFC0]  }
0x1c2: {  	v50 =	vperm.xlane v27, v10  }
0x1c3: {  	v62 =	vor.u32 v11, v32;
	v38 =	vld [tilespmem:s20+$0x40];
	v51 =	vmul.f32 v63, v46  }
0x1c4: {  	v40 =	vld [tilespmem:s19+$0xF0];
	v44 =	vperm.xlane v26, v10;
	v52 =	vmul.f32 v45, v50  }
0x1c5: {  	v60 =	vor.u32 v11, v30;
	[tilespmem:v47+s23+$0x0] =	vst.idx.add.f32.msk $0xffff, v51  }
0x1c6: {  	v61 =	vperm.xlane v21, v10;
	v48 =	vmul.f32 v25, v44;
	[tilespmem:v49+s23+$0x0] =	vst.idx.add.f32.msk $0xffff, v52  }
0x1c7: {  	v56 =	vld [tilespmem:s20+$0xFFFFFF50]  }
0x1c8: {  	v17 =	vor.u32 v16, v17;
	v23 =	vmul.f32 v38, v61;
	[tilespmem:v62+s23+$0x0] =	vst.idx.add.f32.msk $0xffff, v48  }
0x1c9: {  	v58 =	vld [tilespmem:s20+$0xD0]  }
0x1ca: {  	[tilespmem:v60+s23+$0x0] =	vst.idx.add.f32.msk $0xffff, v23;
	v60 =	vor.u32 v13, v28  }
0x1cb: {  	v19 =	vmul.f32 v40, v19;
	v59 =	vperm.xlane v29, v12;
	v62 =	vor.u32 v13, v31;
	v33 =	vld [tilespmem:s20+$0xFFFFFFD0]  }
0x1cc: {  	v63 =	vperm.xlane v27, v12;
	v36 =	vld [tilespmem:s20+$0x50]  }
0x1cd: {  	[tilespmem:v17+s23+$0x0] =	vst.idx.add.f32.msk $0xffff, v19;
	v55 =	vor.u32 v13, v32;
	v44 =	vmul.f32 v56, v59  }
0x1ce: {  	v53 =	vor.u32 v13, v30;
	v57 =	vperm.xlane v26, v12;
	v45 =	vmul.f32 v58, v63  }
0x1cf: {  	v54 =	vperm.xlane v21, v12;
	[tilespmem:v60+s23+$0x0] =	vst.idx.add.f32.msk $0xffff, v44  }
0x1d0: {  	v61 =	vmul.f32 v33, v57;
	[tilespmem:v62+s23+$0x0] =	vst.idx.add.f32.msk $0xffff, v45  }
0x1d1: {  	v23 =	vmul.f32 v36, v54;
	v49 =	vld [tilespmem:s20+$0xFFFFFF60]  }
0x1d2: {  	[tilespmem:v55+s23+$0x0] =	vst.idx.add.f32.msk $0xffff, v61  }
0x1d3: {  	[tilespmem:v53+s23+$0x0] =	vst.idx.add.f32.msk $0xffff, v23  }
0x1d4: {  	v25 =	vld [tilespmem:s20+$0xFFFFFFE0];
	v53 =	vor.u32 v15, v28  }
0x1d5: {  	v52 =	vperm.xlane v29, v14;
	v51 =	vld [tilespmem:s20+$0xE0]  }
0x1d6: {  	v48 =	vor.u32 v15, v32;
	v42 =	vld [tilespmem:s20+$0x60]  }
0x1d7: {  	v43 =	vld [tilespmem:s4+$0xFFFFFFF0];
	v50 =	vperm.xlane v26, v14;
	v55 =	vor.u32 v15, v31;
	v57 =	vmul.f32 v49, v52  }
0x1d8: {  	v46 =	vor.u32 v15, v30;
	v38 =	vld [tilespmem:s19+$0xFFFFFF70];
	v56 =	vperm.xlane v27, v14  }
0x1d9: {  	v47 =	vperm.xlane v21, v14;
	v54 =	vmul.f32 v25, v50;
	[tilespmem:v53+s23+$0x0] =	vst.idx.add.f32.msk $0xffff, v57  }
0x1da: {  	v25 =	vmul.f32 v51, v56;
	v60 =	vld [tilespmem:s20+$0xFFFFFF70]  }
0x1db: {  	v23 =	vmul.f32 v42, v47;
	[tilespmem:v48+s23+$0x0] =	vst.idx.add.f32.msk $0xffff, v54  }
0x1dc: {  	[tilespmem:v55+s23+$0x0] =	vst.idx.add.f32.msk $0xffff, v25  }
0x1dd: {  	v18 =	vor.u32 v16, v18;
	[tilespmem:v46+s23+$0x0] =	vst.idx.add.f32.msk $0xffff, v23  }
0x1de: {  	v33 =	vld [tilespmem:s20+$0xFFFFFFF0]  }
0x1df: {  	v22 =	vmul.f32 v43, v22;
	v28 =	vor.u32 v16, v28;
	v35 =	vld [tilespmem:s20+$0x70]  }
0x1e0: {  	v20 =	vmul.f32 v38, v20;
	v58 =	vperm.xlane v29, v4;
	v61 =	vor.u32 v16, v32;
	v62 =	vld [tilespmem:s20+$0xF0]  }
0x1e1: {  	v26 =	vperm.xlane v26, v4;
	v21 =	vperm.xlane v21, v4;
	v59 =	vor.u32 v16, v30  }
0x1e2: {  	[tilespmem:v18+s23+$0x0] =	vst.idx.add.f32.msk $0xffff, v20;
	v18 =	vor.u32 v16, v31;
	v19 =	vmul.f32 v60, v58  }
0x1e3: {  	[tilespmem:v24+s23+$0x0] =	vst.idx.add.f32.msk $0xffff, v22;
	v63 =	vperm.xlane v27, v4;
	v17 =	vmul.f32 v33, v26  }
0x1e4: {  	[tilespmem:v28+s23+$0x0] =	vst.idx.add.f32.msk $0xffff, v19;
	v20 =	vmul.f32 v35, v21  }
0x1e5: {  	[tilespmem:v61+s23+$0x0] =	vst.idx.add.f32.msk $0xffff, v17;
	v17 =	vmul.f32 v62, v63  }
0x1e6: {  	[tilespmem:v59+s23+$0x0] =	vst.idx.add.f32.msk $0xffff, v20  }
0x1e7: {  	[tilespmem:v18+s23+$0x0] =	vst.idx.add.f32.msk $0xffff, v17  }
0x1e8: {  	_ =	swait.ge [sflag:s12], $0x100  }
0x1e9: {  	[sflag:s12] =	ssyncset.done $0x0  }
0x1ea: {  	s15 =	simm.s32 $0x380;
	s19 =	sand.u32 $0x1FFFFF00, s9;
	[sflag:s12] =	ssyncadd.s32 $0xFFFFFF00  }
0x1eb: {  	[tilespmem:s15], [sflag:$0x3] =	stream.indirect.gather [hbm4b:s3+s13], $0x80, s11, s13, $0xb8;
	[tilespmem:$0x1BA80] =	vst v63  }
0x1ec: {  	s26 =	simm.s32 $0x10380;
	s4 =	sadd.s32 s5, s19;
	s20 =	simm.s32 $0x0  }
0x1ed: {  	[tilespmem:s26], [sflag:$0x5] =	stream.linear.gather [hbm4b:s4+s20], $0x800, $0x38;
	[tilespmem:$0x1BA80] =	vst v63  }
0x1ee: {  	[tilespmem:$0x11480] =	vst v1  }
0x1ef: {  	[tilespmem:$0x11490] =	vst v1  }
0x1f0: {  	[tilespmem:$0x114A0] =	vst v1  }
0x1f1: {  	[tilespmem:$0x114B0] =	vst v1  }
0x1f2: {  	[tilespmem:$0x114C0] =	vst v1;
	v18 =	vld [tilespmem:$0x0]  }
0x1f3: {  	[tilespmem:$0x114D0] =	vst v1  }
0x1f4: {  	[tilespmem:$0x114E0] =	vst v1  }
0x1f5: {  	[tilespmem:$0x114F0] =	vst v1  }
0x1f6: {  	v17 =	vmov s7;
	[tilespmem:$0x11500] =	vst v1  }
0x1f7: {  	[tilespmem:$0x11510] =	vst v1;
	v19 =	vsub.s32 v18, v17  }
0x1f8: {  	[tilespmem:$0x11520] =	vst v1;
	v18 =	vand.u32 $0x7F, v18;
	vm1 =	vlt.u32 v19, $0x100;
	v19 =	vand.u32 $0xFFFFFF80, v19  }
0x1f9: {  	[tilespmem:$0x11530] =	vst v1;
	v18 =	vor.u32 v18, v19  }
0x1fa: {  	[tilespmem:$0x11540] =	vst v1  }
0x1fb: {  	[tilespmem:$0x11550] =	vst v1  }
0x1fc: {  	[tilespmem:$0x11560] =	vst v1  }
0x1fd: {  	[tilespmem:$0x11570] =	vst v1  }
0x1fe: {  	[tilespmem:v18+s21+$0x0] =	vst.idx.add.s32.msk vm1, v2  }
0x1ff: {  	v18 =	vld [tilespmem:$0x10];
	_ =	sdelay $0x4  }
0x200: {  	v19 =	vsub.s32 v18, v17  }
0x201: {  	v18 =	vand.u32 $0x7F, v18;
	vm1 =	vlt.u32 v19, $0x100;
	v19 =	vand.u32 $0xFFFFFF80, v19  }
0x202: {  	v18 =	vor.u32 v18, v19;
	_ =	sdelay $0x4  }
0x203: {  	[tilespmem:v18+s21+$0x0] =	vst.idx.add.s32.msk vm1, v2  }
0x204: {  	v18 =	vld [tilespmem:$0x20];
	_ =	sdelay $0x4  }
0x205: {  	v19 =	vsub.s32 v18, v17  }
0x206: {  	v18 =	vand.u32 $0x7F, v18;
	vm1 =	vlt.u32 v19, $0x100;
	v19 =	vand.u32 $0xFFFFFF80, v19  }
0x207: {  	v18 =	vor.u32 v18, v19;
	_ =	sdelay $0x4  }
0x208: {  	[tilespmem:v18+s21+$0x0] =	vst.idx.add.s32.msk vm1, v2  }
0x209: {  	v18 =	vld [tilespmem:$0x30];
	_ =	sdelay $0x4  }
0x20a: {  	v19 =	vsub.s32 v18, v17  }
0x20b: {  	v18 =	vand.u32 $0x7F, v18;
	vm1 =	vlt.u32 v19, $0x100;
	v19 =	vand.u32 $0xFFFFFF80, v19  }
0x20c: {  	v18 =	vor.u32 v18, v19;
	_ =	sdelay $0x4  }
0x20d: {  	[tilespmem:v18+s21+$0x0] =	vst.idx.add.s32.msk vm1, v2  }
0x20e: {  	v18 =	vld [tilespmem:$0x40];
	_ =	sdelay $0x4  }
0x20f: {  	v19 =	vsub.s32 v18, v17  }
0x210: {  	v18 =	vand.u32 $0x7F, v18;
	vm1 =	vlt.u32 v19, $0x100;
	v19 =	vand.u32 $0xFFFFFF80, v19  }
0x211: {  	v18 =	vor.u32 v18, v19;
	_ =	sdelay $0x4  }
0x212: {  	[tilespmem:v18+s21+$0x0] =	vst.idx.add.s32.msk vm1, v2  }
0x213: {  	v18 =	vld [tilespmem:$0x50];
	_ =	sdelay $0x4  }
0x214: {  	v19 =	vsub.s32 v18, v17  }
0x215: {  	v18 =	vand.u32 $0x7F, v18;
	vm1 =	vlt.u32 v19, $0x100;
	v19 =	vand.u32 $0xFFFFFF80, v19  }
0x216: {  	v18 =	vor.u32 v18, v19;
	_ =	sdelay $0x4  }
0x217: {  	[tilespmem:v18+s21+$0x0] =	vst.idx.add.s32.msk vm1, v2  }
0x218: {  	v18 =	vld [tilespmem:$0x60];
	_ =	sdelay $0x4  }
0x219: {  	v19 =	vsub.s32 v18, v17  }
0x21a: {  	v18 =	vand.u32 $0x7F, v18;
	vm1 =	vlt.u32 v19, $0x100;
	v19 =	vand.u32 $0xFFFFFF80, v19  }
0x21b: {  	v18 =	vor.u32 v18, v19;
	_ =	sdelay $0x4  }
0x21c: {  	[tilespmem:v18+s21+$0x0] =	vst.idx.add.s32.msk vm1, v2  }
0x21d: {  	v18 =	vld [tilespmem:$0x70];
	_ =	sdelay $0x4  }
0x21e: {  	v19 =	vsub.s32 v18, v17  }
0x21f: {  	v18 =	vand.u32 $0x7F, v18;
	vm1 =	vlt.u32 v19, $0x100;
	v19 =	vand.u32 $0xFFFFFF80, v19  }
0x220: {  	v18 =	vor.u32 v18, v19;
	_ =	sdelay $0x4  }
0x221: {  	[tilespmem:v18+s21+$0x0] =	vst.idx.add.s32.msk vm1, v2  }
0x222: {  	v18 =	vld [tilespmem:$0x80];
	_ =	sdelay $0x4  }
0x223: {  	v19 =	vsub.s32 v18, v17  }
0x224: {  	v18 =	vand.u32 $0x7F, v18;
	vm1 =	vlt.u32 v19, $0x100;
	v19 =	vand.u32 $0xFFFFFF80, v19  }
0x225: {  	v18 =	vor.u32 v18, v19;
	_ =	sdelay $0x4  }
0x226: {  	[tilespmem:v18+s21+$0x0] =	vst.idx.add.s32.msk vm1, v2  }
0x227: {  	v18 =	vld [tilespmem:$0x90];
	_ =	sdelay $0x4  }
0x228: {  	v19 =	vsub.s32 v18, v17  }
0x229: {  	v18 =	vand.u32 $0x7F, v18;
	vm1 =	vlt.u32 v19, $0x100;
	v19 =	vand.u32 $0xFFFFFF80, v19  }
0x22a: {  	v18 =	vor.u32 v18, v19;
	_ =	sdelay $0x4  }
0x22b: {  	[tilespmem:v18+s21+$0x0] =	vst.idx.add.s32.msk vm1, v2  }
0x22c: {  	v18 =	vld [tilespmem:$0xA0];
	_ =	sdelay $0x4  }
0x22d: {  	v19 =	vsub.s32 v18, v17  }
0x22e: {  	v18 =	vand.u32 $0x7F, v18;
	vm1 =	vlt.u32 v19, $0x100;
	v19 =	vand.u32 $0xFFFFFF80, v19  }
0x22f: {  	v18 =	vor.u32 v18, v19;
	_ =	sdelay $0x4  }
0x230: {  	[tilespmem:v18+s21+$0x0] =	vst.idx.add.s32.msk vm1, v2  }
0x231: {  	v18 =	vld [tilespmem:$0xB0];
	_ =	sdelay $0x4  }
0x232: {  	v19 =	vsub.s32 v18, v17  }
0x233: {  	v18 =	vand.u32 $0x7F, v18;
	vm1 =	vlt.u32 v19, $0x100;
	v19 =	vand.u32 $0xFFFFFF80, v19  }
0x234: {  	v18 =	vor.u32 v18, v19;
	_ =	sdelay $0x4  }
0x235: {  	[tilespmem:v18+s21+$0x0] =	vst.idx.add.s32.msk vm1, v2  }
0x236: {  	v18 =	vld [tilespmem:$0xC0];
	_ =	sdelay $0x4  }
0x237: {  	v19 =	vsub.s32 v18, v17  }
0x238: {  	v18 =	vand.u32 $0x7F, v18;
	vm1 =	vlt.u32 v19, $0x100;
	v19 =	vand.u32 $0xFFFFFF80, v19  }
0x239: {  	v18 =	vor.u32 v18, v19;
	_ =	sdelay $0x4  }
0x23a: {  	[tilespmem:v18+s21+$0x0] =	vst.idx.add.s32.msk vm1, v2  }
0x23b: {  	v18 =	vld [tilespmem:$0xD0];
	_ =	sdelay $0x4  }
0x23c: {  	v19 =	vsub.s32 v18, v17  }
0x23d: {  	v18 =	vand.u32 $0x7F, v18;
	vm1 =	vlt.u32 v19, $0x100;
	v19 =	vand.u32 $0xFFFFFF80, v19  }
0x23e: {  	v18 =	vor.u32 v18, v19;
	_ =	sdelay $0x4  }
0x23f: {  	[tilespmem:v18+s21+$0x0] =	vst.idx.add.s32.msk vm1, v2  }
0x240: {  	v18 =	vld [tilespmem:$0xE0];
	_ =	sdelay $0x4  }
0x241: {  	v19 =	vsub.s32 v18, v17  }
0x242: {  	v18 =	vand.u32 $0x7F, v18;
	vm1 =	vlt.u32 v19, $0x100;
	v19 =	vand.u32 $0xFFFFFF80, v19  }
0x243: {  	v18 =	vor.u32 v18, v19;
	_ =	sdelay $0x4  }
0x244: {  	[tilespmem:v18+s21+$0x0] =	vst.idx.add.s32.msk vm1, v2  }
0x245: {  	v18 =	vld [tilespmem:$0xF0];
	_ =	sdelay $0x4  }
0x246: {  	v19 =	vsub.s32 v18, v17  }
0x247: {  	v18 =	vand.u32 $0x7F, v18;
	vm1 =	vlt.u32 v19, $0x100;
	v19 =	vand.u32 $0xFFFFFF80, v19  }
0x248: {  	v18 =	vor.u32 v18, v19;
	_ =	sdelay $0x4  }
0x249: {  	[tilespmem:v18+s21+$0x0] =	vst.idx.add.s32.msk vm1, v2  }
0x24a: {  	v18 =	vld [tilespmem:$0x100];
	_ =	sdelay $0x4  }
0x24b: {  	v19 =	vsub.s32 v18, v17  }
0x24c: {  	v18 =	vand.u32 $0x7F, v18;
	vm1 =	vlt.u32 v19, $0x100;
	v19 =	vand.u32 $0xFFFFFF80, v19  }
0x24d: {  	v18 =	vor.u32 v18, v19;
	_ =	sdelay $0x4  }
0x24e: {  	[tilespmem:v18+s21+$0x0] =	vst.idx.add.s32.msk vm1, v2  }
0x24f: {  	v18 =	vld [tilespmem:$0x110];
	_ =	sdelay $0x4  }
0x250: {  	v19 =	vsub.s32 v18, v17  }
0x251: {  	v18 =	vand.u32 $0x7F, v18;
	vm1 =	vlt.u32 v19, $0x100;
	v19 =	vand.u32 $0xFFFFFF80, v19  }
0x252: {  	v18 =	vor.u32 v18, v19;
	_ =	sdelay $0x4  }
0x253: {  	[tilespmem:v18+s21+$0x0] =	vst.idx.add.s32.msk vm1, v2  }
0x254: {  	v18 =	vld [tilespmem:$0x120];
	_ =	sdelay $0x4  }
0x255: {  	v19 =	vsub.s32 v18, v17  }
0x256: {  	v18 =	vand.u32 $0x7F, v18;
	vm1 =	vlt.u32 v19, $0x100;
	v19 =	vand.u32 $0xFFFFFF80, v19  }
0x257: {  	v18 =	vor.u32 v18, v19;
	_ =	sdelay $0x4  }
0x258: {  	[tilespmem:v18+s21+$0x0] =	vst.idx.add.s32.msk vm1, v2  }
0x259: {  	v18 =	vld [tilespmem:$0x130];
	_ =	sdelay $0x4  }
0x25a: {  	v19 =	vsub.s32 v18, v17  }
0x25b: {  	v18 =	vand.u32 $0x7F, v18;
	vm1 =	vlt.u32 v19, $0x100;
	v19 =	vand.u32 $0xFFFFFF80, v19  }
0x25c: {  	v18 =	vor.u32 v18, v19;
	_ =	sdelay $0x4  }
0x25d: {  	[tilespmem:v18+s21+$0x0] =	vst.idx.add.s32.msk vm1, v2  }
0x25e: {  	v18 =	vld [tilespmem:$0x140];
	_ =	sdelay $0x4  }
0x25f: {  	v17 =	vsub.s32 v18, v17  }
0x260: {  	vm1 =	vlt.u32 v17, $0x100  }
0x261: {  	v18 =	vand.u32 $0x7F, v18;
	v17 =	vand.u32 $0xFFFFFF80, v17;
	vm1 =	vmand vm1, vm0  }
0x262: {  	v17 =	vor.u32 v18, v17;
	_ =	sdelay $0x4  }
0x263: {  	s20 =	simm.s32 $0x0;
	[tilespmem:v17+s21+$0x0] =	vst.idx.add.s32.msk vm1, v2  }
0x264: {  	s4 =	simm.s32 $0x10;
	v17 =	vld [tilespmem:s20+$0x11480]  }
0x265: {  	v18 =	vld [tilespmem:s4+$0x11480];
	_ =	sdelay $0x3  }
0x266: {  	(xrf0) =	vadd.scan.msk.s32 $0xffff, v17  }
0x267: {  	(xrf0) =	vadd.scan.msk.s32 $0xffff, v18;
	_ =	sdelay $0x4  }
0x268: {  	s19 =	simm.s32 $0x20;
	v18, _, _ =	vpop (xrf0)  }
0x269: {  	v19 =	vld [tilespmem:s19+$0x11480];
	(v2sf) =	vpush v18, $0xF;
	v17, _, _ =	vpop (xrf0)  }
0x26a: {  	(v2sf) =	vpush v17, $0xF;
	_ =	sdelay $0x3  }
0x26b: {  	s9 =	simm.s32 $0x30;
	(xrf0) =	vadd.scan.msk.s32 $0xffff, v19  }
0x26c: {  	v19 =	vld [tilespmem:s9+$0x11480];
	_ =	sdelay $0x3  }
0x26d: {  	s7 =	simm.s32 $0x100  }
.LBB2_10:
0x26e: {  	s14 =	sshra.s32 s7, $0x2;
	p1 =	sne.s32 s7, $0x3C0;
	s7 =	sadd.s32 $0x40, s7;
	(xrf0) =	vadd.scan.msk.s32 $0xffff, v19;
	v20 =	vadd.s32 s8, v18;
	v18 =	vmov v17;
	v17, _, _ =	vpop (xrf0)  }
.Ltmp6:
0x26f: {  	v19 =	vld [tilespmem:s14+$0x11480];
	(v2sf) =	vpush v17, $0xF;
	v21 =	vadd.s32 $0xFFFFFFFF, v20;
	v20 =	vadd.s32 $0xFFFFFEBF, v20;
	(pc) =	sbr.rel @p1 .LBB2_10-.Ltmp6, $4  }
0x270: {  	vm1 =	vlt.u32 v20, $0xFFFFFEC0  }
0x271: {  	v20 =	vsel vm1, $0x140, v21  }
0x272: {  	[tilespmem:s20+$0x11580] =	vst v20;
	s15 =	spop (v2sf);
	s20 =	smov.u32 s4;
	s4 =	smov.u32 s19  }
0x273: {  	s19 =	smov.u32 s9;
	s9 =	smov.u32 s14;
	s8 =	sadd.s32 s8, s15  }
0x274: {  	(xrf0) =	vadd.scan.msk.s32 $0xffff, v19;
	v19, _, _ =	vpop (xrf0)  }
0x275: {  	(v2sf) =	vpush v19, $0xF;
	_ =	sdelay $0x4  }
0x276: {  	v20, _, _ =	vpop (xrf0)  }
0x277: {  	(v2sf) =	vpush v20, $0xF;
	_ =	sdelay $0x5  }
0x278: {  	s7 =	spop (v2sf);
	v18 =	vadd.s32 s8, v18  }
0x279: {  	v21 =	vadd.s32 $0xFFFFFEBF, v18;
	s7 =	sadd.s32 s8, s7  }
0x27a: {  	v18 =	vadd.s32 $0xFFFFFFFF, v18;
	vm1 =	vlt.u32 v21, $0xFFFFFEC0;
	v17 =	vadd.s32 s7, v17;
	s15 =	spop (v2sf)  }
0x27b: {  	v18 =	vsel vm1, $0x140, v18;
	v21 =	vadd.s32 $0xFFFFFEBF, v17;
	s7 =	sadd.s32 s7, s15;
	s26 =	spop (v2sf)  }
0x27c: {  	v17 =	vadd.s32 $0xFFFFFFFF, v17;
	vm1 =	vlt.u32 v21, $0xFFFFFEC0;
	v19 =	vadd.s32 s7, v19;
	s7 =	sadd.s32 s7, s26  }
0x27d: {  	v17 =	vsel vm1, $0x140, v17;
	v21 =	vadd.s32 $0xFFFFFEBF, v19;
	v20 =	vadd.s32 s7, v20  }
0x27e: {  	[tilespmem:s20+$0x11580] =	vst v18;
	v18 =	vadd.s32 $0xFFFFFFFF, v19;
	vm1 =	vlt.u32 v21, $0xFFFFFEC0;
	v19 =	vadd.s32 $0xFFFFFEBF, v20  }
0x27f: {  	[tilespmem:s4+$0x11580] =	vst v17;
	v17 =	vsel vm1, $0x140, v18;
	v18 =	vadd.s32 $0xFFFFFFFF, v20;
	vm1 =	vlt.u32 v19, $0xFFFFFEC0  }
0x280: {  	s8 =	simm.s32 $0x2;
	[tilespmem:s19+$0x11580] =	vst v17;
	v17 =	vsel vm1, $0x140, v18  }
0x281: {  	[tilespmem:s9+$0x11580] =	vst v17;
	s14 =	spop (v2sf);
	v17 =	vmov s8  }
0x282: {  	_ =	swait.ge [sflag:s24], $0x8000;
	v17 =	vand.u32 $0xFFFFFFFE, v17  }
0x283: {  	s4 =	sadd.s32 s6, s31;
	s15 =	simm.s32 $0x0;
	[sflag:s24] =	ssyncset.done $0x0;
	v17 =	vbroadcast v17, $0x0  }
0x284: {  	p1 =	slt.s32 s4, $0x4E100;
	s19 =	simm.s32 $0x3;
	v18 =	vmov s15;
	[sflag:s24] =	ssyncadd.s32 $0xFFFF8000  }
0x285: {  	s20 =	simm.s32 $0x1;
	s4 =	simm.s32 @!p1 $0x4E100;
	v19 =	vmov s19;
	v18 =	vand.u32 $0xFFFFFFFC, v18;
	_ =	swait.ge [sflag:s25], $0x800  }
0x286: {  	s4 =	sshrl.u32 s4, $0x3;
	v20 =	vmov s20;
	v18 =	vbroadcast v18, $0x0;
	[sflag:s25] =	ssyncset.done $0x0  }
0x287: {  	s4 =	sadd.s32 s2, s4;
	v20 =	vand.u32 $0xFFFFFFFD, v20;
	[sflag:s25] =	ssyncadd.s32 $0xFFFFF800  }
0x288: {  	v20 =	vbroadcast v20, $0x0;
	[tilespmem:s16], [sflag:$0x2] =	stream.linear.gather [hbm4b:s4+s15], $0x100, $0x38;
	[tilespmem:$0x1BA80] =	vst v63  }
0x289: {  	v17 =	vld.idx.msk [tilespmem:v17+s22+$0x0], $0xffff  }
0x28a: {  	s4 =	simm.s32 $0x10C10;
	v23 =	vld.idx.msk [tilespmem:v19+s22+$0x0], $0xffff  }
0x28b: {  	v22 =	vld [tilespmem:s4+$0x0]  }
0x28c: {  	s6 =	simm.s32 $0x8480;
	v18 =	vld.idx.msk [tilespmem:v18+s22+$0x0], $0xffff  }
0x28d: {  	v19 =	vld [tilespmem:s6+$0x0]  }
0x28e: {  	v24 =	vld.idx.msk [tilespmem:v20+s22+$0x0], $0xffff;
	v26 =	vshll.u32 v17, $0x7  }
0x28f: {  	v20 =	vld [tilespmem:s4+$0xFFFFFFF0];
	v25 =	vor.u32 v3, v26  }
0x290: {  	v21 =	vld [tilespmem:s4+$0xFFFFFFF8];
	v27 =	vperm.xlane v22, v1  }
0x291: {  	v28 =	vld [tilespmem:s6+$0xFFFFFF00]  }
0x292: {  	v17 =	vshll.u32 v18, $0x7;
	v18 =	vld [tilespmem:s6+$0xFFFFFF80];
	v27 =	vmul.f32 v19, v27  }
0x293: {  	v30 =	vld [tilespmem:s4+$0x8];
	v29 =	vor.u32 v3, v17;
	v19 =	vshll.u32 v24, $0x7  }
0x294: {  	v24 =	vperm.xlane v20, v1;
	v31 =	vor.u32 v3, v19;
	[tilespmem:v25+s23+$0x0] =	vst.idx.add.f32.msk $0xffff, v27  }
0x295: {  	v25 =	vperm.xlane v21, v1;
	v27 =	vld [tilespmem:s6+$0x10]  }
0x296: {  	v24 =	vmul.f32 v28, v24  }
0x297: {  	v32 =	vor.u32 v5, v26;
	v28 =	vld [tilespmem:s6+$0x80];
	v25 =	vmul.f32 v18, v25  }
0x298: {  	[tilespmem:v29+s23+$0x0] =	vst.idx.add.f32.msk $0xffff, v24;
	v18 =	vshll.u32 v23, $0x7;
	v23 =	vperm.xlane v22, v2  }
0x299: {  	v24 =	vor.u32 v3, v18;
	[tilespmem:v31+s23+$0x0] =	vst.idx.add.f32.msk $0xffff, v25  }
0x29a: {  	v25 =	vperm.xlane v30, v1;
	v29 =	vld [tilespmem:s6+$0xFFFFFF90];
	v23 =	vmul.f32 v27, v23  }
0x29b: {  	v27 =	vld [tilespmem:s6+$0xFFFFFF10]  }
0x29c: {  	v25 =	vmul.f32 v28, v25;
	v28 =	vor.u32 v5, v19;
	[tilespmem:v32+s23+$0x0] =	vst.idx.add.f32.msk $0xffff, v23  }
0x29d: {  	v31 =	vor.u32 v5, v17;
	v23 =	vperm.xlane v21, v2;
	v32 =	vld [tilespmem:s6+$0x20]  }
0x29e: {  	v33 =	vperm.xlane v20, v2;
	[tilespmem:v24+s23+$0x0] =	vst.idx.add.f32.msk $0xffff, v25  }
0x29f: {  	v25 =	vor.u32 v7, v26;
	v24 =	vld [tilespmem:s6+$0x90];
	v23 =	vmul.f32 v29, v23  }
0x2a0: {  	v29 =	vperm.xlane v22, v6;
	v27 =	vmul.f32 v27, v33  }
0x2a1: {  	v55 =	vor.u32 v5, v18;
	[tilespmem:v28+s23+$0x0] =	vst.idx.add.f32.msk $0xffff, v23  }
0x2a2: {  	v23 =	vperm.xlane v30, v2;
	[tilespmem:v31+s23+$0x0] =	vst.idx.add.f32.msk $0xffff, v27;
	v27 =	vmul.f32 v32, v29  }
0x2a3: {  	v28 =	vld [tilespmem:s6+$0xFFFFFFA0]  }
0x2a4: {  	v23 =	vmul.f32 v24, v23;
	[tilespmem:v25+s23+$0x0] =	vst.idx.add.f32.msk $0xffff, v27  }
0x2a5: {  	v24 =	vor.u32 v7, v19;
	v25 =	vld [tilespmem:s6+$0x30]  }
0x2a6: {  	v27 =	vperm.xlane v21, v6;
	[tilespmem:v55+s23+$0x0] =	vst.idx.add.f32.msk $0xffff, v23  }
0x2a7: {  	v29 =	vor.u32 v9, v26;
	v23 =	vld [tilespmem:s6+$0xFFFFFF20]  }
0x2a8: {  	v31 =	vld [tilespmem:s6+$0xA0];
	v27 =	vmul.f32 v28, v27;
	v28 =	vperm.xlane v22, v8  }
0x2a9: {  	v56 =	vperm.xlane v20, v6;
	v57 =	vor.u32 v7, v17  }
0x2aa: {  	[tilespmem:v24+s23+$0x0] =	vst.idx.add.f32.msk $0xffff, v27;
	v24 =	vmul.f32 v25, v28;
	v25 =	vor.u32 v7, v18  }
0x2ab: {  	v27 =	vperm.xlane v30, v6;
	v28 =	vld [tilespmem:s6+$0xFFFFFFB0]  }
0x2ac: {  	v23 =	vmul.f32 v23, v56;
	[tilespmem:v29+s23+$0x0] =	vst.idx.add.f32.msk $0xffff, v24  }
0x2ad: {  	v27 =	vmul.f32 v31, v27;
	v24 =	vor.u32 v9, v19;
	v29 =	vld [tilespmem:s6+$0x40]  }
0x2ae: {  	v31 =	vperm.xlane v21, v8;
	[tilespmem:v57+s23+$0x0] =	vst.idx.add.f32.msk $0xffff, v23  }
0x2af: {  	v23 =	vor.u32 v11, v26;
	[tilespmem:v25+s23+$0x0] =	vst.idx.add.f32.msk $0xffff, v27  }
0x2b0: {  	v25 =	vld [tilespmem:s6+$0xFFFFFF30];
	v27 =	vmul.f32 v28, v31;
	v28 =	vperm.xlane v22, v10  }
0x2b1: {  	v31 =	vld [tilespmem:s6+$0xB0]  }
0x2b2: {  	v58 =	vor.u32 v9, v17;
	[tilespmem:v24+s23+$0x0] =	vst.idx.add.f32.msk $0xffff, v27;
	v24 =	vmul.f32 v29, v28  }
0x2b3: {  	v27 =	vperm.xlane v20, v8;
	v28 =	vld [tilespmem:s6+$0xFFFFFFC0];
	v29 =	vor.u32 v9, v18  }
0x2b4: {  	v59 =	vperm.xlane v30, v8;
	[tilespmem:v23+s23+$0x0] =	vst.idx.add.f32.msk $0xffff, v24  }
0x2b5: {  	v23 =	vmul.f32 v25, v27;
	v24 =	vld [tilespmem:s6+$0x50]  }
0x2b6: {  	v25 =	vor.u32 v11, v19;
	v27 =	vmul.f32 v31, v59  }
0x2b7: {  	v31 =	vperm.xlane v21, v10;
	[tilespmem:v58+s23+$0x0] =	vst.idx.add.f32.msk $0xffff, v23;
	v23 =	vor.u32 v13, v26  }
0x2b8: {  	v60 =	vperm.xlane v22, v12;
	[tilespmem:v29+s23+$0x0] =	vst.idx.add.f32.msk $0xffff, v27  }
0x2b9: {  	v27 =	vmul.f32 v28, v31;
	v28 =	vld [tilespmem:s6+$0xFFFFFF40]  }
0x2ba: {  	v31 =	vld [tilespmem:s6+$0xC0];
	v24 =	vmul.f32 v24, v60  }
0x2bb: {  	[tilespmem:v25+s23+$0x0] =	vst.idx.add.f32.msk $0xffff, v27  }
0x2bc: {  	v61 =	vor.u32 v11, v17;
	[tilespmem:v23+s23+$0x0] =	vst.idx.add.f32.msk $0xffff, v24  }
0x2bd: {  	v25 =	vperm.xlane v20, v10;
	v23 =	vor.u32 v11, v18;
	v27 =	vld [tilespmem:s6+$0x60]  }
0x2be: {  	v24 =	vperm.xlane v30, v10  }
0x2bf: {  	v35 =	vor.u32 v15, v26;
	v25 =	vmul.f32 v28, v25  }
0x2c0: {  	s26 =	simm.s32 $0x7;
	v34 =	vld [tilespmem:s6+$0xFFFFFFD0];
	v28 =	vperm.xlane v22, v14;
	v24 =	vmul.f32 v31, v24  }
0x2c1: {  	s9 =	simm.s32 $0x4;
	v29 =	vmov s26;
	[tilespmem:v61+s23+$0x0] =	vst.idx.add.f32.msk $0xffff, v25  }
0x2c2: {  	v38 =	vmov s9;
	[tilespmem:v23+s23+$0x0] =	vst.idx.add.f32.msk $0xffff, v24;
	v23 =	vmul.f32 v27, v28  }
0x2c3: {  	v63 =	vand.u32 $0xFFFFFFFC, v38;
	v62 =	vor.u32 v13, v19;
	v37 =	vld [tilespmem:s6+$0xFFFFFF50]  }
0x2c4: {  	v31 =	vperm.xlane v21, v12;
	[tilespmem:v35+s23+$0x0] =	vst.idx.add.f32.msk $0xffff, v23;
	v35 =	vbroadcast v63, $0x0  }
0x2c5: {  	v36 =	vperm.xlane v20, v12;
	v25 =	vperm.xlane v20, v14;
	v33 =	vld [tilespmem:s6+$0xD0]  }
0x2c6: {  	v29 =	vld.idx.msk [tilespmem:v29+s22+$0x0], $0xffff;
	v20 =	vperm.xlane v20, v4;
	v39 =	vmul.f32 v34, v31;
	v34 =	vor.u32 v13, v17  }
0x2c7: {  	v32 =	vor.u32 v13, v18;
	v24 =	vperm.xlane v30, v14;
	v28 =	vperm.xlane v30, v12;
	v31 =	vld [tilespmem:s6+$0x70]  }
0x2c8: {  	s19 =	simm.s32 $0x8;
	v27 =	vperm.xlane v21, v14;
	[tilespmem:v62+s23+$0x0] =	vst.idx.add.f32.msk $0xffff, v39;
	v23 =	vperm.xlane v21, v4  }
0x2c9: {  	s8 =	sadd.s32 s7, s14;
	s14 =	simm.s32 $0x6;
	s7 =	simm.s32 $0x8480;
	v26 =	vor.u32 v16, v26;
	v21 =	vperm.xlane v30, v4;
	v36 =	vmul.f32 v37, v36;
	v30 =	vld [tilespmem:s6+$0xFFFFFFE0]  }
.LBB2_12:
0x2ca: {  	p1 =	slt.u32 s19, $0xFC;
	v35 =	vld.idx.msk [tilespmem:v35+s22+$0x0], $0xffff;
	s15 =	sadd.s32 $0x1, s9;
	v37 =	vmov s14;
	v22 =	vperm.xlane v22, v4;
	v28 =	vmul.f32 v33, v28;
	s9 =	smov.u32 s19  }
0x2cb: {  	v33 =	vmov s15;
	v37 =	vand.u32 $0xFFFFFFFE, v37;
	[tilespmem:v34+s23+$0x0] =	vst.idx.add.f32.msk $0xffff, v36;
	v34 =	vor.u32 v15, v19  }
0x2cc: {  	v33 =	vand.u32 $0xFFFFFFFD, v33;
	v36 =	vbroadcast v37, $0x0;
	v22 =	vmul.f32 v31, v22;
	[tilespmem:v32+s23+$0x0] =	vst.idx.add.f32.msk $0xffff, v28  }
0x2cd: {  	v28 =	vbroadcast v33, $0x0;
	v31 =	vld [tilespmem:s6+$0xFFFFFF60]  }
0x2ce: {  	v27 =	vmul.f32 v30, v27;
	[tilespmem:v26+s23+$0x0] =	vst.idx.add.f32.msk $0xffff, v22  }
0x2cf: {  	v22 =	vor.u32 v15, v17;
	v26 =	vld [tilespmem:s6+$0xE0]  }
0x2d0: {  	[tilespmem:v34+s23+$0x0] =	vst.idx.add.f32.msk $0xffff, v27  }
0x2d1: {  	v27 =	vld [tilespmem:s6+$0xFFFFFFF0]  }
0x2d2: {  	v30 =	vld.idx.msk [tilespmem:v36+s22+$0x0], $0xffff;
	v25 =	vmul.f32 v31, v25  }
0x2d3: {  	v28 =	vld.idx.msk [tilespmem:v28+s22+$0x0], $0xffff  }
0x2d4: {  	s4 =	sadd.s32 $0x20, s4;
	[tilespmem:v22+s23+$0x0] =	vst.idx.add.f32.msk $0xffff, v25;
	v24 =	vmul.f32 v26, v24  }
0x2d5: {  	v22 =	vld [tilespmem:s4+$0x0]  }
0x2d6: {  	s6 =	sadd.s32 $0x200, s6;
	v33 =	vld [tilespmem:s4+$0xFFFFFFF0];
	v23 =	vmul.f32 v27, v23  }
0x2d7: {  	v25 =	vld [tilespmem:s6+$0x0]  }
0x2d8: {  	v27 =	vor.u32 v15, v18;
	v26 =	vshll.u32 v30, $0x7;
	v34 =	vld [tilespmem:s4+$0xFFFFFFF8]  }
0x2d9: {  	v29 =	vshll.u32 v29, $0x7;
	v35 =	vshll.u32 v35, $0x7;
	v30 =	vor.u32 v3, v26;
	v36 =	vld [tilespmem:s4+$0x8]  }
0x2da: {  	v38 =	vor.u32 v3, v29;
	v32 =	vor.u32 v3, v35;
	v31 =	vld [tilespmem:s6+$0xFFFFFF00];
	v37 =	vperm.xlane v22, v1  }
0x2db: {  	v28 =	vshll.u32 v28, $0x7;
	v39 =	vperm.xlane v33, v1;
	v40 =	vperm.xlane v33, v2;
	v41 =	vld [tilespmem:s6+$0xFFFFFF80]  }
0x2dc: {  	v43 =	vor.u32 v3, v28;
	v42 =	vperm.xlane v33, v6;
	v25 =	vmul.f32 v25, v37;
	v37 =	vld [tilespmem:s6+$0x80]  }
0x2dd: {  	v44 =	vperm.xlane v34, v1;
	v45 =	vperm.xlane v34, v2;
	[tilespmem:v27+s23+$0x0] =	vst.idx.add.f32.msk $0xffff, v24  }
0x2de: {  	[tilespmem:v30+s23+$0x0] =	vst.idx.add.f32.msk $0xffff, v25;
	v24 =	vperm.xlane v36, v1;
	v46 =	vperm.xlane v36, v2  }
0x2df: {  	v25 =	vmul.f32 v31, v39;
	v39 =	vperm.xlane v34, v6;
	v27 =	vld [tilespmem:s6+$0x10]  }
0x2e0: {  	v30 =	vmul.f32 v41, v44;
	v41 =	vperm.xlane v36, v6;
	v44 =	vld [tilespmem:s7+$0xFFFFFF70]  }
0x2e1: {  	[tilespmem:v32+s23+$0x0] =	vst.idx.add.f32.msk $0xffff, v25;
	v25 =	vor.u32 v5, v26;
	v24 =	vmul.f32 v37, v24  }
0x2e2: {  	v37 =	vperm.xlane v33, v8;
	[tilespmem:v43+s23+$0x0] =	vst.idx.add.f32.msk $0xffff, v30;
	v30 =	vperm.xlane v22, v2  }
0x2e3: {  	v43 =	vperm.xlane v34, v8;
	[tilespmem:v38+s23+$0x0] =	vst.idx.add.f32.msk $0xffff, v24;
	v38 =	vperm.xlane v36, v8  }
0x2e4: {  	v48 =	vor.u32 v16, v19;
	v19 =	vmovc v28;
	v32 =	vperm.xlane v33, v10;
	v47 =	vld [tilespmem:s6+$0xFFFFFF90];
	v24 =	vmul.f32 v27, v30  }
0x2e5: {  	v50 =	vor.u32 v5, v19;
	v51 =	vperm.xlane v34, v10;
	v52 =	vperm.xlane v36, v10;
	v49 =	vld [tilespmem:s6+$0xFFFFFF10]  }
0x2e6: {  	v31 =	vperm.xlane v34, v12;
	v30 =	vperm.xlane v33, v12;
	[tilespmem:v25+s23+$0x0] =	vst.idx.add.f32.msk $0xffff, v24  }
0x2e7: {  	v53 =	vor.u32 v5, v35;
	v28 =	vperm.xlane v36, v12;
	v25 =	vperm.xlane v33, v14;
	v54 =	vld [tilespmem:s6+$0x20]  }
0x2e8: {  	v56 =	vor.u32 v5, v29;
	v27 =	vperm.xlane v34, v14;
	v24 =	vperm.xlane v36, v14;
	v55 =	vld [tilespmem:s6+$0x90]  }
0x2e9: {  	v33 =	vperm.xlane v33, v4;
	v45 =	vmul.f32 v47, v45;
	v47 =	vor.u32 v7, v26;
	v57 =	vld [tilespmem:s7+$0xF0];
	s7 =	smov.u32 s6  }
0x2ea: {  	v40 =	vmul.f32 v49, v40;
	v49 =	vperm.xlane v22, v6;
	[tilespmem:v48+s23+$0x0] =	vst.idx.add.f32.msk $0xffff, v23  }
0x2eb: {  	v23 =	vperm.xlane v34, v4;
	v34 =	vperm.xlane v36, v4;
	[tilespmem:v50+s23+$0x0] =	vst.idx.add.f32.msk $0xffff, v45  }
0x2ec: {  	[tilespmem:v53+s23+$0x0] =	vst.idx.add.f32.msk $0xffff, v40;
	v36 =	vmul.f32 v54, v49;
	v40 =	vmul.f32 v44, v20;
	v20 =	vmov v33  }
0x2ed: {  	v33 =	vld [tilespmem:s6+$0xFFFFFFA0];
	v44 =	vmul.f32 v55, v46  }
0x2ee: {  	[tilespmem:v47+s23+$0x0] =	vst.idx.add.f32.msk $0xffff, v36;
	v36 =	vor.u32 v16, v17;
	v45 =	vmul.f32 v57, v21;
	v17 =	vmov v35  }
0x2ef: {  	v35 =	vor.u32 v7, v19;
	v21 =	vmov v34;
	v46 =	vld [tilespmem:s6+$0x30]  }
0x2f0: {  	[tilespmem:v56+s23+$0x0] =	vst.idx.add.f32.msk $0xffff, v44  }
0x2f1: {  	v44 =	vor.u32 v9, v26;
	v34 =	vld [tilespmem:s6+$0xFFFFFF20]  }
0x2f2: {  	v33 =	vmul.f32 v33, v39;
	v39 =	vperm.xlane v22, v8;
	v47 =	vld [tilespmem:s6+$0xA0]  }
0x2f3: {  	v48 =	vor.u32 v7, v17;
	[tilespmem:v36+s23+$0x0] =	vst.idx.add.f32.msk $0xffff, v40  }
0x2f4: {  	[tilespmem:v35+s23+$0x0] =	vst.idx.add.f32.msk $0xffff, v33;
	v33 =	vmul.f32 v46, v39;
	v35 =	vor.u32 v7, v29  }
0x2f5: {  	v36 =	vld [tilespmem:s6+$0xFFFFFFB0]  }
0x2f6: {  	v34 =	vmul.f32 v34, v42;
	[tilespmem:v44+s23+$0x0] =	vst.idx.add.f32.msk $0xffff, v33  }
0x2f7: {  	v33 =	vor.u32 v9, v19;
	v39 =	vld [tilespmem:s6+$0x40];
	v40 =	vmul.f32 v47, v41  }
0x2f8: {  	[tilespmem:v48+s23+$0x0] =	vst.idx.add.f32.msk $0xffff, v34  }
0x2f9: {  	v34 =	vor.u32 v11, v26;
	[tilespmem:v35+s23+$0x0] =	vst.idx.add.f32.msk $0xffff, v40  }
0x2fa: {  	v40 =	vperm.xlane v22, v10;
	v35 =	vld [tilespmem:s6+$0xFFFFFF30];
	v36 =	vmul.f32 v36, v43  }
0x2fb: {  	v42 =	vor.u32 v16, v18;
	v18 =	vmov v29;
	v41 =	vld [tilespmem:s6+$0xB0]  }
0x2fc: {  	v29 =	vor.u32 v9, v17;
	[tilespmem:v33+s23+$0x0] =	vst.idx.add.f32.msk $0xffff, v36;
	v33 =	vmul.f32 v39, v40  }
0x2fd: {  	v39 =	vor.u32 v9, v18;
	v36 =	vld [tilespmem:s6+$0xFFFFFFC0]  }
0x2fe: {  	[tilespmem:v34+s23+$0x0] =	vst.idx.add.f32.msk $0xffff, v33  }
0x2ff: {  	v33 =	vmul.f32 v35, v37;
	v34 =	vld [tilespmem:s6+$0x50]  }
0x300: {  	v35 =	vor.u32 v11, v19;
	v37 =	vmul.f32 v41, v38;
	[tilespmem:v42+s23+$0x0] =	vst.idx.add.f32.msk $0xffff, v45  }
0x301: {  	[tilespmem:v29+s23+$0x0] =	vst.idx.add.f32.msk $0xffff, v33;
	v29 =	vor.u32 v13, v26  }
0x302: {  	v33 =	vmul.f32 v36, v51;
	v36 =	vperm.xlane v22, v12;
	[tilespmem:v39+s23+$0x0] =	vst.idx.add.f32.msk $0xffff, v37  }
0x303: {  	s14 =	sadd.s32 $0x3, s19;
	v37 =	vld [tilespmem:s6+$0xFFFFFF40]  }
0x304: {  	v38 =	vmov s14;
	v34 =	vmul.f32 v34, v36;
	v36 =	vld [tilespmem:s6+$0xC0]  }
0x305: {  	v39 =	vor.u32 v11, v17;
	[tilespmem:v35+s23+$0x0] =	vst.idx.add.f32.msk $0xffff, v33  }
0x306: {  	v33 =	vor.u32 v11, v18;
	[tilespmem:v29+s23+$0x0] =	vst.idx.add.f32.msk $0xffff, v34  }
0x307: {  	v34 =	vld [tilespmem:s6+$0x60]  }
0x308: {  	v32 =	vmul.f32 v37, v32;
	v37 =	vld [tilespmem:s6+$0xFFFFFFD0]  }
0x309: {  	v29 =	vld.idx.msk [tilespmem:v38+s22+$0x0], $0xffff;
	v38 =	vor.u32 v15, v26;
	v35 =	vmul.f32 v36, v52  }
0x30a: {  	v36 =	vmov s19;
	[tilespmem:v39+s23+$0x0] =	vst.idx.add.f32.msk $0xffff, v32;
	v32 =	vperm.xlane v22, v14  }
0x30b: {  	v36 =	vand.u32 $0xFFFFFFFC, v36;
	v39 =	vor.u32 v13, v19;
	[tilespmem:v33+s23+$0x0] =	vst.idx.add.f32.msk $0xffff, v35  }
0x30c: {  	v35 =	vbroadcast v36, $0x0;
	v36 =	vld [tilespmem:s6+$0xFFFFFF50];
	v32 =	vmul.f32 v34, v32  }
.Ltmp7:
0x30d: {  	v37 =	vmul.f32 v37, v31;
	v33 =	vld [tilespmem:s6+$0xD0];
	(pc) =	sbr.rel @p1 .LBB2_12-.Ltmp7, $4  }
0x30e: {  	v34 =	vor.u32 v13, v17;
	[tilespmem:v38+s23+$0x0] =	vst.idx.add.f32.msk $0xffff, v32  }
0x30f: {  	v32 =	vor.u32 v13, v18;
	v31 =	vld [tilespmem:s6+$0x70]  }
0x310: {  	[tilespmem:v39+s23+$0x0] =	vst.idx.add.f32.msk $0xffff, v37  }
0x311: {  	s14 =	sadd.s32 $0x2, s9;
	s19 =	sadd.s32 $0x4, s19;
	v26 =	vor.u32 v16, v26;
	v36 =	vmul.f32 v36, v30;
	v30 =	vld [tilespmem:s6+$0xFFFFFFE0]  }
0x312: {  	_ =	sdelay $0x3  }
0x313: {  	v35 =	vld.idx.msk [tilespmem:v35+s22+$0x0], $0xffff  }
0x314: {  	v37 =	vmov s14;
	s26 =	sadd.s32 $0x200, s6;
	[tilespmem:v34+s23+$0x0] =	vst.idx.add.f32.msk $0xffff, v36  }
0x315: {  	v38 =	vor.u32 v15, v19;
	v37 =	vand.u32 $0xFFFFFFFE, v37;
	v47 =	vld [tilespmem:s26+$0x0]  }
0x316: {  	s9 =	sadd.s32 $0x1, s9;
	v28 =	vmul.f32 v33, v28;
	v49 =	vld [tilespmem:s26+$0xFFFFFF00];
	v37 =	vbroadcast v37, $0x0  }
0x317: {  	v44 =	vmov s9;
	v52 =	vld [tilespmem:s26+$0x80]  }
0x318: {  	s20 =	sadd.s32 $0x20, s4;
	v33 =	vand.u32 $0xFFFFFFFD, v44;
	[tilespmem:v32+s23+$0x0] =	vst.idx.add.f32.msk $0xffff, v28;
	v27 =	vmul.f32 v30, v27  }
0x319: {  	v22 =	vperm.xlane v22, v4;
	v33 =	vbroadcast v33, $0x0;
	v30 =	vld [tilespmem:s20+$0xFFFFFFF0]  }
0x31a: {  	[tilespmem:v38+s23+$0x0] =	vst.idx.add.f32.msk $0xffff, v27  }
0x31b: {  	v22 =	vmul.f32 v31, v22;
	v27 =	vld [tilespmem:s20+$0x8]  }
0x31c: {  	v45 =	vld.idx.msk [tilespmem:v37+s22+$0x0], $0xffff  }
0x31d: {  	[tilespmem:v26+s23+$0x0] =	vst.idx.add.f32.msk $0xffff, v22;
	v28 =	vshll.u32 v35, $0x7  }
0x31e: {  	v22 =	vld [tilespmem:s20+$0x0];
	v39 =	vor.u32 v3, v28  }
0x31f: {  	v29 =	vshll.u32 v29, $0x7;
	v46 =	vld.idx.msk [tilespmem:v33+s22+$0x0], $0xffff;
	v41 =	vperm.xlane v30, v1  }
0x320: {  	v51 =	vld [tilespmem:s26+$0xFFFFFF80];
	v54 =	vor.u32 v3, v29  }
0x321: {  	v26 =	vld [tilespmem:s20+$0xFFFFFFF8];
	v53 =	vmul.f32 v49, v41;
	v56 =	vperm.xlane v27, v1;
	v31 =	vshll.u32 v45, $0x7  }
0x322: {  	v34 =	vld [tilespmem:s6+$0xFFFFFF60];
	v48 =	vor.u32 v3, v31  }
0x323: {  	v50 =	vperm.xlane v22, v1;
	[tilespmem:v39+s23+$0x0] =	vst.idx.add.f32.msk $0xffff, v53;
	v35 =	vmul.f32 v52, v56  }
0x324: {  	v32 =	vshll.u32 v46, $0x7;
	v59 =	vld [tilespmem:s26+$0xFFFFFF10]  }
0x325: {  	v33 =	vmul.f32 v47, v50;
	v42 =	vor.u32 v3, v32;
	[tilespmem:v54+s23+$0x0] =	vst.idx.add.f32.msk $0xffff, v35  }
0x326: {  	v43 =	vperm.xlane v26, v1;
	v63 =	vld [tilespmem:s26+$0x90]  }
0x327: {  	v62 =	vor.u32 v5, v28;
	[tilespmem:v48+s23+$0x0] =	vst.idx.add.f32.msk $0xffff, v33  }
0x328: {  	v44 =	vperm.xlane v30, v2;
	v38 =	vmul.f32 v51, v43;
	v46 =	vor.u32 v5, v29;
	v55 =	vld [tilespmem:s26+$0x10]  }
0x329: {  	v40 =	vld [tilespmem:s6+$0xE0];
	v47 =	vperm.xlane v27, v2  }
0x32a: {  	v57 =	vor.u32 v5, v31;
	v41 =	vmul.f32 v59, v44;
	[tilespmem:v42+s23+$0x0] =	vst.idx.add.f32.msk $0xffff, v38  }
0x32b: {  	v58 =	vperm.xlane v22, v2;
	v38 =	vld [tilespmem:s26+$0xFFFFFF90];
	v50 =	vmul.f32 v63, v47  }
0x32c: {  	[tilespmem:v62+s23+$0x0] =	vst.idx.add.f32.msk $0xffff, v41  }
0x32d: {  	v60 =	vor.u32 v5, v32;
	[tilespmem:v46+s23+$0x0] =	vst.idx.add.f32.msk $0xffff, v50;
	v37 =	vmul.f32 v55, v58  }
0x32e: {  	v61 =	vperm.xlane v26, v2;
	v49 =	vor.u32 v15, v17;
	v55 =	vld [tilespmem:s26+$0xFFFFFF20]  }
0x32f: {  	[tilespmem:v57+s23+$0x0] =	vst.idx.add.f32.msk $0xffff, v37  }
0x330: {  	v59 =	vor.u32 v7, v28;
	v36 =	vmul.f32 v38, v61;
	v57 =	vld [tilespmem:s26+$0xA0]  }
0x331: {  	v25 =	vmul.f32 v34, v25;
	v58 =	vperm.xlane v30, v6;
	v48 =	vld [tilespmem:s26+$0x20]  }
0x332: {  	v51 =	vor.u32 v7, v31;
	[tilespmem:v60+s23+$0x0] =	vst.idx.add.f32.msk $0xffff, v36;
	v60 =	vor.u32 v7, v29  }
0x333: {  	[tilespmem:v49+s23+$0x0] =	vst.idx.add.f32.msk $0xffff, v25;
	v61 =	vperm.xlane v27, v6;
	v25 =	vmul.f32 v55, v58  }
0x334: {  	v53 =	vperm.xlane v22, v6;
	v52 =	vld [tilespmem:s26+$0xFFFFFFA0]  }
0x335: {  	v44 =	vmul.f32 v57, v61;
	[tilespmem:v59+s23+$0x0] =	vst.idx.add.f32.msk $0xffff, v25  }
0x336: {  	v54 =	vor.u32 v7, v32;
	v38 =	vmul.f32 v48, v53;
	v48 =	vld [tilespmem:s26+$0xFFFFFF30]  }
0x337: {  	v56 =	vperm.xlane v26, v6;
	v63 =	vor.u32 v15, v18;
	[tilespmem:v60+s23+$0x0] =	vst.idx.add.f32.msk $0xffff, v44  }
0x338: {  	[tilespmem:v51+s23+$0x0] =	vst.idx.add.f32.msk $0xffff, v38  }
0x339: {  	v36 =	vmul.f32 v52, v56;
	v52 =	vor.u32 v9, v28;
	v50 =	vld [tilespmem:s26+$0xB0]  }
0x33a: {  	v24 =	vmul.f32 v40, v24;
	v51 =	vperm.xlane v30, v8;
	v62 =	vld [tilespmem:s26+$0x30]  }
0x33b: {  	v45 =	vor.u32 v9, v31;
	[tilespmem:v54+s23+$0x0] =	vst.idx.add.f32.msk $0xffff, v36;
	v54 =	vor.u32 v9, v29  }
0x33c: {  	[tilespmem:v63+s23+$0x0] =	vst.idx.add.f32.msk $0xffff, v24;
	v55 =	vperm.xlane v27, v8;
	v24 =	vmul.f32 v48, v51  }
0x33d: {  	v46 =	vperm.xlane v22, v8;
	v42 =	vld [tilespmem:s26+$0xFFFFFFB0]  }
0x33e: {  	v56 =	vmul.f32 v50, v55;
	[tilespmem:v52+s23+$0x0] =	vst.idx.add.f32.msk $0xffff, v24  }
0x33f: {  	v25 =	vmul.f32 v62, v46;
	v60 =	vld [tilespmem:s26+$0xFFFFFF40]  }
0x340: {  	v47 =	vor.u32 v9, v32;
	[tilespmem:v54+s23+$0x0] =	vst.idx.add.f32.msk $0xffff, v56  }
0x341: {  	v49 =	vperm.xlane v26, v8;
	[tilespmem:v45+s23+$0x0] =	vst.idx.add.f32.msk $0xffff, v25  }
0x342: {  	v44 =	vor.u32 v11, v28;
	v62 =	vld [tilespmem:s26+$0xC0]  }
0x343: {  	v63 =	vperm.xlane v30, v10;
	v53 =	vmul.f32 v42, v49;
	v38 =	vld [tilespmem:s26+$0x40]  }
0x344: {  	v57 =	vor.u32 v11, v31;
	v46 =	vor.u32 v11, v29  }
0x345: {  	[tilespmem:v47+s23+$0x0] =	vst.idx.add.f32.msk $0xffff, v53;
	v47 =	vperm.xlane v27, v10;
	v48 =	vmul.f32 v60, v63  }
0x346: {  	v58 =	vperm.xlane v22, v10;
	v25 =	vld [tilespmem:s26+$0xFFFFFFC0]  }
0x347: {  	v49 =	vmul.f32 v62, v47;
	[tilespmem:v44+s23+$0x0] =	vst.idx.add.f32.msk $0xffff, v48  }
0x348: {  	v59 =	vor.u32 v11, v32;
	v24 =	vmul.f32 v38, v58;
	v53 =	vld [tilespmem:s26+$0xFFFFFF50]  }
0x349: {  	v61 =	vperm.xlane v26, v10;
	[tilespmem:v46+s23+$0x0] =	vst.idx.add.f32.msk $0xffff, v49  }
0x34a: {  	[tilespmem:v57+s23+$0x0] =	vst.idx.add.f32.msk $0xffff, v24  }
0x34b: {  	v45 =	vmul.f32 v25, v61;
	v55 =	vld [tilespmem:s26+$0xD0];
	v57 =	vor.u32 v13, v28  }
0x34c: {  	v56 =	vperm.xlane v30, v12;
	v36 =	vld [tilespmem:s26+$0x50]  }
0x34d: {  	[tilespmem:v59+s23+$0x0] =	vst.idx.add.f32.msk $0xffff, v45;
	v59 =	vor.u32 v13, v29  }
0x34e: {  	v50 =	vor.u32 v13, v31;
	v60 =	vperm.xlane v27, v12;
	v33 =	vld [tilespmem:s26+$0xFFFFFFD0];
	v62 =	vmul.f32 v53, v56  }
0x34f: {  	v43 =	vld [tilespmem:s6+$0xFFFFFFF0];
	v51 =	vperm.xlane v22, v12  }
0x350: {  	v52 =	vor.u32 v13, v32;
	v39 =	vmul.f32 v55, v60;
	[tilespmem:v57+s23+$0x0] =	vst.idx.add.f32.msk $0xffff, v62  }
0x351: {  	v54 =	vperm.xlane v26, v12;
	v24 =	vmul.f32 v36, v51;
	v46 =	vld [tilespmem:s26+$0xFFFFFF60]  }
0x352: {  	[tilespmem:v59+s23+$0x0] =	vst.idx.add.f32.msk $0xffff, v39  }
0x353: {  	v58 =	vmul.f32 v33, v54;
	[tilespmem:v50+s23+$0x0] =	vst.idx.add.f32.msk $0xffff, v24  }
0x354: {  	v61 =	vld [tilespmem:s26+$0x60]  }
0x355: {  	v50 =	vor.u32 v15, v28;
	[tilespmem:v52+s23+$0x0] =	vst.idx.add.f32.msk $0xffff, v58  }
0x356: {  	v42 =	vor.u32 v15, v31;
	v49 =	vperm.xlane v30, v14;
	v25 =	vld [tilespmem:s26+$0xFFFFFFE0]  }
0x357: {  	v44 =	vperm.xlane v22, v14;
	v48 =	vld [tilespmem:s26+$0xE0]  }
0x358: {  	v40 =	vld [tilespmem:s7+$0xF0];
	v45 =	vor.u32 v15, v32;
	v54 =	vmul.f32 v46, v49  }
0x359: {  	v47 =	vperm.xlane v26, v14;
	v38 =	vld [tilespmem:s7+$0xFFFFFF70];
	v52 =	vor.u32 v15, v29;
	v24 =	vmul.f32 v61, v44  }
0x35a: {  	v53 =	vperm.xlane v27, v14;
	[tilespmem:v50+s23+$0x0] =	vst.idx.add.f32.msk $0xffff, v54  }
0x35b: {  	v51 =	vmul.f32 v25, v47;
	[tilespmem:v42+s23+$0x0] =	vst.idx.add.f32.msk $0xffff, v24  }
0x35c: {  	v25 =	vmul.f32 v48, v53;
	v35 =	vld [tilespmem:s26+$0x70]  }
0x35d: {  	v63 =	vor.u32 v16, v19;
	[tilespmem:v45+s23+$0x0] =	vst.idx.add.f32.msk $0xffff, v51  }
0x35e: {  	v17 =	vor.u32 v16, v17;
	[tilespmem:v52+s23+$0x0] =	vst.idx.add.f32.msk $0xffff, v25  }
0x35f: {  	v23 =	vmul.f32 v43, v23;
	v55 =	vor.u32 v16, v18;
	v33 =	vld [tilespmem:s26+$0xFFFFFFF0]  }
0x360: {  	v21 =	vmul.f32 v40, v21;
	v22 =	vperm.xlane v22, v4;
	v57 =	vor.u32 v16, v31;
	v60 =	vld [tilespmem:s26+$0xF0]  }
0x361: {  	v26 =	vperm.xlane v26, v4;
	v20 =	vmul.f32 v38, v20;
	v59 =	vor.u32 v16, v32;
	v58 =	vld [tilespmem:s26+$0xFFFFFF70]  }
0x362: {  	s1 =	sadd.s32 $0x1, s1;
	[tilespmem:v63+s23+$0x0] =	vst.idx.add.f32.msk $0xffff, v23;
	v28 =	vor.u32 v16, v28;
	v16 =	vor.u32 v16, v29  }
0x363: {  	p1 =	sne.s32 s1, s29;
	[tilespmem:v17+s23+$0x0] =	vst.idx.add.f32.msk $0xffff, v20;
	v61 =	vperm.xlane v27, v4;
	v17 =	vmul.f32 v35, v22  }
.Ltmp8:
0x364: {  	v56 =	vperm.xlane v30, v4;
	[tilespmem:v55+s23+$0x0] =	vst.idx.add.f32.msk $0xffff, v21;
	v62 =	vmul.f32 v33, v26;
	(pc) =	sbr.rel @p1 .LBB2_5-.Ltmp8, $4  }
.Ltmp9:
0x365: {  	v63 =	vmul.f32 v60, v61;
	[tilespmem:v57+s23+$0x0] =	vst.idx.add.f32.msk $0xffff, v17;
	(pc) =	sbr.rel @!p1 .LBB2_14-.Ltmp9, $4  }
0x366: {  	v17 =	vmul.f32 v58, v56;
	[tilespmem:v59+s23+$0x0] =	vst.idx.add.f32.msk $0xffff, v62  }
0x367: {  	[tilespmem:v16+s23+$0x0] =	vst.idx.add.f32.msk $0xffff, v63  }
0x368: {  	[tilespmem:v28+s23+$0x0] =	vst.idx.add.f32.msk $0xffff, v17  }
0x369: {  	_ = 	snop  }
.LBB2_15:
0x36a: {  	_ =	sfence.sel $0x180000  }
0x36b: {  	[bflag:$0x0] =	sbarrier.arrive $0xFFFF  }
0x36c: {  	_ =	strace $0x90000047  }
0x36d: {  	s0 =	stileid.u32;
	[bflag:$0x2] =	sbarrier.arrive $0xFFFF  }
0x36e: {  	p0 =	sne.s32 s0, $0x0;
	s0 =	rddreg [dreg:$0x3]  }
0x36f: {  	s0 =	sadd.s32 @!p0 $0x100000, s0  }
0x370: {  	[sflag:s0] =	ssyncadd.tile.s32 @!p0 $0x1;
	_ =	shalt  }
.Lfunc_end2:
_tile_overlayer_lowered:
.L_overlay_start_2:
0x371: {  	(tag) =	ssettag $0x2  }
0x372: {  	s0 =	rddreg [dreg:$0x0];
	s2 =	stileid.u32  }
0x373: {  	s1 =	rddreg [dreg:$0x1];
	p0 =	sne.s32 s2, $0x0  }
0x374: {  	s3 =	rddreg [dreg:$0x2];
	[bflag:$0x3] =	sbarrier.arrive $0xFFFF;
	s2 =	simm.s32 @!p0 $0x1C07  }
0x375: {  	[timem:s3], [sflag:s2] =	dma.local @!p0 [hbm:s0], s1  }
0x376: {  	s0 =	simm.s32 @!p0 $0x7  }
0x377: {  	_ =	swait.ge @!p0 [sflag:s0], s1  }
0x378: {  	s1 =	ssub.s32 @!p0 $0x0, s1;
	[sflag:s0] =	ssyncset.done @!p0 $0x0  }
0x379: {  	[sflag:s0] =	ssyncadd.s32 @!p0 s1  }
0x37a: {  	[bflag:$0x3] =	sbarrier.arrive $0xFFFF  }
0x37b: {  	_ =	shalt  }

</sc_bundles>
